<compile_context>
chip_gen: v7x
topology: tpu7x:2x2x1
jax: 0.10.2.dev20260603
libtpu: 0.0.44.dev20260713+nightly
codegen_flags: <defaults>
</compile_context>

<pallas_src>
import jax
import jax.numpy as jnp
from jax import lax
from jax.experimental import pallas as pl
from jax.experimental.pallas import tpu as pltpu
from jax.experimental.pallas import tpu_sc as plsc

BATCH = 16384
EMBED_DIM = 32
HIDDEN = 64
N_INTER = 1000

_NC = 2
_NS = 16
_NW = _NC * _NS
_B_PER_W = BATCH // _NW
_CH = 4
_LANES = 128
_ROWS = 128
_PCOLS = 782
_ICOLS = 8
_TCOLS = _PCOLS + _ICOLS
_PC_PER_W = 25
_PC_ROWS = _TCOLS * 32
_IOFF = _PCOLS * 32


def _sc_gather_body(uid_hbm, pid_hbm, iid_hbm, ut_hbm, pt_hbm, it_hbm,
                    u_out, pc_out,
                    ids_v, slab0, slab1, slab2, slab3, rows_v,
                    pfetch_v, pstage_v, sem0, sem1, sem2, sem3):
    wid = lax.axis_index("s") * _NC + lax.axis_index("c")
    base = wid * _B_PER_W

    e_lo = lax.iota(jnp.int32, 16)
    e_hi = e_lo + 16

    slabs = (slab0, slab1, slab2, slab3)
    sems = (sem0, sem1, sem2, sem3)

    pltpu.sync_copy(uid_hbm.at[pl.ds(base, _B_PER_W)], ids_v)

    def fire(vv, j0, q):
        for j in range(_CH):
            tile_col = (vv[j0 + j] // _LANES) * _LANES
            pltpu.make_async_copy(
                ut_hbm.at[:, pl.ds(tile_col, _LANES)],
                slabs[q].at[:, pl.ds(j * _LANES, _LANES)],
                sems[q],
            ).start()

    def drain(q):
        pltpu.make_async_copy(
            ut_hbm.at[:, pl.ds(0, _CH * _LANES)], slabs[q], sems[q]
        ).wait()

    def extract(vv, j0, q, cbase):
        for j in range(_CH):
            lane = lax.rem(vv[j0 + j], _LANES) + j * _LANES
            l_idx = jnp.zeros((16,), jnp.int32) + lane
            lo = plsc.load_gather(slabs[q], [e_lo, l_idx])
            hi = plsc.load_gather(slabs[q], [e_hi, l_idx])
            r_idx = jnp.zeros((16,), jnp.int32) + lax.rem(cbase + j, _ROWS)
            plsc.store_scatter(rows_v, [r_idx, e_lo], lo)
            plsc.store_scatter(rows_v, [r_idx, e_hi], hi)

    vv0 = ids_v[pl.ds(0, 16)]
    fire(vv0, 0, 0)
    fire(vv0, _CH, 1)
    fire(vv0, 2 * _CH, 2)

    def body(g, _):
        vv = ids_v[pl.ds(g * 16, 16)]
        drain(0)
        extract(vv, 0, 0, g * 16)
        fire(vv, 3 * _CH, 3)

        gn = jnp.minimum(g + 1, _B_PER_W // 16 - 1)
        vvn = ids_v[pl.ds(gn * 16, 16)]
        not_last = g < _B_PER_W // 16 - 1

        drain(1)
        extract(vv, _CH, 1, g * 16 + _CH)

        @pl.when(not_last)
        def _f0():
            fire(vvn, 0, 0)

        drain(2)
        extract(vv, 2 * _CH, 2, g * 16 + 2 * _CH)

        @pl.when(not_last)
        def _f1():
            fire(vvn, _CH, 1)

        drain(3)
        extract(vv, 3 * _CH, 3, g * 16 + 3 * _CH)

        @pl.when(not_last)
        def _f2():
            fire(vvn, 2 * _CH, 2)

        @pl.when(lax.rem(g, 8) == 7)
        def _flush():
            pltpu.sync_copy(
                rows_v, u_out.at[pl.ds(base + (g // 8) * _ROWS, _ROWS), :])

        return _

    lax.fori_loop(0, _B_PER_W // 16, body, 0)

    def pcol(c, _):
        gcol = wid * _PC_PER_W + c

        def repack():
            def lgrp(gl, _unused):
                for j in range(16):
                    l = gl * 16 + j
                    l_idx = jnp.zeros((16,), jnp.int32) + l
                    lo = plsc.load_gather(pfetch_v, [e_lo, l_idx])
                    hi = plsc.load_gather(pfetch_v, [e_hi, l_idx])
                    r_idx = jnp.zeros((16,), jnp.int32) + (l // 4)
                    w0 = lax.rem(l, 4) * 32
                    plsc.store_scatter(pstage_v, [r_idx, e_lo + w0], lo)
                    plsc.store_scatter(pstage_v, [r_idx, e_hi + w0], hi)
                return _unused

            lax.fori_loop(0, _LANES // 16, lgrp, 0)
            rowoff = pl.multiple_of(gcol * 32, 8)
            pltpu.sync_copy(pstage_v, pc_out.at[pl.ds(rowoff, 32), :])

        @pl.when(gcol < _PCOLS)
        def _prod():
            off = pl.multiple_of(gcol * _LANES, _LANES)
            pltpu.sync_copy(pt_hbm.at[:, pl.ds(off, _LANES)], pfetch_v)
            repack()

        @pl.when(jnp.logical_and(gcol >= _PCOLS, gcol < _TCOLS))
        def _inter():
            ioff = pl.multiple_of((gcol - _PCOLS) * _LANES, _LANES)
            pltpu.sync_copy(it_hbm.at[:, pl.ds(ioff, _LANES)], pfetch_v)
            repack()

        return _

    lax.fori_loop(0, _PC_PER_W, pcol, 0)


@jax.jit
def _sc_gather(user_ids, product_ids, interaction_ids, ut_t, pt_t, it_t):
    mesh = plsc.VectorSubcoreMesh(core_axis_name="c", subcore_axis_name="s")
    f = pl.kernel(
        _sc_gather_body,
        out_type=[jax.ShapeDtypeStruct((BATCH, EMBED_DIM), jnp.float32),
                  jax.ShapeDtypeStruct((_PC_ROWS, 128), jnp.float32)],
        mesh=mesh,
        scratch_types=[
            pltpu.VMEM((_B_PER_W,), jnp.int32),
            pltpu.VMEM((EMBED_DIM, _CH * _LANES), jnp.float32),
            pltpu.VMEM((EMBED_DIM, _CH * _LANES), jnp.float32),
            pltpu.VMEM((EMBED_DIM, _CH * _LANES), jnp.float32),
            pltpu.VMEM((EMBED_DIM, _CH * _LANES), jnp.float32),
            pltpu.VMEM((_ROWS, EMBED_DIM), jnp.float32),
            pltpu.VMEM((EMBED_DIM, _LANES), jnp.float32),
            pltpu.VMEM((32, _LANES), jnp.float32),
            pltpu.SemaphoreType.DMA,
            pltpu.SemaphoreType.DMA,
            pltpu.SemaphoreType.DMA,
            pltpu.SemaphoreType.DMA,
        ],
        compiler_params=pltpu.CompilerParams(
            use_tc_tiling_on_sc=True, needs_layout_passes=False),
    )
    return f(user_ids, product_ids, interaction_ids, ut_t, pt_t, it_t)


def _sc_pgather_body(pid_hbm, iid_hbm, pc_hbm, p_out, i_out,
                     ids_v, idx_v, pbuf_v, prow_v, sem):
    wid = lax.axis_index("s") * _NC + lax.axis_index("c")
    base = wid * _B_PER_W
    e_lo = lax.iota(jnp.int32, 16)
    e_hi = e_lo + 16

    def run(ids_hbm, out_hbm, roff):
        pltpu.sync_copy(ids_hbm.at[pl.ds(base, _B_PER_W)], ids_v)

        def mkidx(g, _):
            vv = ids_v[pl.ds(g * 16, 16)]
            idx_v[pl.ds(g * 16, 16)] = vv // 4 + roff
            return _

        lax.fori_loop(0, _B_PER_W // 16, mkidx, 0)

        def rnd(r, _):
            pltpu.async_copy(
                pc_hbm.at[idx_v.at[pl.ds(r * _ROWS, _ROWS)]], pbuf_v, sem
            ).wait()

            def grp(gl, _unused):
                vv = ids_v[pl.ds(r * _ROWS + gl * 16, 16)]
                for j in range(16):
                    w0 = lax.rem(vv[j], 4) * 32
                    r_idx = jnp.zeros((16,), jnp.int32) + (gl * 16 + j)
                    lo = plsc.load_gather(pbuf_v, [r_idx, e_lo + w0])
                    hi = plsc.load_gather(pbuf_v, [r_idx, e_hi + w0])
                    plsc.store_scatter(prow_v, [r_idx, e_lo], lo)
                    plsc.store_scatter(prow_v, [r_idx, e_hi], hi)
                return _unused

            lax.fori_loop(0, _ROWS // 16, grp, 0)
            pltpu.sync_copy(prow_v,
                            out_hbm.at[pl.ds(base + r * _ROWS, _ROWS), :])
            return _

        lax.fori_loop(0, _B_PER_W // _ROWS, rnd, 0)

    run(pid_hbm, p_out, 0)
    run(iid_hbm, i_out, _IOFF)


@jax.jit
def _sc_pgather(product_ids, interaction_ids, pc):
    mesh = plsc.VectorSubcoreMesh(core_axis_name="c", subcore_axis_name="s")
    f = pl.kernel(
        _sc_pgather_body,
        out_type=[jax.ShapeDtypeStruct((BATCH, EMBED_DIM), jnp.float32)] * 2,
        mesh=mesh,
        scratch_types=[
            pltpu.VMEM((_B_PER_W,), jnp.int32),
            pltpu.VMEM((_B_PER_W,), jnp.int32),
            pltpu.VMEM((_ROWS, 128), jnp.float32),
            pltpu.VMEM((_ROWS, EMBED_DIM), jnp.float32),
            pltpu.SemaphoreType.DMA,
        ],
        compiler_params=pltpu.CompilerParams(
            use_tc_tiling_on_sc=True, needs_layout_passes=False),
    )
    return f(product_ids, interaction_ids, pc)


def _mlp_body(u_ref, p_ref, i_ref, w1_ref, b1_ref, w2_ref, b2_ref, o_ref):
    h = jnp.dot(u_ref[...], w1_ref[0:EMBED_DIM, :],
                preferred_element_type=jnp.float32)
    h = h + jnp.dot(p_ref[...], w1_ref[EMBED_DIM:2 * EMBED_DIM, :],
                    preferred_element_type=jnp.float32)
    h = h + jnp.dot(i_ref[...], w1_ref[2 * EMBED_DIM:3 * EMBED_DIM, :],
                    preferred_element_type=jnp.float32)
    h = jnp.maximum(h + b1_ref[...], 0.0)
    o_ref[...] = jnp.dot(h, w2_ref[...],
                         preferred_element_type=jnp.float32) + b2_ref[...]


_MLP_BLK = 4096


@jax.jit
def _mlp(u, p, i, W1, b1, W2, b2):
    grid = (BATCH // _MLP_BLK,)
    return pl.pallas_call(
        _mlp_body,
        grid=grid,
        in_specs=[
            pl.BlockSpec((_MLP_BLK, EMBED_DIM), lambda g: (g, 0)),
            pl.BlockSpec((_MLP_BLK, EMBED_DIM), lambda g: (g, 0)),
            pl.BlockSpec((_MLP_BLK, EMBED_DIM), lambda g: (g, 0)),
            pl.BlockSpec((3 * EMBED_DIM, HIDDEN), lambda g: (0, 0)),
            pl.BlockSpec((1, HIDDEN), lambda g: (0, 0)),
            pl.BlockSpec((HIDDEN, 1), lambda g: (0, 0)),
            pl.BlockSpec((1, 1), lambda g: (0, 0)),
        ],
        out_specs=pl.BlockSpec((_MLP_BLK, 1), lambda g: (g, 0)),
        out_shape=jax.ShapeDtypeStruct((BATCH, 1), jnp.float32),
    )(u, p, i, W1, b1, W2, b2)


def kernel(user_ids, product_ids, interaction_ids, user_table, product_table,
           interaction_table, W1, b1, W2, b2):
    uids = user_ids.astype(jnp.int32)
    pids = product_ids.astype(jnp.int32)
    iids = interaction_ids.astype(jnp.int32)
    u, pc = _sc_gather(uids, pids, iids, user_table.T,
                       product_table.T, interaction_table.T)
    p, i = _sc_pgather(pids, iids, pc)
    return _mlp(u, p, i, W1, b1.reshape(1, HIDDEN), W2, b2.reshape(1, 1))

# --- scband reference (transcript-rebuilt; emitter-appended) ---
"""Pipeline reference for scband-recommender-nn-16690242912324 (READ-ONLY COPY).

The authoritative reference and input builder live on the scoring server;
editing this copy changes nothing except your own understanding.
"""

import jax, jax.numpy as jnp
import numpy as np

NUM_USERS = 1000000
NUM_PRODUCTS = 100000
NUM_INTERACTIONS = 1000
EMBED_DIM = 32
BATCH = 16384
HIDDEN = 64


def setup_inputs(seed: int = 0) -> dict:
    key = jax.random.key(seed)
    ks = jax.random.split(key, 10)
    user_ids = jax.random.randint(ks[0], (BATCH,), 0, NUM_USERS, dtype=jnp.int64 if jax.config.jax_enable_x64 else jnp.int32)
    product_ids = jax.random.randint(ks[1], (BATCH,), 0, NUM_PRODUCTS, dtype=jnp.int64 if jax.config.jax_enable_x64 else jnp.int32)
    interaction_ids = jax.random.randint(ks[2], (BATCH,), 0, NUM_INTERACTIONS, dtype=jnp.int64 if jax.config.jax_enable_x64 else jnp.int32)
    user_table = jax.random.normal(ks[3], (NUM_USERS, EMBED_DIM), dtype=jnp.float32) * 0.05
    product_table = jax.random.normal(ks[4], (NUM_PRODUCTS, EMBED_DIM), dtype=jnp.float32) * 0.05
    interaction_table = jax.random.normal(ks[5], (NUM_INTERACTIONS, EMBED_DIM), dtype=jnp.float32) * 0.05
    W1 = jax.random.normal(ks[6], (3 * EMBED_DIM, HIDDEN), dtype=jnp.float32) * 0.05
    b1 = jnp.zeros((HIDDEN,), dtype=jnp.float32)
    W2 = jax.random.normal(ks[7], (HIDDEN, 1), dtype=jnp.float32) * 0.05
    b2 = jnp.zeros((1,), dtype=jnp.float32)
    return {
        "user_ids": user_ids,
        "product_ids": product_ids,
        "interaction_ids": interaction_ids,
        "user_table": user_table,
        "product_table": product_table,
        "interaction_table": interaction_table,
        "W1": W1,
        "b1": b1,
        "W2": W2,
        "b2": b2,
    }


def reference(user_ids, product_ids, interaction_ids, user_table, product_table, interaction_table, W1, b1, W2, b2):
    # embedding lookups (SparseCore gather)
    u = jnp.take(user_table, user_ids, axis=0)
    p = jnp.take(product_table, product_ids, axis=0)
    i = jnp.take(interaction_table, interaction_ids, axis=0)
    h = jnp.concatenate([u, p, i], axis=-1)
    h = jax.nn.relu(h @ W1 + b1)
    out = h @ W2 + b2
    return out

if __name__ == "__main__":
    import jax
    _d = setup_inputs()
    print(jax.jit(kernel)(*tuple(_d.values())))

</pallas_src>

<mosaic_0001>
#map = affine_map<(d0, d1) -> (0)>
#map1 = affine_map<(d0, d1) -> (0, 0)>
module attributes {stable_mosaic.version = 14 : i64} {
  func.func @_sc_gather_body(%arg0: i32, %arg1: i32, %arg2: memref<16384xi32, #tpu.memory_space<hbm>>, %arg3: memref<16384xi32, #tpu.memory_space<hbm>>, %arg4: memref<16384xi32, #tpu.memory_space<hbm>>, %arg5: memref<32x1000000xf32, #tpu.memory_space<hbm>>, %arg6: memref<32x100000xf32, #tpu.memory_space<hbm>>, %arg7: memref<32x1000xf32, #tpu.memory_space<hbm>>, %arg8: memref<16384x32xf32, #tpu.memory_space<hbm>>, %arg9: memref<25280x128xf32, #tpu.memory_space<hbm>>, %arg10: memref<512xi32, #tpu.memory_space<vmem>>, %arg11: memref<32x512xf32, #tpu.memory_space<vmem>>, %arg12: memref<32x512xf32, #tpu.memory_space<vmem>>, %arg13: memref<32x512xf32, #tpu.memory_space<vmem>>, %arg14: memref<32x512xf32, #tpu.memory_space<vmem>>, %arg15: memref<128x32xf32, #tpu.memory_space<vmem>>, %arg16: memref<32x128xf32, #tpu.memory_space<vmem>>, %arg17: memref<32x128xf32, #tpu.memory_space<vmem>>, %arg18: memref<!tpu.dma_semaphore, #tpu.memory_space<semaphore_mem>>, %arg19: memref<!tpu.dma_semaphore, #tpu.memory_space<semaphore_mem>>, %arg20: memref<!tpu.dma_semaphore, #tpu.memory_space<semaphore_mem>>, %arg21: memref<!tpu.dma_semaphore, #tpu.memory_space<semaphore_mem>>) attributes {dimension_semantics = [#tpu.dimension_semantics<core_parallel>, #tpu.dimension_semantics<subcore_parallel>], iteration_bounds = array<i64: 2, 16>, scalar_prefetch = 0 : i64, scratch_operands = 12 : i64, tpu.core_type = #tpu.core_type<sc_vector_subcore>, window_params = [{transform_indices = #map}, {transform_indices = #map}, {transform_indices = #map}, {transform_indices = #map1}, {transform_indices = #map1}, {transform_indices = #map1}, {transform_indices = #map1}, {transform_indices = #map1}]} {
    %mul3A = arith.constant 2 : i32
    %mul3A_0 = arith.muli %arg1, %mul3A : i32
    %add3A = arith.addi %mul3A_0, %arg0 : i32
    %mul3A_1 = arith.constant 512 : i32
    %mul3A_2 = arith.muli %add3A, %mul3A_1 : i32
    %iota3A = tpu.iota {dimensions = array<i32: 0>} : vector<16xi32>
    %add3A_3 = arith.constant 16 : i32
    %add3A_4 = vector.broadcast %add3A_3 : i32 to vector<16xi32>
    %add3A_5 = arith.addi %iota3A, %add3A_4 : vector<16xi32>
    "tpu.region"() ({
      %run_scoped3A = tpu.sem_alloc : memref<!tpu.dma_semaphore, #tpu.memory_space<semaphore_mem>>
      %dma_start3A_463 = tpu.memref_slice %arg2[%mul3A_2] : memref<16384xi32, #tpu.memory_space<hbm>> -> memref<512xi32, #tpu.memory_space<hbm>>
      %dma_start3A_464 = tpu.memref_slice %arg2[%mul3A_2] : memref<16384xi32, #tpu.memory_space<hbm>> -> memref<512xi32, #tpu.memory_space<hbm>>
      tpu.enqueue_dma source(%dma_start3A_464 : memref<512xi32, #tpu.memory_space<hbm>>) target(%arg10 : memref<512xi32, #tpu.memory_space<vmem>>) target_semaphore(%run_scoped3A : memref<!tpu.dma_semaphore, #tpu.memory_space<semaphore_mem>>)
      %dma_wait3A = tpu.memref_slice %arg2[%mul3A_2] : memref<16384xi32, #tpu.memory_space<hbm>> -> memref<512xi32, #tpu.memory_space<hbm>>
      %dma_wait3A_465 = tpu.memref_slice %arg2[%mul3A_2] : memref<16384xi32, #tpu.memory_space<hbm>> -> memref<512xi32, #tpu.memory_space<hbm>>
      tpu.wait_dma2 semaphore(%run_scoped3A : memref<!tpu.dma_semaphore, #tpu.memory_space<semaphore_mem>>) src(%dma_wait3A_465 : memref<512xi32, #tpu.memory_space<hbm>>) dst(%arg10 : memref<512xi32, #tpu.memory_space<vmem>>)
      tpu.yield
    }) : () -> ()
    %get3A = arith.constant 0 : index
    %get3A_6 = tpu.vector_load %arg10[%get3A] {strides = array<i32>} : memref<512xi32, #tpu.memory_space<vmem>>, vector<16xi32>,
    %slice3A = vector.extract_strided_slice %get3A_6 {offsets = [0], sizes = [1], strides = [1]} : vector<16xi32> to vector<1xi32>
    %squeeze3A = vector.extract %slice3A[0] : i32 from vector<1xi32>
    %jit3A = arith.constant 128 : i32
    %div3A = arith.divsi %squeeze3A, %jit3A : i32
    %sign3A = arith.constant 0 : i32
    %sign3A_7 = arith.cmpi sgt, %squeeze3A, %sign3A : i32
    %sign3A_8 = arith.extui %sign3A_7 : i1 to i32
    %sign3A_9 = arith.constant 0 : i32
    %sign3A_10 = arith.cmpi slt, %squeeze3A, %sign3A_9 : i32
    %sign3A_11 = arith.extui %sign3A_10 : i1 to i32
    %sign3A_12 = arith.subi %sign3A_8, %sign3A_11 : i32
    %sign3A_13 = arith.constant 0 : i32
    %sign3A_14 = arith.cmpi sgt, %jit3A, %sign3A_13 : i32
    %sign3A_15 = arith.extui %sign3A_14 : i1 to i32
    %sign3A_16 = arith.constant 0 : i32
    %sign3A_17 = arith.cmpi slt, %jit3A, %sign3A_16 : i32
    %sign3A_18 = arith.extui %sign3A_17 : i1 to i32
    %sign3A_19 = arith.subi %sign3A_15, %sign3A_18 : i32
    %ne3A = arith.cmpi ne, %sign3A_12, %sign3A_19 : i32
    %rem3A = arith.remsi %squeeze3A, %jit3A : i32
    %ne3A_20 = arith.constant 0 : i32
    %ne3A_21 = arith.cmpi ne, %rem3A, %ne3A_20 : i32
    %and3A = arith.andi %ne3A, %ne3A_21 : i1
    %sub3A = arith.constant 1 : i32
    %sub3A_22 = arith.subi %div3A, %sub3A : i32
    %select_n3A = arith.select %and3A, %sub3A_22, %div3A : i32
    %mul3A_23 = arith.constant 128 : i32
    %mul3A_24 = arith.muli %select_n3A, %mul3A_23 : i32
    %dma_start3A = arith.constant 0 : i32
    %dma_start3A_25 = arith.constant 0 : i32
    %dma_start3A_26 = tpu.memref_slice %arg11[%dma_start3A, %dma_start3A_25] : memref<32x512xf32, #tpu.memory_space<vmem>> -> memref<32x128xf32, #tpu.memory_space<vmem>>
    %dma_start3A_27 = arith.constant 0 : i32
    %dma_start3A_28 = tpu.memref_slice %arg5[%dma_start3A_27, %mul3A_24] : memref<32x1000000xf32, #tpu.memory_space<hbm>> -> memref<32x128xf32, #tpu.memory_space<hbm>>
    %dma_start3A_29 = arith.constant 0 : i32
    %dma_start3A_30 = arith.constant 0 : i32
    %dma_start3A_31 = tpu.memref_slice %arg11[%dma_start3A_29, %dma_start3A_30] : memref<32x512xf32, #tpu.memory_space<vmem>> -> memref<32x128xf32, #tpu.memory_space<vmem>>
    %dma_start3A_32 = arith.constant 0 : i32
    %dma_start3A_33 = tpu.memref_slice %arg5[%dma_start3A_32, %mul3A_24] : memref<32x1000000xf32, #tpu.memory_space<hbm>> -> memref<32x128xf32, #tpu.memory_space<hbm>>
    tpu.enqueue_dma source(%dma_start3A_33 : memref<32x128xf32, #tpu.memory_space<hbm>>) target(%dma_start3A_31 : memref<32x128xf32, #tpu.memory_space<vmem>>) target_semaphore(%arg18 : memref<!tpu.dma_semaphore, #tpu.memory_space<semaphore_mem>>)
    %slice3A_34 = vector.extract_strided_slice %get3A_6 {offsets = [1], sizes = [1], strides = [1]} : vector<16xi32> to vector<1xi32>
    %squeeze3A_35 = vector.extract %slice3A_34[0] : i32 from vector<1xi32>
    %jit3A_36 = arith.constant 128 : i32
    %div3A_37 = arith.divsi %squeeze3A_35, %jit3A_36 : i32
    %sign3A_38 = arith.constant 0 : i32
    %sign3A_39 = arith.cmpi sgt, %squeeze3A_35, %sign3A_38 : i32
    %sign3A_40 = arith.extui %sign3A_39 : i1 to i32
    %sign3A_41 = arith.constant 0 : i32
    %sign3A_42 = arith.cmpi slt, %squeeze3A_35, %sign3A_41 : i32
    %sign3A_43 = arith.extui %sign3A_42 : i1 to i32
    %sign3A_44 = arith.subi %sign3A_40, %sign3A_43 : i32
    %sign3A_45 = arith.constant 0 : i32
    %sign3A_46 = arith.cmpi sgt, %jit3A_36, %sign3A_45 : i32
    %sign3A_47 = arith.extui %sign3A_46 : i1 to i32
    %sign3A_48 = arith.constant 0 : i32
    %sign3A_49 = arith.cmpi slt, %jit3A_36, %sign3A_48 : i32
    %sign3A_50 = arith.extui %sign3A_49 : i1 to i32
    %sign3A_51 = arith.subi %sign3A_47, %sign3A_50 : i32
    %ne3A_52 = arith.cmpi ne, %sign3A_44, %sign3A_51 : i32
    %rem3A_53 = arith.remsi %squeeze3A_35, %jit3A_36 : i32
    %ne3A_54 = arith.constant 0 : i32
    %ne3A_55 = arith.cmpi ne, %rem3A_53, %ne3A_54 : i32
    %and3A_56 = arith.andi %ne3A_52, %ne3A_55 : i1
    %sub3A_57 = arith.constant 1 : i32
    %sub3A_58 = arith.subi %div3A_37, %sub3A_57 : i32
    %select_n3A_59 = arith.select %and3A_56, %sub3A_58, %div3A_37 : i32
    %mul3A_60 = arith.constant 128 : i32
    %mul3A_61 = arith.muli %select_n3A_59, %mul3A_60 : i32
    %dma_start3A_62 = arith.constant 0 : i32
    %dma_start3A_63 = arith.constant 128 : i32
    %dma_start3A_64 = tpu.memref_slice %arg11[%dma_start3A_62, %dma_start3A_63] : memref<32x512xf32, #tpu.memory_space<vmem>> -> memref<32x128xf32, #tpu.memory_space<vmem>>
    %dma_start3A_65 = arith.constant 0 : i32
    %dma_start3A_66 = tpu.memref_slice %arg5[%dma_start3A_65, %mul3A_61] : memref<32x1000000xf32, #tpu.memory_space<hbm>> -> memref<32x128xf32, #tpu.memory_space<hbm>>
    %dma_start3A_67 = arith.constant 0 : i32
    %dma_start3A_68 = arith.constant 128 : i32
    %dma_start3A_69 = tpu.memref_slice %arg11[%dma_start3A_67, %dma_start3A_68] : memref<32x512xf32, #tpu.memory_space<vmem>> -> memref<32x128xf32, #tpu.memory_space<vmem>>
    %dma_start3A_70 = arith.constant 0 : i32
    %dma_start3A_71 = tpu.memref_slice %arg5[%dma_start3A_70, %mul3A_61] : memref<32x1000000xf32, #tpu.memory_space<hbm>> -> memref<32x128xf32, #tpu.memory_space<hbm>>
    tpu.enqueue_dma source(%dma_start3A_71 : memref<32x128xf32, #tpu.memory_space<hbm>>) target(%dma_start3A_69 : memref<32x128xf32, #tpu.memory_space<vmem>>) target_semaphore(%arg18 : memref<!tpu.dma_semaphore, #tpu.memory_space<semaphore_mem>>)
    %slice3A_72 = vector.extract_strided_slice %get3A_6 {offsets = [2], sizes = [1], strides = [1]} : vector<16xi32> to vector<1xi32>
    %squeeze3A_73 = vector.extract %slice3A_72[0] : i32 from vector<1xi32>
    %jit3A_74 = arith.constant 128 : i32
    %div3A_75 = arith.divsi %squeeze3A_73, %jit3A_74 : i32
    %sign3A_76 = arith.constant 0 : i32
    %sign3A_77 = arith.cmpi sgt, %squeeze3A_73, %sign3A_76 : i32
    %sign3A_78 = arith.extui %sign3A_77 : i1 to i32
    %sign3A_79 = arith.constant 0 : i32
    %sign3A_80 = arith.cmpi slt, %squeeze3A_73, %sign3A_79 : i32
    %sign3A_81 = arith.extui %sign3A_80 : i1 to i32
    %sign3A_82 = arith.subi %sign3A_78, %sign3A_81 : i32
    %sign3A_83 = arith.constant 0 : i32
    %sign3A_84 = arith.cmpi sgt, %jit3A_74, %sign3A_83 : i32
    %sign3A_85 = arith.extui %sign3A_84 : i1 to i32
    %sign3A_86 = arith.constant 0 : i32
    %sign3A_87 = arith.cmpi slt, %jit3A_74, %sign3A_86 : i32
    %sign3A_88 = arith.extui %sign3A_87 : i1 to i32
    %sign3A_89 = arith.subi %sign3A_85, %sign3A_88 : i32
    %ne3A_90 = arith.cmpi ne, %sign3A_82, %sign3A_89 : i32
    %rem3A_91 = arith.remsi %squeeze3A_73, %jit3A_74 : i32
    %ne3A_92 = arith.constant 0 : i32
    %ne3A_93 = arith.cmpi ne, %rem3A_91, %ne3A_92 : i32
    %and3A_94 = arith.andi %ne3A_90, %ne3A_93 : i1
    %sub3A_95 = arith.constant 1 : i32
    %sub3A_96 = arith.subi %div3A_75, %sub3A_95 : i32
    %select_n3A_97 = arith.select %and3A_94, %sub3A_96, %div3A_75 : i32
    %mul3A_98 = arith.constant 128 : i32
    %mul3A_99 = arith.muli %select_n3A_97, %mul3A_98 : i32
    %dma_start3A_100 = arith.constant 0 : i32
    %dma_start3A_101 = arith.constant 256 : i32
    %dma_start3A_102 = tpu.memref_slice %arg11[%dma_start3A_100, %dma_start3A_101] : memref<32x512xf32, #tpu.memory_space<vmem>> -> memref<32x128xf32, #tpu.memory_space<vmem>>
    %dma_start3A_103 = arith.constant 0 : i32
    %dma_start3A_104 = tpu.memref_slice %arg5[%dma_start3A_103, %mul3A_99] : memref<32x1000000xf32, #tpu.memory_space<hbm>> -> memref<32x128xf32, #tpu.memory_space<hbm>>
    %dma_start3A_105 = arith.constant 0 : i32
    %dma_start3A_106 = arith.constant 256 : i32
    %dma_start3A_107 = tpu.memref_slice %arg11[%dma_start3A_105, %dma_start3A_106] : memref<32x512xf32, #tpu.memory_space<vmem>> -> memref<32x128xf32, #tpu.memory_space<vmem>>
    %dma_start3A_108 = arith.constant 0 : i32
    %dma_start3A_109 = tpu.memref_slice %arg5[%dma_start3A_108, %mul3A_99] : memref<32x1000000xf32, #tpu.memory_space<hbm>> -> memref<32x128xf32, #tpu.memory_space<hbm>>
    tpu.enqueue_dma source(%dma_start3A_109 : memref<32x128xf32, #tpu.memory_space<hbm>>) target(%dma_start3A_107 : memref<32x128xf32, #tpu.memory_space<vmem>>) target_semaphore(%arg18 : memref<!tpu.dma_semaphore, #tpu.memory_space<semaphore_mem>>)
    %slice3A_110 = vector.extract_strided_slice %get3A_6 {offsets = [3], sizes = [1], strides = [1]} : vector<16xi32> to vector<1xi32>
    %squeeze3A_111 = vector.extract %slice3A_110[0] : i32 from vector<1xi32>
    %jit3A_112 = arith.constant 128 : i32
    %div3A_113 = arith.divsi %squeeze3A_111, %jit3A_112 : i32
    %sign3A_114 = arith.constant 0 : i32
    %sign3A_115 = arith.cmpi sgt, %squeeze3A_111, %sign3A_114 : i32
    %sign3A_116 = arith.extui %sign3A_115 : i1 to i32
    %sign3A_117 = arith.constant 0 : i32
    %sign3A_118 = arith.cmpi slt, %squeeze3A_111, %sign3A_117 : i32
    %sign3A_119 = arith.extui %sign3A_118 : i1 to i32
    %sign3A_120 = arith.subi %sign3A_116, %sign3A_119 : i32
    %sign3A_121 = arith.constant 0 : i32
    %sign3A_122 = arith.cmpi sgt, %jit3A_112, %sign3A_121 : i32
    %sign3A_123 = arith.extui %sign3A_122 : i1 to i32
    %sign3A_124 = arith.constant 0 : i32
    %sign3A_125 = arith.cmpi slt, %jit3A_112, %sign3A_124 : i32
    %sign3A_126 = arith.extui %sign3A_125 : i1 to i32
    %sign3A_127 = arith.subi %sign3A_123, %sign3A_126 : i32
    %ne3A_128 = arith.cmpi ne, %sign3A_120, %sign3A_127 : i32
    %rem3A_129 = arith.remsi %squeeze3A_111, %jit3A_112 : i32
    %ne3A_130 = arith.constant 0 : i32
    %ne3A_131 = arith.cmpi ne, %rem3A_129, %ne3A_130 : i32
    %and3A_132 = arith.andi %ne3A_128, %ne3A_131 : i1
    %sub3A_133 = arith.constant 1 : i32
    %sub3A_134 = arith.subi %div3A_113, %sub3A_133 : i32
    %select_n3A_135 = arith.select %and3A_132, %sub3A_134, %div3A_113 : i32
    %mul3A_136 = arith.constant 128 : i32
    %mul3A_137 = arith.muli %select_n3A_135, %mul3A_136 : i32
    %dma_start3A_138 = arith.constant 0 : i32
    %dma_start3A_139 = arith.constant 384 : i32
    %dma_start3A_140 = tpu.memref_slice %arg11[%dma_start3A_138, %dma_start3A_139] : memref<32x512xf32, #tpu.memory_space<vmem>> -> memref<32x128xf32, #tpu.memory_space<vmem>>
    %dma_start3A_141 = arith.constant 0 : i32
    %dma_start3A_142 = tpu.memref_slice %arg5[%dma_start3A_141, %mul3A_137] : memref<32x1000000xf32, #tpu.memory_space<hbm>> -> memref<32x128xf32, #tpu.memory_space<hbm>>
    %dma_start3A_143 = arith.constant 0 : i32
    %dma_start3A_144 = arith.constant 384 : i32
    %dma_start3A_145 = tpu.memref_slice %arg11[%dma_start3A_143, %dma_start3A_144] : memref<32x512xf32, #tpu.memory_space<vmem>> -> memref<32x128xf32, #tpu.memory_space<vmem>>
    %dma_start3A_146 = arith.constant 0 : i32
    %dma_start3A_147 = tpu.memref_slice %arg5[%dma_start3A_146, %mul3A_137] : memref<32x1000000xf32, #tpu.memory_space<hbm>> -> memref<32x128xf32, #tpu.memory_space<hbm>>
    tpu.enqueue_dma source(%dma_start3A_147 : memref<32x128xf32, #tpu.memory_space<hbm>>) target(%dma_start3A_145 : memref<32x128xf32, #tpu.memory_space<vmem>>) target_semaphore(%arg18 : memref<!tpu.dma_semaphore, #tpu.memory_space<semaphore_mem>>)
    %slice3A_148 = vector.extract_strided_slice %get3A_6 {offsets = [4], sizes = [1], strides = [1]} : vector<16xi32> to vector<1xi32>
    %squeeze3A_149 = vector.extract %slice3A_148[0] : i32 from vector<1xi32>
    %jit3A_150 = arith.constant 128 : i32
    %div3A_151 = arith.divsi %squeeze3A_149, %jit3A_150 : i32
    %sign3A_152 = arith.constant 0 : i32
    %sign3A_153 = arith.cmpi sgt, %squeeze3A_149, %sign3A_152 : i32
    %sign3A_154 = arith.extui %sign3A_153 : i1 to i32
    %sign3A_155 = arith.constant 0 : i32
    %sign3A_156 = arith.cmpi slt, %squeeze3A_149, %sign3A_155 : i32
    %sign3A_157 = arith.extui %sign3A_156 : i1 to i32
    %sign3A_158 = arith.subi %sign3A_154, %sign3A_157 : i32
    %sign3A_159 = arith.constant 0 : i32
    %sign3A_160 = arith.cmpi sgt, %jit3A_150, %sign3A_159 : i32
    %sign3A_161 = arith.extui %sign3A_160 : i1 to i32
    %sign3A_162 = arith.constant 0 : i32
    %sign3A_163 = arith.cmpi slt, %jit3A_150, %sign3A_162 : i32
    %sign3A_164 = arith.extui %sign3A_163 : i1 to i32
    %sign3A_165 = arith.subi %sign3A_161, %sign3A_164 : i32
    %ne3A_166 = arith.cmpi ne, %sign3A_158, %sign3A_165 : i32
    %rem3A_167 = arith.remsi %squeeze3A_149, %jit3A_150 : i32
    %ne3A_168 = arith.constant 0 : i32
    %ne3A_169 = arith.cmpi ne, %rem3A_167, %ne3A_168 : i32
    %and3A_170 = arith.andi %ne3A_166, %ne3A_169 : i1
    %sub3A_171 = arith.constant 1 : i32
    %sub3A_172 = arith.subi %div3A_151, %sub3A_171 : i32
    %select_n3A_173 = arith.select %and3A_170, %sub3A_172, %div3A_151 : i32
    %mul3A_174 = arith.constant 128 : i32
    %mul3A_175 = arith.muli %select_n3A_173, %mul3A_174 : i32
    %dma_start3A_176 = arith.constant 0 : i32
    %dma_start3A_177 = arith.constant 0 : i32
    %dma_start3A_178 = tpu.memref_slice %arg12[%dma_start3A_176, %dma_start3A_177] : memref<32x512xf32, #tpu.memory_space<vmem>> -> memref<32x128xf32, #tpu.memory_space<vmem>>
    %dma_start3A_179 = arith.constant 0 : i32
    %dma_start3A_180 = tpu.memref_slice %arg5[%dma_start3A_179, %mul3A_175] : memref<32x1000000xf32, #tpu.memory_space<hbm>> -> memref<32x128xf32, #tpu.memory_space<hbm>>
    %dma_start3A_181 = arith.constant 0 : i32
    %dma_start3A_182 = arith.constant 0 : i32
    %dma_start3A_183 = tpu.memref_slice %arg12[%dma_start3A_181, %dma_start3A_182] : memref<32x512xf32, #tpu.memory_space<vmem>> -> memref<32x128xf32, #tpu.memory_space<vmem>>
    %dma_start3A_184 = arith.constant 0 : i32
    %dma_start3A_185 = tpu.memref_slice %arg5[%dma_start3A_184, %mul3A_175] : memref<32x1000000xf32, #tpu.memory_space<hbm>> -> memref<32x128xf32, #tpu.memory_space<hbm>>
    tpu.enqueue_dma source(%dma_start3A_185 : memref<32x128xf32, #tpu.memory_space<hbm>>) target(%dma_start3A_183 : memref<32x128xf32, #tpu.memory_space<vmem>>) target_semaphore(%arg19 : memref<!tpu.dma_semaphore, #tpu.memory_space<semaphore_mem>>)
    %slice3A_186 = vector.extract_strided_slice %get3A_6 {offsets = [5], sizes = [1], strides = [1]} : vector<16xi32> to vector<1xi32>
    %squeeze3A_187 = vector.extract %slice3A_186[0] : i32 from vector<1xi32>
    %jit3A_188 = arith.constant 128 : i32
    %div3A_189 = arith.divsi %squeeze3A_187, %jit3A_188 : i32
    %sign3A_190 = arith.constant 0 : i32
    %sign3A_191 = arith.cmpi sgt, %squeeze3A_187, %sign3A_190 : i32
    %sign3A_192 = arith.extui %sign3A_191 : i1 to i32
    %sign3A_193 = arith.constant 0 : i32
    %sign3A_194 = arith.cmpi slt, %squeeze3A_187, %sign3A_193 : i32
    %sign3A_195 = arith.extui %sign3A_194 : i1 to i32
    %sign3A_196 = arith.subi %sign3A_192, %sign3A_195 : i32
    %sign3A_197 = arith.constant 0 : i32
    %sign3A_198 = arith.cmpi sgt, %jit3A_188, %sign3A_197 : i32
    %sign3A_199 = arith.extui %sign3A_198 : i1 to i32
    %sign3A_200 = arith.constant 0 : i32
    %sign3A_201 = arith.cmpi slt, %jit3A_188, %sign3A_200 : i32
    %sign3A_202 = arith.extui %sign3A_201 : i1 to i32
    %sign3A_203 = arith.subi %sign3A_199, %sign3A_202 : i32
    %ne3A_204 = arith.cmpi ne, %sign3A_196, %sign3A_203 : i32
    %rem3A_205 = arith.remsi %squeeze3A_187, %jit3A_188 : i32
    %ne3A_206 = arith.constant 0 : i32
    %ne3A_207 = arith.cmpi ne, %rem3A_205, %ne3A_206 : i32
    %and3A_208 = arith.andi %ne3A_204, %ne3A_207 : i1
    %sub3A_209 = arith.constant 1 : i32
    %sub3A_210 = arith.subi %div3A_189, %sub3A_209 : i32
    %select_n3A_211 = arith.select %and3A_208, %sub3A_210, %div3A_189 : i32
    %mul3A_212 = arith.constant 128 : i32
    %mul3A_213 = arith.muli %select_n3A_211, %mul3A_212 : i32
    %dma_start3A_214 = arith.constant 0 : i32
    %dma_start3A_215 = arith.constant 128 : i32
    %dma_start3A_216 = tpu.memref_slice %arg12[%dma_start3A_214, %dma_start3A_215] : memref<32x512xf32, #tpu.memory_space<vmem>> -> memref<32x128xf32, #tpu.memory_space<vmem>>
    %dma_start3A_217 = arith.constant 0 : i32
    %dma_start3A_218 = tpu.memref_slice %arg5[%dma_start3A_217, %mul3A_213] : memref<32x1000000xf32, #tpu.memory_space<hbm>> -> memref<32x128xf32, #tpu.memory_space<hbm>>
    %dma_start3A_219 = arith.constant 0 : i32
    %dma_start3A_220 = arith.constant 128 : i32
    %dma_start3A_221 = tpu.memref_slice %arg12[%dma_start3A_219, %dma_start3A_220] : memref<32x512xf32, #tpu.memory_space<vmem>> -> memref<32x128xf32, #tpu.memory_space<vmem>>
    %dma_start3A_222 = arith.constant 0 : i32
    %dma_start3A_223 = tpu.memref_slice %arg5[%dma_start3A_222, %mul3A_213] : memref<32x1000000xf32, #tpu.memory_space<hbm>> -> memref<32x128xf32, #tpu.memory_space<hbm>>
    tpu.enqueue_dma source(%dma_start3A_223 : memref<32x128xf32, #tpu.memory_space<hbm>>) target(%dma_start3A_221 : memref<32x128xf32, #tpu.memory_space<vmem>>) target_semaphore(%arg19 : memref<!tpu.dma_semaphore, #tpu.memory_space<semaphore_mem>>)
    %slice3A_224 = vector.extract_strided_slice %get3A_6 {offsets = [6], sizes = [1], strides = [1]} : vector<16xi32> to vector<1xi32>
    %squeeze3A_225 = vector.extract %slice3A_224[0] : i32 from vector<1xi32>
    %jit3A_226 = arith.constant 128 : i32
    %div3A_227 = arith.divsi %squeeze3A_225, %jit3A_226 : i32
    %sign3A_228 = arith.constant 0 : i32
    %sign3A_229 = arith.cmpi sgt, %squeeze3A_225, %sign3A_228 : i32
    %sign3A_230 = arith.extui %sign3A_229 : i1 to i32
    %sign3A_231 = arith.constant 0 : i32
    %sign3A_232 = arith.cmpi slt, %squeeze3A_225, %sign3A_231 : i32
    %sign3A_233 = arith.extui %sign3A_232 : i1 to i32
    %sign3A_234 = arith.subi %sign3A_230, %sign3A_233 : i32
    %sign3A_235 = arith.constant 0 : i32
    %sign3A_236 = arith.cmpi sgt, %jit3A_226, %sign3A_235 : i32
    %sign3A_237 = arith.extui %sign3A_236 : i1 to i32
    %sign3A_238 = arith.constant 0 : i32
    %sign3A_239 = arith.cmpi slt, %jit3A_226, %sign3A_238 : i32
    %sign3A_240 = arith.extui %sign3A_239 : i1 to i32
    %sign3A_241 = arith.subi %sign3A_237, %sign3A_240 : i32
    %ne3A_242 = arith.cmpi ne, %sign3A_234, %sign3A_241 : i32
    %rem3A_243 = arith.remsi %squeeze3A_225, %jit3A_226 : i32
    %ne3A_244 = arith.constant 0 : i32
    %ne3A_245 = arith.cmpi ne, %rem3A_243, %ne3A_244 : i32
    %and3A_246 = arith.andi %ne3A_242, %ne3A_245 : i1
    %sub3A_247 = arith.constant 1 : i32
    %sub3A_248 = arith.subi %div3A_227, %sub3A_247 : i32
    %select_n3A_249 = arith.select %and3A_246, %sub3A_248, %div3A_227 : i32
    %mul3A_250 = arith.constant 128 : i32
    %mul3A_251 = arith.muli %select_n3A_249, %mul3A_250 : i32
    %dma_start3A_252 = arith.constant 0 : i32
    %dma_start3A_253 = arith.constant 256 : i32
    %dma_start3A_254 = tpu.memref_slice %arg12[%dma_start3A_252, %dma_start3A_253] : memref<32x512xf32, #tpu.memory_space<vmem>> -> memref<32x128xf32, #tpu.memory_space<vmem>>
    %dma_start3A_255 = arith.constant 0 : i32
    %dma_start3A_256 = tpu.memref_slice %arg5[%dma_start3A_255, %mul3A_251] : memref<32x1000000xf32, #tpu.memory_space<hbm>> -> memref<32x128xf32, #tpu.memory_space<hbm>>
    %dma_start3A_257 = arith.constant 0 : i32
    %dma_start3A_258 = arith.constant 256 : i32
    %dma_start3A_259 = tpu.memref_slice %arg12[%dma_start3A_257, %dma_start3A_258] : memref<32x512xf32, #tpu.memory_space<vmem>> -> memref<32x128xf32, #tpu.memory_space<vmem>>
    %dma_start3A_260 = arith.constant 0 : i32
    %dma_start3A_261 = tpu.memref_slice %arg5[%dma_start3A_260, %mul3A_251] : memref<32x1000000xf32, #tpu.memory_space<hbm>> -> memref<32x128xf32, #tpu.memory_space<hbm>>
    tpu.enqueue_dma source(%dma_start3A_261 : memref<32x128xf32, #tpu.memory_space<hbm>>) target(%dma_start3A_259 : memref<32x128xf32, #tpu.memory_space<vmem>>) target_semaphore(%arg19 : memref<!tpu.dma_semaphore, #tpu.memory_space<semaphore_mem>>)
    %slice3A_262 = vector.extract_strided_slice %get3A_6 {offsets = [7], sizes = [1], strides = [1]} : vector<16xi32> to vector<1xi32>
    %squeeze3A_263 = vector.extract %slice3A_262[0] : i32 from vector<1xi32>
    %jit3A_264 = arith.constant 128 : i32
    %div3A_265 = arith.divsi %squeeze3A_263, %jit3A_264 : i32
    %sign3A_266 = arith.constant 0 : i32
    %sign3A_267 = arith.cmpi sgt, %squeeze3A_263, %sign3A_266 : i32
    %sign3A_268 = arith.extui %sign3A_267 : i1 to i32
    %sign3A_269 = arith.constant 0 : i32
    %sign3A_270 = arith.cmpi slt, %squeeze3A_263, %sign3A_269 : i32
    %sign3A_271 = arith.extui %sign3A_270 : i1 to i32
    %sign3A_272 = arith.subi %sign3A_268, %sign3A_271 : i32
    %sign3A_273 = arith.constant 0 : i32
    %sign3A_274 = arith.cmpi sgt, %jit3A_264, %sign3A_273 : i32
    %sign3A_275 = arith.extui %sign3A_274 : i1 to i32
    %sign3A_276 = arith.constant 0 : i32
    %sign3A_277 = arith.cmpi slt, %jit3A_264, %sign3A_276 : i32
    %sign3A_278 = arith.extui %sign3A_277 : i1 to i32
    %sign3A_279 = arith.subi %sign3A_275, %sign3A_278 : i32
    %ne3A_280 = arith.cmpi ne, %sign3A_272, %sign3A_279 : i32
    %rem3A_281 = arith.remsi %squeeze3A_263, %jit3A_264 : i32
    %ne3A_282 = arith.constant 0 : i32
    %ne3A_283 = arith.cmpi ne, %rem3A_281, %ne3A_282 : i32
    %and3A_284 = arith.andi %ne3A_280, %ne3A_283 : i1
    %sub3A_285 = arith.constant 1 : i32
    %sub3A_286 = arith.subi %div3A_265, %sub3A_285 : i32
    %select_n3A_287 = arith.select %and3A_284, %sub3A_286, %div3A_265 : i32
    %mul3A_288 = arith.constant 128 : i32
    %mul3A_289 = arith.muli %select_n3A_287, %mul3A_288 : i32
    %dma_start3A_290 = arith.constant 0 : i32
    %dma_start3A_291 = arith.constant 384 : i32
    %dma_start3A_292 = tpu.memref_slice %arg12[%dma_start3A_290, %dma_start3A_291] : memref<32x512xf32, #tpu.memory_space<vmem>> -> memref<32x128xf32, #tpu.memory_space<vmem>>
    %dma_start3A_293 = arith.constant 0 : i32
    %dma_start3A_294 = tpu.memref_slice %arg5[%dma_start3A_293, %mul3A_289] : memref<32x1000000xf32, #tpu.memory_space<hbm>> -> memref<32x128xf32, #tpu.memory_space<hbm>>
    %dma_start3A_295 = arith.constant 0 : i32
    %dma_start3A_296 = arith.constant 384 : i32
    %dma_start3A_297 = tpu.memref_slice %arg12[%dma_start3A_295, %dma_start3A_296] : memref<32x512xf32, #tpu.memory_space<vmem>> -> memref<32x128xf32, #tpu.memory_space<vmem>>
    %dma_start3A_298 = arith.constant 0 : i32
    %dma_start3A_299 = tpu.memref_slice %arg5[%dma_start3A_298, %mul3A_289] : memref<32x1000000xf32, #tpu.memory_space<hbm>> -> memref<32x128xf32, #tpu.memory_space<hbm>>
    tpu.enqueue_dma source(%dma_start3A_299 : memref<32x128xf32, #tpu.memory_space<hbm>>) target(%dma_start3A_297 : memref<32x128xf32, #tpu.memory_space<vmem>>) target_semaphore(%arg19 : memref<!tpu.dma_semaphore, #tpu.memory_space<semaphore_mem>>)
    %slice3A_300 = vector.extract_strided_slice %get3A_6 {offsets = [8], sizes = [1], strides = [1]} : vector<16xi32> to vector<1xi32>
    %squeeze3A_301 = vector.extract %slice3A_300[0] : i32 from vector<1xi32>
    %jit3A_302 = arith.constant 128 : i32
    %div3A_303 = arith.divsi %squeeze3A_301, %jit3A_302 : i32
    %sign3A_304 = arith.constant 0 : i32
    %sign3A_305 = arith.cmpi sgt, %squeeze3A_301, %sign3A_304 : i32
    %sign3A_306 = arith.extui %sign3A_305 : i1 to i32
    %sign3A_307 = arith.constant 0 : i32
    %sign3A_308 = arith.cmpi slt, %squeeze3A_301, %sign3A_307 : i32
    %sign3A_309 = arith.extui %sign3A_308 : i1 to i32
    %sign3A_310 = arith.subi %sign3A_306, %sign3A_309 : i32
    %sign3A_311 = arith.constant 0 : i32
    %sign3A_312 = arith.cmpi sgt, %jit3A_302, %sign3A_311 : i32
    %sign3A_313 = arith.extui %sign3A_312 : i1 to i32
    %sign3A_314 = arith.constant 0 : i32
    %sign3A_315 = arith.cmpi slt, %jit3A_302, %sign3A_314 : i32
    %sign3A_316 = arith.extui %sign3A_315 : i1 to i32
    %sign3A_317 = arith.subi %sign3A_313, %sign3A_316 : i32
    %ne3A_318 = arith.cmpi ne, %sign3A_310, %sign3A_317 : i32
    %rem3A_319 = arith.remsi %squeeze3A_301, %jit3A_302 : i32
    %ne3A_320 = arith.constant 0 : i32
    %ne3A_321 = arith.cmpi ne, %rem3A_319, %ne3A_320 : i32
    %and3A_322 = arith.andi %ne3A_318, %ne3A_321 : i1
    %sub3A_323 = arith.constant 1 : i32
    %sub3A_324 = arith.subi %div3A_303, %sub3A_323 : i32
    %select_n3A_325 = arith.select %and3A_322, %sub3A_324, %div3A_303 : i32
    %mul3A_326 = arith.constant 128 : i32
    %mul3A_327 = arith.muli %select_n3A_325, %mul3A_326 : i32
    %dma_start3A_328 = arith.constant 0 : i32
    %dma_start3A_329 = arith.constant 0 : i32
    %dma_start3A_330 = tpu.memref_slice %arg13[%dma_start3A_328, %dma_start3A_329] : memref<32x512xf32, #tpu.memory_space<vmem>> -> memref<32x128xf32, #tpu.memory_space<vmem>>
    %dma_start3A_331 = arith.constant 0 : i32
    %dma_start3A_332 = tpu.memref_slice %arg5[%dma_start3A_331, %mul3A_327] : memref<32x1000000xf32, #tpu.memory_space<hbm>> -> memref<32x128xf32, #tpu.memory_space<hbm>>
    %dma_start3A_333 = arith.constant 0 : i32
    %dma_start3A_334 = arith.constant 0 : i32
    %dma_start3A_335 = tpu.memref_slice %arg13[%dma_start3A_333, %dma_start3A_334] : memref<32x512xf32, #tpu.memory_space<vmem>> -> memref<32x128xf32, #tpu.memory_space<vmem>>
    %dma_start3A_336 = arith.constant 0 : i32
    %dma_start3A_337 = tpu.memref_slice %arg5[%dma_start3A_336, %mul3A_327] : memref<32x1000000xf32, #tpu.memory_space<hbm>> -> memref<32x128xf32, #tpu.memory_space<hbm>>
    tpu.enqueue_dma source(%dma_start3A_337 : memref<32x128xf32, #tpu.memory_space<hbm>>) target(%dma_start3A_335 : memref<32x128xf32, #tpu.memory_space<vmem>>) target_semaphore(%arg20 : memref<!tpu.dma_semaphore, #tpu.memory_space<semaphore_mem>>)
    %slice3A_338 = vector.extract_strided_slice %get3A_6 {offsets = [9], sizes = [1], strides = [1]} : vector<16xi32> to vector<1xi32>
    %squeeze3A_339 = vector.extract %slice3A_338[0] : i32 from vector<1xi32>
    %jit3A_340 = arith.constant 128 : i32
    %div3A_341 = arith.divsi %squeeze3A_339, %jit3A_340 : i32
    %sign3A_342 = arith.constant 0 : i32
    %sign3A_343 = arith.cmpi sgt, %squeeze3A_339, %sign3A_342 : i32
    %sign3A_344 = arith.extui %sign3A_343 : i1 to i32
    %sign3A_345 = arith.constant 0 : i32
    %sign3A_346 = arith.cmpi slt, %squeeze3A_339, %sign3A_345 : i32
    %sign3A_347 = arith.extui %sign3A_346 : i1 to i32
    %sign3A_348 = arith.subi %sign3A_344, %sign3A_347 : i32
    %sign3A_349 = arith.constant 0 : i32
    %sign3A_350 = arith.cmpi sgt, %jit3A_340, %sign3A_349 : i32
    %sign3A_351 = arith.extui %sign3A_350 : i1 to i32
    %sign3A_352 = arith.constant 0 : i32
    %sign3A_353 = arith.cmpi slt, %jit3A_340, %sign3A_352 : i32
    %sign3A_354 = arith.extui %sign3A_353 : i1 to i32
    %sign3A_355 = arith.subi %sign3A_351, %sign3A_354 : i32
    %ne3A_356 = arith.cmpi ne, %sign3A_348, %sign3A_355 : i32
    %rem3A_357 = arith.remsi %squeeze3A_339, %jit3A_340 : i32
    %ne3A_358 = arith.constant 0 : i32
    %ne3A_359 = arith.cmpi ne, %rem3A_357, %ne3A_358 : i32
    %and3A_360 = arith.andi %ne3A_356, %ne3A_359 : i1
    %sub3A_361 = arith.constant 1 : i32
    %sub3A_362 = arith.subi %div3A_341, %sub3A_361 : i32
    %select_n3A_363 = arith.select %and3A_360, %sub3A_362, %div3A_341 : i32
    %mul3A_364 = arith.constant 128 : i32
    %mul3A_365 = arith.muli %select_n3A_363, %mul3A_364 : i32
    %dma_start3A_366 = arith.constant 0 : i32
    %dma_start3A_367 = arith.constant 128 : i32
    %dma_start3A_368 = tpu.memref_slice %arg13[%dma_start3A_366, %dma_start3A_367] : memref<32x512xf32, #tpu.memory_space<vmem>> -> memref<32x128xf32, #tpu.memory_space<vmem>>
    %dma_start3A_369 = arith.constant 0 : i32
    %dma_start3A_370 = tpu.memref_slice %arg5[%dma_start3A_369, %mul3A_365] : memref<32x1000000xf32, #tpu.memory_space<hbm>> -> memref<32x128xf32, #tpu.memory_space<hbm>>
    %dma_start3A_371 = arith.constant 0 : i32
    %dma_start3A_372 = arith.constant 128 : i32
    %dma_start3A_373 = tpu.memref_slice %arg13[%dma_start3A_371, %dma_start3A_372] : memref<32x512xf32, #tpu.memory_space<vmem>> -> memref<32x128xf32, #tpu.memory_space<vmem>>
    %dma_start3A_374 = arith.constant 0 : i32
    %dma_start3A_375 = tpu.memref_slice %arg5[%dma_start3A_374, %mul3A_365] : memref<32x1000000xf32, #tpu.memory_space<hbm>> -> memref<32x128xf32, #tpu.memory_space<hbm>>
    tpu.enqueue_dma source(%dma_start3A_375 : memref<32x128xf32, #tpu.memory_space<hbm>>) target(%dma_start3A_373 : memref<32x128xf32, #tpu.memory_space<vmem>>) target_semaphore(%arg20 : memref<!tpu.dma_semaphore, #tpu.memory_space<semaphore_mem>>)
    %slice3A_376 = vector.extract_strided_slice %get3A_6 {offsets = [10], sizes = [1], strides = [1]} : vector<16xi32> to vector<1xi32>
    %squeeze3A_377 = vector.extract %slice3A_376[0] : i32 from vector<1xi32>
    %jit3A_378 = arith.constant 128 : i32
    %div3A_379 = arith.divsi %squeeze3A_377, %jit3A_378 : i32
    %sign3A_380 = arith.constant 0 : i32
    %sign3A_381 = arith.cmpi sgt, %squeeze3A_377, %sign3A_380 : i32
    %sign3A_382 = arith.extui %sign3A_381 : i1 to i32
    %sign3A_383 = arith.constant 0 : i32
    %sign3A_384 = arith.cmpi slt, %squeeze3A_377, %sign3A_383 : i32
    %sign3A_385 = arith.extui %sign3A_384 : i1 to i32
    %sign3A_386 = arith.subi %sign3A_382, %sign3A_385 : i32
    %sign3A_387 = arith.constant 0 : i32
    %sign3A_388 = arith.cmpi sgt, %jit3A_378, %sign3A_387 : i32
    %sign3A_389 = arith.extui %sign3A_388 : i1 to i32
    %sign3A_390 = arith.constant 0 : i32
    %sign3A_391 = arith.cmpi slt, %jit3A_378, %sign3A_390 : i32
    %sign3A_392 = arith.extui %sign3A_391 : i1 to i32
    %sign3A_393 = arith.subi %sign3A_389, %sign3A_392 : i32
    %ne3A_394 = arith.cmpi ne, %sign3A_386, %sign3A_393 : i32
    %rem3A_395 = arith.remsi %squeeze3A_377, %jit3A_378 : i32
    %ne3A_396 = arith.constant 0 : i32
    %ne3A_397 = arith.cmpi ne, %rem3A_395, %ne3A_396 : i32
    %and3A_398 = arith.andi %ne3A_394, %ne3A_397 : i1
    %sub3A_399 = arith.constant 1 : i32
    %sub3A_400 = arith.subi %div3A_379, %sub3A_399 : i32
    %select_n3A_401 = arith.select %and3A_398, %sub3A_400, %div3A_379 : i32
    %mul3A_402 = arith.constant 128 : i32
    %mul3A_403 = arith.muli %select_n3A_401, %mul3A_402 : i32
    %dma_start3A_404 = arith.constant 0 : i32
    %dma_start3A_405 = arith.constant 256 : i32
    %dma_start3A_406 = tpu.memref_slice %arg13[%dma_start3A_404, %dma_start3A_405] : memref<32x512xf32, #tpu.memory_space<vmem>> -> memref<32x128xf32, #tpu.memory_space<vmem>>
    %dma_start3A_407 = arith.constant 0 : i32
    %dma_start3A_408 = tpu.memref_slice %arg5[%dma_start3A_407, %mul3A_403] : memref<32x1000000xf32, #tpu.memory_space<hbm>> -> memref<32x128xf32, #tpu.memory_space<hbm>>
    %dma_start3A_409 = arith.constant 0 : i32
    %dma_start3A_410 = arith.constant 256 : i32
    %dma_start3A_411 = tpu.memref_slice %arg13[%dma_start3A_409, %dma_start3A_410] : memref<32x512xf32, #tpu.memory_space<vmem>> -> memref<32x128xf32, #tpu.memory_space<vmem>>
    %dma_start3A_412 = arith.constant 0 : i32
    %dma_start3A_413 = tpu.memref_slice %arg5[%dma_start3A_412, %mul3A_403] : memref<32x1000000xf32, #tpu.memory_space<hbm>> -> memref<32x128xf32, #tpu.memory_space<hbm>>
    tpu.enqueue_dma source(%dma_start3A_413 : memref<32x128xf32, #tpu.memory_space<hbm>>) target(%dma_start3A_411 : memref<32x128xf32, #tpu.memory_space<vmem>>) target_semaphore(%arg20 : memref<!tpu.dma_semaphore, #tpu.memory_space<semaphore_mem>>)
    %slice3A_414 = vector.extract_strided_slice %get3A_6 {offsets = [11], sizes = [1], strides = [1]} : vector<16xi32> to vector<1xi32>
    %squeeze3A_415 = vector.extract %slice3A_414[0] : i32 from vector<1xi32>
    %jit3A_416 = arith.constant 128 : i32
    %div3A_417 = arith.divsi %squeeze3A_415, %jit3A_416 : i32
    %sign3A_418 = arith.constant 0 : i32
    %sign3A_419 = arith.cmpi sgt, %squeeze3A_415, %sign3A_418 : i32
    %sign3A_420 = arith.extui %sign3A_419 : i1 to i32
    %sign3A_421 = arith.constant 0 : i32
    %sign3A_422 = arith.cmpi slt, %squeeze3A_415, %sign3A_421 : i32
    %sign3A_423 = arith.extui %sign3A_422 : i1 to i32
    %sign3A_424 = arith.subi %sign3A_420, %sign3A_423 : i32
    %sign3A_425 = arith.constant 0 : i32
    %sign3A_426 = arith.cmpi sgt, %jit3A_416, %sign3A_425 : i32
    %sign3A_427 = arith.extui %sign3A_426 : i1 to i32
    %sign3A_428 = arith.constant 0 : i32
    %sign3A_429 = arith.cmpi slt, %jit3A_416, %sign3A_428 : i32
    %sign3A_430 = arith.extui %sign3A_429 : i1 to i32
    %sign3A_431 = arith.subi %sign3A_427, %sign3A_430 : i32
    %ne3A_432 = arith.cmpi ne, %sign3A_424, %sign3A_431 : i32
    %rem3A_433 = arith.remsi %squeeze3A_415, %jit3A_416 : i32
    %ne3A_434 = arith.constant 0 : i32
    %ne3A_435 = arith.cmpi ne, %rem3A_433, %ne3A_434 : i32
    %and3A_436 = arith.andi %ne3A_432, %ne3A_435 : i1
    %sub3A_437 = arith.constant 1 : i32
    %sub3A_438 = arith.subi %div3A_417, %sub3A_437 : i32
    %select_n3A_439 = arith.select %and3A_436, %sub3A_438, %div3A_417 : i32
    %mul3A_440 = arith.constant 128 : i32
    %mul3A_441 = arith.muli %select_n3A_439, %mul3A_440 : i32
    %dma_start3A_442 = arith.constant 0 : i32
    %dma_start3A_443 = arith.constant 384 : i32
    %dma_start3A_444 = tpu.memref_slice %arg13[%dma_start3A_442, %dma_start3A_443] : memref<32x512xf32, #tpu.memory_space<vmem>> -> memref<32x128xf32, #tpu.memory_space<vmem>>
    %dma_start3A_445 = arith.constant 0 : i32
    %dma_start3A_446 = tpu.memref_slice %arg5[%dma_start3A_445, %mul3A_441] : memref<32x1000000xf32, #tpu.memory_space<hbm>> -> memref<32x128xf32, #tpu.memory_space<hbm>>
    %dma_start3A_447 = arith.constant 0 : i32
    %dma_start3A_448 = arith.constant 384 : i32
    %dma_start3A_449 = tpu.memref_slice %arg13[%dma_start3A_447, %dma_start3A_448] : memref<32x512xf32, #tpu.memory_space<vmem>> -> memref<32x128xf32, #tpu.memory_space<vmem>>
    %dma_start3A_450 = arith.constant 0 : i32
    %dma_start3A_451 = tpu.memref_slice %arg5[%dma_start3A_450, %mul3A_441] : memref<32x1000000xf32, #tpu.memory_space<hbm>> -> memref<32x128xf32, #tpu.memory_space<hbm>>
    tpu.enqueue_dma source(%dma_start3A_451 : memref<32x128xf32, #tpu.memory_space<hbm>>) target(%dma_start3A_449 : memref<32x128xf32, #tpu.memory_space<vmem>>) target_semaphore(%arg20 : memref<!tpu.dma_semaphore, #tpu.memory_space<semaphore_mem>>)
    %scan3A = arith.constant 0 : i32
    %scan3A_452 = arith.constant 0 : i32
    %scan3A_453 = arith.constant 32 : i32
    %scan3A_454 = arith.addi %scan3A_452, %scan3A_453 : i32
    %scan3A_455 = arith.constant 1 : i32
    scf.for %scan3A_463 = %scan3A_452 to %scan3A_454 step %scan3A_455  : i32 {
      %mul3A_464 = arith.constant 16 : i32
      %mul3A_465 = arith.muli %scan3A_463, %mul3A_464 : i32
      %get3A_466 = arith.index_cast %mul3A_465 : i32 to index
      %get3A_467 = tpu.vector_load %arg10[%get3A_466] {strides = array<i32>} : memref<512xi32, #tpu.memory_space<vmem>>, vector<16xi32>,
      %dma_wait3A = arith.constant 0 : i32
      %dma_wait3A_468 = arith.constant 0 : i32
      %dma_wait3A_469 = tpu.memref_slice %arg5[%dma_wait3A, %dma_wait3A_468] : memref<32x1000000xf32, #tpu.memory_space<hbm>> -> memref<32x512xf32, #tpu.memory_space<hbm>>
      %dma_wait3A_470 = arith.constant 0 : i32
      %dma_wait3A_471 = arith.constant 0 : i32
      %dma_wait3A_472 = tpu.memref_slice %arg5[%dma_wait3A_470, %dma_wait3A_471] : memref<32x1000000xf32, #tpu.memory_space<hbm>> -> memref<32x512xf32, #tpu.memory_space<hbm>>
      tpu.wait_dma2 semaphore(%arg18 : memref<!tpu.dma_semaphore, #tpu.memory_space<semaphore_mem>>) src(%dma_wait3A_472 : memref<32x512xf32, #tpu.memory_space<hbm>>) dst(%arg11 : memref<32x512xf32, #tpu.memory_space<vmem>>)
      %mul3A_473 = arith.constant 16 : i32
      %mul3A_474 = arith.muli %scan3A_463, %mul3A_473 : i32
      %slice3A_475 = vector.extract_strided_slice %get3A_467 {offsets = [0], sizes = [1], strides = [1]} : vector<16xi32> to vector<1xi32>
      %squeeze3A_476 = vector.extract %slice3A_475[0] : i32 from vector<1xi32>
      %rem3A_477 = arith.constant 128 : i32
      %rem3A_478 = arith.remsi %squeeze3A_476, %rem3A_477 : i32
      %add3A_479 = arith.constant 0 : i32
      %add3A_480 = arith.addi %rem3A_478, %add3A_479 : i32
      %broadcast_in_dim3A = arith.constant 0 : i32
      %broadcast_in_dim3A_481 = vector.broadcast %broadcast_in_dim3A : i32 to vector<16xi32>
      %add3A_482 = vector.broadcast %add3A_480 : i32 to vector<16xi32>
      %add3A_483 = arith.addi %broadcast_in_dim3A_481, %add3A_482 : vector<16xi32>
      %gather3A = tpu.vector_load_idx %arg11[%iota3A, %add3A_483] : memref<32x512xf32, #tpu.memory_space<vmem>>[vector<16xi32>, vector<16xi32>], vector<16xf32>,
      %gather3A_484 = tpu.vector_load_idx %arg11[%add3A_5, %add3A_483] : memref<32x512xf32, #tpu.memory_space<vmem>>[vector<16xi32>, vector<16xi32>], vector<16xf32>,
      %broadcast_in_dim3A_485 = arith.constant 0 : i32
      %broadcast_in_dim3A_486 = vector.broadcast %broadcast_in_dim3A_485 : i32 to vector<16xi32>
      %add3A_487 = arith.constant 0 : i32
      %add3A_488 = arith.addi %mul3A_474, %add3A_487 : i32
      %rem3A_489 = arith.constant 128 : i32
      %rem3A_490 = arith.remsi %add3A_488, %rem3A_489 : i32
      %add3A_491 = vector.broadcast %rem3A_490 : i32 to vector<16xi32>
      %add3A_492 = arith.addi %broadcast_in_dim3A_486, %add3A_491 : vector<16xi32>
      tpu.vector_store_idx %arg15[%add3A_492, %iota3A], %gather3A : memref<128x32xf32, #tpu.memory_space<vmem>>[vector<16xi32>, vector<16xi32>], vector<16xf32>,
      tpu.vector_store_idx %arg15[%add3A_492, %add3A_5], %gather3A_484 : memref<128x32xf32, #tpu.memory_space<vmem>>[vector<16xi32>, vector<16xi32>], vector<16xf32>,
      %slice3A_493 = vector.extract_strided_slice %get3A_467 {offsets = [1], sizes = [1], strides = [1]} : vector<16xi32> to vector<1xi32>
      %squeeze3A_494 = vector.extract %slice3A_493[0] : i32 from vector<1xi32>
      %rem3A_495 = arith.constant 128 : i32
      %rem3A_496 = arith.remsi %squeeze3A_494, %rem3A_495 : i32
      %add3A_497 = arith.constant 128 : i32
      %add3A_498 = arith.addi %rem3A_496, %add3A_497 : i32
      %broadcast_in_dim3A_499 = arith.constant 0 : i32
      %broadcast_in_dim3A_500 = vector.broadcast %broadcast_in_dim3A_499 : i32 to vector<16xi32>
      %add3A_501 = vector.broadcast %add3A_498 : i32 to vector<16xi32>
      %add3A_502 = arith.addi %broadcast_in_dim3A_500, %add3A_501 : vector<16xi32>
      %gather3A_503 = tpu.vector_load_idx %arg11[%iota3A, %add3A_502] : memref<32x512xf32, #tpu.memory_space<vmem>>[vector<16xi32>, vector<16xi32>], vector<16xf32>,
      %gather3A_504 = tpu.vector_load_idx %arg11[%add3A_5, %add3A_502] : memref<32x512xf32, #tpu.memory_space<vmem>>[vector<16xi32>, vector<16xi32>], vector<16xf32>,
      %broadcast_in_dim3A_505 = arith.constant 0 : i32
      %broadcast_in_dim3A_506 = vector.broadcast %broadcast_in_dim3A_505 : i32 to vector<16xi32>
      %add3A_507 = arith.constant 1 : i32
      %add3A_508 = arith.addi %mul3A_474, %add3A_507 : i32
      %rem3A_509 = arith.constant 128 : i32
      %rem3A_510 = arith.remsi %add3A_508, %rem3A_509 : i32
      %add3A_511 = vector.broadcast %rem3A_510 : i32 to vector<16xi32>
      %add3A_512 = arith.addi %broadcast_in_dim3A_506, %add3A_511 : vector<16xi32>
      tpu.vector_store_idx %arg15[%add3A_512, %iota3A], %gather3A_503 : memref<128x32xf32, #tpu.memory_space<vmem>>[vector<16xi32>, vector<16xi32>], vector<16xf32>,
      tpu.vector_store_idx %arg15[%add3A_512, %add3A_5], %gather3A_504 : memref<128x32xf32, #tpu.memory_space<vmem>>[vector<16xi32>, vector<16xi32>], vector<16xf32>,
      %slice3A_513 = vector.extract_strided_slice %get3A_467 {offsets = [2], sizes = [1], strides = [1]} : vector<16xi32> to vector<1xi32>
      %squeeze3A_514 = vector.extract %slice3A_513[0] : i32 from vector<1xi32>
      %rem3A_515 = arith.constant 128 : i32
      %rem3A_516 = arith.remsi %squeeze3A_514, %rem3A_515 : i32
      %add3A_517 = arith.constant 256 : i32
      %add3A_518 = arith.addi %rem3A_516, %add3A_517 : i32
      %broadcast_in_dim3A_519 = arith.constant 0 : i32
      %broadcast_in_dim3A_520 = vector.broadcast %broadcast_in_dim3A_519 : i32 to vector<16xi32>
      %add3A_521 = vector.broadcast %add3A_518 : i32 to vector<16xi32>
      %add3A_522 = arith.addi %broadcast_in_dim3A_520, %add3A_521 : vector<16xi32>
      %gather3A_523 = tpu.vector_load_idx %arg11[%iota3A, %add3A_522] : memref<32x512xf32, #tpu.memory_space<vmem>>[vector<16xi32>, vector<16xi32>], vector<16xf32>,
      %gather3A_524 = tpu.vector_load_idx %arg11[%add3A_5, %add3A_522] : memref<32x512xf32, #tpu.memory_space<vmem>>[vector<16xi32>, vector<16xi32>], vector<16xf32>,
      %broadcast_in_dim3A_525 = arith.constant 0 : i32
      %broadcast_in_dim3A_526 = vector.broadcast %broadcast_in_dim3A_525 : i32 to vector<16xi32>
      %add3A_527 = arith.constant 2 : i32
      %add3A_528 = arith.addi %mul3A_474, %add3A_527 : i32
      %rem3A_529 = arith.constant 128 : i32
      %rem3A_530 = arith.remsi %add3A_528, %rem3A_529 : i32
      %add3A_531 = vector.broadcast %rem3A_530 : i32 to vector<16xi32>
      %add3A_532 = arith.addi %broadcast_in_dim3A_526, %add3A_531 : vector<16xi32>
      tpu.vector_store_idx %arg15[%add3A_532, %iota3A], %gather3A_523 : memref<128x32xf32, #tpu.memory_space<vmem>>[vector<16xi32>, vector<16xi32>], vector<16xf32>,
      tpu.vector_store_idx %arg15[%add3A_532, %add3A_5], %gather3A_524 : memref<128x32xf32, #tpu.memory_space<vmem>>[vector<16xi32>, vector<16xi32>], vector<16xf32>,
      %slice3A_533 = vector.extract_strided_slice %get3A_467 {offsets = [3], sizes = [1], strides = [1]} : vector<16xi32> to vector<1xi32>
      %squeeze3A_534 = vector.extract %slice3A_533[0] : i32 from vector<1xi32>
      %rem3A_535 = arith.constant 128 : i32
      %rem3A_536 = arith.remsi %squeeze3A_534, %rem3A_535 : i32
      %add3A_537 = arith.constant 384 : i32
      %add3A_538 = arith.addi %rem3A_536, %add3A_537 : i32
      %broadcast_in_dim3A_539 = arith.constant 0 : i32
      %broadcast_in_dim3A_540 = vector.broadcast %broadcast_in_dim3A_539 : i32 to vector<16xi32>
      %add3A_541 = vector.broadcast %add3A_538 : i32 to vector<16xi32>
      %add3A_542 = arith.addi %broadcast_in_dim3A_540, %add3A_541 : vector<16xi32>
      %gather3A_543 = tpu.vector_load_idx %arg11[%iota3A, %add3A_542] : memref<32x512xf32, #tpu.memory_space<vmem>>[vector<16xi32>, vector<16xi32>], vector<16xf32>,
      %gather3A_544 = tpu.vector_load_idx %arg11[%add3A_5, %add3A_542] : memref<32x512xf32, #tpu.memory_space<vmem>>[vector<16xi32>, vector<16xi32>], vector<16xf32>,
      %broadcast_in_dim3A_545 = arith.constant 0 : i32
      %broadcast_in_dim3A_546 = vector.broadcast %broadcast_in_dim3A_545 : i32 to vector<16xi32>
      %add3A_547 = arith.constant 3 : i32
      %add3A_548 = arith.addi %mul3A_474, %add3A_547 : i32
      %rem3A_549 = arith.constant 128 : i32
      %rem3A_550 = arith.remsi %add3A_548, %rem3A_549 : i32
      %add3A_551 = vector.broadcast %rem3A_550 : i32 to vector<16xi32>
      %add3A_552 = arith.addi %broadcast_in_dim3A_546, %add3A_551 : vector<16xi32>
      tpu.vector_store_idx %arg15[%add3A_552, %iota3A], %gather3A_543 : memref<128x32xf32, #tpu.memory_space<vmem>>[vector<16xi32>, vector<16xi32>], vector<16xf32>,
      tpu.vector_store_idx %arg15[%add3A_552, %add3A_5], %gather3A_544 : memref<128x32xf32, #tpu.memory_space<vmem>>[vector<16xi32>, vector<16xi32>], vector<16xf32>,
      %slice3A_553 = vector.extract_strided_slice %get3A_467 {offsets = [12], sizes = [1], strides = [1]} : vector<16xi32> to vector<1xi32>
      %squeeze3A_554 = vector.extract %slice3A_553[0] : i32 from vector<1xi32>
      %jit3A_555 = arith.constant 128 : i32
      %div3A_556 = arith.divsi %squeeze3A_554, %jit3A_555 : i32
      %sign3A_557 = arith.constant 0 : i32
      %sign3A_558 = arith.cmpi sgt, %squeeze3A_554, %sign3A_557 : i32
      %sign3A_559 = arith.extui %sign3A_558 : i1 to i32
      %sign3A_560 = arith.constant 0 : i32
      %sign3A_561 = arith.cmpi slt, %squeeze3A_554, %sign3A_560 : i32
      %sign3A_562 = arith.extui %sign3A_561 : i1 to i32
      %sign3A_563 = arith.subi %sign3A_559, %sign3A_562 : i32
      %sign3A_564 = arith.constant 0 : i32
      %sign3A_565 = arith.cmpi sgt, %jit3A_555, %sign3A_564 : i32
      %sign3A_566 = arith.extui %sign3A_565 : i1 to i32
      %sign3A_567 = arith.constant 0 : i32
      %sign3A_568 = arith.cmpi slt, %jit3A_555, %sign3A_567 : i32
      %sign3A_569 = arith.extui %sign3A_568 : i1 to i32
      %sign3A_570 = arith.subi %sign3A_566, %sign3A_569 : i32
      %ne3A_571 = arith.cmpi ne, %sign3A_563, %sign3A_570 : i32
      %rem3A_572 = arith.remsi %squeeze3A_554, %jit3A_555 : i32
      %ne3A_573 = arith.constant 0 : i32
      %ne3A_574 = arith.cmpi ne, %rem3A_572, %ne3A_573 : i32
      %and3A_575 = arith.andi %ne3A_571, %ne3A_574 : i1
      %sub3A_576 = arith.constant 1 : i32
      %sub3A_577 = arith.subi %div3A_556, %sub3A_576 : i32
      %select_n3A_578 = arith.select %and3A_575, %sub3A_577, %div3A_556 : i32
      %mul3A_579 = arith.constant 128 : i32
      %mul3A_580 = arith.muli %select_n3A_578, %mul3A_579 : i32
      %dma_start3A_581 = arith.constant 0 : i32
      %dma_start3A_582 = arith.constant 0 : i32
      %dma_start3A_583 = tpu.memref_slice %arg14[%dma_start3A_581, %dma_start3A_582] : memref<32x512xf32, #tpu.memory_space<vmem>> -> memref<32x128xf32, #tpu.memory_space<vmem>>
      %dma_start3A_584 = arith.constant 0 : i32
      %dma_start3A_585 = tpu.memref_slice %arg5[%dma_start3A_584, %mul3A_580] : memref<32x1000000xf32, #tpu.memory_space<hbm>> -> memref<32x128xf32, #tpu.memory_space<hbm>>
      %dma_start3A_586 = arith.constant 0 : i32
      %dma_start3A_587 = arith.constant 0 : i32
      %dma_start3A_588 = tpu.memref_slice %arg14[%dma_start3A_586, %dma_start3A_587] : memref<32x512xf32, #tpu.memory_space<vmem>> -> memref<32x128xf32, #tpu.memory_space<vmem>>
      %dma_start3A_589 = arith.constant 0 : i32
      %dma_start3A_590 = tpu.memref_slice %arg5[%dma_start3A_589, %mul3A_580] : memref<32x1000000xf32, #tpu.memory_space<hbm>> -> memref<32x128xf32, #tpu.memory_space<hbm>>
      tpu.enqueue_dma source(%dma_start3A_590 : memref<32x128xf32, #tpu.memory_space<hbm>>) target(%dma_start3A_588 : memref<32x128xf32, #tpu.memory_space<vmem>>) target_semaphore(%arg21 : memref<!tpu.dma_semaphore, #tpu.memory_space<semaphore_mem>>)
      %slice3A_591 = vector.extract_strided_slice %get3A_467 {offsets = [13], sizes = [1], strides = [1]} : vector<16xi32> to vector<1xi32>
      %squeeze3A_592 = vector.extract %slice3A_591[0] : i32 from vector<1xi32>
      %jit3A_593 = arith.constant 128 : i32
      %div3A_594 = arith.divsi %squeeze3A_592, %jit3A_593 : i32
      %sign3A_595 = arith.constant 0 : i32
      %sign3A_596 = arith.cmpi sgt, %squeeze3A_592, %sign3A_595 : i32
      %sign3A_597 = arith.extui %sign3A_596 : i1 to i32
      %sign3A_598 = arith.constant 0 : i32
      %sign3A_599 = arith.cmpi slt, %squeeze3A_592, %sign3A_598 : i32
      %sign3A_600 = arith.extui %sign3A_599 : i1 to i32
      %sign3A_601 = arith.subi %sign3A_597, %sign3A_600 : i32
      %sign3A_602 = arith.constant 0 : i32
      %sign3A_603 = arith.cmpi sgt, %jit3A_593, %sign3A_602 : i32
      %sign3A_604 = arith.extui %sign3A_603 : i1 to i32
      %sign3A_605 = arith.constant 0 : i32
      %sign3A_606 = arith.cmpi slt, %jit3A_593, %sign3A_605 : i32
      %sign3A_607 = arith.extui %sign3A_606 : i1 to i32
      %sign3A_608 = arith.subi %sign3A_604, %sign3A_607 : i32
      %ne3A_609 = arith.cmpi ne, %sign3A_601, %sign3A_608 : i32
      %rem3A_610 = arith.remsi %squeeze3A_592, %jit3A_593 : i32
      %ne3A_611 = arith.constant 0 : i32
      %ne3A_612 = arith.cmpi ne, %rem3A_610, %ne3A_611 : i32
      %and3A_613 = arith.andi %ne3A_609, %ne3A_612 : i1
      %sub3A_614 = arith.constant 1 : i32
      %sub3A_615 = arith.subi %div3A_594, %sub3A_614 : i32
      %select_n3A_616 = arith.select %and3A_613, %sub3A_615, %div3A_594 : i32
      %mul3A_617 = arith.constant 128 : i32
      %mul3A_618 = arith.muli %select_n3A_616, %mul3A_617 : i32
      %dma_start3A_619 = arith.constant 0 : i32
      %dma_start3A_620 = arith.constant 128 : i32
      %dma_start3A_621 = tpu.memref_slice %arg14[%dma_start3A_619, %dma_start3A_620] : memref<32x512xf32, #tpu.memory_space<vmem>> -> memref<32x128xf32, #tpu.memory_space<vmem>>
      %dma_start3A_622 = arith.constant 0 : i32
      %dma_start3A_623 = tpu.memref_slice %arg5[%dma_start3A_622, %mul3A_618] : memref<32x1000000xf32, #tpu.memory_space<hbm>> -> memref<32x128xf32, #tpu.memory_space<hbm>>
      %dma_start3A_624 = arith.constant 0 : i32
      %dma_start3A_625 = arith.constant 128 : i32
      %dma_start3A_626 = tpu.memref_slice %arg14[%dma_start3A_624, %dma_start3A_625] : memref<32x512xf32, #tpu.memory_space<vmem>> -> memref<32x128xf32, #tpu.memory_space<vmem>>
      %dma_start3A_627 = arith.constant 0 : i32
      %dma_start3A_628 = tpu.memref_slice %arg5[%dma_start3A_627, %mul3A_618] : memref<32x1000000xf32, #tpu.memory_space<hbm>> -> memref<32x128xf32, #tpu.memory_space<hbm>>
      tpu.enqueue_dma source(%dma_start3A_628 : memref<32x128xf32, #tpu.memory_space<hbm>>) target(%dma_start3A_626 : memref<32x128xf32, #tpu.memory_space<vmem>>) target_semaphore(%arg21 : memref<!tpu.dma_semaphore, #tpu.memory_space<semaphore_mem>>)
      %slice3A_629 = vector.extract_strided_slice %get3A_467 {offsets = [14], sizes = [1], strides = [1]} : vector<16xi32> to vector<1xi32>
      %squeeze3A_630 = vector.extract %slice3A_629[0] : i32 from vector<1xi32>
      %jit3A_631 = arith.constant 128 : i32
      %div3A_632 = arith.divsi %squeeze3A_630, %jit3A_631 : i32
      %sign3A_633 = arith.constant 0 : i32
      %sign3A_634 = arith.cmpi sgt, %squeeze3A_630, %sign3A_633 : i32
      %sign3A_635 = arith.extui %sign3A_634 : i1 to i32
      %sign3A_636 = arith.constant 0 : i32
      %sign3A_637 = arith.cmpi slt, %squeeze3A_630, %sign3A_636 : i32
      %sign3A_638 = arith.extui %sign3A_637 : i1 to i32
      %sign3A_639 = arith.subi %sign3A_635, %sign3A_638 : i32
      %sign3A_640 = arith.constant 0 : i32
      %sign3A_641 = arith.cmpi sgt, %jit3A_631, %sign3A_640 : i32
      %sign3A_642 = arith.extui %sign3A_641 : i1 to i32
      %sign3A_643 = arith.constant 0 : i32
      %sign3A_644 = arith.cmpi slt, %jit3A_631, %sign3A_643 : i32
      %sign3A_645 = arith.extui %sign3A_644 : i1 to i32
      %sign3A_646 = arith.subi %sign3A_642, %sign3A_645 : i32
      %ne3A_647 = arith.cmpi ne, %sign3A_639, %sign3A_646 : i32
      %rem3A_648 = arith.remsi %squeeze3A_630, %jit3A_631 : i32
      %ne3A_649 = arith.constant 0 : i32
      %ne3A_650 = arith.cmpi ne, %rem3A_648, %ne3A_649 : i32
      %and3A_651 = arith.andi %ne3A_647, %ne3A_650 : i1
      %sub3A_652 = arith.constant 1 : i32
      %sub3A_653 = arith.subi %div3A_632, %sub3A_652 : i32
      %select_n3A_654 = arith.select %and3A_651, %sub3A_653, %div3A_632 : i32
      %mul3A_655 = arith.constant 128 : i32
      %mul3A_656 = arith.muli %select_n3A_654, %mul3A_655 : i32
      %dma_start3A_657 = arith.constant 0 : i32
      %dma_start3A_658 = arith.constant 256 : i32
      %dma_start3A_659 = tpu.memref_slice %arg14[%dma_start3A_657, %dma_start3A_658] : memref<32x512xf32, #tpu.memory_space<vmem>> -> memref<32x128xf32, #tpu.memory_space<vmem>>
      %dma_start3A_660 = arith.constant 0 : i32
      %dma_start3A_661 = tpu.memref_slice %arg5[%dma_start3A_660, %mul3A_656] : memref<32x1000000xf32, #tpu.memory_space<hbm>> -> memref<32x128xf32, #tpu.memory_space<hbm>>
      %dma_start3A_662 = arith.constant 0 : i32
      %dma_start3A_663 = arith.constant 256 : i32
      %dma_start3A_664 = tpu.memref_slice %arg14[%dma_start3A_662, %dma_start3A_663] : memref<32x512xf32, #tpu.memory_space<vmem>> -> memref<32x128xf32, #tpu.memory_space<vmem>>
      %dma_start3A_665 = arith.constant 0 : i32
      %dma_start3A_666 = tpu.memref_slice %arg5[%dma_start3A_665, %mul3A_656] : memref<32x1000000xf32, #tpu.memory_space<hbm>> -> memref<32x128xf32, #tpu.memory_space<hbm>>
      tpu.enqueue_dma source(%dma_start3A_666 : memref<32x128xf32, #tpu.memory_space<hbm>>) target(%dma_start3A_664 : memref<32x128xf32, #tpu.memory_space<vmem>>) target_semaphore(%arg21 : memref<!tpu.dma_semaphore, #tpu.memory_space<semaphore_mem>>)
      %slice3A_667 = vector.extract_strided_slice %get3A_467 {offsets = [15], sizes = [1], strides = [1]} : vector<16xi32> to vector<1xi32>
      %squeeze3A_668 = vector.extract %slice3A_667[0] : i32 from vector<1xi32>
      %jit3A_669 = arith.constant 128 : i32
      %div3A_670 = arith.divsi %squeeze3A_668, %jit3A_669 : i32
      %sign3A_671 = arith.constant 0 : i32
      %sign3A_672 = arith.cmpi sgt, %squeeze3A_668, %sign3A_671 : i32
      %sign3A_673 = arith.extui %sign3A_672 : i1 to i32
      %sign3A_674 = arith.constant 0 : i32
      %sign3A_675 = arith.cmpi slt, %squeeze3A_668, %sign3A_674 : i32
      %sign3A_676 = arith.extui %sign3A_675 : i1 to i32
      %sign3A_677 = arith.subi %sign3A_673, %sign3A_676 : i32
      %sign3A_678 = arith.constant 0 : i32
      %sign3A_679 = arith.cmpi sgt, %jit3A_669, %sign3A_678 : i32
      %sign3A_680 = arith.extui %sign3A_679 : i1 to i32
      %sign3A_681 = arith.constant 0 : i32
      %sign3A_682 = arith.cmpi slt, %jit3A_669, %sign3A_681 : i32
      %sign3A_683 = arith.extui %sign3A_682 : i1 to i32
      %sign3A_684 = arith.subi %sign3A_680, %sign3A_683 : i32
      %ne3A_685 = arith.cmpi ne, %sign3A_677, %sign3A_684 : i32
      %rem3A_686 = arith.remsi %squeeze3A_668, %jit3A_669 : i32
      %ne3A_687 = arith.constant 0 : i32
      %ne3A_688 = arith.cmpi ne, %rem3A_686, %ne3A_687 : i32
      %and3A_689 = arith.andi %ne3A_685, %ne3A_688 : i1
      %sub3A_690 = arith.constant 1 : i32
      %sub3A_691 = arith.subi %div3A_670, %sub3A_690 : i32
      %select_n3A_692 = arith.select %and3A_689, %sub3A_691, %div3A_670 : i32
      %mul3A_693 = arith.constant 128 : i32
      %mul3A_694 = arith.muli %select_n3A_692, %mul3A_693 : i32
      %dma_start3A_695 = arith.constant 0 : i32
      %dma_start3A_696 = arith.constant 384 : i32
      %dma_start3A_697 = tpu.memref_slice %arg14[%dma_start3A_695, %dma_start3A_696] : memref<32x512xf32, #tpu.memory_space<vmem>> -> memref<32x128xf32, #tpu.memory_space<vmem>>
      %dma_start3A_698 = arith.constant 0 : i32
      %dma_start3A_699 = tpu.memref_slice %arg5[%dma_start3A_698, %mul3A_694] : memref<32x1000000xf32, #tpu.memory_space<hbm>> -> memref<32x128xf32, #tpu.memory_space<hbm>>
      %dma_start3A_700 = arith.constant 0 : i32
      %dma_start3A_701 = arith.constant 384 : i32
      %dma_start3A_702 = tpu.memref_slice %arg14[%dma_start3A_700, %dma_start3A_701] : memref<32x512xf32, #tpu.memory_space<vmem>> -> memref<32x128xf32, #tpu.memory_space<vmem>>
      %dma_start3A_703 = arith.constant 0 : i32
      %dma_start3A_704 = tpu.memref_slice %arg5[%dma_start3A_703, %mul3A_694] : memref<32x1000000xf32, #tpu.memory_space<hbm>> -> memref<32x128xf32, #tpu.memory_space<hbm>>
      tpu.enqueue_dma source(%dma_start3A_704 : memref<32x128xf32, #tpu.memory_space<hbm>>) target(%dma_start3A_702 : memref<32x128xf32, #tpu.memory_space<vmem>>) target_semaphore(%arg21 : memref<!tpu.dma_semaphore, #tpu.memory_space<semaphore_mem>>)
      %add3A_705 = arith.constant 1 : i32
      %add3A_706 = arith.addi %scan3A_463, %add3A_705 : i32
      %min3A = arith.constant 31 : i32
      %min3A_707 = arith.minsi %add3A_706, %min3A : i32
      %mul3A_708 = arith.constant 16 : i32
      %mul3A_709 = arith.muli %min3A_707, %mul3A_708 : i32
      %get3A_710 = arith.index_cast %mul3A_709 : i32 to index
      %get3A_711 = tpu.vector_load %arg10[%get3A_710] {strides = array<i32>} : memref<512xi32, #tpu.memory_space<vmem>>, vector<16xi32>,
      %lt3A = arith.constant 31 : i32
      %lt3A_712 = arith.cmpi slt, %scan3A_463, %lt3A : i32
      %dma_wait3A_713 = arith.constant 0 : i32
      %dma_wait3A_714 = arith.constant 0 : i32
      %dma_wait3A_715 = tpu.memref_slice %arg5[%dma_wait3A_713, %dma_wait3A_714] : memref<32x1000000xf32, #tpu.memory_space<hbm>> -> memref<32x512xf32, #tpu.memory_space<hbm>>
      %dma_wait3A_716 = arith.constant 0 : i32
      %dma_wait3A_717 = arith.constant 0 : i32
      %dma_wait3A_718 = tpu.memref_slice %arg5[%dma_wait3A_716, %dma_wait3A_717] : memref<32x1000000xf32, #tpu.memory_space<hbm>> -> memref<32x512xf32, #tpu.memory_space<hbm>>
      tpu.wait_dma2 semaphore(%arg19 : memref<!tpu.dma_semaphore, #tpu.memory_space<semaphore_mem>>) src(%dma_wait3A_718 : memref<32x512xf32, #tpu.memory_space<hbm>>) dst(%arg12 : memref<32x512xf32, #tpu.memory_space<vmem>>)
      %mul3A_719 = arith.constant 16 : i32
      %mul3A_720 = arith.muli %scan3A_463, %mul3A_719 : i32
      %add3A_721 = arith.constant 4 : i32
      %add3A_722 = arith.addi %mul3A_720, %add3A_721 : i32
      %slice3A_723 = vector.extract_strided_slice %get3A_467 {offsets = [4], sizes = [1], strides = [1]} : vector<16xi32> to vector<1xi32>
      %squeeze3A_724 = vector.extract %slice3A_723[0] : i32 from vector<1xi32>
      %rem3A_725 = arith.constant 128 : i32
      %rem3A_726 = arith.remsi %squeeze3A_724, %rem3A_725 : i32
      %add3A_727 = arith.constant 0 : i32
      %add3A_728 = arith.addi %rem3A_726, %add3A_727 : i32
      %broadcast_in_dim3A_729 = arith.constant 0 : i32
      %broadcast_in_dim3A_730 = vector.broadcast %broadcast_in_dim3A_729 : i32 to vector<16xi32>
      %add3A_731 = vector.broadcast %add3A_728 : i32 to vector<16xi32>
      %add3A_732 = arith.addi %broadcast_in_dim3A_730, %add3A_731 : vector<16xi32>
      %gather3A_733 = tpu.vector_load_idx %arg12[%iota3A, %add3A_732] : memref<32x512xf32, #tpu.memory_space<vmem>>[vector<16xi32>, vector<16xi32>], vector<16xf32>,
      %gather3A_734 = tpu.vector_load_idx %arg12[%add3A_5, %add3A_732] : memref<32x512xf32, #tpu.memory_space<vmem>>[vector<16xi32>, vector<16xi32>], vector<16xf32>,
      %broadcast_in_dim3A_735 = arith.constant 0 : i32
      %broadcast_in_dim3A_736 = vector.broadcast %broadcast_in_dim3A_735 : i32 to vector<16xi32>
      %add3A_737 = arith.constant 0 : i32
      %add3A_738 = arith.addi %add3A_722, %add3A_737 : i32
      %rem3A_739 = arith.constant 128 : i32
      %rem3A_740 = arith.remsi %add3A_738, %rem3A_739 : i32
      %add3A_741 = vector.broadcast %rem3A_740 : i32 to vector<16xi32>
      %add3A_742 = arith.addi %broadcast_in_dim3A_736, %add3A_741 : vector<16xi32>
      tpu.vector_store_idx %arg15[%add3A_742, %iota3A], %gather3A_733 : memref<128x32xf32, #tpu.memory_space<vmem>>[vector<16xi32>, vector<16xi32>], vector<16xf32>,
      tpu.vector_store_idx %arg15[%add3A_742, %add3A_5], %gather3A_734 : memref<128x32xf32, #tpu.memory_space<vmem>>[vector<16xi32>, vector<16xi32>], vector<16xf32>,
      %slice3A_743 = vector.extract_strided_slice %get3A_467 {offsets = [5], sizes = [1], strides = [1]} : vector<16xi32> to vector<1xi32>
      %squeeze3A_744 = vector.extract %slice3A_743[0] : i32 from vector<1xi32>
      %rem3A_745 = arith.constant 128 : i32
      %rem3A_746 = arith.remsi %squeeze3A_744, %rem3A_745 : i32
      %add3A_747 = arith.constant 128 : i32
      %add3A_748 = arith.addi %rem3A_746, %add3A_747 : i32
      %broadcast_in_dim3A_749 = arith.constant 0 : i32
      %broadcast_in_dim3A_750 = vector.broadcast %broadcast_in_dim3A_749 : i32 to vector<16xi32>
      %add3A_751 = vector.broadcast %add3A_748 : i32 to vector<16xi32>
      %add3A_752 = arith.addi %broadcast_in_dim3A_750, %add3A_751 : vector<16xi32>
      %gather3A_753 = tpu.vector_load_idx %arg12[%iota3A, %add3A_752] : memref<32x512xf32, #tpu.memory_space<vmem>>[vector<16xi32>, vector<16xi32>], vector<16xf32>,
      %gather3A_754 = tpu.vector_load_idx %arg12[%add3A_5, %add3A_752] : memref<32x512xf32, #tpu.memory_space<vmem>>[vector<16xi32>, vector<16xi32>], vector<16xf32>,
      %broadcast_in_dim3A_755 = arith.constant 0 : i32
      %broadcast_in_dim3A_756 = vector.broadcast %broadcast_in_dim3A_755 : i32 to vector<16xi32>
      %add3A_757 = arith.constant 1 : i32
      %add3A_758 = arith.addi %add3A_722, %add3A_757 : i32
      %rem3A_759 = arith.constant 128 : i32
      %rem3A_760 = arith.remsi %add3A_758, %rem3A_759 : i32
      %add3A_761 = vector.broadcast %rem3A_760 : i32 to vector<16xi32>
      %add3A_762 = arith.addi %broadcast_in_dim3A_756, %add3A_761 : vector<16xi32>
      tpu.vector_store_idx %arg15[%add3A_762, %iota3A], %gather3A_753 : memref<128x32xf32, #tpu.memory_space<vmem>>[vector<16xi32>, vector<16xi32>], vector<16xf32>,
      tpu.vector_store_idx %arg15[%add3A_762, %add3A_5], %gather3A_754 : memref<128x32xf32, #tpu.memory_space<vmem>>[vector<16xi32>, vector<16xi32>], vector<16xf32>,
      %slice3A_763 = vector.extract_strided_slice %get3A_467 {offsets = [6], sizes = [1], strides = [1]} : vector<16xi32> to vector<1xi32>
      %squeeze3A_764 = vector.extract %slice3A_763[0] : i32 from vector<1xi32>
      %rem3A_765 = arith.constant 128 : i32
      %rem3A_766 = arith.remsi %squeeze3A_764, %rem3A_765 : i32
      %add3A_767 = arith.constant 256 : i32
      %add3A_768 = arith.addi %rem3A_766, %add3A_767 : i32
      %broadcast_in_dim3A_769 = arith.constant 0 : i32
      %broadcast_in_dim3A_770 = vector.broadcast %broadcast_in_dim3A_769 : i32 to vector<16xi32>
      %add3A_771 = vector.broadcast %add3A_768 : i32 to vector<16xi32>
      %add3A_772 = arith.addi %broadcast_in_dim3A_770, %add3A_771 : vector<16xi32>
      %gather3A_773 = tpu.vector_load_idx %arg12[%iota3A, %add3A_772] : memref<32x512xf32, #tpu.memory_space<vmem>>[vector<16xi32>, vector<16xi32>], vector<16xf32>,
      %gather3A_774 = tpu.vector_load_idx %arg12[%add3A_5, %add3A_772] : memref<32x512xf32, #tpu.memory_space<vmem>>[vector<16xi32>, vector<16xi32>], vector<16xf32>,
      %broadcast_in_dim3A_775 = arith.constant 0 : i32
      %broadcast_in_dim3A_776 = vector.broadcast %broadcast_in_dim3A_775 : i32 to vector<16xi32>
      %add3A_777 = arith.constant 2 : i32
      %add3A_778 = arith.addi %add3A_722, %add3A_777 : i32
      %rem3A_779 = arith.constant 128 : i32
      %rem3A_780 = arith.remsi %add3A_778, %rem3A_779 : i32
      %add3A_781 = vector.broadcast %rem3A_780 : i32 to vector<16xi32>
      %add3A_782 = arith.addi %broadcast_in_dim3A_776, %add3A_781 : vector<16xi32>
      tpu.vector_store_idx %arg15[%add3A_782, %iota3A], %gather3A_773 : memref<128x32xf32, #tpu.memory_space<vmem>>[vector<16xi32>, vector<16xi32>], vector<16xf32>,
      tpu.vector_store_idx %arg15[%add3A_782, %add3A_5], %gather3A_774 : memref<128x32xf32, #tpu.memory_space<vmem>>[vector<16xi32>, vector<16xi32>], vector<16xf32>,
      %slice3A_783 = vector.extract_strided_slice %get3A_467 {offsets = [7], sizes = [1], strides = [1]} : vector<16xi32> to vector<1xi32>
      %squeeze3A_784 = vector.extract %slice3A_783[0] : i32 from vector<1xi32>
      %rem3A_785 = arith.constant 128 : i32
      %rem3A_786 = arith.remsi %squeeze3A_784, %rem3A_785 : i32
      %add3A_787 = arith.constant 384 : i32
      %add3A_788 = arith.addi %rem3A_786, %add3A_787 : i32
      %broadcast_in_dim3A_789 = arith.constant 0 : i32
      %broadcast_in_dim3A_790 = vector.broadcast %broadcast_in_dim3A_789 : i32 to vector<16xi32>
      %add3A_791 = vector.broadcast %add3A_788 : i32 to vector<16xi32>
      %add3A_792 = arith.addi %broadcast_in_dim3A_790, %add3A_791 : vector<16xi32>
      %gather3A_793 = tpu.vector_load_idx %arg12[%iota3A, %add3A_792] : memref<32x512xf32, #tpu.memory_space<vmem>>[vector<16xi32>, vector<16xi32>], vector<16xf32>,
      %gather3A_794 = tpu.vector_load_idx %arg12[%add3A_5, %add3A_792] : memref<32x512xf32, #tpu.memory_space<vmem>>[vector<16xi32>, vector<16xi32>], vector<16xf32>,
      %broadcast_in_dim3A_795 = arith.constant 0 : i32
      %broadcast_in_dim3A_796 = vector.broadcast %broadcast_in_dim3A_795 : i32 to vector<16xi32>
      %add3A_797 = arith.constant 3 : i32
      %add3A_798 = arith.addi %add3A_722, %add3A_797 : i32
      %rem3A_799 = arith.constant 128 : i32
      %rem3A_800 = arith.remsi %add3A_798, %rem3A_799 : i32
      %add3A_801 = vector.broadcast %rem3A_800 : i32 to vector<16xi32>
      %add3A_802 = arith.addi %broadcast_in_dim3A_796, %add3A_801 : vector<16xi32>
      tpu.vector_store_idx %arg15[%add3A_802, %iota3A], %gather3A_793 : memref<128x32xf32, #tpu.memory_space<vmem>>[vector<16xi32>, vector<16xi32>], vector<16xf32>,
      tpu.vector_store_idx %arg15[%add3A_802, %add3A_5], %gather3A_794 : memref<128x32xf32, #tpu.memory_space<vmem>>[vector<16xi32>, vector<16xi32>], vector<16xf32>,
      %convert_element_type3A = arith.extui %lt3A_712 : i1 to i32
      %cond3A = arith.constant 0 : i32
      %cond3A_803 = arith.cmpi ne, %convert_element_type3A, %cond3A : i32
      scf.if %cond3A_803 {
        %slice3A_996 = vector.extract_strided_slice %get3A_711 {offsets = [0], sizes = [1], strides = [1]} : vector<16xi32> to vector<1xi32>
        %squeeze3A_997 = vector.extract %slice3A_996[0] : i32 from vector<1xi32>
        %jit3A_998 = arith.constant 128 : i32
        %div3A_999 = arith.divsi %squeeze3A_997, %jit3A_998 : i32
        %sign3A_1000 = arith.constant 0 : i32
        %sign3A_1001 = arith.cmpi sgt, %squeeze3A_997, %sign3A_1000 : i32
        %sign3A_1002 = arith.extui %sign3A_1001 : i1 to i32
        %sign3A_1003 = arith.constant 0 : i32
        %sign3A_1004 = arith.cmpi slt, %squeeze3A_997, %sign3A_1003 : i32
        %sign3A_1005 = arith.extui %sign3A_1004 : i1 to i32
        %sign3A_1006 = arith.subi %sign3A_1002, %sign3A_1005 : i32
        %sign3A_1007 = arith.constant 0 : i32
        %sign3A_1008 = arith.cmpi sgt, %jit3A_998, %sign3A_1007 : i32
        %sign3A_1009 = arith.extui %sign3A_1008 : i1 to i32
        %sign3A_1010 = arith.constant 0 : i32
        %sign3A_1011 = arith.cmpi slt, %jit3A_998, %sign3A_1010 : i32
        %sign3A_1012 = arith.extui %sign3A_1011 : i1 to i32
        %sign3A_1013 = arith.subi %sign3A_1009, %sign3A_1012 : i32
        %ne3A_1014 = arith.cmpi ne, %sign3A_1006, %sign3A_1013 : i32
        %rem3A_1015 = arith.remsi %squeeze3A_997, %jit3A_998 : i32
        %ne3A_1016 = arith.constant 0 : i32
        %ne3A_1017 = arith.cmpi ne, %rem3A_1015, %ne3A_1016 : i32
        %and3A_1018 = arith.andi %ne3A_1014, %ne3A_1017 : i1
        %sub3A_1019 = arith.constant 1 : i32
        %sub3A_1020 = arith.subi %div3A_999, %sub3A_1019 : i32
        %select_n3A_1021 = arith.select %and3A_1018, %sub3A_1020, %div3A_999 : i32
        %mul3A_1022 = arith.constant 128 : i32
        %mul3A_1023 = arith.muli %select_n3A_1021, %mul3A_1022 : i32
        %dma_start3A_1024 = arith.constant 0 : i32
        %dma_start3A_1025 = arith.constant 0 : i32
        %dma_start3A_1026 = tpu.memref_slice %arg11[%dma_start3A_1024, %dma_start3A_1025] : memref<32x512xf32, #tpu.memory_space<vmem>> -> memref<32x128xf32, #tpu.memory_space<vmem>>
        %dma_start3A_1027 = arith.constant 0 : i32
        %dma_start3A_1028 = tpu.memref_slice %arg5[%dma_start3A_1027, %mul3A_1023] : memref<32x1000000xf32, #tpu.memory_space<hbm>> -> memref<32x128xf32, #tpu.memory_space<hbm>>
        %dma_start3A_1029 = arith.constant 0 : i32
        %dma_start3A_1030 = arith.constant 0 : i32
        %dma_start3A_1031 = tpu.memref_slice %arg11[%dma_start3A_1029, %dma_start3A_1030] : memref<32x512xf32, #tpu.memory_space<vmem>> -> memref<32x128xf32, #tpu.memory_space<vmem>>
        %dma_start3A_1032 = arith.constant 0 : i32
        %dma_start3A_1033 = tpu.memref_slice %arg5[%dma_start3A_1032, %mul3A_1023] : memref<32x1000000xf32, #tpu.memory_space<hbm>> -> memref<32x128xf32, #tpu.memory_space<hbm>>
        tpu.enqueue_dma source(%dma_start3A_1033 : memref<32x128xf32, #tpu.memory_space<hbm>>) target(%dma_start3A_1031 : memref<32x128xf32, #tpu.memory_space<vmem>>) target_semaphore(%arg18 : memref<!tpu.dma_semaphore, #tpu.memory_space<semaphore_mem>>)
        %slice3A_1034 = vector.extract_strided_slice %get3A_711 {offsets = [1], sizes = [1], strides = [1]} : vector<16xi32> to vector<1xi32>
        %squeeze3A_1035 = vector.extract %slice3A_1034[0] : i32 from vector<1xi32>
        %jit3A_1036 = arith.constant 128 : i32
        %div3A_1037 = arith.divsi %squeeze3A_1035, %jit3A_1036 : i32
        %sign3A_1038 = arith.constant 0 : i32
        %sign3A_1039 = arith.cmpi sgt, %squeeze3A_1035, %sign3A_1038 : i32
        %sign3A_1040 = arith.extui %sign3A_1039 : i1 to i32
        %sign3A_1041 = arith.constant 0 : i32
        %sign3A_1042 = arith.cmpi slt, %squeeze3A_1035, %sign3A_1041 : i32
        %sign3A_1043 = arith.extui %sign3A_1042 : i1 to i32
        %sign3A_1044 = arith.subi %sign3A_1040, %sign3A_1043 : i32
        %sign3A_1045 = arith.constant 0 : i32
        %sign3A_1046 = arith.cmpi sgt, %jit3A_1036, %sign3A_1045 : i32
        %sign3A_1047 = arith.extui %sign3A_1046 : i1 to i32
        %sign3A_1048 = arith.constant 0 : i32
        %sign3A_1049 = arith.cmpi slt, %jit3A_1036, %sign3A_1048 : i32
        %sign3A_1050 = arith.extui %sign3A_1049 : i1 to i32
        %sign3A_1051 = arith.subi %sign3A_1047, %sign3A_1050 : i32
        %ne3A_1052 = arith.cmpi ne, %sign3A_1044, %sign3A_1051 : i32
        %rem3A_1053 = arith.remsi %squeeze3A_1035, %jit3A_1036 : i32
        %ne3A_1054 = arith.constant 0 : i32
        %ne3A_1055 = arith.cmpi ne, %rem3A_1053, %ne3A_1054 : i32
        %and3A_1056 = arith.andi %ne3A_1052, %ne3A_1055 : i1
        %sub3A_1057 = arith.constant 1 : i32
        %sub3A_1058 = arith.subi %div3A_1037, %sub3A_1057 : i32
        %select_n3A_1059 = arith.select %and3A_1056, %sub3A_1058, %div3A_1037 : i32
        %mul3A_1060 = arith.constant 128 : i32
        %mul3A_1061 = arith.muli %select_n3A_1059, %mul3A_1060 : i32
        %dma_start3A_1062 = arith.constant 0 : i32
        %dma_start3A_1063 = arith.constant 128 : i32
        %dma_start3A_1064 = tpu.memref_slice %arg11[%dma_start3A_1062, %dma_start3A_1063] : memref<32x512xf32, #tpu.memory_space<vmem>> -> memref<32x128xf32, #tpu.memory_space<vmem>>
        %dma_start3A_1065 = arith.constant 0 : i32
        %dma_start3A_1066 = tpu.memref_slice %arg5[%dma_start3A_1065, %mul3A_1061] : memref<32x1000000xf32, #tpu.memory_space<hbm>> -> memref<32x128xf32, #tpu.memory_space<hbm>>
        %dma_start3A_1067 = arith.constant 0 : i32
        %dma_start3A_1068 = arith.constant 128 : i32
        %dma_start3A_1069 = tpu.memref_slice %arg11[%dma_start3A_1067, %dma_start3A_1068] : memref<32x512xf32, #tpu.memory_space<vmem>> -> memref<32x128xf32, #tpu.memory_space<vmem>>
        %dma_start3A_1070 = arith.constant 0 : i32
        %dma_start3A_1071 = tpu.memref_slice %arg5[%dma_start3A_1070, %mul3A_1061] : memref<32x1000000xf32, #tpu.memory_space<hbm>> -> memref<32x128xf32, #tpu.memory_space<hbm>>
        tpu.enqueue_dma source(%dma_start3A_1071 : memref<32x128xf32, #tpu.memory_space<hbm>>) target(%dma_start3A_1069 : memref<32x128xf32, #tpu.memory_space<vmem>>) target_semaphore(%arg18 : memref<!tpu.dma_semaphore, #tpu.memory_space<semaphore_mem>>)
        %slice3A_1072 = vector.extract_strided_slice %get3A_711 {offsets = [2], sizes = [1], strides = [1]} : vector<16xi32> to vector<1xi32>
        %squeeze3A_1073 = vector.extract %slice3A_1072[0] : i32 from vector<1xi32>
        %jit3A_1074 = arith.constant 128 : i32
        %div3A_1075 = arith.divsi %squeeze3A_1073, %jit3A_1074 : i32
        %sign3A_1076 = arith.constant 0 : i32
        %sign3A_1077 = arith.cmpi sgt, %squeeze3A_1073, %sign3A_1076 : i32
        %sign3A_1078 = arith.extui %sign3A_1077 : i1 to i32
        %sign3A_1079 = arith.constant 0 : i32
        %sign3A_1080 = arith.cmpi slt, %squeeze3A_1073, %sign3A_1079 : i32
        %sign3A_1081 = arith.extui %sign3A_1080 : i1 to i32
        %sign3A_1082 = arith.subi %sign3A_1078, %sign3A_1081 : i32
        %sign3A_1083 = arith.constant 0 : i32
        %sign3A_1084 = arith.cmpi sgt, %jit3A_1074, %sign3A_1083 : i32
        %sign3A_1085 = arith.extui %sign3A_1084 : i1 to i32
        %sign3A_1086 = arith.constant 0 : i32
        %sign3A_1087 = arith.cmpi slt, %jit3A_1074, %sign3A_1086 : i32
        %sign3A_1088 = arith.extui %sign3A_1087 : i1 to i32
        %sign3A_1089 = arith.subi %sign3A_1085, %sign3A_1088 : i32
        %ne3A_1090 = arith.cmpi ne, %sign3A_1082, %sign3A_1089 : i32
        %rem3A_1091 = arith.remsi %squeeze3A_1073, %jit3A_1074 : i32
        %ne3A_1092 = arith.constant 0 : i32
        %ne3A_1093 = arith.cmpi ne, %rem3A_1091, %ne3A_1092 : i32
        %and3A_1094 = arith.andi %ne3A_1090, %ne3A_1093 : i1
        %sub3A_1095 = arith.constant 1 : i32
        %sub3A_1096 = arith.subi %div3A_1075, %sub3A_1095 : i32
        %select_n3A_1097 = arith.select %and3A_1094, %sub3A_1096, %div3A_1075 : i32
        %mul3A_1098 = arith.constant 128 : i32
        %mul3A_1099 = arith.muli %select_n3A_1097, %mul3A_1098 : i32
        %dma_start3A_1100 = arith.constant 0 : i32
        %dma_start3A_1101 = arith.constant 256 : i32
        %dma_start3A_1102 = tpu.memref_slice %arg11[%dma_start3A_1100, %dma_start3A_1101] : memref<32x512xf32, #tpu.memory_space<vmem>> -> memref<32x128xf32, #tpu.memory_space<vmem>>
        %dma_start3A_1103 = arith.constant 0 : i32
        %dma_start3A_1104 = tpu.memref_slice %arg5[%dma_start3A_1103, %mul3A_1099] : memref<32x1000000xf32, #tpu.memory_space<hbm>> -> memref<32x128xf32, #tpu.memory_space<hbm>>
        %dma_start3A_1105 = arith.constant 0 : i32
        %dma_start3A_1106 = arith.constant 256 : i32
        %dma_start3A_1107 = tpu.memref_slice %arg11[%dma_start3A_1105, %dma_start3A_1106] : memref<32x512xf32, #tpu.memory_space<vmem>> -> memref<32x128xf32, #tpu.memory_space<vmem>>
        %dma_start3A_1108 = arith.constant 0 : i32
        %dma_start3A_1109 = tpu.memref_slice %arg5[%dma_start3A_1108, %mul3A_1099] : memref<32x1000000xf32, #tpu.memory_space<hbm>> -> memref<32x128xf32, #tpu.memory_space<hbm>>
        tpu.enqueue_dma source(%dma_start3A_1109 : memref<32x128xf32, #tpu.memory_space<hbm>>) target(%dma_start3A_1107 : memref<32x128xf32, #tpu.memory_space<vmem>>) target_semaphore(%arg18 : memref<!tpu.dma_semaphore, #tpu.memory_space<semaphore_mem>>)
        %slice3A_1110 = vector.extract_strided_slice %get3A_711 {offsets = [3], sizes = [1], strides = [1]} : vector<16xi32> to vector<1xi32>
        %squeeze3A_1111 = vector.extract %slice3A_1110[0] : i32 from vector<1xi32>
        %jit3A_1112 = arith.constant 128 : i32
        %div3A_1113 = arith.divsi %squeeze3A_1111, %jit3A_1112 : i32
        %sign3A_1114 = arith.constant 0 : i32
        %sign3A_1115 = arith.cmpi sgt, %squeeze3A_1111, %sign3A_1114 : i32
        %sign3A_1116 = arith.extui %sign3A_1115 : i1 to i32
        %sign3A_1117 = arith.constant 0 : i32
        %sign3A_1118 = arith.cmpi slt, %squeeze3A_1111, %sign3A_1117 : i32
        %sign3A_1119 = arith.extui %sign3A_1118 : i1 to i32
        %sign3A_1120 = arith.subi %sign3A_1116, %sign3A_1119 : i32
        %sign3A_1121 = arith.constant 0 : i32
        %sign3A_1122 = arith.cmpi sgt, %jit3A_1112, %sign3A_1121 : i32
        %sign3A_1123 = arith.extui %sign3A_1122 : i1 to i32
        %sign3A_1124 = arith.constant 0 : i32
        %sign3A_1125 = arith.cmpi slt, %jit3A_1112, %sign3A_1124 : i32
        %sign3A_1126 = arith.extui %sign3A_1125 : i1 to i32
        %sign3A_1127 = arith.subi %sign3A_1123, %sign3A_1126 : i32
        %ne3A_1128 = arith.cmpi ne, %sign3A_1120, %sign3A_1127 : i32
        %rem3A_1129 = arith.remsi %squeeze3A_1111, %jit3A_1112 : i32
        %ne3A_1130 = arith.constant 0 : i32
        %ne3A_1131 = arith.cmpi ne, %rem3A_1129, %ne3A_1130 : i32
        %and3A_1132 = arith.andi %ne3A_1128, %ne3A_1131 : i1
        %sub3A_1133 = arith.constant 1 : i32
        %sub3A_1134 = arith.subi %div3A_1113, %sub3A_1133 : i32
        %select_n3A_1135 = arith.select %and3A_1132, %sub3A_1134, %div3A_1113 : i32
        %mul3A_1136 = arith.constant 128 : i32
        %mul3A_1137 = arith.muli %select_n3A_1135, %mul3A_1136 : i32
        %dma_start3A_1138 = arith.constant 0 : i32
        %dma_start3A_1139 = arith.constant 384 : i32
        %dma_start3A_1140 = tpu.memref_slice %arg11[%dma_start3A_1138, %dma_start3A_1139] : memref<32x512xf32, #tpu.memory_space<vmem>> -> memref<32x128xf32, #tpu.memory_space<vmem>>
        %dma_start3A_1141 = arith.constant 0 : i32
        %dma_start3A_1142 = tpu.memref_slice %arg5[%dma_start3A_1141, %mul3A_1137] : memref<32x1000000xf32, #tpu.memory_space<hbm>> -> memref<32x128xf32, #tpu.memory_space<hbm>>
        %dma_start3A_1143 = arith.constant 0 : i32
        %dma_start3A_1144 = arith.constant 384 : i32
        %dma_start3A_1145 = tpu.memref_slice %arg11[%dma_start3A_1143, %dma_start3A_1144] : memref<32x512xf32, #tpu.memory_space<vmem>> -> memref<32x128xf32, #tpu.memory_space<vmem>>
        %dma_start3A_1146 = arith.constant 0 : i32
        %dma_start3A_1147 = tpu.memref_slice %arg5[%dma_start3A_1146, %mul3A_1137] : memref<32x1000000xf32, #tpu.memory_space<hbm>> -> memref<32x128xf32, #tpu.memory_space<hbm>>
        tpu.enqueue_dma source(%dma_start3A_1147 : memref<32x128xf32, #tpu.memory_space<hbm>>) target(%dma_start3A_1145 : memref<32x128xf32, #tpu.memory_space<vmem>>) target_semaphore(%arg18 : memref<!tpu.dma_semaphore, #tpu.memory_space<semaphore_mem>>)
      } else {
      }
      %dma_wait3A_804 = arith.constant 0 : i32
      %dma_wait3A_805 = arith.constant 0 : i32
      %dma_wait3A_806 = tpu.memref_slice %arg5[%dma_wait3A_804, %dma_wait3A_805] : memref<32x1000000xf32, #tpu.memory_space<hbm>> -> memref<32x512xf32, #tpu.memory_space<hbm>>
      %dma_wait3A_807 = arith.constant 0 : i32
      %dma_wait3A_808 = arith.constant 0 : i32
      %dma_wait3A_809 = tpu.memref_slice %arg5[%dma_wait3A_807, %dma_wait3A_808] : memref<32x1000000xf32, #tpu.memory_space<hbm>> -> memref<32x512xf32, #tpu.memory_space<hbm>>
      tpu.wait_dma2 semaphore(%arg20 : memref<!tpu.dma_semaphore, #tpu.memory_space<semaphore_mem>>) src(%dma_wait3A_809 : memref<32x512xf32, #tpu.memory_space<hbm>>) dst(%arg13 : memref<32x512xf32, #tpu.memory_space<vmem>>)
      %mul3A_810 = arith.constant 16 : i32
      %mul3A_811 = arith.muli %scan3A_463, %mul3A_810 : i32
      %add3A_812 = arith.constant 8 : i32
      %add3A_813 = arith.addi %mul3A_811, %add3A_812 : i32
      %slice3A_814 = vector.extract_strided_slice %get3A_467 {offsets = [8], sizes = [1], strides = [1]} : vector<16xi32> to vector<1xi32>
      %squeeze3A_815 = vector.extract %slice3A_814[0] : i32 from vector<1xi32>
      %rem3A_816 = arith.constant 128 : i32
      %rem3A_817 = arith.remsi %squeeze3A_815, %rem3A_816 : i32
      %add3A_818 = arith.constant 0 : i32
      %add3A_819 = arith.addi %rem3A_817, %add3A_818 : i32
      %broadcast_in_dim3A_820 = arith.constant 0 : i32
      %broadcast_in_dim3A_821 = vector.broadcast %broadcast_in_dim3A_820 : i32 to vector<16xi32>
      %add3A_822 = vector.broadcast %add3A_819 : i32 to vector<16xi32>
      %add3A_823 = arith.addi %broadcast_in_dim3A_821, %add3A_822 : vector<16xi32>
      %gather3A_824 = tpu.vector_load_idx %arg13[%iota3A, %add3A_823] : memref<32x512xf32, #tpu.memory_space<vmem>>[vector<16xi32>, vector<16xi32>], vector<16xf32>,
      %gather3A_825 = tpu.vector_load_idx %arg13[%add3A_5, %add3A_823] : memref<32x512xf32, #tpu.memory_space<vmem>>[vector<16xi32>, vector<16xi32>], vector<16xf32>,
      %broadcast_in_dim3A_826 = arith.constant 0 : i32
      %broadcast_in_dim3A_827 = vector.broadcast %broadcast_in_dim3A_826 : i32 to vector<16xi32>
      %add3A_828 = arith.constant 0 : i32
      %add3A_829 = arith.addi %add3A_813, %add3A_828 : i32
      %rem3A_830 = arith.constant 128 : i32
      %rem3A_831 = arith.remsi %add3A_829, %rem3A_830 : i32
      %add3A_832 = vector.broadcast %rem3A_831 : i32 to vector<16xi32>
      %add3A_833 = arith.addi %broadcast_in_dim3A_827, %add3A_832 : vector<16xi32>
      tpu.vector_store_idx %arg15[%add3A_833, %iota3A], %gather3A_824 : memref<128x32xf32, #tpu.memory_space<vmem>>[vector<16xi32>, vector<16xi32>], vector<16xf32>,
      tpu.vector_store_idx %arg15[%add3A_833, %add3A_5], %gather3A_825 : memref<128x32xf32, #tpu.memory_space<vmem>>[vector<16xi32>, vector<16xi32>], vector<16xf32>,
      %slice3A_834 = vector.extract_strided_slice %get3A_467 {offsets = [9], sizes = [1], strides = [1]} : vector<16xi32> to vector<1xi32>
      %squeeze3A_835 = vector.extract %slice3A_834[0] : i32 from vector<1xi32>
      %rem3A_836 = arith.constant 128 : i32
      %rem3A_837 = arith.remsi %squeeze3A_835, %rem3A_836 : i32
      %add3A_838 = arith.constant 128 : i32
      %add3A_839 = arith.addi %rem3A_837, %add3A_838 : i32
      %broadcast_in_dim3A_840 = arith.constant 0 : i32
      %broadcast_in_dim3A_841 = vector.broadcast %broadcast_in_dim3A_840 : i32 to vector<16xi32>
      %add3A_842 = vector.broadcast %add3A_839 : i32 to vector<16xi32>
      %add3A_843 = arith.addi %broadcast_in_dim3A_841, %add3A_842 : vector<16xi32>
      %gather3A_844 = tpu.vector_load_idx %arg13[%iota3A, %add3A_843] : memref<32x512xf32, #tpu.memory_space<vmem>>[vector<16xi32>, vector<16xi32>], vector<16xf32>,
      %gather3A_845 = tpu.vector_load_idx %arg13[%add3A_5, %add3A_843] : memref<32x512xf32, #tpu.memory_space<vmem>>[vector<16xi32>, vector<16xi32>], vector<16xf32>,
      %broadcast_in_dim3A_846 = arith.constant 0 : i32
      %broadcast_in_dim3A_847 = vector.broadcast %broadcast_in_dim3A_846 : i32 to vector<16xi32>
      %add3A_848 = arith.constant 1 : i32
      %add3A_849 = arith.addi %add3A_813, %add3A_848 : i32
      %rem3A_850 = arith.constant 128 : i32
      %rem3A_851 = arith.remsi %add3A_849, %rem3A_850 : i32
      %add3A_852 = vector.broadcast %rem3A_851 : i32 to vector<16xi32>
      %add3A_853 = arith.addi %broadcast_in_dim3A_847, %add3A_852 : vector<16xi32>
      tpu.vector_store_idx %arg15[%add3A_853, %iota3A], %gather3A_844 : memref<128x32xf32, #tpu.memory_space<vmem>>[vector<16xi32>, vector<16xi32>], vector<16xf32>,
      tpu.vector_store_idx %arg15[%add3A_853, %add3A_5], %gather3A_845 : memref<128x32xf32, #tpu.memory_space<vmem>>[vector<16xi32>, vector<16xi32>], vector<16xf32>,
      %slice3A_854 = vector.extract_strided_slice %get3A_467 {offsets = [10], sizes = [1], strides = [1]} : vector<16xi32> to vector<1xi32>
      %squeeze3A_855 = vector.extract %slice3A_854[0] : i32 from vector<1xi32>
      %rem3A_856 = arith.constant 128 : i32
      %rem3A_857 = arith.remsi %squeeze3A_855, %rem3A_856 : i32
      %add3A_858 = arith.constant 256 : i32
      %add3A_859 = arith.addi %rem3A_857, %add3A_858 : i32
      %broadcast_in_dim3A_860 = arith.constant 0 : i32
      %broadcast_in_dim3A_861 = vector.broadcast %broadcast_in_dim3A_860 : i32 to vector<16xi32>
      %add3A_862 = vector.broadcast %add3A_859 : i32 to vector<16xi32>
      %add3A_863 = arith.addi %broadcast_in_dim3A_861, %add3A_862 : vector<16xi32>
      %gather3A_864 = tpu.vector_load_idx %arg13[%iota3A, %add3A_863] : memref<32x512xf32, #tpu.memory_space<vmem>>[vector<16xi32>, vector<16xi32>], vector<16xf32>,
      %gather3A_865 = tpu.vector_load_idx %arg13[%add3A_5, %add3A_863] : memref<32x512xf32, #tpu.memory_space<vmem>>[vector<16xi32>, vector<16xi32>], vector<16xf32>,
      %broadcast_in_dim3A_866 = arith.constant 0 : i32
      %broadcast_in_dim3A_867 = vector.broadcast %broadcast_in_dim3A_866 : i32 to vector<16xi32>
      %add3A_868 = arith.constant 2 : i32
      %add3A_869 = arith.addi %add3A_813, %add3A_868 : i32
      %rem3A_870 = arith.constant 128 : i32
      %rem3A_871 = arith.remsi %add3A_869, %rem3A_870 : i32
      %add3A_872 = vector.broadcast %rem3A_871 : i32 to vector<16xi32>
      %add3A_873 = arith.addi %broadcast_in_dim3A_867, %add3A_872 : vector<16xi32>
      tpu.vector_store_idx %arg15[%add3A_873, %iota3A], %gather3A_864 : memref<128x32xf32, #tpu.memory_space<vmem>>[vector<16xi32>, vector<16xi32>], vector<16xf32>,
      tpu.vector_store_idx %arg15[%add3A_873, %add3A_5], %gather3A_865 : memref<128x32xf32, #tpu.memory_space<vmem>>[vector<16xi32>, vector<16xi32>], vector<16xf32>,
      %slice3A_874 = vector.extract_strided_slice %get3A_467 {offsets = [11], sizes = [1], strides = [1]} : vector<16xi32> to vector<1xi32>
      %squeeze3A_875 = vector.extract %slice3A_874[0] : i32 from vector<1xi32>
      %rem3A_876 = arith.constant 128 : i32
      %rem3A_877 = arith.remsi %squeeze3A_875, %rem3A_876 : i32
      %add3A_878 = arith.constant 384 : i32
      %add3A_879 = arith.addi %rem3A_877, %add3A_878 : i32
      %broadcast_in_dim3A_880 = arith.constant 0 : i32
      %broadcast_in_dim3A_881 = vector.broadcast %broadcast_in_dim3A_880 : i32 to vector<16xi32>
      %add3A_882 = vector.broadcast %add3A_879 : i32 to vector<16xi32>
      %add3A_883 = arith.addi %broadcast_in_dim3A_881, %add3A_882 : vector<16xi32>
      %gather3A_884 = tpu.vector_load_idx %arg13[%iota3A, %add3A_883] : memref<32x512xf32, #tpu.memory_space<vmem>>[vector<16xi32>, vector<16xi32>], vector<16xf32>,
      %gather3A_885 = tpu.vector_load_idx %arg13[%add3A_5, %add3A_883] : memref<32x512xf32, #tpu.memory_space<vmem>>[vector<16xi32>, vector<16xi32>], vector<16xf32>,
      %broadcast_in_dim3A_886 = arith.constant 0 : i32
      %broadcast_in_dim3A_887 = vector.broadcast %broadcast_in_dim3A_886 : i32 to vector<16xi32>
      %add3A_888 = arith.constant 3 : i32
      %add3A_889 = arith.addi %add3A_813, %add3A_888 : i32
      %rem3A_890 = arith.constant 128 : i32
      %rem3A_891 = arith.remsi %add3A_889, %rem3A_890 : i32
      %add3A_892 = vector.broadcast %rem3A_891 : i32 to vector<16xi32>
      %add3A_893 = arith.addi %broadcast_in_dim3A_887, %add3A_892 : vector<16xi32>
      tpu.vector_store_idx %arg15[%add3A_893, %iota3A], %gather3A_884 : memref<128x32xf32, #tpu.memory_space<vmem>>[vector<16xi32>, vector<16xi32>], vector<16xf32>,
      tpu.vector_store_idx %arg15[%add3A_893, %add3A_5], %gather3A_885 : memref<128x32xf32, #tpu.memory_space<vmem>>[vector<16xi32>, vector<16xi32>], vector<16xf32>,
      %convert_element_type3A_894 = arith.extui %lt3A_712 : i1 to i32
      %cond3A_895 = arith.constant 0 : i32
      %cond3A_896 = arith.cmpi ne, %convert_element_type3A_894, %cond3A_895 : i32
      scf.if %cond3A_896 {
        %slice3A_996 = vector.extract_strided_slice %get3A_711 {offsets = [4], sizes = [1], strides = [1]} : vector<16xi32> to vector<1xi32>
        %squeeze3A_997 = vector.extract %slice3A_996[0] : i32 from vector<1xi32>
        %jit3A_998 = arith.constant 128 : i32
        %div3A_999 = arith.divsi %squeeze3A_997, %jit3A_998 : i32
        %sign3A_1000 = arith.constant 0 : i32
        %sign3A_1001 = arith.cmpi sgt, %squeeze3A_997, %sign3A_1000 : i32
        %sign3A_1002 = arith.extui %sign3A_1001 : i1 to i32
        %sign3A_1003 = arith.constant 0 : i32
        %sign3A_1004 = arith.cmpi slt, %squeeze3A_997, %sign3A_1003 : i32
        %sign3A_1005 = arith.extui %sign3A_1004 : i1 to i32
        %sign3A_1006 = arith.subi %sign3A_1002, %sign3A_1005 : i32
        %sign3A_1007 = arith.constant 0 : i32
        %sign3A_1008 = arith.cmpi sgt, %jit3A_998, %sign3A_1007 : i32
        %sign3A_1009 = arith.extui %sign3A_1008 : i1 to i32
        %sign3A_1010 = arith.constant 0 : i32
        %sign3A_1011 = arith.cmpi slt, %jit3A_998, %sign3A_1010 : i32
        %sign3A_1012 = arith.extui %sign3A_1011 : i1 to i32
        %sign3A_1013 = arith.subi %sign3A_1009, %sign3A_1012 : i32
        %ne3A_1014 = arith.cmpi ne, %sign3A_1006, %sign3A_1013 : i32
        %rem3A_1015 = arith.remsi %squeeze3A_997, %jit3A_998 : i32
        %ne3A_1016 = arith.constant 0 : i32
        %ne3A_1017 = arith.cmpi ne, %rem3A_1015, %ne3A_1016 : i32
        %and3A_1018 = arith.andi %ne3A_1014, %ne3A_1017 : i1
        %sub3A_1019 = arith.constant 1 : i32
        %sub3A_1020 = arith.subi %div3A_999, %sub3A_1019 : i32
        %select_n3A_1021 = arith.select %and3A_1018, %sub3A_1020, %div3A_999 : i32
        %mul3A_1022 = arith.constant 128 : i32
        %mul3A_1023 = arith.muli %select_n3A_1021, %mul3A_1022 : i32
        %dma_start3A_1024 = arith.constant 0 : i32
        %dma_start3A_1025 = arith.constant 0 : i32
        %dma_start3A_1026 = tpu.memref_slice %arg12[%dma_start3A_1024, %dma_start3A_1025] : memref<32x512xf32, #tpu.memory_space<vmem>> -> memref<32x128xf32, #tpu.memory_space<vmem>>
        %dma_start3A_1027 = arith.constant 0 : i32
        %dma_start3A_1028 = tpu.memref_slice %arg5[%dma_start3A_1027, %mul3A_1023] : memref<32x1000000xf32, #tpu.memory_space<hbm>> -> memref<32x128xf32, #tpu.memory_space<hbm>>
        %dma_start3A_1029 = arith.constant 0 : i32
        %dma_start3A_1030 = arith.constant 0 : i32
        %dma_start3A_1031 = tpu.memref_slice %arg12[%dma_start3A_1029, %dma_start3A_1030] : memref<32x512xf32, #tpu.memory_space<vmem>> -> memref<32x128xf32, #tpu.memory_space<vmem>>
        %dma_start3A_1032 = arith.constant 0 : i32
        %dma_start3A_1033 = tpu.memref_slice %arg5[%dma_start3A_1032, %mul3A_1023] : memref<32x1000000xf32, #tpu.memory_space<hbm>> -> memref<32x128xf32, #tpu.memory_space<hbm>>
        tpu.enqueue_dma source(%dma_start3A_1033 : memref<32x128xf32, #tpu.memory_space<hbm>>) target(%dma_start3A_1031 : memref<32x128xf32, #tpu.memory_space<vmem>>) target_semaphore(%arg19 : memref<!tpu.dma_semaphore, #tpu.memory_space<semaphore_mem>>)
        %slice3A_1034 = vector.extract_strided_slice %get3A_711 {offsets = [5], sizes = [1], strides = [1]} : vector<16xi32> to vector<1xi32>
        %squeeze3A_1035 = vector.extract %slice3A_1034[0] : i32 from vector<1xi32>
        %jit3A_1036 = arith.constant 128 : i32
        %div3A_1037 = arith.divsi %squeeze3A_1035, %jit3A_1036 : i32
        %sign3A_1038 = arith.constant 0 : i32
        %sign3A_1039 = arith.cmpi sgt, %squeeze3A_1035, %sign3A_1038 : i32
        %sign3A_1040 = arith.extui %sign3A_1039 : i1 to i32
        %sign3A_1041 = arith.constant 0 : i32
        %sign3A_1042 = arith.cmpi slt, %squeeze3A_1035, %sign3A_1041 : i32
        %sign3A_1043 = arith.extui %sign3A_1042 : i1 to i32
        %sign3A_1044 = arith.subi %sign3A_1040, %sign3A_1043 : i32
        %sign3A_1045 = arith.constant 0 : i32
        %sign3A_1046 = arith.cmpi sgt, %jit3A_1036, %sign3A_1045 : i32
        %sign3A_1047 = arith.extui %sign3A_1046 : i1 to i32
        %sign3A_1048 = arith.constant 0 : i32
        %sign3A_1049 = arith.cmpi slt, %jit3A_1036, %sign3A_1048 : i32
        %sign3A_1050 = arith.extui %sign3A_1049 : i1 to i32
        %sign3A_1051 = arith.subi %sign3A_1047, %sign3A_1050 : i32
        %ne3A_1052 = arith.cmpi ne, %sign3A_1044, %sign3A_1051 : i32
        %rem3A_1053 = arith.remsi %squeeze3A_1035, %jit3A_1036 : i32
        %ne3A_1054 = arith.constant 0 : i32
        %ne3A_1055 = arith.cmpi ne, %rem3A_1053, %ne3A_1054 : i32
        %and3A_1056 = arith.andi %ne3A_1052, %ne3A_1055 : i1
        %sub3A_1057 = arith.constant 1 : i32
        %sub3A_1058 = arith.subi %div3A_1037, %sub3A_1057 : i32
        %select_n3A_1059 = arith.select %and3A_1056, %sub3A_1058, %div3A_1037 : i32
        %mul3A_1060 = arith.constant 128 : i32
        %mul3A_1061 = arith.muli %select_n3A_1059, %mul3A_1060 : i32
        %dma_start3A_1062 = arith.constant 0 : i32
        %dma_start3A_1063 = arith.constant 128 : i32
        %dma_start3A_1064 = tpu.memref_slice %arg12[%dma_start3A_1062, %dma_start3A_1063] : memref<32x512xf32, #tpu.memory_space<vmem>> -> memref<32x128xf32, #tpu.memory_space<vmem>>
        %dma_start3A_1065 = arith.constant 0 : i32
        %dma_start3A_1066 = tpu.memref_slice %arg5[%dma_start3A_1065, %mul3A_1061] : memref<32x1000000xf32, #tpu.memory_space<hbm>> -> memref<32x128xf32, #tpu.memory_space<hbm>>
        %dma_start3A_1067 = arith.constant 0 : i32
        %dma_start3A_1068 = arith.constant 128 : i32
        %dma_start3A_1069 = tpu.memref_slice %arg12[%dma_start3A_1067, %dma_start3A_1068] : memref<32x512xf32, #tpu.memory_space<vmem>> -> memref<32x128xf32, #tpu.memory_space<vmem>>
        %dma_start3A_1070 = arith.constant 0 : i32
        %dma_start3A_1071 = tpu.memref_slice %arg5[%dma_start3A_1070, %mul3A_1061] : memref<32x1000000xf32, #tpu.memory_space<hbm>> -> memref<32x128xf32, #tpu.memory_space<hbm>>
        tpu.enqueue_dma source(%dma_start3A_1071 : memref<32x128xf32, #tpu.memory_space<hbm>>) target(%dma_start3A_1069 : memref<32x128xf32, #tpu.memory_space<vmem>>) target_semaphore(%arg19 : memref<!tpu.dma_semaphore, #tpu.memory_space<semaphore_mem>>)
        %slice3A_1072 = vector.extract_strided_slice %get3A_711 {offsets = [6], sizes = [1], strides = [1]} : vector<16xi32> to vector<1xi32>
        %squeeze3A_1073 = vector.extract %slice3A_1072[0] : i32 from vector<1xi32>
        %jit3A_1074 = arith.constant 128 : i32
        %div3A_1075 = arith.divsi %squeeze3A_1073, %jit3A_1074 : i32
        %sign3A_1076 = arith.constant 0 : i32
        %sign3A_1077 = arith.cmpi sgt, %squeeze3A_1073, %sign3A_1076 : i32
        %sign3A_1078 = arith.extui %sign3A_1077 : i1 to i32
        %sign3A_1079 = arith.constant 0 : i32
        %sign3A_1080 = arith.cmpi slt, %squeeze3A_1073, %sign3A_1079 : i32
        %sign3A_1081 = arith.extui %sign3A_1080 : i1 to i32
        %sign3A_1082 = arith.subi %sign3A_1078, %sign3A_1081 : i32
        %sign3A_1083 = arith.constant 0 : i32
        %sign3A_1084 = arith.cmpi sgt, %jit3A_1074, %sign3A_1083 : i32
        %sign3A_1085 = arith.extui %sign3A_1084 : i1 to i32
        %sign3A_1086 = arith.constant 0 : i32
        %sign3A_1087 = arith.cmpi slt, %jit3A_1074, %sign3A_1086 : i32
        %sign3A_1088 = arith.extui %sign3A_1087 : i1 to i32
        %sign3A_1089 = arith.subi %sign3A_1085, %sign3A_1088 : i32
        %ne3A_1090 = arith.cmpi ne, %sign3A_1082, %sign3A_1089 : i32
        %rem3A_1091 = arith.remsi %squeeze3A_1073, %jit3A_1074 : i32
        %ne3A_1092 = arith.constant 0 : i32
        %ne3A_1093 = arith.cmpi ne, %rem3A_1091, %ne3A_1092 : i32
        %and3A_1094 = arith.andi %ne3A_1090, %ne3A_1093 : i1
        %sub3A_1095 = arith.constant 1 : i32
        %sub3A_1096 = arith.subi %div3A_1075, %sub3A_1095 : i32
        %select_n3A_1097 = arith.select %and3A_1094, %sub3A_1096, %div3A_1075 : i32
        %mul3A_1098 = arith.constant 128 : i32
        %mul3A_1099 = arith.muli %select_n3A_1097, %mul3A_1098 : i32
        %dma_start3A_1100 = arith.constant 0 : i32
        %dma_start3A_1101 = arith.constant 256 : i32
        %dma_start3A_1102 = tpu.memref_slice %arg12[%dma_start3A_1100, %dma_start3A_1101] : memref<32x512xf32, #tpu.memory_space<vmem>> -> memref<32x128xf32, #tpu.memory_space<vmem>>
        %dma_start3A_1103 = arith.constant 0 : i32
        %dma_start3A_1104 = tpu.memref_slice %arg5[%dma_start3A_1103, %mul3A_1099] : memref<32x1000000xf32, #tpu.memory_space<hbm>> -> memref<32x128xf32, #tpu.memory_space<hbm>>
        %dma_start3A_1105 = arith.constant 0 : i32
        %dma_start3A_1106 = arith.constant 256 : i32
        %dma_start3A_1107 = tpu.memref_slice %arg12[%dma_start3A_1105, %dma_start3A_1106] : memref<32x512xf32, #tpu.memory_space<vmem>> -> memref<32x128xf32, #tpu.memory_space<vmem>>
        %dma_start3A_1108 = arith.constant 0 : i32
        %dma_start3A_1109 = tpu.memref_slice %arg5[%dma_start3A_1108, %mul3A_1099] : memref<32x1000000xf32, #tpu.memory_space<hbm>> -> memref<32x128xf32, #tpu.memory_space<hbm>>
        tpu.enqueue_dma source(%dma_start3A_1109 : memref<32x128xf32, #tpu.memory_space<hbm>>) target(%dma_start3A_1107 : memref<32x128xf32, #tpu.memory_space<vmem>>) target_semaphore(%arg19 : memref<!tpu.dma_semaphore, #tpu.memory_space<semaphore_mem>>)
        %slice3A_1110 = vector.extract_strided_slice %get3A_711 {offsets = [7], sizes = [1], strides = [1]} : vector<16xi32> to vector<1xi32>
        %squeeze3A_1111 = vector.extract %slice3A_1110[0] : i32 from vector<1xi32>
        %jit3A_1112 = arith.constant 128 : i32
        %div3A_1113 = arith.divsi %squeeze3A_1111, %jit3A_1112 : i32
        %sign3A_1114 = arith.constant 0 : i32
        %sign3A_1115 = arith.cmpi sgt, %squeeze3A_1111, %sign3A_1114 : i32
        %sign3A_1116 = arith.extui %sign3A_1115 : i1 to i32
        %sign3A_1117 = arith.constant 0 : i32
        %sign3A_1118 = arith.cmpi slt, %squeeze3A_1111, %sign3A_1117 : i32
        %sign3A_1119 = arith.extui %sign3A_1118 : i1 to i32
        %sign3A_1120 = arith.subi %sign3A_1116, %sign3A_1119 : i32
        %sign3A_1121 = arith.constant 0 : i32
        %sign3A_1122 = arith.cmpi sgt, %jit3A_1112, %sign3A_1121 : i32
        %sign3A_1123 = arith.extui %sign3A_1122 : i1 to i32
        %sign3A_1124 = arith.constant 0 : i32
        %sign3A_1125 = arith.cmpi slt, %jit3A_1112, %sign3A_1124 : i32
        %sign3A_1126 = arith.extui %sign3A_1125 : i1 to i32
        %sign3A_1127 = arith.subi %sign3A_1123, %sign3A_1126 : i32
        %ne3A_1128 = arith.cmpi ne, %sign3A_1120, %sign3A_1127 : i32
        %rem3A_1129 = arith.remsi %squeeze3A_1111, %jit3A_1112 : i32
        %ne3A_1130 = arith.constant 0 : i32
        %ne3A_1131 = arith.cmpi ne, %rem3A_1129, %ne3A_1130 : i32
        %and3A_1132 = arith.andi %ne3A_1128, %ne3A_1131 : i1
        %sub3A_1133 = arith.constant 1 : i32
        %sub3A_1134 = arith.subi %div3A_1113, %sub3A_1133 : i32
        %select_n3A_1135 = arith.select %and3A_1132, %sub3A_1134, %div3A_1113 : i32
        %mul3A_1136 = arith.constant 128 : i32
        %mul3A_1137 = arith.muli %select_n3A_1135, %mul3A_1136 : i32
        %dma_start3A_1138 = arith.constant 0 : i32
        %dma_start3A_1139 = arith.constant 384 : i32
        %dma_start3A_1140 = tpu.memref_slice %arg12[%dma_start3A_1138, %dma_start3A_1139] : memref<32x512xf32, #tpu.memory_space<vmem>> -> memref<32x128xf32, #tpu.memory_space<vmem>>
        %dma_start3A_1141 = arith.constant 0 : i32
        %dma_start3A_1142 = tpu.memref_slice %arg5[%dma_start3A_1141, %mul3A_1137] : memref<32x1000000xf32, #tpu.memory_space<hbm>> -> memref<32x128xf32, #tpu.memory_space<hbm>>
        %dma_start3A_1143 = arith.constant 0 : i32
        %dma_start3A_1144 = arith.constant 384 : i32
        %dma_start3A_1145 = tpu.memref_slice %arg12[%dma_start3A_1143, %dma_start3A_1144] : memref<32x512xf32, #tpu.memory_space<vmem>> -> memref<32x128xf32, #tpu.memory_space<vmem>>
        %dma_start3A_1146 = arith.constant 0 : i32
        %dma_start3A_1147 = tpu.memref_slice %arg5[%dma_start3A_1146, %mul3A_1137] : memref<32x1000000xf32, #tpu.memory_space<hbm>> -> memref<32x128xf32, #tpu.memory_space<hbm>>
        tpu.enqueue_dma source(%dma_start3A_1147 : memref<32x128xf32, #tpu.memory_space<hbm>>) target(%dma_start3A_1145 : memref<32x128xf32, #tpu.memory_space<vmem>>) target_semaphore(%arg19 : memref<!tpu.dma_semaphore, #tpu.memory_space<semaphore_mem>>)
      } else {
      }
      %dma_wait3A_897 = arith.constant 0 : i32
      %dma_wait3A_898 = arith.constant 0 : i32
      %dma_wait3A_899 = tpu.memref_slice %arg5[%dma_wait3A_897, %dma_wait3A_898] : memref<32x1000000xf32, #tpu.memory_space<hbm>> -> memref<32x512xf32, #tpu.memory_space<hbm>>
      %dma_wait3A_900 = arith.constant 0 : i32
      %dma_wait3A_901 = arith.constant 0 : i32
      %dma_wait3A_902 = tpu.memref_slice %arg5[%dma_wait3A_900, %dma_wait3A_901] : memref<32x1000000xf32, #tpu.memory_space<hbm>> -> memref<32x512xf32, #tpu.memory_space<hbm>>
      tpu.wait_dma2 semaphore(%arg21 : memref<!tpu.dma_semaphore, #tpu.memory_space<semaphore_mem>>) src(%dma_wait3A_902 : memref<32x512xf32, #tpu.memory_space<hbm>>) dst(%arg14 : memref<32x512xf32, #tpu.memory_space<vmem>>)
      %mul3A_903 = arith.constant 16 : i32
      %mul3A_904 = arith.muli %scan3A_463, %mul3A_903 : i32
      %add3A_905 = arith.constant 12 : i32
      %add3A_906 = arith.addi %mul3A_904, %add3A_905 : i32
      %slice3A_907 = vector.extract_strided_slice %get3A_467 {offsets = [12], sizes = [1], strides = [1]} : vector<16xi32> to vector<1xi32>
      %squeeze3A_908 = vector.extract %slice3A_907[0] : i32 from vector<1xi32>
      %rem3A_909 = arith.constant 128 : i32
      %rem3A_910 = arith.remsi %squeeze3A_908, %rem3A_909 : i32
      %add3A_911 = arith.constant 0 : i32
      %add3A_912 = arith.addi %rem3A_910, %add3A_911 : i32
      %broadcast_in_dim3A_913 = arith.constant 0 : i32
      %broadcast_in_dim3A_914 = vector.broadcast %broadcast_in_dim3A_913 : i32 to vector<16xi32>
      %add3A_915 = vector.broadcast %add3A_912 : i32 to vector<16xi32>
      %add3A_916 = arith.addi %broadcast_in_dim3A_914, %add3A_915 : vector<16xi32>
      %gather3A_917 = tpu.vector_load_idx %arg14[%iota3A, %add3A_916] : memref<32x512xf32, #tpu.memory_space<vmem>>[vector<16xi32>, vector<16xi32>], vector<16xf32>,
      %gather3A_918 = tpu.vector_load_idx %arg14[%add3A_5, %add3A_916] : memref<32x512xf32, #tpu.memory_space<vmem>>[vector<16xi32>, vector<16xi32>], vector<16xf32>,
      %broadcast_in_dim3A_919 = arith.constant 0 : i32
      %broadcast_in_dim3A_920 = vector.broadcast %broadcast_in_dim3A_919 : i32 to vector<16xi32>
      %add3A_921 = arith.constant 0 : i32
      %add3A_922 = arith.addi %add3A_906, %add3A_921 : i32
      %rem3A_923 = arith.constant 128 : i32
      %rem3A_924 = arith.remsi %add3A_922, %rem3A_923 : i32
      %add3A_925 = vector.broadcast %rem3A_924 : i32 to vector<16xi32>
      %add3A_926 = arith.addi %broadcast_in_dim3A_920, %add3A_925 : vector<16xi32>
      tpu.vector_store_idx %arg15[%add3A_926, %iota3A], %gather3A_917 : memref<128x32xf32, #tpu.memory_space<vmem>>[vector<16xi32>, vector<16xi32>], vector<16xf32>,
      tpu.vector_store_idx %arg15[%add3A_926, %add3A_5], %gather3A_918 : memref<128x32xf32, #tpu.memory_space<vmem>>[vector<16xi32>, vector<16xi32>], vector<16xf32>,
      %slice3A_927 = vector.extract_strided_slice %get3A_467 {offsets = [13], sizes = [1], strides = [1]} : vector<16xi32> to vector<1xi32>
      %squeeze3A_928 = vector.extract %slice3A_927[0] : i32 from vector<1xi32>
      %rem3A_929 = arith.constant 128 : i32
      %rem3A_930 = arith.remsi %squeeze3A_928, %rem3A_929 : i32
      %add3A_931 = arith.constant 128 : i32
      %add3A_932 = arith.addi %rem3A_930, %add3A_931 : i32
      %broadcast_in_dim3A_933 = arith.constant 0 : i32
      %broadcast_in_dim3A_934 = vector.broadcast %broadcast_in_dim3A_933 : i32 to vector<16xi32>
      %add3A_935 = vector.broadcast %add3A_932 : i32 to vector<16xi32>
      %add3A_936 = arith.addi %broadcast_in_dim3A_934, %add3A_935 : vector<16xi32>
      %gather3A_937 = tpu.vector_load_idx %arg14[%iota3A, %add3A_936] : memref<32x512xf32, #tpu.memory_space<vmem>>[vector<16xi32>, vector<16xi32>], vector<16xf32>,
      %gather3A_938 = tpu.vector_load_idx %arg14[%add3A_5, %add3A_936] : memref<32x512xf32, #tpu.memory_space<vmem>>[vector<16xi32>, vector<16xi32>], vector<16xf32>,
      %broadcast_in_dim3A_939 = arith.constant 0 : i32
      %broadcast_in_dim3A_940 = vector.broadcast %broadcast_in_dim3A_939 : i32 to vector<16xi32>
      %add3A_941 = arith.constant 1 : i32
      %add3A_942 = arith.addi %add3A_906, %add3A_941 : i32
      %rem3A_943 = arith.constant 128 : i32
      %rem3A_944 = arith.remsi %add3A_942, %rem3A_943 : i32
      %add3A_945 = vector.broadcast %rem3A_944 : i32 to vector<16xi32>
      %add3A_946 = arith.addi %broadcast_in_dim3A_940, %add3A_945 : vector<16xi32>
      tpu.vector_store_idx %arg15[%add3A_946, %iota3A], %gather3A_937 : memref<128x32xf32, #tpu.memory_space<vmem>>[vector<16xi32>, vector<16xi32>], vector<16xf32>,
      tpu.vector_store_idx %arg15[%add3A_946, %add3A_5], %gather3A_938 : memref<128x32xf32, #tpu.memory_space<vmem>>[vector<16xi32>, vector<16xi32>], vector<16xf32>,
      %slice3A_947 = vector.extract_strided_slice %get3A_467 {offsets = [14], sizes = [1], strides = [1]} : vector<16xi32> to vector<1xi32>
      %squeeze3A_948 = vector.extract %slice3A_947[0] : i32 from vector<1xi32>
      %rem3A_949 = arith.constant 128 : i32
      %rem3A_950 = arith.remsi %squeeze3A_948, %rem3A_949 : i32
      %add3A_951 = arith.constant 256 : i32
      %add3A_952 = arith.addi %rem3A_950, %add3A_951 : i32
      %broadcast_in_dim3A_953 = arith.constant 0 : i32
      %broadcast_in_dim3A_954 = vector.broadcast %broadcast_in_dim3A_953 : i32 to vector<16xi32>
      %add3A_955 = vector.broadcast %add3A_952 : i32 to vector<16xi32>
      %add3A_956 = arith.addi %broadcast_in_dim3A_954, %add3A_955 : vector<16xi32>
      %gather3A_957 = tpu.vector_load_idx %arg14[%iota3A, %add3A_956] : memref<32x512xf32, #tpu.memory_space<vmem>>[vector<16xi32>, vector<16xi32>], vector<16xf32>,
      %gather3A_958 = tpu.vector_load_idx %arg14[%add3A_5, %add3A_956] : memref<32x512xf32, #tpu.memory_space<vmem>>[vector<16xi32>, vector<16xi32>], vector<16xf32>,
      %broadcast_in_dim3A_959 = arith.constant 0 : i32
      %broadcast_in_dim3A_960 = vector.broadcast %broadcast_in_dim3A_959 : i32 to vector<16xi32>
      %add3A_961 = arith.constant 2 : i32
      %add3A_962 = arith.addi %add3A_906, %add3A_961 : i32
      %rem3A_963 = arith.constant 128 : i32
      %rem3A_964 = arith.remsi %add3A_962, %rem3A_963 : i32
      %add3A_965 = vector.broadcast %rem3A_964 : i32 to vector<16xi32>
      %add3A_966 = arith.addi %broadcast_in_dim3A_960, %add3A_965 : vector<16xi32>
      tpu.vector_store_idx %arg15[%add3A_966, %iota3A], %gather3A_957 : memref<128x32xf32, #tpu.memory_space<vmem>>[vector<16xi32>, vector<16xi32>], vector<16xf32>,
      tpu.vector_store_idx %arg15[%add3A_966, %add3A_5], %gather3A_958 : memref<128x32xf32, #tpu.memory_space<vmem>>[vector<16xi32>, vector<16xi32>], vector<16xf32>,
      %slice3A_967 = vector.extract_strided_slice %get3A_467 {offsets = [15], sizes = [1], strides = [1]} : vector<16xi32> to vector<1xi32>
      %squeeze3A_968 = vector.extract %slice3A_967[0] : i32 from vector<1xi32>
      %rem3A_969 = arith.constant 128 : i32
      %rem3A_970 = arith.remsi %squeeze3A_968, %rem3A_969 : i32
      %add3A_971 = arith.constant 384 : i32
      %add3A_972 = arith.addi %rem3A_970, %add3A_971 : i32
      %broadcast_in_dim3A_973 = arith.constant 0 : i32
      %broadcast_in_dim3A_974 = vector.broadcast %broadcast_in_dim3A_973 : i32 to vector<16xi32>
      %add3A_975 = vector.broadcast %add3A_972 : i32 to vector<16xi32>
      %add3A_976 = arith.addi %broadcast_in_dim3A_974, %add3A_975 : vector<16xi32>
      %gather3A_977 = tpu.vector_load_idx %arg14[%iota3A, %add3A_976] : memref<32x512xf32, #tpu.memory_space<vmem>>[vector<16xi32>, vector<16xi32>], vector<16xf32>,
      %gather3A_978 = tpu.vector_load_idx %arg14[%add3A_5, %add3A_976] : memref<32x512xf32, #tpu.memory_space<vmem>>[vector<16xi32>, vector<16xi32>], vector<16xf32>,
      %broadcast_in_dim3A_979 = arith.constant 0 : i32
      %broadcast_in_dim3A_980 = vector.broadcast %broadcast_in_dim3A_979 : i32 to vector<16xi32>
      %add3A_981 = arith.constant 3 : i32
      %add3A_982 = arith.addi %add3A_906, %add3A_981 : i32
      %rem3A_983 = arith.constant 128 : i32
      %rem3A_984 = arith.remsi %add3A_982, %rem3A_983 : i32
      %add3A_985 = vector.broadcast %rem3A_984 : i32 to vector<16xi32>
      %add3A_986 = arith.addi %broadcast_in_dim3A_980, %add3A_985 : vector<16xi32>
      tpu.vector_store_idx %arg15[%add3A_986, %iota3A], %gather3A_977 : memref<128x32xf32, #tpu.memory_space<vmem>>[vector<16xi32>, vector<16xi32>], vector<16xf32>,
      tpu.vector_store_idx %arg15[%add3A_986, %add3A_5], %gather3A_978 : memref<128x32xf32, #tpu.memory_space<vmem>>[vector<16xi32>, vector<16xi32>], vector<16xf32>,
      %convert_element_type3A_987 = arith.extui %lt3A_712 : i1 to i32
      %cond3A_988 = arith.constant 0 : i32
      %cond3A_989 = arith.cmpi ne, %convert_element_type3A_987, %cond3A_988 : i32
      scf.if %cond3A_989 {
        %slice3A_996 = vector.extract_strided_slice %get3A_711 {offsets = [8], sizes = [1], strides = [1]} : vector<16xi32> to vector<1xi32>
        %squeeze3A_997 = vector.extract %slice3A_996[0] : i32 from vector<1xi32>
        %jit3A_998 = arith.constant 128 : i32
        %div3A_999 = arith.divsi %squeeze3A_997, %jit3A_998 : i32
        %sign3A_1000 = arith.constant 0 : i32
        %sign3A_1001 = arith.cmpi sgt, %squeeze3A_997, %sign3A_1000 : i32
        %sign3A_1002 = arith.extui %sign3A_1001 : i1 to i32
        %sign3A_1003 = arith.constant 0 : i32
        %sign3A_1004 = arith.cmpi slt, %squeeze3A_997, %sign3A_1003 : i32
        %sign3A_1005 = arith.extui %sign3A_1004 : i1 to i32
        %sign3A_1006 = arith.subi %sign3A_1002, %sign3A_1005 : i32
        %sign3A_1007 = arith.constant 0 : i32
        %sign3A_1008 = arith.cmpi sgt, %jit3A_998, %sign3A_1007 : i32
        %sign3A_1009 = arith.extui %sign3A_1008 : i1 to i32
        %sign3A_1010 = arith.constant 0 : i32
        %sign3A_1011 = arith.cmpi slt, %jit3A_998, %sign3A_1010 : i32
        %sign3A_1012 = arith.extui %sign3A_1011 : i1 to i32
        %sign3A_1013 = arith.subi %sign3A_1009, %sign3A_1012 : i32
        %ne3A_1014 = arith.cmpi ne, %sign3A_1006, %sign3A_1013 : i32
        %rem3A_1015 = arith.remsi %squeeze3A_997, %jit3A_998 : i32
        %ne3A_1016 = arith.constant 0 : i32
        %ne3A_1017 = arith.cmpi ne, %rem3A_1015, %ne3A_1016 : i32
        %and3A_1018 = arith.andi %ne3A_1014, %ne3A_1017 : i1
        %sub3A_1019 = arith.constant 1 : i32
        %sub3A_1020 = arith.subi %div3A_999, %sub3A_1019 : i32
        %select_n3A_1021 = arith.select %and3A_1018, %sub3A_1020, %div3A_999 : i32
        %mul3A_1022 = arith.constant 128 : i32
        %mul3A_1023 = arith.muli %select_n3A_1021, %mul3A_1022 : i32
        %dma_start3A_1024 = arith.constant 0 : i32
        %dma_start3A_1025 = arith.constant 0 : i32
        %dma_start3A_1026 = tpu.memref_slice %arg13[%dma_start3A_1024, %dma_start3A_1025] : memref<32x512xf32, #tpu.memory_space<vmem>> -> memref<32x128xf32, #tpu.memory_space<vmem>>
        %dma_start3A_1027 = arith.constant 0 : i32
        %dma_start3A_1028 = tpu.memref_slice %arg5[%dma_start3A_1027, %mul3A_1023] : memref<32x1000000xf32, #tpu.memory_space<hbm>> -> memref<32x128xf32, #tpu.memory_space<hbm>>
        %dma_start3A_1029 = arith.constant 0 : i32
        %dma_start3A_1030 = arith.constant 0 : i32
        %dma_start3A_1031 = tpu.memref_slice %arg13[%dma_start3A_1029, %dma_start3A_1030] : memref<32x512xf32, #tpu.memory_space<vmem>> -> memref<32x128xf32, #tpu.memory_space<vmem>>
        %dma_start3A_1032 = arith.constant 0 : i32
        %dma_start3A_1033 = tpu.memref_slice %arg5[%dma_start3A_1032, %mul3A_1023] : memref<32x1000000xf32, #tpu.memory_space<hbm>> -> memref<32x128xf32, #tpu.memory_space<hbm>>
        tpu.enqueue_dma source(%dma_start3A_1033 : memref<32x128xf32, #tpu.memory_space<hbm>>) target(%dma_start3A_1031 : memref<32x128xf32, #tpu.memory_space<vmem>>) target_semaphore(%arg20 : memref<!tpu.dma_semaphore, #tpu.memory_space<semaphore_mem>>)
        %slice3A_1034 = vector.extract_strided_slice %get3A_711 {offsets = [9], sizes = [1], strides = [1]} : vector<16xi32> to vector<1xi32>
        %squeeze3A_1035 = vector.extract %slice3A_1034[0] : i32 from vector<1xi32>
        %jit3A_1036 = arith.constant 128 : i32
        %div3A_1037 = arith.divsi %squeeze3A_1035, %jit3A_1036 : i32
        %sign3A_1038 = arith.constant 0 : i32
        %sign3A_1039 = arith.cmpi sgt, %squeeze3A_1035, %sign3A_1038 : i32
        %sign3A_1040 = arith.extui %sign3A_1039 : i1 to i32
        %sign3A_1041 = arith.constant 0 : i32
        %sign3A_1042 = arith.cmpi slt, %squeeze3A_1035, %sign3A_1041 : i32
        %sign3A_1043 = arith.extui %sign3A_1042 : i1 to i32
        %sign3A_1044 = arith.subi %sign3A_1040, %sign3A_1043 : i32
        %sign3A_1045 = arith.constant 0 : i32
        %sign3A_1046 = arith.cmpi sgt, %jit3A_1036, %sign3A_1045 : i32
        %sign3A_1047 = arith.extui %sign3A_1046 : i1 to i32
        %sign3A_1048 = arith.constant 0 : i32
        %sign3A_1049 = arith.cmpi slt, %jit3A_1036, %sign3A_1048 : i32
        %sign3A_1050 = arith.extui %sign3A_1049 : i1 to i32
        %sign3A_1051 = arith.subi %sign3A_1047, %sign3A_1050 : i32
        %ne3A_1052 = arith.cmpi ne, %sign3A_1044, %sign3A_1051 : i32
        %rem3A_1053 = arith.remsi %squeeze3A_1035, %jit3A_1036 : i32
        %ne3A_1054 = arith.constant 0 : i32
        %ne3A_1055 = arith.cmpi ne, %rem3A_1053, %ne3A_1054 : i32
        %and3A_1056 = arith.andi %ne3A_1052, %ne3A_1055 : i1
        %sub3A_1057 = arith.constant 1 : i32
        %sub3A_1058 = arith.subi %div3A_1037, %sub3A_1057 : i32
        %select_n3A_1059 = arith.select %and3A_1056, %sub3A_1058, %div3A_1037 : i32
        %mul3A_1060 = arith.constant 128 : i32
        %mul3A_1061 = arith.muli %select_n3A_1059, %mul3A_1060 : i32
        %dma_start3A_1062 = arith.constant 0 : i32
        %dma_start3A_1063 = arith.constant 128 : i32
        %dma_start3A_1064 = tpu.memref_slice %arg13[%dma_start3A_1062, %dma_start3A_1063] : memref<32x512xf32, #tpu.memory_space<vmem>> -> memref<32x128xf32, #tpu.memory_space<vmem>>
        %dma_start3A_1065 = arith.constant 0 : i32
        %dma_start3A_1066 = tpu.memref_slice %arg5[%dma_start3A_1065, %mul3A_1061] : memref<32x1000000xf32, #tpu.memory_space<hbm>> -> memref<32x128xf32, #tpu.memory_space<hbm>>
        %dma_start3A_1067 = arith.constant 0 : i32
        %dma_start3A_1068 = arith.constant 128 : i32
        %dma_start3A_1069 = tpu.memref_slice %arg13[%dma_start3A_1067, %dma_start3A_1068] : memref<32x512xf32, #tpu.memory_space<vmem>> -> memref<32x128xf32, #tpu.memory_space<vmem>>
        %dma_start3A_1070 = arith.constant 0 : i32
        %dma_start3A_1071 = tpu.memref_slice %arg5[%dma_start3A_1070, %mul3A_1061] : memref<32x1000000xf32, #tpu.memory_space<hbm>> -> memref<32x128xf32, #tpu.memory_space<hbm>>
        tpu.enqueue_dma source(%dma_start3A_1071 : memref<32x128xf32, #tpu.memory_space<hbm>>) target(%dma_start3A_1069 : memref<32x128xf32, #tpu.memory_space<vmem>>) target_semaphore(%arg20 : memref<!tpu.dma_semaphore, #tpu.memory_space<semaphore_mem>>)
        %slice3A_1072 = vector.extract_strided_slice %get3A_711 {offsets = [10], sizes = [1], strides = [1]} : vector<16xi32> to vector<1xi32>
        %squeeze3A_1073 = vector.extract %slice3A_1072[0] : i32 from vector<1xi32>
        %jit3A_1074 = arith.constant 128 : i32
        %div3A_1075 = arith.divsi %squeeze3A_1073, %jit3A_1074 : i32
        %sign3A_1076 = arith.constant 0 : i32
        %sign3A_1077 = arith.cmpi sgt, %squeeze3A_1073, %sign3A_1076 : i32
        %sign3A_1078 = arith.extui %sign3A_1077 : i1 to i32
        %sign3A_1079 = arith.constant 0 : i32
        %sign3A_1080 = arith.cmpi slt, %squeeze3A_1073, %sign3A_1079 : i32
        %sign3A_1081 = arith.extui %sign3A_1080 : i1 to i32
        %sign3A_1082 = arith.subi %sign3A_1078, %sign3A_1081 : i32
        %sign3A_1083 = arith.constant 0 : i32
        %sign3A_1084 = arith.cmpi sgt, %jit3A_1074, %sign3A_1083 : i32
        %sign3A_1085 = arith.extui %sign3A_1084 : i1 to i32
        %sign3A_1086 = arith.constant 0 : i32
        %sign3A_1087 = arith.cmpi slt, %jit3A_1074, %sign3A_1086 : i32
        %sign3A_1088 = arith.extui %sign3A_1087 : i1 to i32
        %sign3A_1089 = arith.subi %sign3A_1085, %sign3A_1088 : i32
        %ne3A_1090 = arith.cmpi ne, %sign3A_1082, %sign3A_1089 : i32
        %rem3A_1091 = arith.remsi %squeeze3A_1073, %jit3A_1074 : i32
        %ne3A_1092 = arith.constant 0 : i32
        %ne3A_1093 = arith.cmpi ne, %rem3A_1091, %ne3A_1092 : i32
        %and3A_1094 = arith.andi %ne3A_1090, %ne3A_1093 : i1
        %sub3A_1095 = arith.constant 1 : i32
        %sub3A_1096 = arith.subi %div3A_1075, %sub3A_1095 : i32
        %select_n3A_1097 = arith.select %and3A_1094, %sub3A_1096, %div3A_1075 : i32
        %mul3A_1098 = arith.constant 128 : i32
        %mul3A_1099 = arith.muli %select_n3A_1097, %mul3A_1098 : i32
        %dma_start3A_1100 = arith.constant 0 : i32
        %dma_start3A_1101 = arith.constant 256 : i32
        %dma_start3A_1102 = tpu.memref_slice %arg13[%dma_start3A_1100, %dma_start3A_1101] : memref<32x512xf32, #tpu.memory_space<vmem>> -> memref<32x128xf32, #tpu.memory_space<vmem>>
        %dma_start3A_1103 = arith.constant 0 : i32
        %dma_start3A_1104 = tpu.memref_slice %arg5[%dma_start3A_1103, %mul3A_1099] : memref<32x1000000xf32, #tpu.memory_space<hbm>> -> memref<32x128xf32, #tpu.memory_space<hbm>>
        %dma_start3A_1105 = arith.constant 0 : i32
        %dma_start3A_1106 = arith.constant 256 : i32
        %dma_start3A_1107 = tpu.memref_slice %arg13[%dma_start3A_1105, %dma_start3A_1106] : memref<32x512xf32, #tpu.memory_space<vmem>> -> memref<32x128xf32, #tpu.memory_space<vmem>>
        %dma_start3A_1108 = arith.constant 0 : i32
        %dma_start3A_1109 = tpu.memref_slice %arg5[%dma_start3A_1108, %mul3A_1099] : memref<32x1000000xf32, #tpu.memory_space<hbm>> -> memref<32x128xf32, #tpu.memory_space<hbm>>
        tpu.enqueue_dma source(%dma_start3A_1109 : memref<32x128xf32, #tpu.memory_space<hbm>>) target(%dma_start3A_1107 : memref<32x128xf32, #tpu.memory_space<vmem>>) target_semaphore(%arg20 : memref<!tpu.dma_semaphore, #tpu.memory_space<semaphore_mem>>)
        %slice3A_1110 = vector.extract_strided_slice %get3A_711 {offsets = [11], sizes = [1], strides = [1]} : vector<16xi32> to vector<1xi32>
        %squeeze3A_1111 = vector.extract %slice3A_1110[0] : i32 from vector<1xi32>
        %jit3A_1112 = arith.constant 128 : i32
        %div3A_1113 = arith.divsi %squeeze3A_1111, %jit3A_1112 : i32
        %sign3A_1114 = arith.constant 0 : i32
        %sign3A_1115 = arith.cmpi sgt, %squeeze3A_1111, %sign3A_1114 : i32
        %sign3A_1116 = arith.extui %sign3A_1115 : i1 to i32
        %sign3A_1117 = arith.constant 0 : i32
        %sign3A_1118 = arith.cmpi slt, %squeeze3A_1111, %sign3A_1117 : i32
        %sign3A_1119 = arith.extui %sign3A_1118 : i1 to i32
        %sign3A_1120 = arith.subi %sign3A_1116, %sign3A_1119 : i32
        %sign3A_1121 = arith.constant 0 : i32
        %sign3A_1122 = arith.cmpi sgt, %jit3A_1112, %sign3A_1121 : i32
        %sign3A_1123 = arith.extui %sign3A_1122 : i1 to i32
        %sign3A_1124 = arith.constant 0 : i32
        %sign3A_1125 = arith.cmpi slt, %jit3A_1112, %sign3A_1124 : i32
        %sign3A_1126 = arith.extui %sign3A_1125 : i1 to i32
        %sign3A_1127 = arith.subi %sign3A_1123, %sign3A_1126 : i32
        %ne3A_1128 = arith.cmpi ne, %sign3A_1120, %sign3A_1127 : i32
        %rem3A_1129 = arith.remsi %squeeze3A_1111, %jit3A_1112 : i32
        %ne3A_1130 = arith.constant 0 : i32
        %ne3A_1131 = arith.cmpi ne, %rem3A_1129, %ne3A_1130 : i32
        %and3A_1132 = arith.andi %ne3A_1128, %ne3A_1131 : i1
        %sub3A_1133 = arith.constant 1 : i32
        %sub3A_1134 = arith.subi %div3A_1113, %sub3A_1133 : i32
        %select_n3A_1135 = arith.select %and3A_1132, %sub3A_1134, %div3A_1113 : i32
        %mul3A_1136 = arith.constant 128 : i32
        %mul3A_1137 = arith.muli %select_n3A_1135, %mul3A_1136 : i32
        %dma_start3A_1138 = arith.constant 0 : i32
        %dma_start3A_1139 = arith.constant 384 : i32
        %dma_start3A_1140 = tpu.memref_slice %arg13[%dma_start3A_1138, %dma_start3A_1139] : memref<32x512xf32, #tpu.memory_space<vmem>> -> memref<32x128xf32, #tpu.memory_space<vmem>>
        %dma_start3A_1141 = arith.constant 0 : i32
        %dma_start3A_1142 = tpu.memref_slice %arg5[%dma_start3A_1141, %mul3A_1137] : memref<32x1000000xf32, #tpu.memory_space<hbm>> -> memref<32x128xf32, #tpu.memory_space<hbm>>
        %dma_start3A_1143 = arith.constant 0 : i32
        %dma_start3A_1144 = arith.constant 384 : i32
        %dma_start3A_1145 = tpu.memref_slice %arg13[%dma_start3A_1143, %dma_start3A_1144] : memref<32x512xf32, #tpu.memory_space<vmem>> -> memref<32x128xf32, #tpu.memory_space<vmem>>
        %dma_start3A_1146 = arith.constant 0 : i32
        %dma_start3A_1147 = tpu.memref_slice %arg5[%dma_start3A_1146, %mul3A_1137] : memref<32x1000000xf32, #tpu.memory_space<hbm>> -> memref<32x128xf32, #tpu.memory_space<hbm>>
        tpu.enqueue_dma source(%dma_start3A_1147 : memref<32x128xf32, #tpu.memory_space<hbm>>) target(%dma_start3A_1145 : memref<32x128xf32, #tpu.memory_space<vmem>>) target_semaphore(%arg20 : memref<!tpu.dma_semaphore, #tpu.memory_space<semaphore_mem>>)
      } else {
      }
      %rem3A_990 = arith.constant 8 : i32
      %rem3A_991 = arith.remsi %scan3A_463, %rem3A_990 : i32
      %eq3A = arith.constant 7 : i32
      %eq3A_992 = arith.cmpi eq, %rem3A_991, %eq3A : i32
      %convert_element_type3A_993 = arith.extui %eq3A_992 : i1 to i32
      %cond3A_994 = arith.constant 0 : i32
      %cond3A_995 = arith.cmpi ne, %convert_element_type3A_993, %cond3A_994 : i32
      scf.if %cond3A_995 {
        %jit3A_996 = arith.constant 8 : i32
        %div3A_997 = arith.divsi %scan3A_463, %jit3A_996 : i32
        %sign3A_998 = arith.constant 0 : i32
        %sign3A_999 = arith.cmpi sgt, %scan3A_463, %sign3A_998 : i32
        %sign3A_1000 = arith.extui %sign3A_999 : i1 to i32
        %sign3A_1001 = arith.constant 0 : i32
        %sign3A_1002 = arith.cmpi slt, %scan3A_463, %sign3A_1001 : i32
        %sign3A_1003 = arith.extui %sign3A_1002 : i1 to i32
        %sign3A_1004 = arith.subi %sign3A_1000, %sign3A_1003 : i32
        %sign3A_1005 = arith.constant 0 : i32
        %sign3A_1006 = arith.cmpi sgt, %jit3A_996, %sign3A_1005 : i32
        %sign3A_1007 = arith.extui %sign3A_1006 : i1 to i32
        %sign3A_1008 = arith.constant 0 : i32
        %sign3A_1009 = arith.cmpi slt, %jit3A_996, %sign3A_1008 : i32
        %sign3A_1010 = arith.extui %sign3A_1009 : i1 to i32
        %sign3A_1011 = arith.subi %sign3A_1007, %sign3A_1010 : i32
        %ne3A_1012 = arith.cmpi ne, %sign3A_1004, %sign3A_1011 : i32
        %rem3A_1013 = arith.remsi %scan3A_463, %jit3A_996 : i32
        %ne3A_1014 = arith.constant 0 : i32
        %ne3A_1015 = arith.cmpi ne, %rem3A_1013, %ne3A_1014 : i32
        %and3A_1016 = arith.andi %ne3A_1012, %ne3A_1015 : i1
        %sub3A_1017 = arith.constant 1 : i32
        %sub3A_1018 = arith.subi %div3A_997, %sub3A_1017 : i32
        %select_n3A_1019 = arith.select %and3A_1016, %sub3A_1018, %div3A_997 : i32
        %mul3A_1020 = arith.constant 128 : i32
        %mul3A_1021 = arith.muli %select_n3A_1019, %mul3A_1020 : i32
        %add3A_1022 = arith.addi %mul3A_2, %mul3A_1021 : i32
        "tpu.region"() ({
          %run_scoped3A = tpu.sem_alloc : memref<!tpu.dma_semaphore, #tpu.memory_space<semaphore_mem>>
          %dma_start3A_1023 = arith.constant 0 : i32
          %dma_start3A_1024 = tpu.memref_slice %arg8[%add3A_1022, %dma_start3A_1023] : memref<16384x32xf32, #tpu.memory_space<hbm>> -> memref<128x32xf32, #tpu.memory_space<hbm>>
          %dma_start3A_1025 = arith.constant 0 : i32
          %dma_start3A_1026 = tpu.memref_slice %arg8[%add3A_1022, %dma_start3A_1025] : memref<16384x32xf32, #tpu.memory_space<hbm>> -> memref<128x32xf32, #tpu.memory_space<hbm>>
          tpu.enqueue_dma source(%arg15 : memref<128x32xf32, #tpu.memory_space<vmem>>) target(%dma_start3A_1026 : memref<128x32xf32, #tpu.memory_space<hbm>>) target_semaphore(%run_scoped3A : memref<!tpu.dma_semaphore, #tpu.memory_space<semaphore_mem>>)
          %dma_wait3A_1027 = arith.constant 0 : i32
          %dma_wait3A_1028 = tpu.memref_slice %arg8[%add3A_1022, %dma_wait3A_1027] : memref<16384x32xf32, #tpu.memory_space<hbm>> -> memref<128x32xf32, #tpu.memory_space<hbm>>
          %dma_wait3A_1029 = arith.constant 0 : i32
          %dma_wait3A_1030 = tpu.memref_slice %arg8[%add3A_1022, %dma_wait3A_1029] : memref<16384x32xf32, #tpu.memory_space<hbm>> -> memref<128x32xf32, #tpu.memory_space<hbm>>
          tpu.wait_dma2 semaphore(%run_scoped3A : memref<!tpu.dma_semaphore, #tpu.memory_space<semaphore_mem>>) src(%arg15 : memref<128x32xf32, #tpu.memory_space<vmem>>) dst(%dma_wait3A_1030 : memref<128x32xf32, #tpu.memory_space<hbm>>)
          tpu.yield
        }) : () -> ()
      } else {
      }
    }
    %scan3A_456 = arith.constant 32 : i32
    %scan3A_457 = arith.constant 0 : i32
    %scan3A_458 = arith.constant 0 : i32
    %scan3A_459 = arith.constant 25 : i32
    %scan3A_460 = arith.addi %scan3A_458, %scan3A_459 : i32
    %scan3A_461 = arith.constant 1 : i32
    scf.for %scan3A_463 = %scan3A_458 to %scan3A_460 step %scan3A_461  : i32 {
      %mul3A_464 = arith.constant 25 : i32
      %mul3A_465 = arith.muli %add3A, %mul3A_464 : i32
      %add3A_466 = arith.addi %mul3A_465, %scan3A_463 : i32
      %lt3A = arith.constant 782 : i32
      %lt3A_467 = arith.cmpi slt, %add3A_466, %lt3A : i32
      %convert_element_type3A = arith.extui %lt3A_467 : i1 to i32
      %cond3A = arith.constant 0 : i32
      %cond3A_468 = arith.cmpi ne, %convert_element_type3A, %cond3A : i32
      scf.if %cond3A_468 {
        %mul3A_476 = arith.constant 128 : i32
        %mul3A_477 = arith.muli %add3A_466, %mul3A_476 : i32
        %multiple_of3A = tpu.assume_multiple %mul3A_477, 128 : i32
        "tpu.region"() ({
          %run_scoped3A = tpu.sem_alloc : memref<!tpu.dma_semaphore, #tpu.memory_space<semaphore_mem>>
          %dma_start3A_487 = arith.constant 0 : i32
          %dma_start3A_488 = tpu.memref_slice %arg6[%dma_start3A_487, %multiple_of3A] : memref<32x100000xf32, #tpu.memory_space<hbm>> -> memref<32x128xf32, #tpu.memory_space<hbm>>
          %dma_start3A_489 = arith.constant 0 : i32
          %dma_start3A_490 = tpu.memref_slice %arg6[%dma_start3A_489, %multiple_of3A] : memref<32x100000xf32, #tpu.memory_space<hbm>> -> memref<32x128xf32, #tpu.memory_space<hbm>>
          tpu.enqueue_dma source(%dma_start3A_490 : memref<32x128xf32, #tpu.memory_space<hbm>>) target(%arg16 : memref<32x128xf32, #tpu.memory_space<vmem>>) target_semaphore(%run_scoped3A : memref<!tpu.dma_semaphore, #tpu.memory_space<semaphore_mem>>)
          %dma_wait3A = arith.constant 0 : i32
          %dma_wait3A_491 = tpu.memref_slice %arg6[%dma_wait3A, %multiple_of3A] : memref<32x100000xf32, #tpu.memory_space<hbm>> -> memref<32x128xf32, #tpu.memory_space<hbm>>
          %dma_wait3A_492 = arith.constant 0 : i32
          %dma_wait3A_493 = tpu.memref_slice %arg6[%dma_wait3A_492, %multiple_of3A] : memref<32x100000xf32, #tpu.memory_space<hbm>> -> memref<32x128xf32, #tpu.memory_space<hbm>>
          tpu.wait_dma2 semaphore(%run_scoped3A : memref<!tpu.dma_semaphore, #tpu.memory_space<semaphore_mem>>) src(%dma_wait3A_493 : memref<32x128xf32, #tpu.memory_space<hbm>>) dst(%arg16 : memref<32x128xf32, #tpu.memory_space<vmem>>)
          tpu.yield
        }) : () -> ()
        %scan3A_478 = arith.constant 0 : i32
        %scan3A_479 = arith.constant 0 : i32
        %scan3A_480 = arith.constant 8 : i32
        %scan3A_481 = arith.addi %scan3A_479, %scan3A_480 : i32
        %scan3A_482 = arith.constant 1 : i32
        scf.for %scan3A_487 = %scan3A_479 to %scan3A_481 step %scan3A_482  : i32 {
          %mul3A_488 = arith.constant 16 : i32
          %mul3A_489 = arith.muli %scan3A_487, %mul3A_488 : i32
          %add3A_490 = arith.constant 0 : i32
          %add3A_491 = arith.addi %mul3A_489, %add3A_490 : i32
          %broadcast_in_dim3A = arith.constant 0 : i32
          %broadcast_in_dim3A_492 = vector.broadcast %broadcast_in_dim3A : i32 to vector<16xi32>
          %add3A_493 = vector.broadcast %add3A_491 : i32 to vector<16xi32>
          %add3A_494 = arith.addi %broadcast_in_dim3A_492, %add3A_493 : vector<16xi32>
          %gather3A = tpu.vector_load_idx %arg16[%iota3A, %add3A_494] : memref<32x128xf32, #tpu.memory_space<vmem>>[vector<16xi32>, vector<16xi32>], vector<16xf32>,
          %gather3A_495 = tpu.vector_load_idx %arg16[%add3A_5, %add3A_494] : memref<32x128xf32, #tpu.memory_space<vmem>>[vector<16xi32>, vector<16xi32>], vector<16xf32>,
          %broadcast_in_dim3A_496 = arith.constant 0 : i32
          %broadcast_in_dim3A_497 = vector.broadcast %broadcast_in_dim3A_496 : i32 to vector<16xi32>
          %jit3A_498 = arith.constant 4 : i32
          %div3A_499 = arith.divsi %add3A_491, %jit3A_498 : i32
          %sign3A_500 = arith.constant 0 : i32
          %sign3A_501 = arith.cmpi sgt, %add3A_491, %sign3A_500 : i32
          %sign3A_502 = arith.extui %sign3A_501 : i1 to i32
          %sign3A_503 = arith.constant 0 : i32
          %sign3A_504 = arith.cmpi slt, %add3A_491, %sign3A_503 : i32
          %sign3A_505 = arith.extui %sign3A_504 : i1 to i32
          %sign3A_506 = arith.subi %sign3A_502, %sign3A_505 : i32
          %sign3A_507 = arith.constant 0 : i32
          %sign3A_508 = arith.cmpi sgt, %jit3A_498, %sign3A_507 : i32
          %sign3A_509 = arith.extui %sign3A_508 : i1 to i32
          %sign3A_510 = arith.constant 0 : i32
          %sign3A_511 = arith.cmpi slt, %jit3A_498, %sign3A_510 : i32
          %sign3A_512 = arith.extui %sign3A_511 : i1 to i32
          %sign3A_513 = arith.subi %sign3A_509, %sign3A_512 : i32
          %ne3A_514 = arith.cmpi ne, %sign3A_506, %sign3A_513 : i32
          %rem3A_515 = arith.remsi %add3A_491, %jit3A_498 : i32
          %ne3A_516 = arith.constant 0 : i32
          %ne3A_517 = arith.cmpi ne, %rem3A_515, %ne3A_516 : i32
          %and3A_518 = arith.andi %ne3A_514, %ne3A_517 : i1
          %sub3A_519 = arith.constant 1 : i32
          %sub3A_520 = arith.subi %div3A_499, %sub3A_519 : i32
          %select_n3A_521 = arith.select %and3A_518, %sub3A_520, %div3A_499 : i32
          %add3A_522 = vector.broadcast %select_n3A_521 : i32 to vector<16xi32>
          %add3A_523 = arith.addi %broadcast_in_dim3A_497, %add3A_522 : vector<16xi32>
          %rem3A_524 = arith.constant 4 : i32
          %rem3A_525 = arith.remsi %add3A_491, %rem3A_524 : i32
          %mul3A_526 = arith.constant 32 : i32
          %mul3A_527 = arith.muli %rem3A_525, %mul3A_526 : i32
          %add3A_528 = vector.broadcast %mul3A_527 : i32 to vector<16xi32>
          %add3A_529 = arith.addi %iota3A, %add3A_528 : vector<16xi32>
          tpu.vector_store_idx %arg17[%add3A_523, %add3A_529], %gather3A : memref<32x128xf32, #tpu.memory_space<vmem>>[vector<16xi32>, vector<16xi32>], vector<16xf32>,
          %add3A_530 = vector.broadcast %mul3A_527 : i32 to vector<16xi32>
          %add3A_531 = arith.addi %add3A_5, %add3A_530 : vector<16xi32>
          tpu.vector_store_idx %arg17[%add3A_523, %add3A_531], %gather3A_495 : memref<32x128xf32, #tpu.memory_space<vmem>>[vector<16xi32>, vector<16xi32>], vector<16xf32>,
          %mul3A_532 = arith.constant 16 : i32
          %mul3A_533 = arith.muli %scan3A_487, %mul3A_532 : i32
          %add3A_534 = arith.constant 1 : i32
          %add3A_535 = arith.addi %mul3A_533, %add3A_534 : i32
          %broadcast_in_dim3A_536 = arith.constant 0 : i32
          %broadcast_in_dim3A_537 = vector.broadcast %broadcast_in_dim3A_536 : i32 to vector<16xi32>
          %add3A_538 = vector.broadcast %add3A_535 : i32 to vector<16xi32>
          %add3A_539 = arith.addi %broadcast_in_dim3A_537, %add3A_538 : vector<16xi32>
          %gather3A_540 = tpu.vector_load_idx %arg16[%iota3A, %add3A_539] : memref<32x128xf32, #tpu.memory_space<vmem>>[vector<16xi32>, vector<16xi32>], vector<16xf32>,
          %gather3A_541 = tpu.vector_load_idx %arg16[%add3A_5, %add3A_539] : memref<32x128xf32, #tpu.memory_space<vmem>>[vector<16xi32>, vector<16xi32>], vector<16xf32>,
          %broadcast_in_dim3A_542 = arith.constant 0 : i32
          %broadcast_in_dim3A_543 = vector.broadcast %broadcast_in_dim3A_542 : i32 to vector<16xi32>
          %jit3A_544 = arith.constant 4 : i32
          %div3A_545 = arith.divsi %add3A_535, %jit3A_544 : i32
          %sign3A_546 = arith.constant 0 : i32
          %sign3A_547 = arith.cmpi sgt, %add3A_535, %sign3A_546 : i32
          %sign3A_548 = arith.extui %sign3A_547 : i1 to i32
          %sign3A_549 = arith.constant 0 : i32
          %sign3A_550 = arith.cmpi slt, %add3A_535, %sign3A_549 : i32
          %sign3A_551 = arith.extui %sign3A_550 : i1 to i32
          %sign3A_552 = arith.subi %sign3A_548, %sign3A_551 : i32
          %sign3A_553 = arith.constant 0 : i32
          %sign3A_554 = arith.cmpi sgt, %jit3A_544, %sign3A_553 : i32
          %sign3A_555 = arith.extui %sign3A_554 : i1 to i32
          %sign3A_556 = arith.constant 0 : i32
          %sign3A_557 = arith.cmpi slt, %jit3A_544, %sign3A_556 : i32
          %sign3A_558 = arith.extui %sign3A_557 : i1 to i32
          %sign3A_559 = arith.subi %sign3A_555, %sign3A_558 : i32
          %ne3A_560 = arith.cmpi ne, %sign3A_552, %sign3A_559 : i32
          %rem3A_561 = arith.remsi %add3A_535, %jit3A_544 : i32
          %ne3A_562 = arith.constant 0 : i32
          %ne3A_563 = arith.cmpi ne, %rem3A_561, %ne3A_562 : i32
          %and3A_564 = arith.andi %ne3A_560, %ne3A_563 : i1
          %sub3A_565 = arith.constant 1 : i32
          %sub3A_566 = arith.subi %div3A_545, %sub3A_565 : i32
          %select_n3A_567 = arith.select %and3A_564, %sub3A_566, %div3A_545 : i32
          %add3A_568 = vector.broadcast %select_n3A_567 : i32 to vector<16xi32>
          %add3A_569 = arith.addi %broadcast_in_dim3A_543, %add3A_568 : vector<16xi32>
          %rem3A_570 = arith.constant 4 : i32
          %rem3A_571 = arith.remsi %add3A_535, %rem3A_570 : i32
          %mul3A_572 = arith.constant 32 : i32
          %mul3A_573 = arith.muli %rem3A_571, %mul3A_572 : i32
          %add3A_574 = vector.broadcast %mul3A_573 : i32 to vector<16xi32>
          %add3A_575 = arith.addi %iota3A, %add3A_574 : vector<16xi32>
          tpu.vector_store_idx %arg17[%add3A_569, %add3A_575], %gather3A_540 : memref<32x128xf32, #tpu.memory_space<vmem>>[vector<16xi32>, vector<16xi32>], vector<16xf32>,
          %add3A_576 = vector.broadcast %mul3A_573 : i32 to vector<16xi32>
          %add3A_577 = arith.addi %add3A_5, %add3A_576 : vector<16xi32>
          tpu.vector_store_idx %arg17[%add3A_569, %add3A_577], %gather3A_541 : memref<32x128xf32, #tpu.memory_space<vmem>>[vector<16xi32>, vector<16xi32>], vector<16xf32>,
          %mul3A_578 = arith.constant 16 : i32
          %mul3A_579 = arith.muli %scan3A_487, %mul3A_578 : i32
          %add3A_580 = arith.constant 2 : i32
          %add3A_581 = arith.addi %mul3A_579, %add3A_580 : i32
          %broadcast_in_dim3A_582 = arith.constant 0 : i32
          %broadcast_in_dim3A_583 = vector.broadcast %broadcast_in_dim3A_582 : i32 to vector<16xi32>
          %add3A_584 = vector.broadcast %add3A_581 : i32 to vector<16xi32>
          %add3A_585 = arith.addi %broadcast_in_dim3A_583, %add3A_584 : vector<16xi32>
          %gather3A_586 = tpu.vector_load_idx %arg16[%iota3A, %add3A_585] : memref<32x128xf32, #tpu.memory_space<vmem>>[vector<16xi32>, vector<16xi32>], vector<16xf32>,
          %gather3A_587 = tpu.vector_load_idx %arg16[%add3A_5, %add3A_585] : memref<32x128xf32, #tpu.memory_space<vmem>>[vector<16xi32>, vector<16xi32>], vector<16xf32>,
          %broadcast_in_dim3A_588 = arith.constant 0 : i32
          %broadcast_in_dim3A_589 = vector.broadcast %broadcast_in_dim3A_588 : i32 to vector<16xi32>
          %jit3A_590 = arith.constant 4 : i32
          %div3A_591 = arith.divsi %add3A_581, %jit3A_590 : i32
          %sign3A_592 = arith.constant 0 : i32
          %sign3A_593 = arith.cmpi sgt, %add3A_581, %sign3A_592 : i32
          %sign3A_594 = arith.extui %sign3A_593 : i1 to i32
          %sign3A_595 = arith.constant 0 : i32
          %sign3A_596 = arith.cmpi slt, %add3A_581, %sign3A_595 : i32
          %sign3A_597 = arith.extui %sign3A_596 : i1 to i32
          %sign3A_598 = arith.subi %sign3A_594, %sign3A_597 : i32
          %sign3A_599 = arith.constant 0 : i32
          %sign3A_600 = arith.cmpi sgt, %jit3A_590, %sign3A_599 : i32
          %sign3A_601 = arith.extui %sign3A_600 : i1 to i32
          %sign3A_602 = arith.constant 0 : i32
          %sign3A_603 = arith.cmpi slt, %jit3A_590, %sign3A_602 : i32
          %sign3A_604 = arith.extui %sign3A_603 : i1 to i32
          %sign3A_605 = arith.subi %sign3A_601, %sign3A_604 : i32
          %ne3A_606 = arith.cmpi ne, %sign3A_598, %sign3A_605 : i32
          %rem3A_607 = arith.remsi %add3A_581, %jit3A_590 : i32
          %ne3A_608 = arith.constant 0 : i32
          %ne3A_609 = arith.cmpi ne, %rem3A_607, %ne3A_608 : i32
          %and3A_610 = arith.andi %ne3A_606, %ne3A_609 : i1
          %sub3A_611 = arith.constant 1 : i32
          %sub3A_612 = arith.subi %div3A_591, %sub3A_611 : i32
          %select_n3A_613 = arith.select %and3A_610, %sub3A_612, %div3A_591 : i32
          %add3A_614 = vector.broadcast %select_n3A_613 : i32 to vector<16xi32>
          %add3A_615 = arith.addi %broadcast_in_dim3A_589, %add3A_614 : vector<16xi32>
          %rem3A_616 = arith.constant 4 : i32
          %rem3A_617 = arith.remsi %add3A_581, %rem3A_616 : i32
          %mul3A_618 = arith.constant 32 : i32
          %mul3A_619 = arith.muli %rem3A_617, %mul3A_618 : i32
          %add3A_620 = vector.broadcast %mul3A_619 : i32 to vector<16xi32>
          %add3A_621 = arith.addi %iota3A, %add3A_620 : vector<16xi32>
          tpu.vector_store_idx %arg17[%add3A_615, %add3A_621], %gather3A_586 : memref<32x128xf32, #tpu.memory_space<vmem>>[vector<16xi32>, vector<16xi32>], vector<16xf32>,
          %add3A_622 = vector.broadcast %mul3A_619 : i32 to vector<16xi32>
          %add3A_623 = arith.addi %add3A_5, %add3A_622 : vector<16xi32>
          tpu.vector_store_idx %arg17[%add3A_615, %add3A_623], %gather3A_587 : memref<32x128xf32, #tpu.memory_space<vmem>>[vector<16xi32>, vector<16xi32>], vector<16xf32>,
          %mul3A_624 = arith.constant 16 : i32
          %mul3A_625 = arith.muli %scan3A_487, %mul3A_624 : i32
          %add3A_626 = arith.constant 3 : i32
          %add3A_627 = arith.addi %mul3A_625, %add3A_626 : i32
          %broadcast_in_dim3A_628 = arith.constant 0 : i32
          %broadcast_in_dim3A_629 = vector.broadcast %broadcast_in_dim3A_628 : i32 to vector<16xi32>
          %add3A_630 = vector.broadcast %add3A_627 : i32 to vector<16xi32>
          %add3A_631 = arith.addi %broadcast_in_dim3A_629, %add3A_630 : vector<16xi32>
          %gather3A_632 = tpu.vector_load_idx %arg16[%iota3A, %add3A_631] : memref<32x128xf32, #tpu.memory_space<vmem>>[vector<16xi32>, vector<16xi32>], vector<16xf32>,
          %gather3A_633 = tpu.vector_load_idx %arg16[%add3A_5, %add3A_631] : memref<32x128xf32, #tpu.memory_space<vmem>>[vector<16xi32>, vector<16xi32>], vector<16xf32>,
          %broadcast_in_dim3A_634 = arith.constant 0 : i32
          %broadcast_in_dim3A_635 = vector.broadcast %broadcast_in_dim3A_634 : i32 to vector<16xi32>
          %jit3A_636 = arith.constant 4 : i32
          %div3A_637 = arith.divsi %add3A_627, %jit3A_636 : i32
          %sign3A_638 = arith.constant 0 : i32
          %sign3A_639 = arith.cmpi sgt, %add3A_627, %sign3A_638 : i32
          %sign3A_640 = arith.extui %sign3A_639 : i1 to i32
          %sign3A_641 = arith.constant 0 : i32
          %sign3A_642 = arith.cmpi slt, %add3A_627, %sign3A_641 : i32
          %sign3A_643 = arith.extui %sign3A_642 : i1 to i32
          %sign3A_644 = arith.subi %sign3A_640, %sign3A_643 : i32
          %sign3A_645 = arith.constant 0 : i32
          %sign3A_646 = arith.cmpi sgt, %jit3A_636, %sign3A_645 : i32
          %sign3A_647 = arith.extui %sign3A_646 : i1 to i32
          %sign3A_648 = arith.constant 0 : i32
          %sign3A_649 = arith.cmpi slt, %jit3A_636, %sign3A_648 : i32
          %sign3A_650 = arith.extui %sign3A_649 : i1 to i32
          %sign3A_651 = arith.subi %sign3A_647, %sign3A_650 : i32
          %ne3A_652 = arith.cmpi ne, %sign3A_644, %sign3A_651 : i32
          %rem3A_653 = arith.remsi %add3A_627, %jit3A_636 : i32
          %ne3A_654 = arith.constant 0 : i32
          %ne3A_655 = arith.cmpi ne, %rem3A_653, %ne3A_654 : i32
          %and3A_656 = arith.andi %ne3A_652, %ne3A_655 : i1
          %sub3A_657 = arith.constant 1 : i32
          %sub3A_658 = arith.subi %div3A_637, %sub3A_657 : i32
          %select_n3A_659 = arith.select %and3A_656, %sub3A_658, %div3A_637 : i32
          %add3A_660 = vector.broadcast %select_n3A_659 : i32 to vector<16xi32>
          %add3A_661 = arith.addi %broadcast_in_dim3A_635, %add3A_660 : vector<16xi32>
          %rem3A_662 = arith.constant 4 : i32
          %rem3A_663 = arith.remsi %add3A_627, %rem3A_662 : i32
          %mul3A_664 = arith.constant 32 : i32
          %mul3A_665 = arith.muli %rem3A_663, %mul3A_664 : i32
          %add3A_666 = vector.broadcast %mul3A_665 : i32 to vector<16xi32>
          %add3A_667 = arith.addi %iota3A, %add3A_666 : vector<16xi32>
          tpu.vector_store_idx %arg17[%add3A_661, %add3A_667], %gather3A_632 : memref<32x128xf32, #tpu.memory_space<vmem>>[vector<16xi32>, vector<16xi32>], vector<16xf32>,
          %add3A_668 = vector.broadcast %mul3A_665 : i32 to vector<16xi32>
          %add3A_669 = arith.addi %add3A_5, %add3A_668 : vector<16xi32>
          tpu.vector_store_idx %arg17[%add3A_661, %add3A_669], %gather3A_633 : memref<32x128xf32, #tpu.memory_space<vmem>>[vector<16xi32>, vector<16xi32>], vector<16xf32>,
          %mul3A_670 = arith.constant 16 : i32
          %mul3A_671 = arith.muli %scan3A_487, %mul3A_670 : i32
          %add3A_672 = arith.constant 4 : i32
          %add3A_673 = arith.addi %mul3A_671, %add3A_672 : i32
          %broadcast_in_dim3A_674 = arith.constant 0 : i32
          %broadcast_in_dim3A_675 = vector.broadcast %broadcast_in_dim3A_674 : i32 to vector<16xi32>
          %add3A_676 = vector.broadcast %add3A_673 : i32 to vector<16xi32>
          %add3A_677 = arith.addi %broadcast_in_dim3A_675, %add3A_676 : vector<16xi32>
          %gather3A_678 = tpu.vector_load_idx %arg16[%iota3A, %add3A_677] : memref<32x128xf32, #tpu.memory_space<vmem>>[vector<16xi32>, vector<16xi32>], vector<16xf32>,
          %gather3A_679 = tpu.vector_load_idx %arg16[%add3A_5, %add3A_677] : memref<32x128xf32, #tpu.memory_space<vmem>>[vector<16xi32>, vector<16xi32>], vector<16xf32>,
          %broadcast_in_dim3A_680 = arith.constant 0 : i32
          %broadcast_in_dim3A_681 = vector.broadcast %broadcast_in_dim3A_680 : i32 to vector<16xi32>
          %jit3A_682 = arith.constant 4 : i32
          %div3A_683 = arith.divsi %add3A_673, %jit3A_682 : i32
          %sign3A_684 = arith.constant 0 : i32
          %sign3A_685 = arith.cmpi sgt, %add3A_673, %sign3A_684 : i32
          %sign3A_686 = arith.extui %sign3A_685 : i1 to i32
          %sign3A_687 = arith.constant 0 : i32
          %sign3A_688 = arith.cmpi slt, %add3A_673, %sign3A_687 : i32
          %sign3A_689 = arith.extui %sign3A_688 : i1 to i32
          %sign3A_690 = arith.subi %sign3A_686, %sign3A_689 : i32
          %sign3A_691 = arith.constant 0 : i32
          %sign3A_692 = arith.cmpi sgt, %jit3A_682, %sign3A_691 : i32
          %sign3A_693 = arith.extui %sign3A_692 : i1 to i32
          %sign3A_694 = arith.constant 0 : i32
          %sign3A_695 = arith.cmpi slt, %jit3A_682, %sign3A_694 : i32
          %sign3A_696 = arith.extui %sign3A_695 : i1 to i32
          %sign3A_697 = arith.subi %sign3A_693, %sign3A_696 : i32
          %ne3A_698 = arith.cmpi ne, %sign3A_690, %sign3A_697 : i32
          %rem3A_699 = arith.remsi %add3A_673, %jit3A_682 : i32
          %ne3A_700 = arith.constant 0 : i32
          %ne3A_701 = arith.cmpi ne, %rem3A_699, %ne3A_700 : i32
          %and3A_702 = arith.andi %ne3A_698, %ne3A_701 : i1
          %sub3A_703 = arith.constant 1 : i32
          %sub3A_704 = arith.subi %div3A_683, %sub3A_703 : i32
          %select_n3A_705 = arith.select %and3A_702, %sub3A_704, %div3A_683 : i32
          %add3A_706 = vector.broadcast %select_n3A_705 : i32 to vector<16xi32>
          %add3A_707 = arith.addi %broadcast_in_dim3A_681, %add3A_706 : vector<16xi32>
          %rem3A_708 = arith.constant 4 : i32
          %rem3A_709 = arith.remsi %add3A_673, %rem3A_708 : i32
          %mul3A_710 = arith.constant 32 : i32
          %mul3A_711 = arith.muli %rem3A_709, %mul3A_710 : i32
          %add3A_712 = vector.broadcast %mul3A_711 : i32 to vector<16xi32>
          %add3A_713 = arith.addi %iota3A, %add3A_712 : vector<16xi32>
          tpu.vector_store_idx %arg17[%add3A_707, %add3A_713], %gather3A_678 : memref<32x128xf32, #tpu.memory_space<vmem>>[vector<16xi32>, vector<16xi32>], vector<16xf32>,
          %add3A_714 = vector.broadcast %mul3A_711 : i32 to vector<16xi32>
          %add3A_715 = arith.addi %add3A_5, %add3A_714 : vector<16xi32>
          tpu.vector_store_idx %arg17[%add3A_707, %add3A_715], %gather3A_679 : memref<32x128xf32, #tpu.memory_space<vmem>>[vector<16xi32>, vector<16xi32>], vector<16xf32>,
          %mul3A_716 = arith.constant 16 : i32
          %mul3A_717 = arith.muli %scan3A_487, %mul3A_716 : i32
          %add3A_718 = arith.constant 5 : i32
          %add3A_719 = arith.addi %mul3A_717, %add3A_718 : i32
          %broadcast_in_dim3A_720 = arith.constant 0 : i32
          %broadcast_in_dim3A_721 = vector.broadcast %broadcast_in_dim3A_720 : i32 to vector<16xi32>
          %add3A_722 = vector.broadcast %add3A_719 : i32 to vector<16xi32>
          %add3A_723 = arith.addi %broadcast_in_dim3A_721, %add3A_722 : vector<16xi32>
          %gather3A_724 = tpu.vector_load_idx %arg16[%iota3A, %add3A_723] : memref<32x128xf32, #tpu.memory_space<vmem>>[vector<16xi32>, vector<16xi32>], vector<16xf32>,
          %gather3A_725 = tpu.vector_load_idx %arg16[%add3A_5, %add3A_723] : memref<32x128xf32, #tpu.memory_space<vmem>>[vector<16xi32>, vector<16xi32>], vector<16xf32>,
          %broadcast_in_dim3A_726 = arith.constant 0 : i32
          %broadcast_in_dim3A_727 = vector.broadcast %broadcast_in_dim3A_726 : i32 to vector<16xi32>
          %jit3A_728 = arith.constant 4 : i32
          %div3A_729 = arith.divsi %add3A_719, %jit3A_728 : i32
          %sign3A_730 = arith.constant 0 : i32
          %sign3A_731 = arith.cmpi sgt, %add3A_719, %sign3A_730 : i32
          %sign3A_732 = arith.extui %sign3A_731 : i1 to i32
          %sign3A_733 = arith.constant 0 : i32
          %sign3A_734 = arith.cmpi slt, %add3A_719, %sign3A_733 : i32
          %sign3A_735 = arith.extui %sign3A_734 : i1 to i32
          %sign3A_736 = arith.subi %sign3A_732, %sign3A_735 : i32
          %sign3A_737 = arith.constant 0 : i32
          %sign3A_738 = arith.cmpi sgt, %jit3A_728, %sign3A_737 : i32
          %sign3A_739 = arith.extui %sign3A_738 : i1 to i32
          %sign3A_740 = arith.constant 0 : i32
          %sign3A_741 = arith.cmpi slt, %jit3A_728, %sign3A_740 : i32
          %sign3A_742 = arith.extui %sign3A_741 : i1 to i32
          %sign3A_743 = arith.subi %sign3A_739, %sign3A_742 : i32
          %ne3A_744 = arith.cmpi ne, %sign3A_736, %sign3A_743 : i32
          %rem3A_745 = arith.remsi %add3A_719, %jit3A_728 : i32
          %ne3A_746 = arith.constant 0 : i32
          %ne3A_747 = arith.cmpi ne, %rem3A_745, %ne3A_746 : i32
          %and3A_748 = arith.andi %ne3A_744, %ne3A_747 : i1
          %sub3A_749 = arith.constant 1 : i32
          %sub3A_750 = arith.subi %div3A_729, %sub3A_749 : i32
          %select_n3A_751 = arith.select %and3A_748, %sub3A_750, %div3A_729 : i32
          %add3A_752 = vector.broadcast %select_n3A_751 : i32 to vector<16xi32>
          %add3A_753 = arith.addi %broadcast_in_dim3A_727, %add3A_752 : vector<16xi32>
          %rem3A_754 = arith.constant 4 : i32
          %rem3A_755 = arith.remsi %add3A_719, %rem3A_754 : i32
          %mul3A_756 = arith.constant 32 : i32
          %mul3A_757 = arith.muli %rem3A_755, %mul3A_756 : i32
          %add3A_758 = vector.broadcast %mul3A_757 : i32 to vector<16xi32>
          %add3A_759 = arith.addi %iota3A, %add3A_758 : vector<16xi32>
          tpu.vector_store_idx %arg17[%add3A_753, %add3A_759], %gather3A_724 : memref<32x128xf32, #tpu.memory_space<vmem>>[vector<16xi32>, vector<16xi32>], vector<16xf32>,
          %add3A_760 = vector.broadcast %mul3A_757 : i32 to vector<16xi32>
          %add3A_761 = arith.addi %add3A_5, %add3A_760 : vector<16xi32>
          tpu.vector_store_idx %arg17[%add3A_753, %add3A_761], %gather3A_725 : memref<32x128xf32, #tpu.memory_space<vmem>>[vector<16xi32>, vector<16xi32>], vector<16xf32>,
          %mul3A_762 = arith.constant 16 : i32
          %mul3A_763 = arith.muli %scan3A_487, %mul3A_762 : i32
          %add3A_764 = arith.constant 6 : i32
          %add3A_765 = arith.addi %mul3A_763, %add3A_764 : i32
          %broadcast_in_dim3A_766 = arith.constant 0 : i32
          %broadcast_in_dim3A_767 = vector.broadcast %broadcast_in_dim3A_766 : i32 to vector<16xi32>
          %add3A_768 = vector.broadcast %add3A_765 : i32 to vector<16xi32>
          %add3A_769 = arith.addi %broadcast_in_dim3A_767, %add3A_768 : vector<16xi32>
          %gather3A_770 = tpu.vector_load_idx %arg16[%iota3A, %add3A_769] : memref<32x128xf32, #tpu.memory_space<vmem>>[vector<16xi32>, vector<16xi32>], vector<16xf32>,
          %gather3A_771 = tpu.vector_load_idx %arg16[%add3A_5, %add3A_769] : memref<32x128xf32, #tpu.memory_space<vmem>>[vector<16xi32>, vector<16xi32>], vector<16xf32>,
          %broadcast_in_dim3A_772 = arith.constant 0 : i32
          %broadcast_in_dim3A_773 = vector.broadcast %broadcast_in_dim3A_772 : i32 to vector<16xi32>
          %jit3A_774 = arith.constant 4 : i32
          %div3A_775 = arith.divsi %add3A_765, %jit3A_774 : i32
          %sign3A_776 = arith.constant 0 : i32
          %sign3A_777 = arith.cmpi sgt, %add3A_765, %sign3A_776 : i32
          %sign3A_778 = arith.extui %sign3A_777 : i1 to i32
          %sign3A_779 = arith.constant 0 : i32
          %sign3A_780 = arith.cmpi slt, %add3A_765, %sign3A_779 : i32
          %sign3A_781 = arith.extui %sign3A_780 : i1 to i32
          %sign3A_782 = arith.subi %sign3A_778, %sign3A_781 : i32
          %sign3A_783 = arith.constant 0 : i32
          %sign3A_784 = arith.cmpi sgt, %jit3A_774, %sign3A_783 : i32
          %sign3A_785 = arith.extui %sign3A_784 : i1 to i32
          %sign3A_786 = arith.constant 0 : i32
          %sign3A_787 = arith.cmpi slt, %jit3A_774, %sign3A_786 : i32
          %sign3A_788 = arith.extui %sign3A_787 : i1 to i32
          %sign3A_789 = arith.subi %sign3A_785, %sign3A_788 : i32
          %ne3A_790 = arith.cmpi ne, %sign3A_782, %sign3A_789 : i32
          %rem3A_791 = arith.remsi %add3A_765, %jit3A_774 : i32
          %ne3A_792 = arith.constant 0 : i32
          %ne3A_793 = arith.cmpi ne, %rem3A_791, %ne3A_792 : i32
          %and3A_794 = arith.andi %ne3A_790, %ne3A_793 : i1
          %sub3A_795 = arith.constant 1 : i32
          %sub3A_796 = arith.subi %div3A_775, %sub3A_795 : i32
          %select_n3A_797 = arith.select %and3A_794, %sub3A_796, %div3A_775 : i32
          %add3A_798 = vector.broadcast %select_n3A_797 : i32 to vector<16xi32>
          %add3A_799 = arith.addi %broadcast_in_dim3A_773, %add3A_798 : vector<16xi32>
          %rem3A_800 = arith.constant 4 : i32
          %rem3A_801 = arith.remsi %add3A_765, %rem3A_800 : i32
          %mul3A_802 = arith.constant 32 : i32
          %mul3A_803 = arith.muli %rem3A_801, %mul3A_802 : i32
          %add3A_804 = vector.broadcast %mul3A_803 : i32 to vector<16xi32>
          %add3A_805 = arith.addi %iota3A, %add3A_804 : vector<16xi32>
          tpu.vector_store_idx %arg17[%add3A_799, %add3A_805], %gather3A_770 : memref<32x128xf32, #tpu.memory_space<vmem>>[vector<16xi32>, vector<16xi32>], vector<16xf32>,
          %add3A_806 = vector.broadcast %mul3A_803 : i32 to vector<16xi32>
          %add3A_807 = arith.addi %add3A_5, %add3A_806 : vector<16xi32>
          tpu.vector_store_idx %arg17[%add3A_799, %add3A_807], %gather3A_771 : memref<32x128xf32, #tpu.memory_space<vmem>>[vector<16xi32>, vector<16xi32>], vector<16xf32>,
          %mul3A_808 = arith.constant 16 : i32
          %mul3A_809 = arith.muli %scan3A_487, %mul3A_808 : i32
          %add3A_810 = arith.constant 7 : i32
          %add3A_811 = arith.addi %mul3A_809, %add3A_810 : i32
          %broadcast_in_dim3A_812 = arith.constant 0 : i32
          %broadcast_in_dim3A_813 = vector.broadcast %broadcast_in_dim3A_812 : i32 to vector<16xi32>
          %add3A_814 = vector.broadcast %add3A_811 : i32 to vector<16xi32>
          %add3A_815 = arith.addi %broadcast_in_dim3A_813, %add3A_814 : vector<16xi32>
          %gather3A_816 = tpu.vector_load_idx %arg16[%iota3A, %add3A_815] : memref<32x128xf32, #tpu.memory_space<vmem>>[vector<16xi32>, vector<16xi32>], vector<16xf32>,
          %gather3A_817 = tpu.vector_load_idx %arg16[%add3A_5, %add3A_815] : memref<32x128xf32, #tpu.memory_space<vmem>>[vector<16xi32>, vector<16xi32>], vector<16xf32>,
          %broadcast_in_dim3A_818 = arith.constant 0 : i32
          %broadcast_in_dim3A_819 = vector.broadcast %broadcast_in_dim3A_818 : i32 to vector<16xi32>
          %jit3A_820 = arith.constant 4 : i32
          %div3A_821 = arith.divsi %add3A_811, %jit3A_820 : i32
          %sign3A_822 = arith.constant 0 : i32
          %sign3A_823 = arith.cmpi sgt, %add3A_811, %sign3A_822 : i32
          %sign3A_824 = arith.extui %sign3A_823 : i1 to i32
          %sign3A_825 = arith.constant 0 : i32
          %sign3A_826 = arith.cmpi slt, %add3A_811, %sign3A_825 : i32
          %sign3A_827 = arith.extui %sign3A_826 : i1 to i32
          %sign3A_828 = arith.subi %sign3A_824, %sign3A_827 : i32
          %sign3A_829 = arith.constant 0 : i32
          %sign3A_830 = arith.cmpi sgt, %jit3A_820, %sign3A_829 : i32
          %sign3A_831 = arith.extui %sign3A_830 : i1 to i32
          %sign3A_832 = arith.constant 0 : i32
          %sign3A_833 = arith.cmpi slt, %jit3A_820, %sign3A_832 : i32
          %sign3A_834 = arith.extui %sign3A_833 : i1 to i32
          %sign3A_835 = arith.subi %sign3A_831, %sign3A_834 : i32
          %ne3A_836 = arith.cmpi ne, %sign3A_828, %sign3A_835 : i32
          %rem3A_837 = arith.remsi %add3A_811, %jit3A_820 : i32
          %ne3A_838 = arith.constant 0 : i32
          %ne3A_839 = arith.cmpi ne, %rem3A_837, %ne3A_838 : i32
          %and3A_840 = arith.andi %ne3A_836, %ne3A_839 : i1
          %sub3A_841 = arith.constant 1 : i32
          %sub3A_842 = arith.subi %div3A_821, %sub3A_841 : i32
          %select_n3A_843 = arith.select %and3A_840, %sub3A_842, %div3A_821 : i32
          %add3A_844 = vector.broadcast %select_n3A_843 : i32 to vector<16xi32>
          %add3A_845 = arith.addi %broadcast_in_dim3A_819, %add3A_844 : vector<16xi32>
          %rem3A_846 = arith.constant 4 : i32
          %rem3A_847 = arith.remsi %add3A_811, %rem3A_846 : i32
          %mul3A_848 = arith.constant 32 : i32
          %mul3A_849 = arith.muli %rem3A_847, %mul3A_848 : i32
          %add3A_850 = vector.broadcast %mul3A_849 : i32 to vector<16xi32>
          %add3A_851 = arith.addi %iota3A, %add3A_850 : vector<16xi32>
          tpu.vector_store_idx %arg17[%add3A_845, %add3A_851], %gather3A_816 : memref<32x128xf32, #tpu.memory_space<vmem>>[vector<16xi32>, vector<16xi32>], vector<16xf32>,
          %add3A_852 = vector.broadcast %mul3A_849 : i32 to vector<16xi32>
          %add3A_853 = arith.addi %add3A_5, %add3A_852 : vector<16xi32>
          tpu.vector_store_idx %arg17[%add3A_845, %add3A_853], %gather3A_817 : memref<32x128xf32, #tpu.memory_space<vmem>>[vector<16xi32>, vector<16xi32>], vector<16xf32>,
          %mul3A_854 = arith.constant 16 : i32
          %mul3A_855 = arith.muli %scan3A_487, %mul3A_854 : i32
          %add3A_856 = arith.constant 8 : i32
          %add3A_857 = arith.addi %mul3A_855, %add3A_856 : i32
          %broadcast_in_dim3A_858 = arith.constant 0 : i32
          %broadcast_in_dim3A_859 = vector.broadcast %broadcast_in_dim3A_858 : i32 to vector<16xi32>
          %add3A_860 = vector.broadcast %add3A_857 : i32 to vector<16xi32>
          %add3A_861 = arith.addi %broadcast_in_dim3A_859, %add3A_860 : vector<16xi32>
          %gather3A_862 = tpu.vector_load_idx %arg16[%iota3A, %add3A_861] : memref<32x128xf32, #tpu.memory_space<vmem>>[vector<16xi32>, vector<16xi32>], vector<16xf32>,
          %gather3A_863 = tpu.vector_load_idx %arg16[%add3A_5, %add3A_861] : memref<32x128xf32, #tpu.memory_space<vmem>>[vector<16xi32>, vector<16xi32>], vector<16xf32>,
          %broadcast_in_dim3A_864 = arith.constant 0 : i32
          %broadcast_in_dim3A_865 = vector.broadcast %broadcast_in_dim3A_864 : i32 to vector<16xi32>
          %jit3A_866 = arith.constant 4 : i32
          %div3A_867 = arith.divsi %add3A_857, %jit3A_866 : i32
          %sign3A_868 = arith.constant 0 : i32
          %sign3A_869 = arith.cmpi sgt, %add3A_857, %sign3A_868 : i32
          %sign3A_870 = arith.extui %sign3A_869 : i1 to i32
          %sign3A_871 = arith.constant 0 : i32
          %sign3A_872 = arith.cmpi slt, %add3A_857, %sign3A_871 : i32
          %sign3A_873 = arith.extui %sign3A_872 : i1 to i32
          %sign3A_874 = arith.subi %sign3A_870, %sign3A_873 : i32
          %sign3A_875 = arith.constant 0 : i32
          %sign3A_876 = arith.cmpi sgt, %jit3A_866, %sign3A_875 : i32
          %sign3A_877 = arith.extui %sign3A_876 : i1 to i32
          %sign3A_878 = arith.constant 0 : i32
          %sign3A_879 = arith.cmpi slt, %jit3A_866, %sign3A_878 : i32
          %sign3A_880 = arith.extui %sign3A_879 : i1 to i32
          %sign3A_881 = arith.subi %sign3A_877, %sign3A_880 : i32
          %ne3A_882 = arith.cmpi ne, %sign3A_874, %sign3A_881 : i32
          %rem3A_883 = arith.remsi %add3A_857, %jit3A_866 : i32
          %ne3A_884 = arith.constant 0 : i32
          %ne3A_885 = arith.cmpi ne, %rem3A_883, %ne3A_884 : i32
          %and3A_886 = arith.andi %ne3A_882, %ne3A_885 : i1
          %sub3A_887 = arith.constant 1 : i32
          %sub3A_888 = arith.subi %div3A_867, %sub3A_887 : i32
          %select_n3A_889 = arith.select %and3A_886, %sub3A_888, %div3A_867 : i32
          %add3A_890 = vector.broadcast %select_n3A_889 : i32 to vector<16xi32>
          %add3A_891 = arith.addi %broadcast_in_dim3A_865, %add3A_890 : vector<16xi32>
          %rem3A_892 = arith.constant 4 : i32
          %rem3A_893 = arith.remsi %add3A_857, %rem3A_892 : i32
          %mul3A_894 = arith.constant 32 : i32
          %mul3A_895 = arith.muli %rem3A_893, %mul3A_894 : i32
          %add3A_896 = vector.broadcast %mul3A_895 : i32 to vector<16xi32>
          %add3A_897 = arith.addi %iota3A, %add3A_896 : vector<16xi32>
          tpu.vector_store_idx %arg17[%add3A_891, %add3A_897], %gather3A_862 : memref<32x128xf32, #tpu.memory_space<vmem>>[vector<16xi32>, vector<16xi32>], vector<16xf32>,
          %add3A_898 = vector.broadcast %mul3A_895 : i32 to vector<16xi32>
          %add3A_899 = arith.addi %add3A_5, %add3A_898 : vector<16xi32>
          tpu.vector_store_idx %arg17[%add3A_891, %add3A_899], %gather3A_863 : memref<32x128xf32, #tpu.memory_space<vmem>>[vector<16xi32>, vector<16xi32>], vector<16xf32>,
          %mul3A_900 = arith.constant 16 : i32
          %mul3A_901 = arith.muli %scan3A_487, %mul3A_900 : i32
          %add3A_902 = arith.constant 9 : i32
          %add3A_903 = arith.addi %mul3A_901, %add3A_902 : i32
          %broadcast_in_dim3A_904 = arith.constant 0 : i32
          %broadcast_in_dim3A_905 = vector.broadcast %broadcast_in_dim3A_904 : i32 to vector<16xi32>
          %add3A_906 = vector.broadcast %add3A_903 : i32 to vector<16xi32>
          %add3A_907 = arith.addi %broadcast_in_dim3A_905, %add3A_906 : vector<16xi32>
          %gather3A_908 = tpu.vector_load_idx %arg16[%iota3A, %add3A_907] : memref<32x128xf32, #tpu.memory_space<vmem>>[vector<16xi32>, vector<16xi32>], vector<16xf32>,
          %gather3A_909 = tpu.vector_load_idx %arg16[%add3A_5, %add3A_907] : memref<32x128xf32, #tpu.memory_space<vmem>>[vector<16xi32>, vector<16xi32>], vector<16xf32>,
          %broadcast_in_dim3A_910 = arith.constant 0 : i32
          %broadcast_in_dim3A_911 = vector.broadcast %broadcast_in_dim3A_910 : i32 to vector<16xi32>
          %jit3A_912 = arith.constant 4 : i32
          %div3A_913 = arith.divsi %add3A_903, %jit3A_912 : i32
          %sign3A_914 = arith.constant 0 : i32
          %sign3A_915 = arith.cmpi sgt, %add3A_903, %sign3A_914 : i32
          %sign3A_916 = arith.extui %sign3A_915 : i1 to i32
          %sign3A_917 = arith.constant 0 : i32
          %sign3A_918 = arith.cmpi slt, %add3A_903, %sign3A_917 : i32
          %sign3A_919 = arith.extui %sign3A_918 : i1 to i32
          %sign3A_920 = arith.subi %sign3A_916, %sign3A_919 : i32
          %sign3A_921 = arith.constant 0 : i32
          %sign3A_922 = arith.cmpi sgt, %jit3A_912, %sign3A_921 : i32
          %sign3A_923 = arith.extui %sign3A_922 : i1 to i32
          %sign3A_924 = arith.constant 0 : i32
          %sign3A_925 = arith.cmpi slt, %jit3A_912, %sign3A_924 : i32
          %sign3A_926 = arith.extui %sign3A_925 : i1 to i32
          %sign3A_927 = arith.subi %sign3A_923, %sign3A_926 : i32
          %ne3A_928 = arith.cmpi ne, %sign3A_920, %sign3A_927 : i32
          %rem3A_929 = arith.remsi %add3A_903, %jit3A_912 : i32
          %ne3A_930 = arith.constant 0 : i32
          %ne3A_931 = arith.cmpi ne, %rem3A_929, %ne3A_930 : i32
          %and3A_932 = arith.andi %ne3A_928, %ne3A_931 : i1
          %sub3A_933 = arith.constant 1 : i32
          %sub3A_934 = arith.subi %div3A_913, %sub3A_933 : i32
          %select_n3A_935 = arith.select %and3A_932, %sub3A_934, %div3A_913 : i32
          %add3A_936 = vector.broadcast %select_n3A_935 : i32 to vector<16xi32>
          %add3A_937 = arith.addi %broadcast_in_dim3A_911, %add3A_936 : vector<16xi32>
          %rem3A_938 = arith.constant 4 : i32
          %rem3A_939 = arith.remsi %add3A_903, %rem3A_938 : i32
          %mul3A_940 = arith.constant 32 : i32
          %mul3A_941 = arith.muli %rem3A_939, %mul3A_940 : i32
          %add3A_942 = vector.broadcast %mul3A_941 : i32 to vector<16xi32>
          %add3A_943 = arith.addi %iota3A, %add3A_942 : vector<16xi32>
          tpu.vector_store_idx %arg17[%add3A_937, %add3A_943], %gather3A_908 : memref<32x128xf32, #tpu.memory_space<vmem>>[vector<16xi32>, vector<16xi32>], vector<16xf32>,
          %add3A_944 = vector.broadcast %mul3A_941 : i32 to vector<16xi32>
          %add3A_945 = arith.addi %add3A_5, %add3A_944 : vector<16xi32>
          tpu.vector_store_idx %arg17[%add3A_937, %add3A_945], %gather3A_909 : memref<32x128xf32, #tpu.memory_space<vmem>>[vector<16xi32>, vector<16xi32>], vector<16xf32>,
          %mul3A_946 = arith.constant 16 : i32
          %mul3A_947 = arith.muli %scan3A_487, %mul3A_946 : i32
          %add3A_948 = arith.constant 10 : i32
          %add3A_949 = arith.addi %mul3A_947, %add3A_948 : i32
          %broadcast_in_dim3A_950 = arith.constant 0 : i32
          %broadcast_in_dim3A_951 = vector.broadcast %broadcast_in_dim3A_950 : i32 to vector<16xi32>
          %add3A_952 = vector.broadcast %add3A_949 : i32 to vector<16xi32>
          %add3A_953 = arith.addi %broadcast_in_dim3A_951, %add3A_952 : vector<16xi32>
          %gather3A_954 = tpu.vector_load_idx %arg16[%iota3A, %add3A_953] : memref<32x128xf32, #tpu.memory_space<vmem>>[vector<16xi32>, vector<16xi32>], vector<16xf32>,
          %gather3A_955 = tpu.vector_load_idx %arg16[%add3A_5, %add3A_953] : memref<32x128xf32, #tpu.memory_space<vmem>>[vector<16xi32>, vector<16xi32>], vector<16xf32>,
          %broadcast_in_dim3A_956 = arith.constant 0 : i32
          %broadcast_in_dim3A_957 = vector.broadcast %broadcast_in_dim3A_956 : i32 to vector<16xi32>
          %jit3A_958 = arith.constant 4 : i32
          %div3A_959 = arith.divsi %add3A_949, %jit3A_958 : i32
          %sign3A_960 = arith.constant 0 : i32
          %sign3A_961 = arith.cmpi sgt, %add3A_949, %sign3A_960 : i32
          %sign3A_962 = arith.extui %sign3A_961 : i1 to i32
          %sign3A_963 = arith.constant 0 : i32
          %sign3A_964 = arith.cmpi slt, %add3A_949, %sign3A_963 : i32
          %sign3A_965 = arith.extui %sign3A_964 : i1 to i32
          %sign3A_966 = arith.subi %sign3A_962, %sign3A_965 : i32
          %sign3A_967 = arith.constant 0 : i32
          %sign3A_968 = arith.cmpi sgt, %jit3A_958, %sign3A_967 : i32
          %sign3A_969 = arith.extui %sign3A_968 : i1 to i32
          %sign3A_970 = arith.constant 0 : i32
          %sign3A_971 = arith.cmpi slt, %jit3A_958, %sign3A_970 : i32
          %sign3A_972 = arith.extui %sign3A_971 : i1 to i32
          %sign3A_973 = arith.subi %sign3A_969, %sign3A_972 : i32
          %ne3A_974 = arith.cmpi ne, %sign3A_966, %sign3A_973 : i32
          %rem3A_975 = arith.remsi %add3A_949, %jit3A_958 : i32
          %ne3A_976 = arith.constant 0 : i32
          %ne3A_977 = arith.cmpi ne, %rem3A_975, %ne3A_976 : i32
          %and3A_978 = arith.andi %ne3A_974, %ne3A_977 : i1
          %sub3A_979 = arith.constant 1 : i32
          %sub3A_980 = arith.subi %div3A_959, %sub3A_979 : i32
          %select_n3A_981 = arith.select %and3A_978, %sub3A_980, %div3A_959 : i32
          %add3A_982 = vector.broadcast %select_n3A_981 : i32 to vector<16xi32>
          %add3A_983 = arith.addi %broadcast_in_dim3A_957, %add3A_982 : vector<16xi32>
          %rem3A_984 = arith.constant 4 : i32
          %rem3A_985 = arith.remsi %add3A_949, %rem3A_984 : i32
          %mul3A_986 = arith.constant 32 : i32
          %mul3A_987 = arith.muli %rem3A_985, %mul3A_986 : i32
          %add3A_988 = vector.broadcast %mul3A_987 : i32 to vector<16xi32>
          %add3A_989 = arith.addi %iota3A, %add3A_988 : vector<16xi32>
          tpu.vector_store_idx %arg17[%add3A_983, %add3A_989], %gather3A_954 : memref<32x128xf32, #tpu.memory_space<vmem>>[vector<16xi32>, vector<16xi32>], vector<16xf32>,
          %add3A_990 = vector.broadcast %mul3A_987 : i32 to vector<16xi32>
          %add3A_991 = arith.addi %add3A_5, %add3A_990 : vector<16xi32>
          tpu.vector_store_idx %arg17[%add3A_983, %add3A_991], %gather3A_955 : memref<32x128xf32, #tpu.memory_space<vmem>>[vector<16xi32>, vector<16xi32>], vector<16xf32>,
          %mul3A_992 = arith.constant 16 : i32
          %mul3A_993 = arith.muli %scan3A_487, %mul3A_992 : i32
          %add3A_994 = arith.constant 11 : i32
          %add3A_995 = arith.addi %mul3A_993, %add3A_994 : i32
          %broadcast_in_dim3A_996 = arith.constant 0 : i32
          %broadcast_in_dim3A_997 = vector.broadcast %broadcast_in_dim3A_996 : i32 to vector<16xi32>
          %add3A_998 = vector.broadcast %add3A_995 : i32 to vector<16xi32>
          %add3A_999 = arith.addi %broadcast_in_dim3A_997, %add3A_998 : vector<16xi32>
          %gather3A_1000 = tpu.vector_load_idx %arg16[%iota3A, %add3A_999] : memref<32x128xf32, #tpu.memory_space<vmem>>[vector<16xi32>, vector<16xi32>], vector<16xf32>,
          %gather3A_1001 = tpu.vector_load_idx %arg16[%add3A_5, %add3A_999] : memref<32x128xf32, #tpu.memory_space<vmem>>[vector<16xi32>, vector<16xi32>], vector<16xf32>,
          %broadcast_in_dim3A_1002 = arith.constant 0 : i32
          %broadcast_in_dim3A_1003 = vector.broadcast %broadcast_in_dim3A_1002 : i32 to vector<16xi32>
          %jit3A_1004 = arith.constant 4 : i32
          %div3A_1005 = arith.divsi %add3A_995, %jit3A_1004 : i32
          %sign3A_1006 = arith.constant 0 : i32
          %sign3A_1007 = arith.cmpi sgt, %add3A_995, %sign3A_1006 : i32
          %sign3A_1008 = arith.extui %sign3A_1007 : i1 to i32
          %sign3A_1009 = arith.constant 0 : i32
          %sign3A_1010 = arith.cmpi slt, %add3A_995, %sign3A_1009 : i32
          %sign3A_1011 = arith.extui %sign3A_1010 : i1 to i32
          %sign3A_1012 = arith.subi %sign3A_1008, %sign3A_1011 : i32
          %sign3A_1013 = arith.constant 0 : i32
          %sign3A_1014 = arith.cmpi sgt, %jit3A_1004, %sign3A_1013 : i32
          %sign3A_1015 = arith.extui %sign3A_1014 : i1 to i32
          %sign3A_1016 = arith.constant 0 : i32
          %sign3A_1017 = arith.cmpi slt, %jit3A_1004, %sign3A_1016 : i32
          %sign3A_1018 = arith.extui %sign3A_1017 : i1 to i32
          %sign3A_1019 = arith.subi %sign3A_1015, %sign3A_1018 : i32
          %ne3A_1020 = arith.cmpi ne, %sign3A_1012, %sign3A_1019 : i32
          %rem3A_1021 = arith.remsi %add3A_995, %jit3A_1004 : i32
          %ne3A_1022 = arith.constant 0 : i32
          %ne3A_1023 = arith.cmpi ne, %rem3A_1021, %ne3A_1022 : i32
          %and3A_1024 = arith.andi %ne3A_1020, %ne3A_1023 : i1
          %sub3A_1025 = arith.constant 1 : i32
          %sub3A_1026 = arith.subi %div3A_1005, %sub3A_1025 : i32
          %select_n3A_1027 = arith.select %and3A_1024, %sub3A_1026, %div3A_1005 : i32
          %add3A_1028 = vector.broadcast %select_n3A_1027 : i32 to vector<16xi32>
          %add3A_1029 = arith.addi %broadcast_in_dim3A_1003, %add3A_1028 : vector<16xi32>
          %rem3A_1030 = arith.constant 4 : i32
          %rem3A_1031 = arith.remsi %add3A_995, %rem3A_1030 : i32
          %mul3A_1032 = arith.constant 32 : i32
          %mul3A_1033 = arith.muli %rem3A_1031, %mul3A_1032 : i32
          %add3A_1034 = vector.broadcast %mul3A_1033 : i32 to vector<16xi32>
          %add3A_1035 = arith.addi %iota3A, %add3A_1034 : vector<16xi32>
          tpu.vector_store_idx %arg17[%add3A_1029, %add3A_1035], %gather3A_1000 : memref<32x128xf32, #tpu.memory_space<vmem>>[vector<16xi32>, vector<16xi32>], vector<16xf32>,
          %add3A_1036 = vector.broadcast %mul3A_1033 : i32 to vector<16xi32>
          %add3A_1037 = arith.addi %add3A_5, %add3A_1036 : vector<16xi32>
          tpu.vector_store_idx %arg17[%add3A_1029, %add3A_1037], %gather3A_1001 : memref<32x128xf32, #tpu.memory_space<vmem>>[vector<16xi32>, vector<16xi32>], vector<16xf32>,
          %mul3A_1038 = arith.constant 16 : i32
          %mul3A_1039 = arith.muli %scan3A_487, %mul3A_1038 : i32
          %add3A_1040 = arith.constant 12 : i32
          %add3A_1041 = arith.addi %mul3A_1039, %add3A_1040 : i32
          %broadcast_in_dim3A_1042 = arith.constant 0 : i32
          %broadcast_in_dim3A_1043 = vector.broadcast %broadcast_in_dim3A_1042 : i32 to vector<16xi32>
          %add3A_1044 = vector.broadcast %add3A_1041 : i32 to vector<16xi32>
          %add3A_1045 = arith.addi %broadcast_in_dim3A_1043, %add3A_1044 : vector<16xi32>
          %gather3A_1046 = tpu.vector_load_idx %arg16[%iota3A, %add3A_1045] : memref<32x128xf32, #tpu.memory_space<vmem>>[vector<16xi32>, vector<16xi32>], vector<16xf32>,
          %gather3A_1047 = tpu.vector_load_idx %arg16[%add3A_5, %add3A_1045] : memref<32x128xf32, #tpu.memory_space<vmem>>[vector<16xi32>, vector<16xi32>], vector<16xf32>,
          %broadcast_in_dim3A_1048 = arith.constant 0 : i32
          %broadcast_in_dim3A_1049 = vector.broadcast %broadcast_in_dim3A_1048 : i32 to vector<16xi32>
          %jit3A_1050 = arith.constant 4 : i32
          %div3A_1051 = arith.divsi %add3A_1041, %jit3A_1050 : i32
          %sign3A_1052 = arith.constant 0 : i32
          %sign3A_1053 = arith.cmpi sgt, %add3A_1041, %sign3A_1052 : i32
          %sign3A_1054 = arith.extui %sign3A_1053 : i1 to i32
          %sign3A_1055 = arith.constant 0 : i32
          %sign3A_1056 = arith.cmpi slt, %add3A_1041, %sign3A_1055 : i32
          %sign3A_1057 = arith.extui %sign3A_1056 : i1 to i32
          %sign3A_1058 = arith.subi %sign3A_1054, %sign3A_1057 : i32
          %sign3A_1059 = arith.constant 0 : i32
          %sign3A_1060 = arith.cmpi sgt, %jit3A_1050, %sign3A_1059 : i32
          %sign3A_1061 = arith.extui %sign3A_1060 : i1 to i32
          %sign3A_1062 = arith.constant 0 : i32
          %sign3A_1063 = arith.cmpi slt, %jit3A_1050, %sign3A_1062 : i32
          %sign3A_1064 = arith.extui %sign3A_1063 : i1 to i32
          %sign3A_1065 = arith.subi %sign3A_1061, %sign3A_1064 : i32
          %ne3A_1066 = arith.cmpi ne, %sign3A_1058, %sign3A_1065 : i32
          %rem3A_1067 = arith.remsi %add3A_1041, %jit3A_1050 : i32
          %ne3A_1068 = arith.constant 0 : i32
          %ne3A_1069 = arith.cmpi ne, %rem3A_1067, %ne3A_1068 : i32
          %and3A_1070 = arith.andi %ne3A_1066, %ne3A_1069 : i1
          %sub3A_1071 = arith.constant 1 : i32
          %sub3A_1072 = arith.subi %div3A_1051, %sub3A_1071 : i32
          %select_n3A_1073 = arith.select %and3A_1070, %sub3A_1072, %div3A_1051 : i32
          %add3A_1074 = vector.broadcast %select_n3A_1073 : i32 to vector<16xi32>
          %add3A_1075 = arith.addi %broadcast_in_dim3A_1049, %add3A_1074 : vector<16xi32>
          %rem3A_1076 = arith.constant 4 : i32
          %rem3A_1077 = arith.remsi %add3A_1041, %rem3A_1076 : i32
          %mul3A_1078 = arith.constant 32 : i32
          %mul3A_1079 = arith.muli %rem3A_1077, %mul3A_1078 : i32
          %add3A_1080 = vector.broadcast %mul3A_1079 : i32 to vector<16xi32>
          %add3A_1081 = arith.addi %iota3A, %add3A_1080 : vector<16xi32>
          tpu.vector_store_idx %arg17[%add3A_1075, %add3A_1081], %gather3A_1046 : memref<32x128xf32, #tpu.memory_space<vmem>>[vector<16xi32>, vector<16xi32>], vector<16xf32>,
          %add3A_1082 = vector.broadcast %mul3A_1079 : i32 to vector<16xi32>
          %add3A_1083 = arith.addi %add3A_5, %add3A_1082 : vector<16xi32>
          tpu.vector_store_idx %arg17[%add3A_1075, %add3A_1083], %gather3A_1047 : memref<32x128xf32, #tpu.memory_space<vmem>>[vector<16xi32>, vector<16xi32>], vector<16xf32>,
          %mul3A_1084 = arith.constant 16 : i32
          %mul3A_1085 = arith.muli %scan3A_487, %mul3A_1084 : i32
          %add3A_1086 = arith.constant 13 : i32
          %add3A_1087 = arith.addi %mul3A_1085, %add3A_1086 : i32
          %broadcast_in_dim3A_1088 = arith.constant 0 : i32
          %broadcast_in_dim3A_1089 = vector.broadcast %broadcast_in_dim3A_1088 : i32 to vector<16xi32>
          %add3A_1090 = vector.broadcast %add3A_1087 : i32 to vector<16xi32>
          %add3A_1091 = arith.addi %broadcast_in_dim3A_1089, %add3A_1090 : vector<16xi32>
          %gather3A_1092 = tpu.vector_load_idx %arg16[%iota3A, %add3A_1091] : memref<32x128xf32, #tpu.memory_space<vmem>>[vector<16xi32>, vector<16xi32>], vector<16xf32>,
          %gather3A_1093 = tpu.vector_load_idx %arg16[%add3A_5, %add3A_1091] : memref<32x128xf32, #tpu.memory_space<vmem>>[vector<16xi32>, vector<16xi32>], vector<16xf32>,
          %broadcast_in_dim3A_1094 = arith.constant 0 : i32
          %broadcast_in_dim3A_1095 = vector.broadcast %broadcast_in_dim3A_1094 : i32 to vector<16xi32>
          %jit3A_1096 = arith.constant 4 : i32
          %div3A_1097 = arith.divsi %add3A_1087, %jit3A_1096 : i32
          %sign3A_1098 = arith.constant 0 : i32
          %sign3A_1099 = arith.cmpi sgt, %add3A_1087, %sign3A_1098 : i32
          %sign3A_1100 = arith.extui %sign3A_1099 : i1 to i32
          %sign3A_1101 = arith.constant 0 : i32
          %sign3A_1102 = arith.cmpi slt, %add3A_1087, %sign3A_1101 : i32
          %sign3A_1103 = arith.extui %sign3A_1102 : i1 to i32
          %sign3A_1104 = arith.subi %sign3A_1100, %sign3A_1103 : i32
          %sign3A_1105 = arith.constant 0 : i32
          %sign3A_1106 = arith.cmpi sgt, %jit3A_1096, %sign3A_1105 : i32
          %sign3A_1107 = arith.extui %sign3A_1106 : i1 to i32
          %sign3A_1108 = arith.constant 0 : i32
          %sign3A_1109 = arith.cmpi slt, %jit3A_1096, %sign3A_1108 : i32
          %sign3A_1110 = arith.extui %sign3A_1109 : i1 to i32
          %sign3A_1111 = arith.subi %sign3A_1107, %sign3A_1110 : i32
          %ne3A_1112 = arith.cmpi ne, %sign3A_1104, %sign3A_1111 : i32
          %rem3A_1113 = arith.remsi %add3A_1087, %jit3A_1096 : i32
          %ne3A_1114 = arith.constant 0 : i32
          %ne3A_1115 = arith.cmpi ne, %rem3A_1113, %ne3A_1114 : i32
          %and3A_1116 = arith.andi %ne3A_1112, %ne3A_1115 : i1
          %sub3A_1117 = arith.constant 1 : i32
          %sub3A_1118 = arith.subi %div3A_1097, %sub3A_1117 : i32
          %select_n3A_1119 = arith.select %and3A_1116, %sub3A_1118, %div3A_1097 : i32
          %add3A_1120 = vector.broadcast %select_n3A_1119 : i32 to vector<16xi32>
          %add3A_1121 = arith.addi %broadcast_in_dim3A_1095, %add3A_1120 : vector<16xi32>
          %rem3A_1122 = arith.constant 4 : i32
          %rem3A_1123 = arith.remsi %add3A_1087, %rem3A_1122 : i32
          %mul3A_1124 = arith.constant 32 : i32
          %mul3A_1125 = arith.muli %rem3A_1123, %mul3A_1124 : i32
          %add3A_1126 = vector.broadcast %mul3A_1125 : i32 to vector<16xi32>
          %add3A_1127 = arith.addi %iota3A, %add3A_1126 : vector<16xi32>
          tpu.vector_store_idx %arg17[%add3A_1121, %add3A_1127], %gather3A_1092 : memref<32x128xf32, #tpu.memory_space<vmem>>[vector<16xi32>, vector<16xi32>], vector<16xf32>,
          %add3A_1128 = vector.broadcast %mul3A_1125 : i32 to vector<16xi32>
          %add3A_1129 = arith.addi %add3A_5, %add3A_1128 : vector<16xi32>
          tpu.vector_store_idx %arg17[%add3A_1121, %add3A_1129], %gather3A_1093 : memref<32x128xf32, #tpu.memory_space<vmem>>[vector<16xi32>, vector<16xi32>], vector<16xf32>,
          %mul3A_1130 = arith.constant 16 : i32
          %mul3A_1131 = arith.muli %scan3A_487, %mul3A_1130 : i32
          %add3A_1132 = arith.constant 14 : i32
          %add3A_1133 = arith.addi %mul3A_1131, %add3A_1132 : i32
          %broadcast_in_dim3A_1134 = arith.constant 0 : i32
          %broadcast_in_dim3A_1135 = vector.broadcast %broadcast_in_dim3A_1134 : i32 to vector<16xi32>
          %add3A_1136 = vector.broadcast %add3A_1133 : i32 to vector<16xi32>
          %add3A_1137 = arith.addi %broadcast_in_dim3A_1135, %add3A_1136 : vector<16xi32>
          %gather3A_1138 = tpu.vector_load_idx %arg16[%iota3A, %add3A_1137] : memref<32x128xf32, #tpu.memory_space<vmem>>[vector<16xi32>, vector<16xi32>], vector<16xf32>,
          %gather3A_1139 = tpu.vector_load_idx %arg16[%add3A_5, %add3A_1137] : memref<32x128xf32, #tpu.memory_space<vmem>>[vector<16xi32>, vector<16xi32>], vector<16xf32>,
          %broadcast_in_dim3A_1140 = arith.constant 0 : i32
          %broadcast_in_dim3A_1141 = vector.broadcast %broadcast_in_dim3A_1140 : i32 to vector<16xi32>
          %jit3A_1142 = arith.constant 4 : i32
          %div3A_1143 = arith.divsi %add3A_1133, %jit3A_1142 : i32
          %sign3A_1144 = arith.constant 0 : i32
          %sign3A_1145 = arith.cmpi sgt, %add3A_1133, %sign3A_1144 : i32
          %sign3A_1146 = arith.extui %sign3A_1145 : i1 to i32
          %sign3A_1147 = arith.constant 0 : i32
          %sign3A_1148 = arith.cmpi slt, %add3A_1133, %sign3A_1147 : i32
          %sign3A_1149 = arith.extui %sign3A_1148 : i1 to i32
          %sign3A_1150 = arith.subi %sign3A_1146, %sign3A_1149 : i32
          %sign3A_1151 = arith.constant 0 : i32
          %sign3A_1152 = arith.cmpi sgt, %jit3A_1142, %sign3A_1151 : i32
          %sign3A_1153 = arith.extui %sign3A_1152 : i1 to i32
          %sign3A_1154 = arith.constant 0 : i32
          %sign3A_1155 = arith.cmpi slt, %jit3A_1142, %sign3A_1154 : i32
          %sign3A_1156 = arith.extui %sign3A_1155 : i1 to i32
          %sign3A_1157 = arith.subi %sign3A_1153, %sign3A_1156 : i32
          %ne3A_1158 = arith.cmpi ne, %sign3A_1150, %sign3A_1157 : i32
          %rem3A_1159 = arith.remsi %add3A_1133, %jit3A_1142 : i32
          %ne3A_1160 = arith.constant 0 : i32
          %ne3A_1161 = arith.cmpi ne, %rem3A_1159, %ne3A_1160 : i32
          %and3A_1162 = arith.andi %ne3A_1158, %ne3A_1161 : i1
          %sub3A_1163 = arith.constant 1 : i32
          %sub3A_1164 = arith.subi %div3A_1143, %sub3A_1163 : i32
          %select_n3A_1165 = arith.select %and3A_1162, %sub3A_1164, %div3A_1143 : i32
          %add3A_1166 = vector.broadcast %select_n3A_1165 : i32 to vector<16xi32>
          %add3A_1167 = arith.addi %broadcast_in_dim3A_1141, %add3A_1166 : vector<16xi32>
          %rem3A_1168 = arith.constant 4 : i32
          %rem3A_1169 = arith.remsi %add3A_1133, %rem3A_1168 : i32
          %mul3A_1170 = arith.constant 32 : i32
          %mul3A_1171 = arith.muli %rem3A_1169, %mul3A_1170 : i32
          %add3A_1172 = vector.broadcast %mul3A_1171 : i32 to vector<16xi32>
          %add3A_1173 = arith.addi %iota3A, %add3A_1172 : vector<16xi32>
          tpu.vector_store_idx %arg17[%add3A_1167, %add3A_1173], %gather3A_1138 : memref<32x128xf32, #tpu.memory_space<vmem>>[vector<16xi32>, vector<16xi32>], vector<16xf32>,
          %add3A_1174 = vector.broadcast %mul3A_1171 : i32 to vector<16xi32>
          %add3A_1175 = arith.addi %add3A_5, %add3A_1174 : vector<16xi32>
          tpu.vector_store_idx %arg17[%add3A_1167, %add3A_1175], %gather3A_1139 : memref<32x128xf32, #tpu.memory_space<vmem>>[vector<16xi32>, vector<16xi32>], vector<16xf32>,
          %mul3A_1176 = arith.constant 16 : i32
          %mul3A_1177 = arith.muli %scan3A_487, %mul3A_1176 : i32
          %add3A_1178 = arith.constant 15 : i32
          %add3A_1179 = arith.addi %mul3A_1177, %add3A_1178 : i32
          %broadcast_in_dim3A_1180 = arith.constant 0 : i32
          %broadcast_in_dim3A_1181 = vector.broadcast %broadcast_in_dim3A_1180 : i32 to vector<16xi32>
          %add3A_1182 = vector.broadcast %add3A_1179 : i32 to vector<16xi32>
          %add3A_1183 = arith.addi %broadcast_in_dim3A_1181, %add3A_1182 : vector<16xi32>
          %gather3A_1184 = tpu.vector_load_idx %arg16[%iota3A, %add3A_1183] : memref<32x128xf32, #tpu.memory_space<vmem>>[vector<16xi32>, vector<16xi32>], vector<16xf32>,
          %gather3A_1185 = tpu.vector_load_idx %arg16[%add3A_5, %add3A_1183] : memref<32x128xf32, #tpu.memory_space<vmem>>[vector<16xi32>, vector<16xi32>], vector<16xf32>,
          %broadcast_in_dim3A_1186 = arith.constant 0 : i32
          %broadcast_in_dim3A_1187 = vector.broadcast %broadcast_in_dim3A_1186 : i32 to vector<16xi32>
          %jit3A_1188 = arith.constant 4 : i32
          %div3A_1189 = arith.divsi %add3A_1179, %jit3A_1188 : i32
          %sign3A_1190 = arith.constant 0 : i32
          %sign3A_1191 = arith.cmpi sgt, %add3A_1179, %sign3A_1190 : i32
          %sign3A_1192 = arith.extui %sign3A_1191 : i1 to i32
          %sign3A_1193 = arith.constant 0 : i32
          %sign3A_1194 = arith.cmpi slt, %add3A_1179, %sign3A_1193 : i32
          %sign3A_1195 = arith.extui %sign3A_1194 : i1 to i32
          %sign3A_1196 = arith.subi %sign3A_1192, %sign3A_1195 : i32
          %sign3A_1197 = arith.constant 0 : i32
          %sign3A_1198 = arith.cmpi sgt, %jit3A_1188, %sign3A_1197 : i32
          %sign3A_1199 = arith.extui %sign3A_1198 : i1 to i32
          %sign3A_1200 = arith.constant 0 : i32
          %sign3A_1201 = arith.cmpi slt, %jit3A_1188, %sign3A_1200 : i32
          %sign3A_1202 = arith.extui %sign3A_1201 : i1 to i32
          %sign3A_1203 = arith.subi %sign3A_1199, %sign3A_1202 : i32
          %ne3A_1204 = arith.cmpi ne, %sign3A_1196, %sign3A_1203 : i32
          %rem3A_1205 = arith.remsi %add3A_1179, %jit3A_1188 : i32
          %ne3A_1206 = arith.constant 0 : i32
          %ne3A_1207 = arith.cmpi ne, %rem3A_1205, %ne3A_1206 : i32
          %and3A_1208 = arith.andi %ne3A_1204, %ne3A_1207 : i1
          %sub3A_1209 = arith.constant 1 : i32
          %sub3A_1210 = arith.subi %div3A_1189, %sub3A_1209 : i32
          %select_n3A_1211 = arith.select %and3A_1208, %sub3A_1210, %div3A_1189 : i32
          %add3A_1212 = vector.broadcast %select_n3A_1211 : i32 to vector<16xi32>
          %add3A_1213 = arith.addi %broadcast_in_dim3A_1187, %add3A_1212 : vector<16xi32>
          %rem3A_1214 = arith.constant 4 : i32
          %rem3A_1215 = arith.remsi %add3A_1179, %rem3A_1214 : i32
          %mul3A_1216 = arith.constant 32 : i32
          %mul3A_1217 = arith.muli %rem3A_1215, %mul3A_1216 : i32
          %add3A_1218 = vector.broadcast %mul3A_1217 : i32 to vector<16xi32>
          %add3A_1219 = arith.addi %iota3A, %add3A_1218 : vector<16xi32>
          tpu.vector_store_idx %arg17[%add3A_1213, %add3A_1219], %gather3A_1184 : memref<32x128xf32, #tpu.memory_space<vmem>>[vector<16xi32>, vector<16xi32>], vector<16xf32>,
          %add3A_1220 = vector.broadcast %mul3A_1217 : i32 to vector<16xi32>
          %add3A_1221 = arith.addi %add3A_5, %add3A_1220 : vector<16xi32>
          tpu.vector_store_idx %arg17[%add3A_1213, %add3A_1221], %gather3A_1185 : memref<32x128xf32, #tpu.memory_space<vmem>>[vector<16xi32>, vector<16xi32>], vector<16xf32>,
        }
        %scan3A_483 = arith.constant 8 : i32
        %mul3A_484 = arith.constant 32 : i32
        %mul3A_485 = arith.muli %add3A_466, %mul3A_484 : i32
        %multiple_of3A_486 = tpu.assume_multiple %mul3A_485, 8 : i32
        "tpu.region"() ({
          %run_scoped3A = tpu.sem_alloc : memref<!tpu.dma_semaphore, #tpu.memory_space<semaphore_mem>>
          %dma_start3A_487 = arith.constant 0 : i32
          %dma_start3A_488 = tpu.memref_slice %arg9[%multiple_of3A_486, %dma_start3A_487] : memref<25280x128xf32, #tpu.memory_space<hbm>> -> memref<32x128xf32, #tpu.memory_space<hbm>>
          %dma_start3A_489 = arith.constant 0 : i32
          %dma_start3A_490 = tpu.memref_slice %arg9[%multiple_of3A_486, %dma_start3A_489] : memref<25280x128xf32, #tpu.memory_space<hbm>> -> memref<32x128xf32, #tpu.memory_space<hbm>>
          tpu.enqueue_dma source(%arg17 : memref<32x128xf32, #tpu.memory_space<vmem>>) target(%dma_start3A_490 : memref<32x128xf32, #tpu.memory_space<hbm>>) target_semaphore(%run_scoped3A : memref<!tpu.dma_semaphore, #tpu.memory_space<semaphore_mem>>)
          %dma_wait3A = arith.constant 0 : i32
          %dma_wait3A_491 = tpu.memref_slice %arg9[%multiple_of3A_486, %dma_wait3A] : memref<25280x128xf32, #tpu.memory_space<hbm>> -> memref<32x128xf32, #tpu.memory_space<hbm>>
          %dma_wait3A_492 = arith.constant 0 : i32
          %dma_wait3A_493 = tpu.memref_slice %arg9[%multiple_of3A_486, %dma_wait3A_492] : memref<25280x128xf32, #tpu.memory_space<hbm>> -> memref<32x128xf32, #tpu.memory_space<hbm>>
          tpu.wait_dma2 semaphore(%run_scoped3A : memref<!tpu.dma_semaphore, #tpu.memory_space<semaphore_mem>>) src(%arg17 : memref<32x128xf32, #tpu.memory_space<vmem>>) dst(%dma_wait3A_493 : memref<32x128xf32, #tpu.memory_space<hbm>>)
          tpu.yield
        }) : () -> ()
      } else {
      }
      %ge3A = arith.constant 782 : i32
      %ge3A_469 = arith.cmpi sge, %add3A_466, %ge3A : i32
      %lt3A_470 = arith.constant 790 : i32
      %lt3A_471 = arith.cmpi slt, %add3A_466, %lt3A_470 : i32
      %and3A_472 = arith.andi %ge3A_469, %lt3A_471 : i1
      %convert_element_type3A_473 = arith.extui %and3A_472 : i1 to i32
      %cond3A_474 = arith.constant 0 : i32
      %cond3A_475 = arith.cmpi ne, %convert_element_type3A_473, %cond3A_474 : i32
      scf.if %cond3A_475 {
        %sub3A_476 = arith.constant 782 : i32
        %sub3A_477 = arith.subi %add3A_466, %sub3A_476 : i32
        %mul3A_478 = arith.constant 128 : i32
        %mul3A_479 = arith.muli %sub3A_477, %mul3A_478 : i32
        %multiple_of3A = tpu.assume_multiple %mul3A_479, 128 : i32
        "tpu.region"() ({
          %run_scoped3A = tpu.sem_alloc : memref<!tpu.dma_semaphore, #tpu.memory_space<semaphore_mem>>
          %dma_start3A_489 = arith.constant 0 : i32
          %dma_start3A_490 = tpu.memref_slice %arg7[%dma_start3A_489, %multiple_of3A] : memref<32x1000xf32, #tpu.memory_space<hbm>> -> memref<32x128xf32, #tpu.memory_space<hbm>>
          %dma_start3A_491 = arith.constant 0 : i32
          %dma_start3A_492 = tpu.memref_slice %arg7[%dma_start3A_491, %multiple_of3A] : memref<32x1000xf32, #tpu.memory_space<hbm>> -> memref<32x128xf32, #tpu.memory_space<hbm>>
          tpu.enqueue_dma source(%dma_start3A_492 : memref<32x128xf32, #tpu.memory_space<hbm>>) target(%arg16 : memref<32x128xf32, #tpu.memory_space<vmem>>) target_semaphore(%run_scoped3A : memref<!tpu.dma_semaphore, #tpu.memory_space<semaphore_mem>>)
          %dma_wait3A = arith.constant 0 : i32
          %dma_wait3A_493 = tpu.memref_slice %arg7[%dma_wait3A, %multiple_of3A] : memref<32x1000xf32, #tpu.memory_space<hbm>> -> memref<32x128xf32, #tpu.memory_space<hbm>>
          %dma_wait3A_494 = arith.constant 0 : i32
          %dma_wait3A_495 = tpu.memref_slice %arg7[%dma_wait3A_494, %multiple_of3A] : memref<32x1000xf32, #tpu.memory_space<hbm>> -> memref<32x128xf32, #tpu.memory_space<hbm>>
          tpu.wait_dma2 semaphore(%run_scoped3A : memref<!tpu.dma_semaphore, #tpu.memory_space<semaphore_mem>>) src(%dma_wait3A_495 : memref<32x128xf32, #tpu.memory_space<hbm>>) dst(%arg16 : memref<32x128xf32, #tpu.memory_space<vmem>>)
          tpu.yield
        }) : () -> ()
        %scan3A_480 = arith.constant 0 : i32
        %scan3A_481 = arith.constant 0 : i32
        %scan3A_482 = arith.constant 8 : i32
        %scan3A_483 = arith.addi %scan3A_481, %scan3A_482 : i32
        %scan3A_484 = arith.constant 1 : i32
        scf.for %scan3A_489 = %scan3A_481 to %scan3A_483 step %scan3A_484  : i32 {
          %mul3A_490 = arith.constant 16 : i32
          %mul3A_491 = arith.muli %scan3A_489, %mul3A_490 : i32
          %add3A_492 = arith.constant 0 : i32
          %add3A_493 = arith.addi %mul3A_491, %add3A_492 : i32
          %broadcast_in_dim3A = arith.constant 0 : i32
          %broadcast_in_dim3A_494 = vector.broadcast %broadcast_in_dim3A : i32 to vector<16xi32>
          %add3A_495 = vector.broadcast %add3A_493 : i32 to vector<16xi32>
          %add3A_496 = arith.addi %broadcast_in_dim3A_494, %add3A_495 : vector<16xi32>
          %gather3A = tpu.vector_load_idx %arg16[%iota3A, %add3A_496] : memref<32x128xf32, #tpu.memory_space<vmem>>[vector<16xi32>, vector<16xi32>], vector<16xf32>,
          %gather3A_497 = tpu.vector_load_idx %arg16[%add3A_5, %add3A_496] : memref<32x128xf32, #tpu.memory_space<vmem>>[vector<16xi32>, vector<16xi32>], vector<16xf32>,
          %broadcast_in_dim3A_498 = arith.constant 0 : i32
          %broadcast_in_dim3A_499 = vector.broadcast %broadcast_in_dim3A_498 : i32 to vector<16xi32>
          %jit3A_500 = arith.constant 4 : i32
          %div3A_501 = arith.divsi %add3A_493, %jit3A_500 : i32
          %sign3A_502 = arith.constant 0 : i32
          %sign3A_503 = arith.cmpi sgt, %add3A_493, %sign3A_502 : i32
          %sign3A_504 = arith.extui %sign3A_503 : i1 to i32
          %sign3A_505 = arith.constant 0 : i32
          %sign3A_506 = arith.cmpi slt, %add3A_493, %sign3A_505 : i32
          %sign3A_507 = arith.extui %sign3A_506 : i1 to i32
          %sign3A_508 = arith.subi %sign3A_504, %sign3A_507 : i32
          %sign3A_509 = arith.constant 0 : i32
          %sign3A_510 = arith.cmpi sgt, %jit3A_500, %sign3A_509 : i32
          %sign3A_511 = arith.extui %sign3A_510 : i1 to i32
          %sign3A_512 = arith.constant 0 : i32
          %sign3A_513 = arith.cmpi slt, %jit3A_500, %sign3A_512 : i32
          %sign3A_514 = arith.extui %sign3A_513 : i1 to i32
          %sign3A_515 = arith.subi %sign3A_511, %sign3A_514 : i32
          %ne3A_516 = arith.cmpi ne, %sign3A_508, %sign3A_515 : i32
          %rem3A_517 = arith.remsi %add3A_493, %jit3A_500 : i32
          %ne3A_518 = arith.constant 0 : i32
          %ne3A_519 = arith.cmpi ne, %rem3A_517, %ne3A_518 : i32
          %and3A_520 = arith.andi %ne3A_516, %ne3A_519 : i1
          %sub3A_521 = arith.constant 1 : i32
          %sub3A_522 = arith.subi %div3A_501, %sub3A_521 : i32
          %select_n3A_523 = arith.select %and3A_520, %sub3A_522, %div3A_501 : i32
          %add3A_524 = vector.broadcast %select_n3A_523 : i32 to vector<16xi32>
          %add3A_525 = arith.addi %broadcast_in_dim3A_499, %add3A_524 : vector<16xi32>
          %rem3A_526 = arith.constant 4 : i32
          %rem3A_527 = arith.remsi %add3A_493, %rem3A_526 : i32
          %mul3A_528 = arith.constant 32 : i32
          %mul3A_529 = arith.muli %rem3A_527, %mul3A_528 : i32
          %add3A_530 = vector.broadcast %mul3A_529 : i32 to vector<16xi32>
          %add3A_531 = arith.addi %iota3A, %add3A_530 : vector<16xi32>
          tpu.vector_store_idx %arg17[%add3A_525, %add3A_531], %gather3A : memref<32x128xf32, #tpu.memory_space<vmem>>[vector<16xi32>, vector<16xi32>], vector<16xf32>,
          %add3A_532 = vector.broadcast %mul3A_529 : i32 to vector<16xi32>
          %add3A_533 = arith.addi %add3A_5, %add3A_532 : vector<16xi32>
          tpu.vector_store_idx %arg17[%add3A_525, %add3A_533], %gather3A_497 : memref<32x128xf32, #tpu.memory_space<vmem>>[vector<16xi32>, vector<16xi32>], vector<16xf32>,
          %mul3A_534 = arith.constant 16 : i32
          %mul3A_535 = arith.muli %scan3A_489, %mul3A_534 : i32
          %add3A_536 = arith.constant 1 : i32
          %add3A_537 = arith.addi %mul3A_535, %add3A_536 : i32
          %broadcast_in_dim3A_538 = arith.constant 0 : i32
          %broadcast_in_dim3A_539 = vector.broadcast %broadcast_in_dim3A_538 : i32 to vector<16xi32>
          %add3A_540 = vector.broadcast %add3A_537 : i32 to vector<16xi32>
          %add3A_541 = arith.addi %broadcast_in_dim3A_539, %add3A_540 : vector<16xi32>
          %gather3A_542 = tpu.vector_load_idx %arg16[%iota3A, %add3A_541] : memref<32x128xf32, #tpu.memory_space<vmem>>[vector<16xi32>, vector<16xi32>], vector<16xf32>,
          %gather3A_543 = tpu.vector_load_idx %arg16[%add3A_5, %add3A_541] : memref<32x128xf32, #tpu.memory_space<vmem>>[vector<16xi32>, vector<16xi32>], vector<16xf32>,
          %broadcast_in_dim3A_544 = arith.constant 0 : i32
          %broadcast_in_dim3A_545 = vector.broadcast %broadcast_in_dim3A_544 : i32 to vector<16xi32>
          %jit3A_546 = arith.constant 4 : i32
          %div3A_547 = arith.divsi %add3A_537, %jit3A_546 : i32
          %sign3A_548 = arith.constant 0 : i32
          %sign3A_549 = arith.cmpi sgt, %add3A_537, %sign3A_548 : i32
          %sign3A_550 = arith.extui %sign3A_549 : i1 to i32
          %sign3A_551 = arith.constant 0 : i32
          %sign3A_552 = arith.cmpi slt, %add3A_537, %sign3A_551 : i32
          %sign3A_553 = arith.extui %sign3A_552 : i1 to i32
          %sign3A_554 = arith.subi %sign3A_550, %sign3A_553 : i32
          %sign3A_555 = arith.constant 0 : i32
          %sign3A_556 = arith.cmpi sgt, %jit3A_546, %sign3A_555 : i32
          %sign3A_557 = arith.extui %sign3A_556 : i1 to i32
          %sign3A_558 = arith.constant 0 : i32
          %sign3A_559 = arith.cmpi slt, %jit3A_546, %sign3A_558 : i32
          %sign3A_560 = arith.extui %sign3A_559 : i1 to i32
          %sign3A_561 = arith.subi %sign3A_557, %sign3A_560 : i32
          %ne3A_562 = arith.cmpi ne, %sign3A_554, %sign3A_561 : i32
          %rem3A_563 = arith.remsi %add3A_537, %jit3A_546 : i32
          %ne3A_564 = arith.constant 0 : i32
          %ne3A_565 = arith.cmpi ne, %rem3A_563, %ne3A_564 : i32
          %and3A_566 = arith.andi %ne3A_562, %ne3A_565 : i1
          %sub3A_567 = arith.constant 1 : i32
          %sub3A_568 = arith.subi %div3A_547, %sub3A_567 : i32
          %select_n3A_569 = arith.select %and3A_566, %sub3A_568, %div3A_547 : i32
          %add3A_570 = vector.broadcast %select_n3A_569 : i32 to vector<16xi32>
          %add3A_571 = arith.addi %broadcast_in_dim3A_545, %add3A_570 : vector<16xi32>
          %rem3A_572 = arith.constant 4 : i32
          %rem3A_573 = arith.remsi %add3A_537, %rem3A_572 : i32
          %mul3A_574 = arith.constant 32 : i32
          %mul3A_575 = arith.muli %rem3A_573, %mul3A_574 : i32
          %add3A_576 = vector.broadcast %mul3A_575 : i32 to vector<16xi32>
          %add3A_577 = arith.addi %iota3A, %add3A_576 : vector<16xi32>
          tpu.vector_store_idx %arg17[%add3A_571, %add3A_577], %gather3A_542 : memref<32x128xf32, #tpu.memory_space<vmem>>[vector<16xi32>, vector<16xi32>], vector<16xf32>,
          %add3A_578 = vector.broadcast %mul3A_575 : i32 to vector<16xi32>
          %add3A_579 = arith.addi %add3A_5, %add3A_578 : vector<16xi32>
          tpu.vector_store_idx %arg17[%add3A_571, %add3A_579], %gather3A_543 : memref<32x128xf32, #tpu.memory_space<vmem>>[vector<16xi32>, vector<16xi32>], vector<16xf32>,
          %mul3A_580 = arith.constant 16 : i32
          %mul3A_581 = arith.muli %scan3A_489, %mul3A_580 : i32
          %add3A_582 = arith.constant 2 : i32
          %add3A_583 = arith.addi %mul3A_581, %add3A_582 : i32
          %broadcast_in_dim3A_584 = arith.constant 0 : i32
          %broadcast_in_dim3A_585 = vector.broadcast %broadcast_in_dim3A_584 : i32 to vector<16xi32>
          %add3A_586 = vector.broadcast %add3A_583 : i32 to vector<16xi32>
          %add3A_587 = arith.addi %broadcast_in_dim3A_585, %add3A_586 : vector<16xi32>
          %gather3A_588 = tpu.vector_load_idx %arg16[%iota3A, %add3A_587] : memref<32x128xf32, #tpu.memory_space<vmem>>[vector<16xi32>, vector<16xi32>], vector<16xf32>,
          %gather3A_589 = tpu.vector_load_idx %arg16[%add3A_5, %add3A_587] : memref<32x128xf32, #tpu.memory_space<vmem>>[vector<16xi32>, vector<16xi32>], vector<16xf32>,
          %broadcast_in_dim3A_590 = arith.constant 0 : i32
          %broadcast_in_dim3A_591 = vector.broadcast %broadcast_in_dim3A_590 : i32 to vector<16xi32>
          %jit3A_592 = arith.constant 4 : i32
          %div3A_593 = arith.divsi %add3A_583, %jit3A_592 : i32
          %sign3A_594 = arith.constant 0 : i32
          %sign3A_595 = arith.cmpi sgt, %add3A_583, %sign3A_594 : i32
          %sign3A_596 = arith.extui %sign3A_595 : i1 to i32
          %sign3A_597 = arith.constant 0 : i32
          %sign3A_598 = arith.cmpi slt, %add3A_583, %sign3A_597 : i32
          %sign3A_599 = arith.extui %sign3A_598 : i1 to i32
          %sign3A_600 = arith.subi %sign3A_596, %sign3A_599 : i32
          %sign3A_601 = arith.constant 0 : i32
          %sign3A_602 = arith.cmpi sgt, %jit3A_592, %sign3A_601 : i32
          %sign3A_603 = arith.extui %sign3A_602 : i1 to i32
          %sign3A_604 = arith.constant 0 : i32
          %sign3A_605 = arith.cmpi slt, %jit3A_592, %sign3A_604 : i32
          %sign3A_606 = arith.extui %sign3A_605 : i1 to i32
          %sign3A_607 = arith.subi %sign3A_603, %sign3A_606 : i32
          %ne3A_608 = arith.cmpi ne, %sign3A_600, %sign3A_607 : i32
          %rem3A_609 = arith.remsi %add3A_583, %jit3A_592 : i32
          %ne3A_610 = arith.constant 0 : i32
          %ne3A_611 = arith.cmpi ne, %rem3A_609, %ne3A_610 : i32
          %and3A_612 = arith.andi %ne3A_608, %ne3A_611 : i1
          %sub3A_613 = arith.constant 1 : i32
          %sub3A_614 = arith.subi %div3A_593, %sub3A_613 : i32
          %select_n3A_615 = arith.select %and3A_612, %sub3A_614, %div3A_593 : i32
          %add3A_616 = vector.broadcast %select_n3A_615 : i32 to vector<16xi32>
          %add3A_617 = arith.addi %broadcast_in_dim3A_591, %add3A_616 : vector<16xi32>
          %rem3A_618 = arith.constant 4 : i32
          %rem3A_619 = arith.remsi %add3A_583, %rem3A_618 : i32
          %mul3A_620 = arith.constant 32 : i32
          %mul3A_621 = arith.muli %rem3A_619, %mul3A_620 : i32
          %add3A_622 = vector.broadcast %mul3A_621 : i32 to vector<16xi32>
          %add3A_623 = arith.addi %iota3A, %add3A_622 : vector<16xi32>
          tpu.vector_store_idx %arg17[%add3A_617, %add3A_623], %gather3A_588 : memref<32x128xf32, #tpu.memory_space<vmem>>[vector<16xi32>, vector<16xi32>], vector<16xf32>,
          %add3A_624 = vector.broadcast %mul3A_621 : i32 to vector<16xi32>
          %add3A_625 = arith.addi %add3A_5, %add3A_624 : vector<16xi32>
          tpu.vector_store_idx %arg17[%add3A_617, %add3A_625], %gather3A_589 : memref<32x128xf32, #tpu.memory_space<vmem>>[vector<16xi32>, vector<16xi32>], vector<16xf32>,
          %mul3A_626 = arith.constant 16 : i32
          %mul3A_627 = arith.muli %scan3A_489, %mul3A_626 : i32
          %add3A_628 = arith.constant 3 : i32
          %add3A_629 = arith.addi %mul3A_627, %add3A_628 : i32
          %broadcast_in_dim3A_630 = arith.constant 0 : i32
          %broadcast_in_dim3A_631 = vector.broadcast %broadcast_in_dim3A_630 : i32 to vector<16xi32>
          %add3A_632 = vector.broadcast %add3A_629 : i32 to vector<16xi32>
          %add3A_633 = arith.addi %broadcast_in_dim3A_631, %add3A_632 : vector<16xi32>
          %gather3A_634 = tpu.vector_load_idx %arg16[%iota3A, %add3A_633] : memref<32x128xf32, #tpu.memory_space<vmem>>[vector<16xi32>, vector<16xi32>], vector<16xf32>,
          %gather3A_635 = tpu.vector_load_idx %arg16[%add3A_5, %add3A_633] : memref<32x128xf32, #tpu.memory_space<vmem>>[vector<16xi32>, vector<16xi32>], vector<16xf32>,
          %broadcast_in_dim3A_636 = arith.constant 0 : i32
          %broadcast_in_dim3A_637 = vector.broadcast %broadcast_in_dim3A_636 : i32 to vector<16xi32>
          %jit3A_638 = arith.constant 4 : i32
          %div3A_639 = arith.divsi %add3A_629, %jit3A_638 : i32
          %sign3A_640 = arith.constant 0 : i32
          %sign3A_641 = arith.cmpi sgt, %add3A_629, %sign3A_640 : i32
          %sign3A_642 = arith.extui %sign3A_641 : i1 to i32
          %sign3A_643 = arith.constant 0 : i32
          %sign3A_644 = arith.cmpi slt, %add3A_629, %sign3A_643 : i32
          %sign3A_645 = arith.extui %sign3A_644 : i1 to i32
          %sign3A_646 = arith.subi %sign3A_642, %sign3A_645 : i32
          %sign3A_647 = arith.constant 0 : i32
          %sign3A_648 = arith.cmpi sgt, %jit3A_638, %sign3A_647 : i32
          %sign3A_649 = arith.extui %sign3A_648 : i1 to i32
          %sign3A_650 = arith.constant 0 : i32
          %sign3A_651 = arith.cmpi slt, %jit3A_638, %sign3A_650 : i32
          %sign3A_652 = arith.extui %sign3A_651 : i1 to i32
          %sign3A_653 = arith.subi %sign3A_649, %sign3A_652 : i32
          %ne3A_654 = arith.cmpi ne, %sign3A_646, %sign3A_653 : i32
          %rem3A_655 = arith.remsi %add3A_629, %jit3A_638 : i32
          %ne3A_656 = arith.constant 0 : i32
          %ne3A_657 = arith.cmpi ne, %rem3A_655, %ne3A_656 : i32
          %and3A_658 = arith.andi %ne3A_654, %ne3A_657 : i1
          %sub3A_659 = arith.constant 1 : i32
          %sub3A_660 = arith.subi %div3A_639, %sub3A_659 : i32
          %select_n3A_661 = arith.select %and3A_658, %sub3A_660, %div3A_639 : i32
          %add3A_662 = vector.broadcast %select_n3A_661 : i32 to vector<16xi32>
          %add3A_663 = arith.addi %broadcast_in_dim3A_637, %add3A_662 : vector<16xi32>
          %rem3A_664 = arith.constant 4 : i32
          %rem3A_665 = arith.remsi %add3A_629, %rem3A_664 : i32
          %mul3A_666 = arith.constant 32 : i32
          %mul3A_667 = arith.muli %rem3A_665, %mul3A_666 : i32
          %add3A_668 = vector.broadcast %mul3A_667 : i32 to vector<16xi32>
          %add3A_669 = arith.addi %iota3A, %add3A_668 : vector<16xi32>
          tpu.vector_store_idx %arg17[%add3A_663, %add3A_669], %gather3A_634 : memref<32x128xf32, #tpu.memory_space<vmem>>[vector<16xi32>, vector<16xi32>], vector<16xf32>,
          %add3A_670 = vector.broadcast %mul3A_667 : i32 to vector<16xi32>
          %add3A_671 = arith.addi %add3A_5, %add3A_670 : vector<16xi32>
          tpu.vector_store_idx %arg17[%add3A_663, %add3A_671], %gather3A_635 : memref<32x128xf32, #tpu.memory_space<vmem>>[vector<16xi32>, vector<16xi32>], vector<16xf32>,
          %mul3A_672 = arith.constant 16 : i32
          %mul3A_673 = arith.muli %scan3A_489, %mul3A_672 : i32
          %add3A_674 = arith.constant 4 : i32
          %add3A_675 = arith.addi %mul3A_673, %add3A_674 : i32
          %broadcast_in_dim3A_676 = arith.constant 0 : i32
          %broadcast_in_dim3A_677 = vector.broadcast %broadcast_in_dim3A_676 : i32 to vector<16xi32>
          %add3A_678 = vector.broadcast %add3A_675 : i32 to vector<16xi32>
          %add3A_679 = arith.addi %broadcast_in_dim3A_677, %add3A_678 : vector<16xi32>
          %gather3A_680 = tpu.vector_load_idx %arg16[%iota3A, %add3A_679] : memref<32x128xf32, #tpu.memory_space<vmem>>[vector<16xi32>, vector<16xi32>], vector<16xf32>,
          %gather3A_681 = tpu.vector_load_idx %arg16[%add3A_5, %add3A_679] : memref<32x128xf32, #tpu.memory_space<vmem>>[vector<16xi32>, vector<16xi32>], vector<16xf32>,
          %broadcast_in_dim3A_682 = arith.constant 0 : i32
          %broadcast_in_dim3A_683 = vector.broadcast %broadcast_in_dim3A_682 : i32 to vector<16xi32>
          %jit3A_684 = arith.constant 4 : i32
          %div3A_685 = arith.divsi %add3A_675, %jit3A_684 : i32
          %sign3A_686 = arith.constant 0 : i32
          %sign3A_687 = arith.cmpi sgt, %add3A_675, %sign3A_686 : i32
          %sign3A_688 = arith.extui %sign3A_687 : i1 to i32
          %sign3A_689 = arith.constant 0 : i32
          %sign3A_690 = arith.cmpi slt, %add3A_675, %sign3A_689 : i32
          %sign3A_691 = arith.extui %sign3A_690 : i1 to i32
          %sign3A_692 = arith.subi %sign3A_688, %sign3A_691 : i32
          %sign3A_693 = arith.constant 0 : i32
          %sign3A_694 = arith.cmpi sgt, %jit3A_684, %sign3A_693 : i32
          %sign3A_695 = arith.extui %sign3A_694 : i1 to i32
          %sign3A_696 = arith.constant 0 : i32
          %sign3A_697 = arith.cmpi slt, %jit3A_684, %sign3A_696 : i32
          %sign3A_698 = arith.extui %sign3A_697 : i1 to i32
          %sign3A_699 = arith.subi %sign3A_695, %sign3A_698 : i32
          %ne3A_700 = arith.cmpi ne, %sign3A_692, %sign3A_699 : i32
          %rem3A_701 = arith.remsi %add3A_675, %jit3A_684 : i32
          %ne3A_702 = arith.constant 0 : i32
          %ne3A_703 = arith.cmpi ne, %rem3A_701, %ne3A_702 : i32
          %and3A_704 = arith.andi %ne3A_700, %ne3A_703 : i1
          %sub3A_705 = arith.constant 1 : i32
          %sub3A_706 = arith.subi %div3A_685, %sub3A_705 : i32
          %select_n3A_707 = arith.select %and3A_704, %sub3A_706, %div3A_685 : i32
          %add3A_708 = vector.broadcast %select_n3A_707 : i32 to vector<16xi32>
          %add3A_709 = arith.addi %broadcast_in_dim3A_683, %add3A_708 : vector<16xi32>
          %rem3A_710 = arith.constant 4 : i32
          %rem3A_711 = arith.remsi %add3A_675, %rem3A_710 : i32
          %mul3A_712 = arith.constant 32 : i32
          %mul3A_713 = arith.muli %rem3A_711, %mul3A_712 : i32
          %add3A_714 = vector.broadcast %mul3A_713 : i32 to vector<16xi32>
          %add3A_715 = arith.addi %iota3A, %add3A_714 : vector<16xi32>
          tpu.vector_store_idx %arg17[%add3A_709, %add3A_715], %gather3A_680 : memref<32x128xf32, #tpu.memory_space<vmem>>[vector<16xi32>, vector<16xi32>], vector<16xf32>,
          %add3A_716 = vector.broadcast %mul3A_713 : i32 to vector<16xi32>
          %add3A_717 = arith.addi %add3A_5, %add3A_716 : vector<16xi32>
          tpu.vector_store_idx %arg17[%add3A_709, %add3A_717], %gather3A_681 : memref<32x128xf32, #tpu.memory_space<vmem>>[vector<16xi32>, vector<16xi32>], vector<16xf32>,
          %mul3A_718 = arith.constant 16 : i32
          %mul3A_719 = arith.muli %scan3A_489, %mul3A_718 : i32
          %add3A_720 = arith.constant 5 : i32
          %add3A_721 = arith.addi %mul3A_719, %add3A_720 : i32
          %broadcast_in_dim3A_722 = arith.constant 0 : i32
          %broadcast_in_dim3A_723 = vector.broadcast %broadcast_in_dim3A_722 : i32 to vector<16xi32>
          %add3A_724 = vector.broadcast %add3A_721 : i32 to vector<16xi32>
          %add3A_725 = arith.addi %broadcast_in_dim3A_723, %add3A_724 : vector<16xi32>
          %gather3A_726 = tpu.vector_load_idx %arg16[%iota3A, %add3A_725] : memref<32x128xf32, #tpu.memory_space<vmem>>[vector<16xi32>, vector<16xi32>], vector<16xf32>,
          %gather3A_727 = tpu.vector_load_idx %arg16[%add3A_5, %add3A_725] : memref<32x128xf32, #tpu.memory_space<vmem>>[vector<16xi32>, vector<16xi32>], vector<16xf32>,
          %broadcast_in_dim3A_728 = arith.constant 0 : i32
          %broadcast_in_dim3A_729 = vector.broadcast %broadcast_in_dim3A_728 : i32 to vector<16xi32>
          %jit3A_730 = arith.constant 4 : i32
          %div3A_731 = arith.divsi %add3A_721, %jit3A_730 : i32
          %sign3A_732 = arith.constant 0 : i32
          %sign3A_733 = arith.cmpi sgt, %add3A_721, %sign3A_732 : i32
          %sign3A_734 = arith.extui %sign3A_733 : i1 to i32
          %sign3A_735 = arith.constant 0 : i32
          %sign3A_736 = arith.cmpi slt, %add3A_721, %sign3A_735 : i32
          %sign3A_737 = arith.extui %sign3A_736 : i1 to i32
          %sign3A_738 = arith.subi %sign3A_734, %sign3A_737 : i32
          %sign3A_739 = arith.constant 0 : i32
          %sign3A_740 = arith.cmpi sgt, %jit3A_730, %sign3A_739 : i32
          %sign3A_741 = arith.extui %sign3A_740 : i1 to i32
          %sign3A_742 = arith.constant 0 : i32
          %sign3A_743 = arith.cmpi slt, %jit3A_730, %sign3A_742 : i32
          %sign3A_744 = arith.extui %sign3A_743 : i1 to i32
          %sign3A_745 = arith.subi %sign3A_741, %sign3A_744 : i32
          %ne3A_746 = arith.cmpi ne, %sign3A_738, %sign3A_745 : i32
          %rem3A_747 = arith.remsi %add3A_721, %jit3A_730 : i32
          %ne3A_748 = arith.constant 0 : i32
          %ne3A_749 = arith.cmpi ne, %rem3A_747, %ne3A_748 : i32
          %and3A_750 = arith.andi %ne3A_746, %ne3A_749 : i1
          %sub3A_751 = arith.constant 1 : i32
          %sub3A_752 = arith.subi %div3A_731, %sub3A_751 : i32
          %select_n3A_753 = arith.select %and3A_750, %sub3A_752, %div3A_731 : i32
          %add3A_754 = vector.broadcast %select_n3A_753 : i32 to vector<16xi32>
          %add3A_755 = arith.addi %broadcast_in_dim3A_729, %add3A_754 : vector<16xi32>
          %rem3A_756 = arith.constant 4 : i32
          %rem3A_757 = arith.remsi %add3A_721, %rem3A_756 : i32
          %mul3A_758 = arith.constant 32 : i32
          %mul3A_759 = arith.muli %rem3A_757, %mul3A_758 : i32
          %add3A_760 = vector.broadcast %mul3A_759 : i32 to vector<16xi32>
          %add3A_761 = arith.addi %iota3A, %add3A_760 : vector<16xi32>
          tpu.vector_store_idx %arg17[%add3A_755, %add3A_761], %gather3A_726 : memref<32x128xf32, #tpu.memory_space<vmem>>[vector<16xi32>, vector<16xi32>], vector<16xf32>,
          %add3A_762 = vector.broadcast %mul3A_759 : i32 to vector<16xi32>
          %add3A_763 = arith.addi %add3A_5, %add3A_762 : vector<16xi32>
          tpu.vector_store_idx %arg17[%add3A_755, %add3A_763], %gather3A_727 : memref<32x128xf32, #tpu.memory_space<vmem>>[vector<16xi32>, vector<16xi32>], vector<16xf32>,
          %mul3A_764 = arith.constant 16 : i32
          %mul3A_765 = arith.muli %scan3A_489, %mul3A_764 : i32
          %add3A_766 = arith.constant 6 : i32
          %add3A_767 = arith.addi %mul3A_765, %add3A_766 : i32
          %broadcast_in_dim3A_768 = arith.constant 0 : i32
          %broadcast_in_dim3A_769 = vector.broadcast %broadcast_in_dim3A_768 : i32 to vector<16xi32>
          %add3A_770 = vector.broadcast %add3A_767 : i32 to vector<16xi32>
          %add3A_771 = arith.addi %broadcast_in_dim3A_769, %add3A_770 : vector<16xi32>
          %gather3A_772 = tpu.vector_load_idx %arg16[%iota3A, %add3A_771] : memref<32x128xf32, #tpu.memory_space<vmem>>[vector<16xi32>, vector<16xi32>], vector<16xf32>,
          %gather3A_773 = tpu.vector_load_idx %arg16[%add3A_5, %add3A_771] : memref<32x128xf32, #tpu.memory_space<vmem>>[vector<16xi32>, vector<16xi32>], vector<16xf32>,
          %broadcast_in_dim3A_774 = arith.constant 0 : i32
          %broadcast_in_dim3A_775 = vector.broadcast %broadcast_in_dim3A_774 : i32 to vector<16xi32>
          %jit3A_776 = arith.constant 4 : i32
          %div3A_777 = arith.divsi %add3A_767, %jit3A_776 : i32
          %sign3A_778 = arith.constant 0 : i32
          %sign3A_779 = arith.cmpi sgt, %add3A_767, %sign3A_778 : i32
          %sign3A_780 = arith.extui %sign3A_779 : i1 to i32
          %sign3A_781 = arith.constant 0 : i32
          %sign3A_782 = arith.cmpi slt, %add3A_767, %sign3A_781 : i32
          %sign3A_783 = arith.extui %sign3A_782 : i1 to i32
          %sign3A_784 = arith.subi %sign3A_780, %sign3A_783 : i32
          %sign3A_785 = arith.constant 0 : i32
          %sign3A_786 = arith.cmpi sgt, %jit3A_776, %sign3A_785 : i32
          %sign3A_787 = arith.extui %sign3A_786 : i1 to i32
          %sign3A_788 = arith.constant 0 : i32
          %sign3A_789 = arith.cmpi slt, %jit3A_776, %sign3A_788 : i32
          %sign3A_790 = arith.extui %sign3A_789 : i1 to i32
          %sign3A_791 = arith.subi %sign3A_787, %sign3A_790 : i32
          %ne3A_792 = arith.cmpi ne, %sign3A_784, %sign3A_791 : i32
          %rem3A_793 = arith.remsi %add3A_767, %jit3A_776 : i32
          %ne3A_794 = arith.constant 0 : i32
          %ne3A_795 = arith.cmpi ne, %rem3A_793, %ne3A_794 : i32
          %and3A_796 = arith.andi %ne3A_792, %ne3A_795 : i1
          %sub3A_797 = arith.constant 1 : i32
          %sub3A_798 = arith.subi %div3A_777, %sub3A_797 : i32
          %select_n3A_799 = arith.select %and3A_796, %sub3A_798, %div3A_777 : i32
          %add3A_800 = vector.broadcast %select_n3A_799 : i32 to vector<16xi32>
          %add3A_801 = arith.addi %broadcast_in_dim3A_775, %add3A_800 : vector<16xi32>
          %rem3A_802 = arith.constant 4 : i32
          %rem3A_803 = arith.remsi %add3A_767, %rem3A_802 : i32
          %mul3A_804 = arith.constant 32 : i32
          %mul3A_805 = arith.muli %rem3A_803, %mul3A_804 : i32
          %add3A_806 = vector.broadcast %mul3A_805 : i32 to vector<16xi32>
          %add3A_807 = arith.addi %iota3A, %add3A_806 : vector<16xi32>
          tpu.vector_store_idx %arg17[%add3A_801, %add3A_807], %gather3A_772 : memref<32x128xf32, #tpu.memory_space<vmem>>[vector<16xi32>, vector<16xi32>], vector<16xf32>,
          %add3A_808 = vector.broadcast %mul3A_805 : i32 to vector<16xi32>
          %add3A_809 = arith.addi %add3A_5, %add3A_808 : vector<16xi32>
          tpu.vector_store_idx %arg17[%add3A_801, %add3A_809], %gather3A_773 : memref<32x128xf32, #tpu.memory_space<vmem>>[vector<16xi32>, vector<16xi32>], vector<16xf32>,
          %mul3A_810 = arith.constant 16 : i32
          %mul3A_811 = arith.muli %scan3A_489, %mul3A_810 : i32
          %add3A_812 = arith.constant 7 : i32
          %add3A_813 = arith.addi %mul3A_811, %add3A_812 : i32
          %broadcast_in_dim3A_814 = arith.constant 0 : i32
          %broadcast_in_dim3A_815 = vector.broadcast %broadcast_in_dim3A_814 : i32 to vector<16xi32>
          %add3A_816 = vector.broadcast %add3A_813 : i32 to vector<16xi32>
          %add3A_817 = arith.addi %broadcast_in_dim3A_815, %add3A_816 : vector<16xi32>
          %gather3A_818 = tpu.vector_load_idx %arg16[%iota3A, %add3A_817] : memref<32x128xf32, #tpu.memory_space<vmem>>[vector<16xi32>, vector<16xi32>], vector<16xf32>,
          %gather3A_819 = tpu.vector_load_idx %arg16[%add3A_5, %add3A_817] : memref<32x128xf32, #tpu.memory_space<vmem>>[vector<16xi32>, vector<16xi32>], vector<16xf32>,
          %broadcast_in_dim3A_820 = arith.constant 0 : i32
          %broadcast_in_dim3A_821 = vector.broadcast %broadcast_in_dim3A_820 : i32 to vector<16xi32>
          %jit3A_822 = arith.constant 4 : i32
          %div3A_823 = arith.divsi %add3A_813, %jit3A_822 : i32
          %sign3A_824 = arith.constant 0 : i32
          %sign3A_825 = arith.cmpi sgt, %add3A_813, %sign3A_824 : i32
          %sign3A_826 = arith.extui %sign3A_825 : i1 to i32
          %sign3A_827 = arith.constant 0 : i32
          %sign3A_828 = arith.cmpi slt, %add3A_813, %sign3A_827 : i32
          %sign3A_829 = arith.extui %sign3A_828 : i1 to i32
          %sign3A_830 = arith.subi %sign3A_826, %sign3A_829 : i32
          %sign3A_831 = arith.constant 0 : i32
          %sign3A_832 = arith.cmpi sgt, %jit3A_822, %sign3A_831 : i32
          %sign3A_833 = arith.extui %sign3A_832 : i1 to i32
          %sign3A_834 = arith.constant 0 : i32
          %sign3A_835 = arith.cmpi slt, %jit3A_822, %sign3A_834 : i32
          %sign3A_836 = arith.extui %sign3A_835 : i1 to i32
          %sign3A_837 = arith.subi %sign3A_833, %sign3A_836 : i32
          %ne3A_838 = arith.cmpi ne, %sign3A_830, %sign3A_837 : i32
          %rem3A_839 = arith.remsi %add3A_813, %jit3A_822 : i32
          %ne3A_840 = arith.constant 0 : i32
          %ne3A_841 = arith.cmpi ne, %rem3A_839, %ne3A_840 : i32
          %and3A_842 = arith.andi %ne3A_838, %ne3A_841 : i1
          %sub3A_843 = arith.constant 1 : i32
          %sub3A_844 = arith.subi %div3A_823, %sub3A_843 : i32
          %select_n3A_845 = arith.select %and3A_842, %sub3A_844, %div3A_823 : i32
          %add3A_846 = vector.broadcast %select_n3A_845 : i32 to vector<16xi32>
          %add3A_847 = arith.addi %broadcast_in_dim3A_821, %add3A_846 : vector<16xi32>
          %rem3A_848 = arith.constant 4 : i32
          %rem3A_849 = arith.remsi %add3A_813, %rem3A_848 : i32
          %mul3A_850 = arith.constant 32 : i32
          %mul3A_851 = arith.muli %rem3A_849, %mul3A_850 : i32
          %add3A_852 = vector.broadcast %mul3A_851 : i32 to vector<16xi32>
          %add3A_853 = arith.addi %iota3A, %add3A_852 : vector<16xi32>
          tpu.vector_store_idx %arg17[%add3A_847, %add3A_853], %gather3A_818 : memref<32x128xf32, #tpu.memory_space<vmem>>[vector<16xi32>, vector<16xi32>], vector<16xf32>,
          %add3A_854 = vector.broadcast %mul3A_851 : i32 to vector<16xi32>
          %add3A_855 = arith.addi %add3A_5, %add3A_854 : vector<16xi32>
          tpu.vector_store_idx %arg17[%add3A_847, %add3A_855], %gather3A_819 : memref<32x128xf32, #tpu.memory_space<vmem>>[vector<16xi32>, vector<16xi32>], vector<16xf32>,
          %mul3A_856 = arith.constant 16 : i32
          %mul3A_857 = arith.muli %scan3A_489, %mul3A_856 : i32
          %add3A_858 = arith.constant 8 : i32
          %add3A_859 = arith.addi %mul3A_857, %add3A_858 : i32
          %broadcast_in_dim3A_860 = arith.constant 0 : i32
          %broadcast_in_dim3A_861 = vector.broadcast %broadcast_in_dim3A_860 : i32 to vector<16xi32>
          %add3A_862 = vector.broadcast %add3A_859 : i32 to vector<16xi32>
          %add3A_863 = arith.addi %broadcast_in_dim3A_861, %add3A_862 : vector<16xi32>
          %gather3A_864 = tpu.vector_load_idx %arg16[%iota3A, %add3A_863] : memref<32x128xf32, #tpu.memory_space<vmem>>[vector<16xi32>, vector<16xi32>], vector<16xf32>,
          %gather3A_865 = tpu.vector_load_idx %arg16[%add3A_5, %add3A_863] : memref<32x128xf32, #tpu.memory_space<vmem>>[vector<16xi32>, vector<16xi32>], vector<16xf32>,
          %broadcast_in_dim3A_866 = arith.constant 0 : i32
          %broadcast_in_dim3A_867 = vector.broadcast %broadcast_in_dim3A_866 : i32 to vector<16xi32>
          %jit3A_868 = arith.constant 4 : i32
          %div3A_869 = arith.divsi %add3A_859, %jit3A_868 : i32
          %sign3A_870 = arith.constant 0 : i32
          %sign3A_871 = arith.cmpi sgt, %add3A_859, %sign3A_870 : i32
          %sign3A_872 = arith.extui %sign3A_871 : i1 to i32
          %sign3A_873 = arith.constant 0 : i32
          %sign3A_874 = arith.cmpi slt, %add3A_859, %sign3A_873 : i32
          %sign3A_875 = arith.extui %sign3A_874 : i1 to i32
          %sign3A_876 = arith.subi %sign3A_872, %sign3A_875 : i32
          %sign3A_877 = arith.constant 0 : i32
          %sign3A_878 = arith.cmpi sgt, %jit3A_868, %sign3A_877 : i32
          %sign3A_879 = arith.extui %sign3A_878 : i1 to i32
          %sign3A_880 = arith.constant 0 : i32
          %sign3A_881 = arith.cmpi slt, %jit3A_868, %sign3A_880 : i32
          %sign3A_882 = arith.extui %sign3A_881 : i1 to i32
          %sign3A_883 = arith.subi %sign3A_879, %sign3A_882 : i32
          %ne3A_884 = arith.cmpi ne, %sign3A_876, %sign3A_883 : i32
          %rem3A_885 = arith.remsi %add3A_859, %jit3A_868 : i32
          %ne3A_886 = arith.constant 0 : i32
          %ne3A_887 = arith.cmpi ne, %rem3A_885, %ne3A_886 : i32
          %and3A_888 = arith.andi %ne3A_884, %ne3A_887 : i1
          %sub3A_889 = arith.constant 1 : i32
          %sub3A_890 = arith.subi %div3A_869, %sub3A_889 : i32
          %select_n3A_891 = arith.select %and3A_888, %sub3A_890, %div3A_869 : i32
          %add3A_892 = vector.broadcast %select_n3A_891 : i32 to vector<16xi32>
          %add3A_893 = arith.addi %broadcast_in_dim3A_867, %add3A_892 : vector<16xi32>
          %rem3A_894 = arith.constant 4 : i32
          %rem3A_895 = arith.remsi %add3A_859, %rem3A_894 : i32
          %mul3A_896 = arith.constant 32 : i32
          %mul3A_897 = arith.muli %rem3A_895, %mul3A_896 : i32
          %add3A_898 = vector.broadcast %mul3A_897 : i32 to vector<16xi32>
          %add3A_899 = arith.addi %iota3A, %add3A_898 : vector<16xi32>
          tpu.vector_store_idx %arg17[%add3A_893, %add3A_899], %gather3A_864 : memref<32x128xf32, #tpu.memory_space<vmem>>[vector<16xi32>, vector<16xi32>], vector<16xf32>,
          %add3A_900 = vector.broadcast %mul3A_897 : i32 to vector<16xi32>
          %add3A_901 = arith.addi %add3A_5, %add3A_900 : vector<16xi32>
          tpu.vector_store_idx %arg17[%add3A_893, %add3A_901], %gather3A_865 : memref<32x128xf32, #tpu.memory_space<vmem>>[vector<16xi32>, vector<16xi32>], vector<16xf32>,
          %mul3A_902 = arith.constant 16 : i32
          %mul3A_903 = arith.muli %scan3A_489, %mul3A_902 : i32
          %add3A_904 = arith.constant 9 : i32
          %add3A_905 = arith.addi %mul3A_903, %add3A_904 : i32
          %broadcast_in_dim3A_906 = arith.constant 0 : i32
          %broadcast_in_dim3A_907 = vector.broadcast %broadcast_in_dim3A_906 : i32 to vector<16xi32>
          %add3A_908 = vector.broadcast %add3A_905 : i32 to vector<16xi32>
          %add3A_909 = arith.addi %broadcast_in_dim3A_907, %add3A_908 : vector<16xi32>
          %gather3A_910 = tpu.vector_load_idx %arg16[%iota3A, %add3A_909] : memref<32x128xf32, #tpu.memory_space<vmem>>[vector<16xi32>, vector<16xi32>], vector<16xf32>,
          %gather3A_911 = tpu.vector_load_idx %arg16[%add3A_5, %add3A_909] : memref<32x128xf32, #tpu.memory_space<vmem>>[vector<16xi32>, vector<16xi32>], vector<16xf32>,
          %broadcast_in_dim3A_912 = arith.constant 0 : i32
          %broadcast_in_dim3A_913 = vector.broadcast %broadcast_in_dim3A_912 : i32 to vector<16xi32>
          %jit3A_914 = arith.constant 4 : i32
          %div3A_915 = arith.divsi %add3A_905, %jit3A_914 : i32
          %sign3A_916 = arith.constant 0 : i32
          %sign3A_917 = arith.cmpi sgt, %add3A_905, %sign3A_916 : i32
          %sign3A_918 = arith.extui %sign3A_917 : i1 to i32
          %sign3A_919 = arith.constant 0 : i32
          %sign3A_920 = arith.cmpi slt, %add3A_905, %sign3A_919 : i32
          %sign3A_921 = arith.extui %sign3A_920 : i1 to i32
          %sign3A_922 = arith.subi %sign3A_918, %sign3A_921 : i32
          %sign3A_923 = arith.constant 0 : i32
          %sign3A_924 = arith.cmpi sgt, %jit3A_914, %sign3A_923 : i32
          %sign3A_925 = arith.extui %sign3A_924 : i1 to i32
          %sign3A_926 = arith.constant 0 : i32
          %sign3A_927 = arith.cmpi slt, %jit3A_914, %sign3A_926 : i32
          %sign3A_928 = arith.extui %sign3A_927 : i1 to i32
          %sign3A_929 = arith.subi %sign3A_925, %sign3A_928 : i32
          %ne3A_930 = arith.cmpi ne, %sign3A_922, %sign3A_929 : i32
          %rem3A_931 = arith.remsi %add3A_905, %jit3A_914 : i32
          %ne3A_932 = arith.constant 0 : i32
          %ne3A_933 = arith.cmpi ne, %rem3A_931, %ne3A_932 : i32
          %and3A_934 = arith.andi %ne3A_930, %ne3A_933 : i1
          %sub3A_935 = arith.constant 1 : i32
          %sub3A_936 = arith.subi %div3A_915, %sub3A_935 : i32
          %select_n3A_937 = arith.select %and3A_934, %sub3A_936, %div3A_915 : i32
          %add3A_938 = vector.broadcast %select_n3A_937 : i32 to vector<16xi32>
          %add3A_939 = arith.addi %broadcast_in_dim3A_913, %add3A_938 : vector<16xi32>
          %rem3A_940 = arith.constant 4 : i32
          %rem3A_941 = arith.remsi %add3A_905, %rem3A_940 : i32
          %mul3A_942 = arith.constant 32 : i32
          %mul3A_943 = arith.muli %rem3A_941, %mul3A_942 : i32
          %add3A_944 = vector.broadcast %mul3A_943 : i32 to vector<16xi32>
          %add3A_945 = arith.addi %iota3A, %add3A_944 : vector<16xi32>
          tpu.vector_store_idx %arg17[%add3A_939, %add3A_945], %gather3A_910 : memref<32x128xf32, #tpu.memory_space<vmem>>[vector<16xi32>, vector<16xi32>], vector<16xf32>,
          %add3A_946 = vector.broadcast %mul3A_943 : i32 to vector<16xi32>
          %add3A_947 = arith.addi %add3A_5, %add3A_946 : vector<16xi32>
          tpu.vector_store_idx %arg17[%add3A_939, %add3A_947], %gather3A_911 : memref<32x128xf32, #tpu.memory_space<vmem>>[vector<16xi32>, vector<16xi32>], vector<16xf32>,
          %mul3A_948 = arith.constant 16 : i32
          %mul3A_949 = arith.muli %scan3A_489, %mul3A_948 : i32
          %add3A_950 = arith.constant 10 : i32
          %add3A_951 = arith.addi %mul3A_949, %add3A_950 : i32
          %broadcast_in_dim3A_952 = arith.constant 0 : i32
          %broadcast_in_dim3A_953 = vector.broadcast %broadcast_in_dim3A_952 : i32 to vector<16xi32>
          %add3A_954 = vector.broadcast %add3A_951 : i32 to vector<16xi32>
          %add3A_955 = arith.addi %broadcast_in_dim3A_953, %add3A_954 : vector<16xi32>
          %gather3A_956 = tpu.vector_load_idx %arg16[%iota3A, %add3A_955] : memref<32x128xf32, #tpu.memory_space<vmem>>[vector<16xi32>, vector<16xi32>], vector<16xf32>,
          %gather3A_957 = tpu.vector_load_idx %arg16[%add3A_5, %add3A_955] : memref<32x128xf32, #tpu.memory_space<vmem>>[vector<16xi32>, vector<16xi32>], vector<16xf32>,
          %broadcast_in_dim3A_958 = arith.constant 0 : i32
          %broadcast_in_dim3A_959 = vector.broadcast %broadcast_in_dim3A_958 : i32 to vector<16xi32>
          %jit3A_960 = arith.constant 4 : i32
          %div3A_961 = arith.divsi %add3A_951, %jit3A_960 : i32
          %sign3A_962 = arith.constant 0 : i32
          %sign3A_963 = arith.cmpi sgt, %add3A_951, %sign3A_962 : i32
          %sign3A_964 = arith.extui %sign3A_963 : i1 to i32
          %sign3A_965 = arith.constant 0 : i32
          %sign3A_966 = arith.cmpi slt, %add3A_951, %sign3A_965 : i32
          %sign3A_967 = arith.extui %sign3A_966 : i1 to i32
          %sign3A_968 = arith.subi %sign3A_964, %sign3A_967 : i32
          %sign3A_969 = arith.constant 0 : i32
          %sign3A_970 = arith.cmpi sgt, %jit3A_960, %sign3A_969 : i32
          %sign3A_971 = arith.extui %sign3A_970 : i1 to i32
          %sign3A_972 = arith.constant 0 : i32
          %sign3A_973 = arith.cmpi slt, %jit3A_960, %sign3A_972 : i32
          %sign3A_974 = arith.extui %sign3A_973 : i1 to i32
          %sign3A_975 = arith.subi %sign3A_971, %sign3A_974 : i32
          %ne3A_976 = arith.cmpi ne, %sign3A_968, %sign3A_975 : i32
          %rem3A_977 = arith.remsi %add3A_951, %jit3A_960 : i32
          %ne3A_978 = arith.constant 0 : i32
          %ne3A_979 = arith.cmpi ne, %rem3A_977, %ne3A_978 : i32
          %and3A_980 = arith.andi %ne3A_976, %ne3A_979 : i1
          %sub3A_981 = arith.constant 1 : i32
          %sub3A_982 = arith.subi %div3A_961, %sub3A_981 : i32
          %select_n3A_983 = arith.select %and3A_980, %sub3A_982, %div3A_961 : i32
          %add3A_984 = vector.broadcast %select_n3A_983 : i32 to vector<16xi32>
          %add3A_985 = arith.addi %broadcast_in_dim3A_959, %add3A_984 : vector<16xi32>
          %rem3A_986 = arith.constant 4 : i32
          %rem3A_987 = arith.remsi %add3A_951, %rem3A_986 : i32
          %mul3A_988 = arith.constant 32 : i32
          %mul3A_989 = arith.muli %rem3A_987, %mul3A_988 : i32
          %add3A_990 = vector.broadcast %mul3A_989 : i32 to vector<16xi32>
          %add3A_991 = arith.addi %iota3A, %add3A_990 : vector<16xi32>
          tpu.vector_store_idx %arg17[%add3A_985, %add3A_991], %gather3A_956 : memref<32x128xf32, #tpu.memory_space<vmem>>[vector<16xi32>, vector<16xi32>], vector<16xf32>,
          %add3A_992 = vector.broadcast %mul3A_989 : i32 to vector<16xi32>
          %add3A_993 = arith.addi %add3A_5, %add3A_992 : vector<16xi32>
          tpu.vector_store_idx %arg17[%add3A_985, %add3A_993], %gather3A_957 : memref<32x128xf32, #tpu.memory_space<vmem>>[vector<16xi32>, vector<16xi32>], vector<16xf32>,
          %mul3A_994 = arith.constant 16 : i32
          %mul3A_995 = arith.muli %scan3A_489, %mul3A_994 : i32
          %add3A_996 = arith.constant 11 : i32
          %add3A_997 = arith.addi %mul3A_995, %add3A_996 : i32
          %broadcast_in_dim3A_998 = arith.constant 0 : i32
          %broadcast_in_dim3A_999 = vector.broadcast %broadcast_in_dim3A_998 : i32 to vector<16xi32>
          %add3A_1000 = vector.broadcast %add3A_997 : i32 to vector<16xi32>
          %add3A_1001 = arith.addi %broadcast_in_dim3A_999, %add3A_1000 : vector<16xi32>
          %gather3A_1002 = tpu.vector_load_idx %arg16[%iota3A, %add3A_1001] : memref<32x128xf32, #tpu.memory_space<vmem>>[vector<16xi32>, vector<16xi32>], vector<16xf32>,
          %gather3A_1003 = tpu.vector_load_idx %arg16[%add3A_5, %add3A_1001] : memref<32x128xf32, #tpu.memory_space<vmem>>[vector<16xi32>, vector<16xi32>], vector<16xf32>,
          %broadcast_in_dim3A_1004 = arith.constant 0 : i32
          %broadcast_in_dim3A_1005 = vector.broadcast %broadcast_in_dim3A_1004 : i32 to vector<16xi32>
          %jit3A_1006 = arith.constant 4 : i32
          %div3A_1007 = arith.divsi %add3A_997, %jit3A_1006 : i32
          %sign3A_1008 = arith.constant 0 : i32
          %sign3A_1009 = arith.cmpi sgt, %add3A_997, %sign3A_1008 : i32
          %sign3A_1010 = arith.extui %sign3A_1009 : i1 to i32
          %sign3A_1011 = arith.constant 0 : i32
          %sign3A_1012 = arith.cmpi slt, %add3A_997, %sign3A_1011 : i32
          %sign3A_1013 = arith.extui %sign3A_1012 : i1 to i32
          %sign3A_1014 = arith.subi %sign3A_1010, %sign3A_1013 : i32
          %sign3A_1015 = arith.constant 0 : i32
          %sign3A_1016 = arith.cmpi sgt, %jit3A_1006, %sign3A_1015 : i32
          %sign3A_1017 = arith.extui %sign3A_1016 : i1 to i32
          %sign3A_1018 = arith.constant 0 : i32
          %sign3A_1019 = arith.cmpi slt, %jit3A_1006, %sign3A_1018 : i32
          %sign3A_1020 = arith.extui %sign3A_1019 : i1 to i32
          %sign3A_1021 = arith.subi %sign3A_1017, %sign3A_1020 : i32
          %ne3A_1022 = arith.cmpi ne, %sign3A_1014, %sign3A_1021 : i32
          %rem3A_1023 = arith.remsi %add3A_997, %jit3A_1006 : i32
          %ne3A_1024 = arith.constant 0 : i32
          %ne3A_1025 = arith.cmpi ne, %rem3A_1023, %ne3A_1024 : i32
          %and3A_1026 = arith.andi %ne3A_1022, %ne3A_1025 : i1
          %sub3A_1027 = arith.constant 1 : i32
          %sub3A_1028 = arith.subi %div3A_1007, %sub3A_1027 : i32
          %select_n3A_1029 = arith.select %and3A_1026, %sub3A_1028, %div3A_1007 : i32
          %add3A_1030 = vector.broadcast %select_n3A_1029 : i32 to vector<16xi32>
          %add3A_1031 = arith.addi %broadcast_in_dim3A_1005, %add3A_1030 : vector<16xi32>
          %rem3A_1032 = arith.constant 4 : i32
          %rem3A_1033 = arith.remsi %add3A_997, %rem3A_1032 : i32
          %mul3A_1034 = arith.constant 32 : i32
          %mul3A_1035 = arith.muli %rem3A_1033, %mul3A_1034 : i32
          %add3A_1036 = vector.broadcast %mul3A_1035 : i32 to vector<16xi32>
          %add3A_1037 = arith.addi %iota3A, %add3A_1036 : vector<16xi32>
          tpu.vector_store_idx %arg17[%add3A_1031, %add3A_1037], %gather3A_1002 : memref<32x128xf32, #tpu.memory_space<vmem>>[vector<16xi32>, vector<16xi32>], vector<16xf32>,
          %add3A_1038 = vector.broadcast %mul3A_1035 : i32 to vector<16xi32>
          %add3A_1039 = arith.addi %add3A_5, %add3A_1038 : vector<16xi32>
          tpu.vector_store_idx %arg17[%add3A_1031, %add3A_1039], %gather3A_1003 : memref<32x128xf32, #tpu.memory_space<vmem>>[vector<16xi32>, vector<16xi32>], vector<16xf32>,
          %mul3A_1040 = arith.constant 16 : i32
          %mul3A_1041 = arith.muli %scan3A_489, %mul3A_1040 : i32
          %add3A_1042 = arith.constant 12 : i32
          %add3A_1043 = arith.addi %mul3A_1041, %add3A_1042 : i32
          %broadcast_in_dim3A_1044 = arith.constant 0 : i32
          %broadcast_in_dim3A_1045 = vector.broadcast %broadcast_in_dim3A_1044 : i32 to vector<16xi32>
          %add3A_1046 = vector.broadcast %add3A_1043 : i32 to vector<16xi32>
          %add3A_1047 = arith.addi %broadcast_in_dim3A_1045, %add3A_1046 : vector<16xi32>
          %gather3A_1048 = tpu.vector_load_idx %arg16[%iota3A, %add3A_1047] : memref<32x128xf32, #tpu.memory_space<vmem>>[vector<16xi32>, vector<16xi32>], vector<16xf32>,
          %gather3A_1049 = tpu.vector_load_idx %arg16[%add3A_5, %add3A_1047] : memref<32x128xf32, #tpu.memory_space<vmem>>[vector<16xi32>, vector<16xi32>], vector<16xf32>,
          %broadcast_in_dim3A_1050 = arith.constant 0 : i32
          %broadcast_in_dim3A_1051 = vector.broadcast %broadcast_in_dim3A_1050 : i32 to vector<16xi32>
          %jit3A_1052 = arith.constant 4 : i32
          %div3A_1053 = arith.divsi %add3A_1043, %jit3A_1052 : i32
          %sign3A_1054 = arith.constant 0 : i32
          %sign3A_1055 = arith.cmpi sgt, %add3A_1043, %sign3A_1054 : i32
          %sign3A_1056 = arith.extui %sign3A_1055 : i1 to i32
          %sign3A_1057 = arith.constant 0 : i32
          %sign3A_1058 = arith.cmpi slt, %add3A_1043, %sign3A_1057 : i32
          %sign3A_1059 = arith.extui %sign3A_1058 : i1 to i32
          %sign3A_1060 = arith.subi %sign3A_1056, %sign3A_1059 : i32
          %sign3A_1061 = arith.constant 0 : i32
          %sign3A_1062 = arith.cmpi sgt, %jit3A_1052, %sign3A_1061 : i32
          %sign3A_1063 = arith.extui %sign3A_1062 : i1 to i32
          %sign3A_1064 = arith.constant 0 : i32
          %sign3A_1065 = arith.cmpi slt, %jit3A_1052, %sign3A_1064 : i32
          %sign3A_1066 = arith.extui %sign3A_1065 : i1 to i32
          %sign3A_1067 = arith.subi %sign3A_1063, %sign3A_1066 : i32
          %ne3A_1068 = arith.cmpi ne, %sign3A_1060, %sign3A_1067 : i32
          %rem3A_1069 = arith.remsi %add3A_1043, %jit3A_1052 : i32
          %ne3A_1070 = arith.constant 0 : i32
          %ne3A_1071 = arith.cmpi ne, %rem3A_1069, %ne3A_1070 : i32
          %and3A_1072 = arith.andi %ne3A_1068, %ne3A_1071 : i1
          %sub3A_1073 = arith.constant 1 : i32
          %sub3A_1074 = arith.subi %div3A_1053, %sub3A_1073 : i32
          %select_n3A_1075 = arith.select %and3A_1072, %sub3A_1074, %div3A_1053 : i32
          %add3A_1076 = vector.broadcast %select_n3A_1075 : i32 to vector<16xi32>
          %add3A_1077 = arith.addi %broadcast_in_dim3A_1051, %add3A_1076 : vector<16xi32>
          %rem3A_1078 = arith.constant 4 : i32
          %rem3A_1079 = arith.remsi %add3A_1043, %rem3A_1078 : i32
          %mul3A_1080 = arith.constant 32 : i32
          %mul3A_1081 = arith.muli %rem3A_1079, %mul3A_1080 : i32
          %add3A_1082 = vector.broadcast %mul3A_1081 : i32 to vector<16xi32>
          %add3A_1083 = arith.addi %iota3A, %add3A_1082 : vector<16xi32>
          tpu.vector_store_idx %arg17[%add3A_1077, %add3A_1083], %gather3A_1048 : memref<32x128xf32, #tpu.memory_space<vmem>>[vector<16xi32>, vector<16xi32>], vector<16xf32>,
          %add3A_1084 = vector.broadcast %mul3A_1081 : i32 to vector<16xi32>
          %add3A_1085 = arith.addi %add3A_5, %add3A_1084 : vector<16xi32>
          tpu.vector_store_idx %arg17[%add3A_1077, %add3A_1085], %gather3A_1049 : memref<32x128xf32, #tpu.memory_space<vmem>>[vector<16xi32>, vector<16xi32>], vector<16xf32>,
          %mul3A_1086 = arith.constant 16 : i32
          %mul3A_1087 = arith.muli %scan3A_489, %mul3A_1086 : i32
          %add3A_1088 = arith.constant 13 : i32
          %add3A_1089 = arith.addi %mul3A_1087, %add3A_1088 : i32
          %broadcast_in_dim3A_1090 = arith.constant 0 : i32
          %broadcast_in_dim3A_1091 = vector.broadcast %broadcast_in_dim3A_1090 : i32 to vector<16xi32>
          %add3A_1092 = vector.broadcast %add3A_1089 : i32 to vector<16xi32>
          %add3A_1093 = arith.addi %broadcast_in_dim3A_1091, %add3A_1092 : vector<16xi32>
          %gather3A_1094 = tpu.vector_load_idx %arg16[%iota3A, %add3A_1093] : memref<32x128xf32, #tpu.memory_space<vmem>>[vector<16xi32>, vector<16xi32>], vector<16xf32>,
          %gather3A_1095 = tpu.vector_load_idx %arg16[%add3A_5, %add3A_1093] : memref<32x128xf32, #tpu.memory_space<vmem>>[vector<16xi32>, vector<16xi32>], vector<16xf32>,
          %broadcast_in_dim3A_1096 = arith.constant 0 : i32
          %broadcast_in_dim3A_1097 = vector.broadcast %broadcast_in_dim3A_1096 : i32 to vector<16xi32>
          %jit3A_1098 = arith.constant 4 : i32
          %div3A_1099 = arith.divsi %add3A_1089, %jit3A_1098 : i32
          %sign3A_1100 = arith.constant 0 : i32
          %sign3A_1101 = arith.cmpi sgt, %add3A_1089, %sign3A_1100 : i32
          %sign3A_1102 = arith.extui %sign3A_1101 : i1 to i32
          %sign3A_1103 = arith.constant 0 : i32
          %sign3A_1104 = arith.cmpi slt, %add3A_1089, %sign3A_1103 : i32
          %sign3A_1105 = arith.extui %sign3A_1104 : i1 to i32
          %sign3A_1106 = arith.subi %sign3A_1102, %sign3A_1105 : i32
          %sign3A_1107 = arith.constant 0 : i32
          %sign3A_1108 = arith.cmpi sgt, %jit3A_1098, %sign3A_1107 : i32
          %sign3A_1109 = arith.extui %sign3A_1108 : i1 to i32
          %sign3A_1110 = arith.constant 0 : i32
          %sign3A_1111 = arith.cmpi slt, %jit3A_1098, %sign3A_1110 : i32
          %sign3A_1112 = arith.extui %sign3A_1111 : i1 to i32
          %sign3A_1113 = arith.subi %sign3A_1109, %sign3A_1112 : i32
          %ne3A_1114 = arith.cmpi ne, %sign3A_1106, %sign3A_1113 : i32
          %rem3A_1115 = arith.remsi %add3A_1089, %jit3A_1098 : i32
          %ne3A_1116 = arith.constant 0 : i32
          %ne3A_1117 = arith.cmpi ne, %rem3A_1115, %ne3A_1116 : i32
          %and3A_1118 = arith.andi %ne3A_1114, %ne3A_1117 : i1
          %sub3A_1119 = arith.constant 1 : i32
          %sub3A_1120 = arith.subi %div3A_1099, %sub3A_1119 : i32
          %select_n3A_1121 = arith.select %and3A_1118, %sub3A_1120, %div3A_1099 : i32
          %add3A_1122 = vector.broadcast %select_n3A_1121 : i32 to vector<16xi32>
          %add3A_1123 = arith.addi %broadcast_in_dim3A_1097, %add3A_1122 : vector<16xi32>
          %rem3A_1124 = arith.constant 4 : i32
          %rem3A_1125 = arith.remsi %add3A_1089, %rem3A_1124 : i32
          %mul3A_1126 = arith.constant 32 : i32
          %mul3A_1127 = arith.muli %rem3A_1125, %mul3A_1126 : i32
          %add3A_1128 = vector.broadcast %mul3A_1127 : i32 to vector<16xi32>
          %add3A_1129 = arith.addi %iota3A, %add3A_1128 : vector<16xi32>
          tpu.vector_store_idx %arg17[%add3A_1123, %add3A_1129], %gather3A_1094 : memref<32x128xf32, #tpu.memory_space<vmem>>[vector<16xi32>, vector<16xi32>], vector<16xf32>,
          %add3A_1130 = vector.broadcast %mul3A_1127 : i32 to vector<16xi32>
          %add3A_1131 = arith.addi %add3A_5, %add3A_1130 : vector<16xi32>
          tpu.vector_store_idx %arg17[%add3A_1123, %add3A_1131], %gather3A_1095 : memref<32x128xf32, #tpu.memory_space<vmem>>[vector<16xi32>, vector<16xi32>], vector<16xf32>,
          %mul3A_1132 = arith.constant 16 : i32
          %mul3A_1133 = arith.muli %scan3A_489, %mul3A_1132 : i32
          %add3A_1134 = arith.constant 14 : i32
          %add3A_1135 = arith.addi %mul3A_1133, %add3A_1134 : i32
          %broadcast_in_dim3A_1136 = arith.constant 0 : i32
          %broadcast_in_dim3A_1137 = vector.broadcast %broadcast_in_dim3A_1136 : i32 to vector<16xi32>
          %add3A_1138 = vector.broadcast %add3A_1135 : i32 to vector<16xi32>
          %add3A_1139 = arith.addi %broadcast_in_dim3A_1137, %add3A_1138 : vector<16xi32>
          %gather3A_1140 = tpu.vector_load_idx %arg16[%iota3A, %add3A_1139] : memref<32x128xf32, #tpu.memory_space<vmem>>[vector<16xi32>, vector<16xi32>], vector<16xf32>,
          %gather3A_1141 = tpu.vector_load_idx %arg16[%add3A_5, %add3A_1139] : memref<32x128xf32, #tpu.memory_space<vmem>>[vector<16xi32>, vector<16xi32>], vector<16xf32>,
          %broadcast_in_dim3A_1142 = arith.constant 0 : i32
          %broadcast_in_dim3A_1143 = vector.broadcast %broadcast_in_dim3A_1142 : i32 to vector<16xi32>
          %jit3A_1144 = arith.constant 4 : i32
          %div3A_1145 = arith.divsi %add3A_1135, %jit3A_1144 : i32
          %sign3A_1146 = arith.constant 0 : i32
          %sign3A_1147 = arith.cmpi sgt, %add3A_1135, %sign3A_1146 : i32
          %sign3A_1148 = arith.extui %sign3A_1147 : i1 to i32
          %sign3A_1149 = arith.constant 0 : i32
          %sign3A_1150 = arith.cmpi slt, %add3A_1135, %sign3A_1149 : i32
          %sign3A_1151 = arith.extui %sign3A_1150 : i1 to i32
          %sign3A_1152 = arith.subi %sign3A_1148, %sign3A_1151 : i32
          %sign3A_1153 = arith.constant 0 : i32
          %sign3A_1154 = arith.cmpi sgt, %jit3A_1144, %sign3A_1153 : i32
          %sign3A_1155 = arith.extui %sign3A_1154 : i1 to i32
          %sign3A_1156 = arith.constant 0 : i32
          %sign3A_1157 = arith.cmpi slt, %jit3A_1144, %sign3A_1156 : i32
          %sign3A_1158 = arith.extui %sign3A_1157 : i1 to i32
          %sign3A_1159 = arith.subi %sign3A_1155, %sign3A_1158 : i32
          %ne3A_1160 = arith.cmpi ne, %sign3A_1152, %sign3A_1159 : i32
          %rem3A_1161 = arith.remsi %add3A_1135, %jit3A_1144 : i32
          %ne3A_1162 = arith.constant 0 : i32
          %ne3A_1163 = arith.cmpi ne, %rem3A_1161, %ne3A_1162 : i32
          %and3A_1164 = arith.andi %ne3A_1160, %ne3A_1163 : i1
          %sub3A_1165 = arith.constant 1 : i32
          %sub3A_1166 = arith.subi %div3A_1145, %sub3A_1165 : i32
          %select_n3A_1167 = arith.select %and3A_1164, %sub3A_1166, %div3A_1145 : i32
          %add3A_1168 = vector.broadcast %select_n3A_1167 : i32 to vector<16xi32>
          %add3A_1169 = arith.addi %broadcast_in_dim3A_1143, %add3A_1168 : vector<16xi32>
          %rem3A_1170 = arith.constant 4 : i32
          %rem3A_1171 = arith.remsi %add3A_1135, %rem3A_1170 : i32
          %mul3A_1172 = arith.constant 32 : i32
          %mul3A_1173 = arith.muli %rem3A_1171, %mul3A_1172 : i32
          %add3A_1174 = vector.broadcast %mul3A_1173 : i32 to vector<16xi32>
          %add3A_1175 = arith.addi %iota3A, %add3A_1174 : vector<16xi32>
          tpu.vector_store_idx %arg17[%add3A_1169, %add3A_1175], %gather3A_1140 : memref<32x128xf32, #tpu.memory_space<vmem>>[vector<16xi32>, vector<16xi32>], vector<16xf32>,
          %add3A_1176 = vector.broadcast %mul3A_1173 : i32 to vector<16xi32>
          %add3A_1177 = arith.addi %add3A_5, %add3A_1176 : vector<16xi32>
          tpu.vector_store_idx %arg17[%add3A_1169, %add3A_1177], %gather3A_1141 : memref<32x128xf32, #tpu.memory_space<vmem>>[vector<16xi32>, vector<16xi32>], vector<16xf32>,
          %mul3A_1178 = arith.constant 16 : i32
          %mul3A_1179 = arith.muli %scan3A_489, %mul3A_1178 : i32
          %add3A_1180 = arith.constant 15 : i32
          %add3A_1181 = arith.addi %mul3A_1179, %add3A_1180 : i32
          %broadcast_in_dim3A_1182 = arith.constant 0 : i32
          %broadcast_in_dim3A_1183 = vector.broadcast %broadcast_in_dim3A_1182 : i32 to vector<16xi32>
          %add3A_1184 = vector.broadcast %add3A_1181 : i32 to vector<16xi32>
          %add3A_1185 = arith.addi %broadcast_in_dim3A_1183, %add3A_1184 : vector<16xi32>
          %gather3A_1186 = tpu.vector_load_idx %arg16[%iota3A, %add3A_1185] : memref<32x128xf32, #tpu.memory_space<vmem>>[vector<16xi32>, vector<16xi32>], vector<16xf32>,
          %gather3A_1187 = tpu.vector_load_idx %arg16[%add3A_5, %add3A_1185] : memref<32x128xf32, #tpu.memory_space<vmem>>[vector<16xi32>, vector<16xi32>], vector<16xf32>,
          %broadcast_in_dim3A_1188 = arith.constant 0 : i32
          %broadcast_in_dim3A_1189 = vector.broadcast %broadcast_in_dim3A_1188 : i32 to vector<16xi32>
          %jit3A_1190 = arith.constant 4 : i32
          %div3A_1191 = arith.divsi %add3A_1181, %jit3A_1190 : i32
          %sign3A_1192 = arith.constant 0 : i32
          %sign3A_1193 = arith.cmpi sgt, %add3A_1181, %sign3A_1192 : i32
          %sign3A_1194 = arith.extui %sign3A_1193 : i1 to i32
          %sign3A_1195 = arith.constant 0 : i32
          %sign3A_1196 = arith.cmpi slt, %add3A_1181, %sign3A_1195 : i32
          %sign3A_1197 = arith.extui %sign3A_1196 : i1 to i32
          %sign3A_1198 = arith.subi %sign3A_1194, %sign3A_1197 : i32
          %sign3A_1199 = arith.constant 0 : i32
          %sign3A_1200 = arith.cmpi sgt, %jit3A_1190, %sign3A_1199 : i32
          %sign3A_1201 = arith.extui %sign3A_1200 : i1 to i32
          %sign3A_1202 = arith.constant 0 : i32
          %sign3A_1203 = arith.cmpi slt, %jit3A_1190, %sign3A_1202 : i32
          %sign3A_1204 = arith.extui %sign3A_1203 : i1 to i32
          %sign3A_1205 = arith.subi %sign3A_1201, %sign3A_1204 : i32
          %ne3A_1206 = arith.cmpi ne, %sign3A_1198, %sign3A_1205 : i32
          %rem3A_1207 = arith.remsi %add3A_1181, %jit3A_1190 : i32
          %ne3A_1208 = arith.constant 0 : i32
          %ne3A_1209 = arith.cmpi ne, %rem3A_1207, %ne3A_1208 : i32
          %and3A_1210 = arith.andi %ne3A_1206, %ne3A_1209 : i1
          %sub3A_1211 = arith.constant 1 : i32
          %sub3A_1212 = arith.subi %div3A_1191, %sub3A_1211 : i32
          %select_n3A_1213 = arith.select %and3A_1210, %sub3A_1212, %div3A_1191 : i32
          %add3A_1214 = vector.broadcast %select_n3A_1213 : i32 to vector<16xi32>
          %add3A_1215 = arith.addi %broadcast_in_dim3A_1189, %add3A_1214 : vector<16xi32>
          %rem3A_1216 = arith.constant 4 : i32
          %rem3A_1217 = arith.remsi %add3A_1181, %rem3A_1216 : i32
          %mul3A_1218 = arith.constant 32 : i32
          %mul3A_1219 = arith.muli %rem3A_1217, %mul3A_1218 : i32
          %add3A_1220 = vector.broadcast %mul3A_1219 : i32 to vector<16xi32>
          %add3A_1221 = arith.addi %iota3A, %add3A_1220 : vector<16xi32>
          tpu.vector_store_idx %arg17[%add3A_1215, %add3A_1221], %gather3A_1186 : memref<32x128xf32, #tpu.memory_space<vmem>>[vector<16xi32>, vector<16xi32>], vector<16xf32>,
          %add3A_1222 = vector.broadcast %mul3A_1219 : i32 to vector<16xi32>
          %add3A_1223 = arith.addi %add3A_5, %add3A_1222 : vector<16xi32>
          tpu.vector_store_idx %arg17[%add3A_1215, %add3A_1223], %gather3A_1187 : memref<32x128xf32, #tpu.memory_space<vmem>>[vector<16xi32>, vector<16xi32>], vector<16xf32>,
        }
        %scan3A_485 = arith.constant 8 : i32
        %mul3A_486 = arith.constant 32 : i32
        %mul3A_487 = arith.muli %add3A_466, %mul3A_486 : i32
        %multiple_of3A_488 = tpu.assume_multiple %mul3A_487, 8 : i32
        "tpu.region"() ({
          %run_scoped3A = tpu.sem_alloc : memref<!tpu.dma_semaphore, #tpu.memory_space<semaphore_mem>>
          %dma_start3A_489 = arith.constant 0 : i32
          %dma_start3A_490 = tpu.memref_slice %arg9[%multiple_of3A_488, %dma_start3A_489] : memref<25280x128xf32, #tpu.memory_space<hbm>> -> memref<32x128xf32, #tpu.memory_space<hbm>>
          %dma_start3A_491 = arith.constant 0 : i32
          %dma_start3A_492 = tpu.memref_slice %arg9[%multiple_of3A_488, %dma_start3A_491] : memref<25280x128xf32, #tpu.memory_space<hbm>> -> memref<32x128xf32, #tpu.memory_space<hbm>>
          tpu.enqueue_dma source(%arg17 : memref<32x128xf32, #tpu.memory_space<vmem>>) target(%dma_start3A_492 : memref<32x128xf32, #tpu.memory_space<hbm>>) target_semaphore(%run_scoped3A : memref<!tpu.dma_semaphore, #tpu.memory_space<semaphore_mem>>)
          %dma_wait3A = arith.constant 0 : i32
          %dma_wait3A_493 = tpu.memref_slice %arg9[%multiple_of3A_488, %dma_wait3A] : memref<25280x128xf32, #tpu.memory_space<hbm>> -> memref<32x128xf32, #tpu.memory_space<hbm>>
          %dma_wait3A_494 = arith.constant 0 : i32
          %dma_wait3A_495 = tpu.memref_slice %arg9[%multiple_of3A_488, %dma_wait3A_494] : memref<25280x128xf32, #tpu.memory_space<hbm>> -> memref<32x128xf32, #tpu.memory_space<hbm>>
          tpu.wait_dma2 semaphore(%run_scoped3A : memref<!tpu.dma_semaphore, #tpu.memory_space<semaphore_mem>>) src(%arg17 : memref<32x128xf32, #tpu.memory_space<vmem>>) dst(%dma_wait3A_495 : memref<32x128xf32, #tpu.memory_space<hbm>>)
          tpu.yield
        }) : () -> ()
      } else {
      }
    }
    %scan3A_462 = arith.constant 25 : i32
    return
  }
}

</mosaic_0001>

<sc_bundles>
// kernel: _sc_gather.3.cloned.1.call-start
scs
__scs_entry_jumppad:
0x0: {  	(pc) =	sbr.rel $0x88, $3  }
0x1: {  	(tag) =	ssettag $0x0;
	lr =	simm.s32 $0x1  }
0x2: {  	[smem:$0x3F9B] =	sst lr;
	_ =	strace $0xD0000000  }
0x3: {  	_ = 	snop  }
0x4: {  	_ = 	snop  }
0x5: {  	_ = 	snop  }
0x6: {  	_ = 	snop  }
0x7: {  	_ = 	snop  }
__scs_overlays_trampoline_lowered:
0x8: {  	[smem:$0x3FAA] =	sst s0  }
0x9: {  	[smem:$0x3FAB] =	sst s1  }
0xa: {  	[smem:$0x3FAC] =	sst s2  }
0xb: {  	[smem:$0x3FAD] =	sst s3  }
0xc: {  	[smem:$0x3FAE] =	sst s4  }
0xd: {  	[smem:$0x3FAF] =	sst s5  }
0xe: {  	[smem:$0x3FB0] =	sst s6  }
0xf: {  	[smem:$0x3FB1] =	sst s7  }
0x10: {  	[smem:$0x3FB2] =	sst s8  }
0x11: {  	[smem:$0x3FB3] =	sst s9;
	s0 =	simm.s32 @!p0 $0x0  }
0x12: {  	s1 =	sld [smem:$0x3F99];
	s0 =	simm.s32 @p0 $0x1  }
0x13: {  	[smem:$0x3FB4] =	sst s0;
	s0 =	simm.s32 @!p1 $0x0  }
0x14: {  	s2 =	sld [smem:$0x3F98];
	s0 =	simm.s32 @p1 $0x1  }
0x15: {  	[smem:$0x3FB5] =	sst s0;
	s0 =	simm.s32 @!p2 $0x0  }
0x16: {  	s3 =	sld [smem:$0x3FDB];
	s0 =	simm.s32 @p2 $0x1  }
0x17: {  	s4 =	simm.s32 $0x1BF5;
	[smem:$0x3FB7] =	sst s0  }
0x18: {  	s0 =	sld [smem:$0x3F9A];
	_ =	swait.ge [sflag:s4], $0x0  }
0x19: {  	s7 =	sld [smem:$0x3F9B]  }
0x1a: {  	s8 =	sadd.s32 $0xFFFFE003, lr  }
0x1b: {  	s9 =	sadd.s32 $0xFFFFFEF7, lr;
	s5 =	simm.s32 $0xFFFFFFFF;
	p2 =	slt.u32 s8, $0xFFFFF086  }
0x1c: {  	p1 =	slt.u32 s9, $0xF7A;
	s5 =	simm.s32 @!p2 $0x0  }
0x1d: {  	s5 =	simm.s32 @p1 $0x1;
	p0 =	seq.s32 s7, s2  }
0x1e: {  	s7 =	smul.u32 @!p0 $0xF7A, s2;
	p2 =	seq.s32 @!p0 s5, $0x0  }
0x1f: {  	s9 =	smul.u32 $0xF7A, s1;
	s8 =	simm.s32 @!p0 $0x1BF5;
	p2 =	por !p2, p0  }
0x20: {  	[sflag:s8] =	ssyncset.s32 @!p0 $0xFFFFF086;
	s6 =	sadd.s32 @!p0 s3, s7;
	s7 =	simm.s32 @!p0 $0x108  }
0x21: {  	s3 =	sadd.s32 s3, s9;
	s6 =	sadd.s32 @!p0 $0x88, s6;
	s7 =	simm.s32 @p2 $0x1082  }
0x22: {  	[simem:s7], [sflag:s8] =	dma.local @!p0 [hbm:s6], $0xF7A  }
0x23: {  	s9 =	sor.u32 $0xD0000000, s2;
	s6 =	simm.s32 $0x108;
	_ =	swait.ge @!p0 [sflag:s8], $0x0  }
0x24: {  	s3 =	sadd.s32 $0x88, s3;
	s6 =	simm.s32 @!p1 $0x1082;
	[sflag:s4] =	ssyncset.s32 $0xFFFFF086  }
0x25: {  	[simem:s6], [sflag:s4] =	dma.local [hbm:s3], $0xF7A  }
0x26: {  	[smem:$0x3F9B] =	sst s1;
	(tag) =	ssettag s2;
	_ =	strace s9  }
0x27: {  	s1 =	sld [smem:$0x3FAB]  }
0x28: {  	s2 =	sld [smem:$0x3FAC]  }
0x29: {  	s4 =	sld [smem:$0x3FAE]  }
0x2a: {  	p0 =	seq.s32 s5, $0x0;
	s5 =	sld [smem:$0x3FAF]  }
0x2b: {  	s6 =	sld [smem:$0x3FB0]  }
0x2c: {  	s7 =	sld [smem:$0x3FB1]  }
0x2d: {  	s3 =	simm.s32 $0x108;
	s8 =	sld [smem:$0x3FB2]  }
0x2e: {  	s3 =	simm.s32 @!p0 $0x1082;
	s9 =	sld [smem:$0x3FB3]  }
0x2f: {  	lr =	sadd.s32 s0, s3;
	s0 =	sld [smem:$0x3FAA]  }
0x30: {  	s3 =	sld [smem:$0x3FAD]  }
0x31: {  	[smem:$0x3FB6] =	sst s10  }
0x32: {  	s10 =	sld [smem:$0x3FB4];
	_ =	sdelay $0x3  }
0x33: {  	p0 =	seq.s32 s10, $0x1;
	s10 =	sld [smem:$0x3FB6];
	_ =	sdelay $0x3  }
0x34: {  	[smem:$0x3FB6] =	sst s10  }
0x35: {  	s10 =	sld [smem:$0x3FB5];
	_ =	sdelay $0x3  }
0x36: {  	p1 =	seq.s32 s10, $0x1;
	s10 =	sld [smem:$0x3FB6];
	_ =	sdelay $0x3  }
0x37: {  	[smem:$0x3FB6] =	sst s10  }
0x38: {  	s10 =	sld [smem:$0x3FB7]  }
0x39: {  	_ = 	snop;
	(pc) =	sbr.ind lr, $3  }
0x3a: {  	_ = 	snop  }
0x3b: {  	_ = 	snop  }
0x3c: {  	p2 =	seq.s32 s10, $0x1;
	s10 =	sld [smem:$0x3FB6]  }
0x3d: {  	_ =	shalt  }
0x3e: {  	_ =	shalt  }
0x3f: {  	_ =	shalt  }
0x40: {  	_ =	shalt  }
0x41: {  	_ =	shalt  }
0x42: {  	_ =	shalt  }
0x43: {  	_ =	shalt  }
0x44: {  	_ =	shalt  }
0x45: {  	_ =	shalt  }
0x46: {  	_ =	shalt  }
0x47: {  	_ =	shalt  }
0x48: {  	_ =	shalt  }
0x49: {  	_ =	shalt  }
0x4a: {  	_ =	shalt  }
0x4b: {  	_ =	shalt  }
0x4c: {  	_ =	shalt  }
0x4d: {  	_ =	shalt  }
0x4e: {  	_ =	shalt  }
0x4f: {  	_ =	shalt  }
0x50: {  	_ =	shalt  }
0x51: {  	_ =	shalt  }
0x52: {  	_ =	shalt  }
0x53: {  	_ =	shalt  }
0x54: {  	_ =	shalt  }
0x55: {  	_ =	shalt  }
0x56: {  	_ =	shalt  }
0x57: {  	_ =	shalt  }
0x58: {  	_ =	shalt  }
0x59: {  	_ =	shalt  }
0x5a: {  	_ =	shalt  }
0x5b: {  	_ =	shalt  }
0x5c: {  	_ =	shalt  }
0x5d: {  	_ =	shalt  }
0x5e: {  	_ =	shalt  }
0x5f: {  	_ =	shalt  }
0x60: {  	_ =	shalt  }
0x61: {  	_ =	shalt  }
0x62: {  	_ =	shalt  }
0x63: {  	_ =	shalt  }
0x64: {  	_ =	shalt  }
0x65: {  	_ =	shalt  }
0x66: {  	_ =	shalt  }
0x67: {  	_ =	shalt  }
0x68: {  	_ =	shalt  }
0x69: {  	_ =	shalt  }
0x6a: {  	_ =	shalt  }
0x6b: {  	_ =	shalt  }
0x6c: {  	_ =	shalt  }
0x6d: {  	_ =	shalt  }
0x6e: {  	_ =	shalt  }
0x6f: {  	_ =	shalt  }
0x70: {  	_ =	shalt  }
0x71: {  	_ =	shalt  }
0x72: {  	_ =	shalt  }
0x73: {  	_ =	shalt  }
0x74: {  	_ =	shalt  }
0x75: {  	_ =	shalt  }
0x76: {  	_ =	shalt  }
0x77: {  	_ =	shalt  }
0x78: {  	_ =	shalt  }
0x79: {  	_ =	shalt  }
0x7a: {  	_ =	shalt  }
0x7b: {  	_ =	shalt  }
0x7c: {  	_ =	shalt  }
0x7d: {  	_ =	shalt  }
0x7e: {  	_ =	shalt  }
0x7f: {  	_ =	shalt  }
0x80: {  	_ =	shalt  }
0x81: {  	_ =	shalt  }
0x82: {  	_ =	shalt  }
0x83: {  	_ =	shalt  }
0x84: {  	_ =	shalt  }
0x85: {  	_ =	shalt  }
0x86: {  	_ =	shalt  }
0x87: {  	_ =	shalt  }
.Lfunc_end0:
.L_simem_size_0:
called_computation_lowered:
.L_overlay_start_0:
0x88: {  	s2 =	sld [smem:$0x3FD9]  }
0x89: {  	s3 =	sld [smem:$0x3FFE];
	_ =	sdelay $0x1  }
0x8a: {  	s1 =	srdreg.scid  }
0x8b: {  	s0 =	sand.u32 $0x1, s1  }
0x8c: {  	s14 =	sshll.u32 s0, $0xA;
	s2 =	sadd.s32 s3, s2  }
0x8d: {  	s2 =	sadd.s32 s2, s14  }
0x8e: {  	[smem:$0x3FC2] =	sst s2  }
0x8f: {  	_ = 	snop  }
0x90: {  	s2 =	sld [smem:$0x3FC9]  }
0x91: {  	s15 =	sld [smem:$0x3FD0]  }
0x92: {  	s4 =	sld [smem:$0x3FC6]  }
0x93: {  	s5 =	sld [smem:$0x3FC5]  }
0x94: {  	s7 =	simm.s32 $0xA;
	s8 =	simm.s32 $0x10;
	s6 =	sld [smem:$0x3FC4]  }
0x95: {  	[smem:s8], [sflag:s7] =	dma.local [hbm:s15], $0x1  }
0x96: {  	_ =	swait.eq [sflag:s7], $0x1  }
0x97: {  	[sflag:s7] =	ssyncset.done $0x0  }
0x98: {  	[sflag:s7] =	ssyncadd.s32 $0xFFFFFFFF  }
0x99: {  	s16 =	sld [smem:$0x11];
	(tm) =	ssettm $0x1  }
0x9a: {  	s17 =	sld [smem:$0x3FFB];
	_ =	sdelay $0x3  }
0x9b: {  	_ =	strace s17  }
0x9c: {  	s7 =	sld [smem:$0x3FFC];
	_ =	sdelay $0x3  }
0x9d: {  	_ =	strace s7  }
0x9e: {  	s7 =	sld [smem:$0x3FFD];
	_ =	sdelay $0x3  }
0x9f: {  	_ =	strace s7  }
0xa0: {  	_ =	strace $0x8FFFFFFF  }
0xa1: {  	s18 =	sld [smem:$0x3FDB];
	_ =	sdelay $0x1  }
0xa2: {  	s19 =	simm.s32 $_scs_section_size  }
0xa3: {  	s9 =	simm.s32 $_size__tile_overlayer_lowered;
	s10 =	simm.s32 $_tile_overlayer_lowered  }
0xa4: {  	s22 =	simm.s32 $0x1BFF;
	s21 =	sshll.u32 s10, $0x1;
	s7 =	sadd.s32 s19, s18  }
0xa5: {  	s11 =	simm.s32 $0x0;
	s20 =	sshll.u32 s9, $0x1;
	s9 =	sadd.s32 s21, s7  }
0xa6: {  	[timem:s11], [sflag:s22] =	dma.local [hbm:s9], s20  }
0xa7: {  	_ =	swait.ge [sflag:s22], s20  }
0xa8: {  	s8 =	ssub.s32 $0x0, s20;
	[sflag:s22] =	ssyncset.done $0x0  }
0xa9: {  	[sflag:s22] =	ssyncadd.s32 s8;
	_ =	sdelay $0x1  }
0xaa: {  	s23 =	simm.s32 $0x1B8B  }
0xab: {  	_ =	swait.ge [sflag:s23], $0x1  }
0xac: {  	[sflag:s23] =	ssyncset.done $0x0  }
0xad: {  	s25 =	simm.s32 $0x1B8E;
	s24 =	sld [smem:$0x3FFE];
	[sflag:s23] =	ssyncadd.s32 $0xFFFFFFFF  }
0xae: {  	s26 =	simm.s32 $execute0_lowered;
	[smem:$0x3FD2] =	sst s25  }
0xaf: {  	s9 =	sshll.u32 s26, $0x1;
	_ =	strace $0x80000046;
	[dreg:$0x1] =	wrdreg $0xFFFFFFFF  }
0xb0: {  	s28 =	simm.s32 $_size_execute0_lowered;
	s7 =	sadd.s32 s7, s9;
	[dreg:$0x0] =	wrdreg $0x0  }
0xb1: {  	s9 =	sshll.u32 s28, $0x1;
	[dreg:$0x2] =	wrdreg s7  }
0xb2: {  	[dreg:$0x3] =	wrdreg s9  }
0xb3: {  	[dreg:$0x4] =	wrdreg $0xC0  }
0xb4: {  	_ =	task [dreg:s11], $0x5FFFF  }
0xb5: {  	[dreg:$0x1] =	wrdreg $0xFFFFFFFF  }
0xb6: {  	[dreg:$0x0] =	wrdreg $0x60  }
0xb7: {  	[dreg:$0x2] =	wrdreg s2  }
0xb8: {  	[dreg:$0x3] =	wrdreg s4  }
0xb9: {  	[dreg:$0x4] =	wrdreg s5  }
0xba: {  	[dreg:$0x5] =	wrdreg s6  }
0xbb: {  	[dreg:$0x6] =	wrdreg s24  }
0xbc: {  	[dreg:$0x7] =	wrdreg s16  }
0xbd: {  	[dreg:$0x8] =	wrdreg $0x9  }
0xbe: {  	_ =	task.clear_ibuf [dreg:s11], $0x9FFFF;
	_ =	strace $0x90000046  }
0xbf: {  	s29 =	simm.s32 $0x9;
	_ =	strace $0x80000048  }
0xc0: {  	_ =	swait.ge [sflag:s29], $0x1  }
0xc1: {  	[sflag:s29] =	ssyncadd.s32 $0xFFFFFFFF  }
0xc2: {  	_ =	strace $0x90000048  }
0xc3: {  	_ =	sfence  }
0xc4: {  	s30 =	sld [smem:$0x0];
	_ =	sdelay $0x2  }
0xc5: {  	s31 =	sshll.u32 s1, $0xD;
	s1 =	sshrl.u32 s1, $0x2  }
0xc6: {  	s3 =	sand.u32 $0x4000, s31;
	s1 =	sadd.s32 s1, s30  }
0xc7: {  	s0 =	sor.u32 s3, s0;
	s1 =	sshll.u32 s1, $0x11  }
0xc8: {  	s0 =	sor.u32 s1, s0  }
0xc9: {  	s0 =	sadd.s32 $0x8F2B, s0  }
0xca: {  	[sflag:s0] =	ssyncadd.remote.s32 $0x1  }
0xcb: {  	_ =	sfence.sel $0xFFFF  }
0xcc: {  	[dreg:$0x0] =	wrdreg $0xFFFFFFFF;
	(pc) =	sbr.abs _section_cstart, $3  }
0xcd: {  	[dreg:$0x1] =	wrdreg $0xFFFFFFFF  }
0xce: {  	_ =	task.clear_ibuf [dreg:s11], $0x2FFFF;
	_ =	strace $0x9FFFFFFF  }
0xcf: {  	(tm) =	ssettm $0x7FFFFFFF  }
tec
execute0_lowered:
.L_overlay_start_1:
0x0: {  	(tag) =	ssettag $0x1  }
0x1: {  	v0 =	vimm.s32 $0x1380;
	vm0 =	vcmask $0x300;
	vm1 =	vcmask $0x704  }
0x2: {  	vm2 =	vcmask $0xB08;
	v1 =	vimm.s32 $0x3380;
	v0 =	vsel vm0, $0x0, v0  }
0x3: {  	vm3 =	vcmask $0xF0C;
	v1 =	vsel vm0, $0x2000, v1;
	v0 =	vsel vm1, $0x80, v0  }
0x4: {  	vm15 =	vcmask $0x1310;
	v1 =	vsel vm1, $0x2080, v1;
	v0 =	vsel vm2, $0x100, v0  }
0x5: {  	s0 =	rddreg [dreg:$0x0];
	vm6 =	vcmask $0x1714;
	v1 =	vsel vm2, $0x2100, v1;
	v0 =	vsel vm3, $0x180, v0  }
0x6: {  	s1 =	rddreg [dreg:$0x1];
	vm7 =	vcmask $0x1B18;
	v1 =	vsel vm3, $0x2180, v1;
	v0 =	vsel vm15, $0x200, v0  }
0x7: {  	s2 =	rddreg [dreg:$0x4];
	vm8 =	vcmask $0x1F1C;
	v1 =	vsel vm15, $0x2200, v1;
	v0 =	vsel vm6, $0x280, v0  }
0x8: {  	s3 =	srdreg.scid;
	s4 =	stileid.u32;
	s6 =	simm.s32 $0x0;
	vm9 =	vcmask $0x2320;
	v1 =	vsel vm6, $0x2280, v1;
	v0 =	vsel vm7, $0x300, v0  }
0x9: {  	s12 =	simm.s32 $0x1;
	s13 =	simm.s32 $0x200;
	s30 =	simm.s32 $0x4200;
	vm10 =	vcmask $0x2724;
	v1 =	vsel vm7, $0x2300, v1;
	v0 =	vsel vm8, $0x380, v0  }
0xa: {  	s22 =	simm.s32 $0x8200;
	vm11 =	vcmask $0x2B28;
	s23 =	simm.s32 $0x10200;
	s24 =	simm.s32 $0xC200;
	v1 =	vsel vm8, $0x2380, v1;
	v0 =	vsel vm9, $0x1000, v0  }
0xb: {  	vm12 =	vcmask $0x2F2C;
	s18 =	simm.s32 $0x2;
	s19 =	simm.s32 $0x3;
	s20 =	simm.s32 $0x4;
	v1 =	vsel vm9, $0x3000, v1;
	v0 =	vsel vm10, $0x1080, v0  }
0xc: {  	vm13 =	vcmask $0x3330;
	s21 =	simm.s32 $0x6;
	s3 =	sand.u32 $0x1, s3;
	s4 =	sshll.u32 s4, $0x1;
	v1 =	vsel vm10, $0x3080, v1;
	v0 =	vsel vm11, $0x1100, v0  }
0xd: {  	vm14 =	vcmask $0x3734;
	[smem:$0x7FF] =	sst s6;
	s4 =	sor.u32 s3, s4;
	s3 =	ssub.s32 $0x2, s3;
	v1 =	vsel vm11, $0x3100, v1;
	v0 =	vsel vm12, $0x1180, v0  }
0xe: {  	_ =	strace $0x80000047;
	s28 =	sshll.u32 s4, $0x6;
	s17 =	smul.u32 $0x19, s4;
	vm15 =	vcmask $0x3B38;
	v1 =	vsel vm12, $0x3180, v1;
	v0 =	vsel vm13, $0x1200, v0  }
.Ltmp0:
0xf: {  	s5 =	sshll.u32 s4, $0xD;
	s0 =	sadd.s32 s0, s28;
	v3 =	vsel vm13, $0x3200, v1;
	v2 =	vsel vm14, $0x1280, v0;
	v0 =	vlaneseq.u32;
	(pc) =	sbr.rel .LBB2_1-.Ltmp0, $4  }
0x10: {  	s7 =	sshrl.u32 s3, $0x1;
	s2 =	sadd.s32 s5, s2;
	[dreg:$0x7] =	wrdreg s0;
	v3 =	vsel vm14, $0x3280, v3;
	v1 =	vmul.u32 $0x80, v0;
	v2 =	vsel vm15, $0x1300, v2  }
0x11: {  	s3 =	ssub.s32 s3, s7;
	s29 =	sadd.s32 $0x800, s2;
	[dreg:$0x9] =	wrdreg s17;
	v3 =	vsel vm15, $0x3300, v3;
	v4 =	vor.u32 $0x10, v0;
	v6 =	vor.u32 $0x20, v0  }
0x12: {  	s8 =	simm.s32 $0x15200;
	s31 =	smax.u32 s3, $0x1;
	[dreg:$0x8] =	wrdreg s29;
	v7 =	vor.u32 $0x30, v0;
	v8 =	vor.u32 $0x40, v0;
	v9 =	vor.u32 $0x50, v0  }
0x13: {  	s5 =	simm.s32 $0x14200;
	s2 =	simm.s32 $0x0;
	[dreg:$0xa] =	wrdreg s31;
	v10 =	vor.u32 $0x60, v0;
	v11 =	vor.u32 $0x70, v0;
	v5 =	vor.u32 $0x800, v1  }
.LBB2_22:
0x14: {  	s2 =	rddreg [dreg:$0xb]  }
0x15: {  	s0 =	rddreg [dreg:$0xa];
	s2 =	sadd.s32 $0x1, s2  }
0x16: {  	p0 =	sne.s32 s2, s0  }
.Ltmp1:
0x17: {  	_ = 	snop;
	(pc) =	sbr.rel @!p0 .LBB2_23-.Ltmp1, $1  }
0x18: {  	_ =	sdelay $0x3  }
.LBB2_1:
0x19: {  	[dreg:$0xb] =	wrdreg s2  }
0x1a: {  	s0 =	rddreg [dreg:$0x7];
	s14 =	simm.s32 $0x5  }
0x1b: {  	[tilespmem:s6], [sflag:$0x5] =	stream.linear.gather [hbm4b:s0+s6], $0x200, $0x38;
	[tilespmem:$0x16200] =	vst v63  }
0x1c: {  	_ =	swait.ge [sflag:s14], $0x200  }
0x1d: {  	[sflag:s14] =	ssyncset.done $0x0  }
0x1e: {  	[sflag:s14] =	ssyncadd.s32 $0xFFFFFE00  }
0x1f: {  	v12 =	vld [tilespmem:$0x0];
	_ =	sdelay $0x4  }
0x20: {  	(v2sf) =	vpush v12, $0x0;
	_ =	sdelay $0xe  }
0x21: {  	s15 =	spop (v2sf);
	(v2sf) =	vpush v12, $0x1  }
0x22: {  	s16 =	sand.u32 $0x7F, s15  }
0x23: {  	s3 =	sshra.s32 s15, $0x1F;
	p0 =	slt.s32 s15, $0x1;
	p1 =	sne.s32 s16, $0x0  }
0x24: {  	s17 =	sshrl.u32 s3, $0x19;
	p0 =	por !p0, !p1  }
0x25: {  	s2 =	simm.s32 $0x1;
	s0 =	sadd.s32 s17, s15;
	p0 =	por !p0, !p0  }
0x26: {  	s0 =	sshrl.u32 s0, $0x7;
	s2 =	simm.s32 @!p0 $0x0  }
0x27: {  	s0 =	ssub.s32 s0, s2  }
0x28: {  	s0 =	sshll.u32 s0, $0x7  }
0x29: {  	s0 =	sand.u32 $0x1FFFFF80, s0  }
0x2a: {  	s0 =	sadd.s32 s1, s0  }
0x2b: {  	[tilespmem:s13], [sflag:$0x1] =	stream.linear.gather [hbm4b:s0+s6], $0x400, $0x38;
	[tilespmem:$0x16200] =	vst v63  }
0x2c: {  	s26 =	simm.s32 $0x1200;
	s25 =	sadd.s32 $0xF4280, s0  }
0x2d: {  	[tilespmem:s26], [sflag:$0x1] =	stream.linear.gather [hbm4b:s25+s6], $0x400, $0x38;
	[tilespmem:$0x16200] =	vst v63  }
0x2e: {  	s31 =	simm.s32 $0x2200;
	s29 =	sadd.s32 $0x1E8500, s0  }
0x2f: {  	[tilespmem:s31], [sflag:$0x1] =	stream.linear.gather [hbm4b:s29+s6], $0x400, $0x38;
	[tilespmem:$0x16200] =	vst v63  }
0x30: {  	s3 =	simm.s32 $0x3200;
	s0 =	sadd.s32 $0x2DC780, s0;
	s4 =	spop (v2sf)  }
0x31: {  	(v2sf) =	vpush v12, $0x2;
	[tilespmem:s3], [sflag:$0x1] =	stream.linear.gather [hbm4b:s0+s6], $0x400, $0x38;
	[tilespmem:$0x16200] =	vst v63  }
0x32: {  	s7 =	sand.u32 $0x7F, s4  }
0x33: {  	s9 =	sshra.s32 s4, $0x1F;
	p3 =	slt.s32 s4, $0x1;
	p4 =	sne.s32 s7, $0x0  }
0x34: {  	s10 =	sshrl.u32 s9, $0x19;
	p0 =	por !p3, !p4  }
0x35: {  	s2 =	simm.s32 $0x1;
	s0 =	sadd.s32 s10, s4;
	p0 =	por !p0, !p0  }
0x36: {  	s0 =	sshrl.u32 s0, $0x7;
	s2 =	simm.s32 @!p0 $0x0  }
0x37: {  	s0 =	ssub.s32 s0, s2  }
0x38: {  	s0 =	sshll.u32 s0, $0x7  }
0x39: {  	s0 =	sand.u32 $0x1FFFFF80, s0  }
0x3a: {  	s11 =	simm.s32 $0x600;
	s0 =	sadd.s32 s1, s0  }
0x3b: {  	[tilespmem:s11], [sflag:$0x1] =	stream.linear.gather [hbm4b:s0+s6], $0x400, $0x38;
	[tilespmem:$0x16200] =	vst v63  }
0x3c: {  	s15 =	simm.s32 $0x1600;
	s14 =	sadd.s32 $0xF4280, s0  }
0x3d: {  	[tilespmem:s15], [sflag:$0x1] =	stream.linear.gather [hbm4b:s14+s6], $0x400, $0x38;
	[tilespmem:$0x16200] =	vst v63  }
0x3e: {  	s17 =	simm.s32 $0x2600;
	s16 =	sadd.s32 $0x1E8500, s0  }
0x3f: {  	[tilespmem:s17], [sflag:$0x1] =	stream.linear.gather [hbm4b:s16+s6], $0x400, $0x38;
	[tilespmem:$0x16200] =	vst v63  }
0x40: {  	s25 =	simm.s32 $0x3600;
	s0 =	sadd.s32 $0x2DC780, s0;
	s26 =	spop (v2sf)  }
0x41: {  	(v2sf) =	vpush v12, $0x3;
	[tilespmem:s25], [sflag:$0x1] =	stream.linear.gather [hbm4b:s0+s6], $0x400, $0x38;
	[tilespmem:$0x16200] =	vst v63  }
0x42: {  	s29 =	sand.u32 $0x7F, s26  }
0x43: {  	s31 =	sshra.s32 s26, $0x1F;
	p5 =	slt.s32 s26, $0x1;
	p6 =	sne.s32 s29, $0x0  }
0x44: {  	s3 =	sshrl.u32 s31, $0x19;
	p0 =	por !p5, !p6  }
0x45: {  	s2 =	simm.s32 $0x1;
	s0 =	sadd.s32 s3, s26;
	p0 =	por !p0, !p0  }
0x46: {  	s0 =	sshrl.u32 s0, $0x7;
	s2 =	simm.s32 @!p0 $0x0  }
0x47: {  	s0 =	ssub.s32 s0, s2  }
0x48: {  	s0 =	sshll.u32 s0, $0x7  }
0x49: {  	s0 =	sand.u32 $0x1FFFFF80, s0  }
0x4a: {  	s4 =	simm.s32 $0xA00;
	s0 =	sadd.s32 s1, s0  }
0x4b: {  	[tilespmem:s4], [sflag:$0x1] =	stream.linear.gather [hbm4b:s0+s6], $0x400, $0x38;
	[tilespmem:$0x16200] =	vst v63  }
0x4c: {  	s9 =	simm.s32 $0x1A00;
	s7 =	sadd.s32 $0xF4280, s0  }
0x4d: {  	[tilespmem:s9], [sflag:$0x1] =	stream.linear.gather [hbm4b:s7+s6], $0x400, $0x38;
	[tilespmem:$0x16200] =	vst v63  }
0x4e: {  	s11 =	simm.s32 $0x2A00;
	s10 =	sadd.s32 $0x1E8500, s0  }
0x4f: {  	[tilespmem:s11], [sflag:$0x1] =	stream.linear.gather [hbm4b:s10+s6], $0x400, $0x38;
	[tilespmem:$0x16200] =	vst v63  }
0x50: {  	s14 =	simm.s32 $0x3A00;
	s0 =	sadd.s32 $0x2DC780, s0;
	s15 =	spop (v2sf)  }
0x51: {  	(v2sf) =	vpush v12, $0x4;
	[tilespmem:s14], [sflag:$0x1] =	stream.linear.gather [hbm4b:s0+s6], $0x400, $0x38;
	[tilespmem:$0x16200] =	vst v63  }
0x52: {  	s16 =	sand.u32 $0x7F, s15  }
0x53: {  	s17 =	sshra.s32 s15, $0x1F;
	p1 =	slt.s32 s15, $0x1;
	p2 =	sne.s32 s16, $0x0  }
0x54: {  	s25 =	sshrl.u32 s17, $0x19;
	p0 =	por !p1, !p2  }
0x55: {  	s2 =	simm.s32 $0x1;
	s0 =	sadd.s32 s25, s15;
	p0 =	por !p0, !p0  }
0x56: {  	s0 =	sshrl.u32 s0, $0x7;
	s2 =	simm.s32 @!p0 $0x0  }
0x57: {  	s0 =	ssub.s32 s0, s2  }
0x58: {  	s0 =	sshll.u32 s0, $0x7  }
0x59: {  	s0 =	sand.u32 $0x1FFFFF80, s0  }
0x5a: {  	s26 =	simm.s32 $0xE00;
	s0 =	sadd.s32 s1, s0  }
0x5b: {  	[tilespmem:s26], [sflag:$0x1] =	stream.linear.gather [hbm4b:s0+s6], $0x400, $0x38;
	[tilespmem:$0x16200] =	vst v63  }
0x5c: {  	s31 =	simm.s32 $0x1E00;
	s29 =	sadd.s32 $0xF4280, s0  }
0x5d: {  	[tilespmem:s31], [sflag:$0x1] =	stream.linear.gather [hbm4b:s29+s6], $0x400, $0x38;
	[tilespmem:$0x16200] =	vst v63  }
0x5e: {  	s7 =	simm.s32 $0x2E00;
	s4 =	sadd.s32 $0x1E8500, s0  }
0x5f: {  	[tilespmem:s7], [sflag:$0x1] =	stream.linear.gather [hbm4b:s4+s6], $0x400, $0x38;
	[tilespmem:$0x16200] =	vst v63  }
0x60: {  	s9 =	simm.s32 $0x3E00;
	s0 =	sadd.s32 $0x2DC780, s0;
	s10 =	spop (v2sf)  }
0x61: {  	(v2sf) =	vpush v12, $0x5;
	[tilespmem:s9], [sflag:$0x1] =	stream.linear.gather [hbm4b:s0+s6], $0x400, $0x38;
	[tilespmem:$0x16200] =	vst v63  }
0x62: {  	s11 =	sand.u32 $0x7F, s10  }
0x63: {  	s14 =	sshra.s32 s10, $0x1F;
	p3 =	slt.s32 s10, $0x1;
	p4 =	sne.s32 s11, $0x0  }
0x64: {  	s15 =	sshrl.u32 s14, $0x19;
	p0 =	por !p3, !p4  }
0x65: {  	s2 =	simm.s32 $0x1;
	s0 =	sadd.s32 s15, s10;
	p0 =	por !p0, !p0  }
0x66: {  	s0 =	sshrl.u32 s0, $0x7;
	s2 =	simm.s32 @!p0 $0x0  }
0x67: {  	s0 =	ssub.s32 s0, s2  }
0x68: {  	s0 =	sshll.u32 s0, $0x7  }
0x69: {  	s0 =	sand.u32 $0x1FFFFF80, s0  }
0x6a: {  	s0 =	sadd.s32 s1, s0  }
0x6b: {  	[tilespmem:s30], [sflag:$0x2] =	stream.linear.gather [hbm4b:s0+s6], $0x400, $0x38;
	[tilespmem:$0x16200] =	vst v63  }
0x6c: {  	s17 =	simm.s32 $0x5200;
	s16 =	sadd.s32 $0xF4280, s0  }
0x6d: {  	[tilespmem:s17], [sflag:$0x2] =	stream.linear.gather [hbm4b:s16+s6], $0x400, $0x38;
	[tilespmem:$0x16200] =	vst v63  }
0x6e: {  	s26 =	simm.s32 $0x6200;
	s25 =	sadd.s32 $0x1E8500, s0  }
0x6f: {  	[tilespmem:s26], [sflag:$0x2] =	stream.linear.gather [hbm4b:s25+s6], $0x400, $0x38;
	[tilespmem:$0x16200] =	vst v63  }
0x70: {  	s29 =	simm.s32 $0x7200;
	s0 =	sadd.s32 $0x2DC780, s0;
	s31 =	spop (v2sf)  }
0x71: {  	(v2sf) =	vpush v12, $0x6;
	[tilespmem:s29], [sflag:$0x2] =	stream.linear.gather [hbm4b:s0+s6], $0x400, $0x38;
	[tilespmem:$0x16200] =	vst v63  }
0x72: {  	s3 =	sand.u32 $0x7F, s31  }
0x73: {  	s4 =	sshra.s32 s31, $0x1F;
	p5 =	slt.s32 s31, $0x1;
	p6 =	sne.s32 s3, $0x0  }
0x74: {  	s7 =	sshrl.u32 s4, $0x19;
	p0 =	por !p5, !p6  }
0x75: {  	s2 =	simm.s32 $0x1;
	s0 =	sadd.s32 s7, s31;
	p0 =	por !p0, !p0  }
0x76: {  	s0 =	sshrl.u32 s0, $0x7;
	s2 =	simm.s32 @!p0 $0x0  }
0x77: {  	s0 =	ssub.s32 s0, s2  }
0x78: {  	s0 =	sshll.u32 s0, $0x7  }
0x79: {  	s0 =	sand.u32 $0x1FFFFF80, s0  }
0x7a: {  	s9 =	simm.s32 $0x4600;
	s0 =	sadd.s32 s1, s0  }
0x7b: {  	[tilespmem:s9], [sflag:$0x2] =	stream.linear.gather [hbm4b:s0+s6], $0x400, $0x38;
	[tilespmem:$0x16200] =	vst v63  }
0x7c: {  	s11 =	simm.s32 $0x5600;
	s10 =	sadd.s32 $0xF4280, s0  }
0x7d: {  	[tilespmem:s11], [sflag:$0x2] =	stream.linear.gather [hbm4b:s10+s6], $0x400, $0x38;
	[tilespmem:$0x16200] =	vst v63  }
0x7e: {  	s15 =	simm.s32 $0x6600;
	s14 =	sadd.s32 $0x1E8500, s0  }
0x7f: {  	[tilespmem:s15], [sflag:$0x2] =	stream.linear.gather [hbm4b:s14+s6], $0x400, $0x38;
	[tilespmem:$0x16200] =	vst v63  }
0x80: {  	s16 =	simm.s32 $0x7600;
	s0 =	sadd.s32 $0x2DC780, s0;
	s17 =	spop (v2sf)  }
0x81: {  	(v2sf) =	vpush v12, $0x7;
	[tilespmem:s16], [sflag:$0x2] =	stream.linear.gather [hbm4b:s0+s6], $0x400, $0x38;
	[tilespmem:$0x16200] =	vst v63  }
0x82: {  	s25 =	sand.u32 $0x7F, s17  }
0x83: {  	s26 =	sshra.s32 s17, $0x1F;
	p1 =	slt.s32 s17, $0x1;
	p2 =	sne.s32 s25, $0x0  }
0x84: {  	s29 =	sshrl.u32 s26, $0x19;
	p0 =	por !p1, !p2  }
0x85: {  	s2 =	simm.s32 $0x1;
	s0 =	sadd.s32 s29, s17;
	p0 =	por !p0, !p0  }
0x86: {  	s0 =	sshrl.u32 s0, $0x7;
	s2 =	simm.s32 @!p0 $0x0  }
0x87: {  	s0 =	ssub.s32 s0, s2  }
0x88: {  	s0 =	sshll.u32 s0, $0x7  }
0x89: {  	s0 =	sand.u32 $0x1FFFFF80, s0  }
0x8a: {  	s31 =	simm.s32 $0x4A00;
	s0 =	sadd.s32 s1, s0  }
0x8b: {  	[tilespmem:s31], [sflag:$0x2] =	stream.linear.gather [hbm4b:s0+s6], $0x400, $0x38;
	[tilespmem:$0x16200] =	vst v63  }
0x8c: {  	s4 =	simm.s32 $0x5A00;
	s3 =	sadd.s32 $0xF4280, s0  }
0x8d: {  	[tilespmem:s4], [sflag:$0x2] =	stream.linear.gather [hbm4b:s3+s6], $0x400, $0x38;
	[tilespmem:$0x16200] =	vst v63  }
0x8e: {  	s9 =	simm.s32 $0x6A00;
	s7 =	sadd.s32 $0x1E8500, s0  }
0x8f: {  	[tilespmem:s9], [sflag:$0x2] =	stream.linear.gather [hbm4b:s7+s6], $0x400, $0x38;
	[tilespmem:$0x16200] =	vst v63  }
0x90: {  	s10 =	simm.s32 $0x7A00;
	s0 =	sadd.s32 $0x2DC780, s0;
	s11 =	spop (v2sf)  }
0x91: {  	(v2sf) =	vpush v12, $0x8;
	[tilespmem:s10], [sflag:$0x2] =	stream.linear.gather [hbm4b:s0+s6], $0x400, $0x38;
	[tilespmem:$0x16200] =	vst v63  }
0x92: {  	s14 =	sand.u32 $0x7F, s11  }
0x93: {  	s15 =	sshra.s32 s11, $0x1F;
	p3 =	slt.s32 s11, $0x1;
	p4 =	sne.s32 s14, $0x0  }
0x94: {  	s16 =	sshrl.u32 s15, $0x19;
	p0 =	por !p3, !p4  }
0x95: {  	s2 =	simm.s32 $0x1;
	s0 =	sadd.s32 s16, s11;
	p0 =	por !p0, !p0  }
0x96: {  	s0 =	sshrl.u32 s0, $0x7;
	s2 =	simm.s32 @!p0 $0x0  }
0x97: {  	s0 =	ssub.s32 s0, s2  }
0x98: {  	s0 =	sshll.u32 s0, $0x7  }
0x99: {  	s0 =	sand.u32 $0x1FFFFF80, s0  }
0x9a: {  	s17 =	simm.s32 $0x4E00;
	s0 =	sadd.s32 s1, s0  }
0x9b: {  	[tilespmem:s17], [sflag:$0x2] =	stream.linear.gather [hbm4b:s0+s6], $0x400, $0x38;
	[tilespmem:$0x16200] =	vst v63  }
0x9c: {  	s26 =	simm.s32 $0x5E00;
	s25 =	sadd.s32 $0xF4280, s0  }
0x9d: {  	[tilespmem:s26], [sflag:$0x2] =	stream.linear.gather [hbm4b:s25+s6], $0x400, $0x38;
	[tilespmem:$0x16200] =	vst v63  }
0x9e: {  	s31 =	simm.s32 $0x6E00;
	s29 =	sadd.s32 $0x1E8500, s0  }
0x9f: {  	[tilespmem:s31], [sflag:$0x2] =	stream.linear.gather [hbm4b:s29+s6], $0x400, $0x38;
	[tilespmem:$0x16200] =	vst v63  }
0xa0: {  	s4 =	simm.s32 $0x7E00;
	s0 =	sadd.s32 $0x2DC780, s0;
	s7 =	spop (v2sf)  }
0xa1: {  	(v2sf) =	vpush v12, $0x9;
	[tilespmem:s4], [sflag:$0x2] =	stream.linear.gather [hbm4b:s0+s6], $0x400, $0x38;
	[tilespmem:$0x16200] =	vst v63  }
0xa2: {  	s9 =	sand.u32 $0x7F, s7  }
0xa3: {  	s10 =	sshra.s32 s7, $0x1F;
	p5 =	slt.s32 s7, $0x1;
	p6 =	sne.s32 s9, $0x0  }
0xa4: {  	s11 =	sshrl.u32 s10, $0x19;
	p0 =	por !p5, !p6  }
0xa5: {  	s2 =	simm.s32 $0x1;
	s0 =	sadd.s32 s11, s7;
	p0 =	por !p0, !p0  }
0xa6: {  	s0 =	sshrl.u32 s0, $0x7;
	s2 =	simm.s32 @!p0 $0x0  }
0xa7: {  	s0 =	ssub.s32 s0, s2  }
0xa8: {  	s0 =	sshll.u32 s0, $0x7  }
0xa9: {  	s0 =	sand.u32 $0x1FFFFF80, s0  }
0xaa: {  	s0 =	sadd.s32 s1, s0  }
0xab: {  	[tilespmem:s22], [sflag:$0x3] =	stream.linear.gather [hbm4b:s0+s6], $0x400, $0x38;
	[tilespmem:$0x16200] =	vst v63  }
0xac: {  	s15 =	simm.s32 $0x9200;
	s14 =	sadd.s32 $0xF4280, s0  }
0xad: {  	[tilespmem:s15], [sflag:$0x3] =	stream.linear.gather [hbm4b:s14+s6], $0x400, $0x38;
	[tilespmem:$0x16200] =	vst v63  }
0xae: {  	s17 =	simm.s32 $0xA200;
	s16 =	sadd.s32 $0x1E8500, s0  }
0xaf: {  	[tilespmem:s17], [sflag:$0x3] =	stream.linear.gather [hbm4b:s16+s6], $0x400, $0x38;
	[tilespmem:$0x16200] =	vst v63  }
0xb0: {  	s25 =	simm.s32 $0xB200;
	s0 =	sadd.s32 $0x2DC780, s0;
	s26 =	spop (v2sf)  }
0xb1: {  	(v2sf) =	vpush v12, $0xA;
	[tilespmem:s25], [sflag:$0x3] =	stream.linear.gather [hbm4b:s0+s6], $0x400, $0x38;
	[tilespmem:$0x16200] =	vst v63  }
0xb2: {  	s29 =	sand.u32 $0x7F, s26  }
0xb3: {  	s31 =	sshra.s32 s26, $0x1F;
	p1 =	slt.s32 s26, $0x1;
	p2 =	sne.s32 s29, $0x0  }
0xb4: {  	s3 =	sshrl.u32 s31, $0x19;
	p0 =	por !p1, !p2  }
0xb5: {  	s2 =	simm.s32 $0x1;
	s0 =	sadd.s32 s3, s26;
	p0 =	por !p0, !p0  }
0xb6: {  	s0 =	sshrl.u32 s0, $0x7;
	s2 =	simm.s32 @!p0 $0x0  }
0xb7: {  	s0 =	ssub.s32 s0, s2  }
0xb8: {  	s0 =	sshll.u32 s0, $0x7  }
0xb9: {  	s0 =	sand.u32 $0x1FFFFF80, s0  }
0xba: {  	s4 =	simm.s32 $0x8600;
	s0 =	sadd.s32 s1, s0  }
0xbb: {  	[tilespmem:s4], [sflag:$0x3] =	stream.linear.gather [hbm4b:s0+s6], $0x400, $0x38;
	[tilespmem:$0x16200] =	vst v63  }
0xbc: {  	s9 =	simm.s32 $0x9600;
	s7 =	sadd.s32 $0xF4280, s0  }
0xbd: {  	[tilespmem:s9], [sflag:$0x3] =	stream.linear.gather [hbm4b:s7+s6], $0x400, $0x38;
	[tilespmem:$0x16200] =	vst v63  }
0xbe: {  	s11 =	simm.s32 $0xA600;
	s10 =	sadd.s32 $0x1E8500, s0  }
0xbf: {  	[tilespmem:s11], [sflag:$0x3] =	stream.linear.gather [hbm4b:s10+s6], $0x400, $0x38;
	[tilespmem:$0x16200] =	vst v63  }
0xc0: {  	s14 =	simm.s32 $0xB600;
	s0 =	sadd.s32 $0x2DC780, s0;
	s15 =	spop (v2sf)  }
0xc1: {  	(v2sf) =	vpush v12, $0xB;
	[tilespmem:s14], [sflag:$0x3] =	stream.linear.gather [hbm4b:s0+s6], $0x400, $0x38;
	[tilespmem:$0x16200] =	vst v63  }
0xc2: {  	s16 =	sand.u32 $0x7F, s15  }
0xc3: {  	s17 =	sshra.s32 s15, $0x1F;
	p3 =	slt.s32 s15, $0x1;
	p4 =	sne.s32 s16, $0x0  }
0xc4: {  	s25 =	sshrl.u32 s17, $0x19;
	p0 =	por !p3, !p4  }
0xc5: {  	s2 =	simm.s32 $0x1;
	s0 =	sadd.s32 s25, s15;
	p0 =	por !p0, !p0  }
0xc6: {  	s0 =	sshrl.u32 s0, $0x7;
	s2 =	simm.s32 @!p0 $0x0  }
0xc7: {  	s0 =	ssub.s32 s0, s2  }
0xc8: {  	s0 =	sshll.u32 s0, $0x7  }
0xc9: {  	s0 =	sand.u32 $0x1FFFFF80, s0  }
0xca: {  	s26 =	simm.s32 $0x8A00;
	s0 =	sadd.s32 s1, s0  }
0xcb: {  	[tilespmem:s26], [sflag:$0x3] =	stream.linear.gather [hbm4b:s0+s6], $0x400, $0x38;
	[tilespmem:$0x16200] =	vst v63  }
0xcc: {  	s31 =	simm.s32 $0x9A00;
	s29 =	sadd.s32 $0xF4280, s0  }
0xcd: {  	[tilespmem:s31], [sflag:$0x3] =	stream.linear.gather [hbm4b:s29+s6], $0x400, $0x38;
	[tilespmem:$0x16200] =	vst v63  }
0xce: {  	s7 =	simm.s32 $0xAA00;
	s4 =	sadd.s32 $0x1E8500, s0  }
0xcf: {  	[tilespmem:s7], [sflag:$0x3] =	stream.linear.gather [hbm4b:s4+s6], $0x400, $0x38;
	[tilespmem:$0x16200] =	vst v63  }
0xd0: {  	s9 =	simm.s32 $0xBA00;
	s0 =	sadd.s32 $0x2DC780, s0;
	s10 =	spop (v2sf)  }
0xd1: {  	[tilespmem:s9], [sflag:$0x3] =	stream.linear.gather [hbm4b:s0+s6], $0x400, $0x38;
	[tilespmem:$0x16200] =	vst v63  }
0xd2: {  	s11 =	sand.u32 $0x7F, s10  }
0xd3: {  	s14 =	sshra.s32 s10, $0x1F;
	p5 =	slt.s32 s10, $0x1;
	p6 =	sne.s32 s11, $0x0  }
0xd4: {  	s15 =	sshrl.u32 s14, $0x19;
	p0 =	por !p5, !p6  }
0xd5: {  	s2 =	simm.s32 $0x1;
	s0 =	sadd.s32 s15, s10;
	p0 =	por !p0, !p0  }
0xd6: {  	s0 =	sshrl.u32 s0, $0x7;
	s2 =	simm.s32 @!p0 $0x0  }
0xd7: {  	s0 =	ssub.s32 s0, s2  }
0xd8: {  	s0 =	sshll.u32 s0, $0x7  }
0xd9: {  	s0 =	sand.u32 $0x1FFFFF80, s0  }
0xda: {  	s16 =	simm.s32 $0x8E00;
	s0 =	sadd.s32 s1, s0  }
0xdb: {  	[tilespmem:s16], [sflag:$0x3] =	stream.linear.gather [hbm4b:s0+s6], $0x400, $0x38;
	[tilespmem:$0x16200] =	vst v63  }
0xdc: {  	s25 =	simm.s32 $0x9E00;
	s17 =	sadd.s32 $0xF4280, s0  }
0xdd: {  	[tilespmem:s25], [sflag:$0x3] =	stream.linear.gather [hbm4b:s17+s6], $0x400, $0x38;
	[tilespmem:$0x16200] =	vst v63  }
.Ltmp2:
0xde: {  	s29 =	simm.s32 $0xAE00;
	s26 =	sadd.s32 $0x1E8500, s0;
	(pc) =	sbr.rel .LBB2_2-.Ltmp2, $4  }
0xdf: {  	[tilespmem:s29], [sflag:$0x3] =	stream.linear.gather [hbm4b:s26+s6], $0x400, $0x38;
	[tilespmem:$0x16200] =	vst v63  }
0xe0: {  	s28 =	simm.s32 $0x0;
	s31 =	simm.s32 $0xBE00;
	s0 =	sadd.s32 $0x2DC780, s0  }
0xe1: {  	[tilespmem:s31], [sflag:$0x3] =	stream.linear.gather [hbm4b:s0+s6], $0x400, $0x38;
	[tilespmem:$0x16200] =	vst v63  }
0xe2: {  	s25 =	simm.s32 $0x0;
	s26 =	simm.s32 $0x0;
	s0 =	simm.s32 $0x0  }
.LBB2_6:
0xe3: {  	s4 =	ssub.s32 s4, s7  }
0xe4: {  	v13 =	vmov s4  }
0xe5: {  	v14 =	vshll.u32 v13, $0x3  }
0xe6: {  	v13 =	vand.u32 $0x7F, v13;
	v14 =	vand.u32 $0xFFFFFC00, v14  }
0xe7: {  	v13 =	vor.u32 v13, v14  }
0xe8: {  	v14 =	vadd.s32 v2, v13  }
0xe9: {  	s3 =	ssub.s32 s10, s3;
	v13 =	vadd.s32 v3, v13  }
0xea: {  	_ =	swait.ge [sflag:s20], $0x4000;
	s3 =	sadd.s32 $0x80, s3  }
0xeb: {  	[sflag:s20] =	ssyncset.done $0x0;
	v15 =	vmov s3  }
0xec: {  	s11 =	sor.u32 $0x600, s31;
	[sflag:s20] =	ssyncadd.s32 $0xFFFFC000;
	v16 =	vshll.u32 v15, $0x3  }
0xed: {  	v17 =	vor.u32 s11, v0;
	v15 =	vand.u32 $0x7F, v15;
	v16 =	vand.u32 $0xFFFFFC00, v16;
	v14 =	vld.idx.msk [tilespmem:v14+s24+$0x0], $0xffff  }
0xee: {  	v18 =	vor.u32 s11, v4;
	v15 =	vor.u32 v15, v16;
	v13 =	vld.idx.msk [tilespmem:v13+s24+$0x0], $0xffff  }
0xef: {  	(v2sf) =	vpush @!p0 v12, $0x8;
	v16 =	vadd.s32 v2, v15  }
0xf0: {  	s2 =	ssub.s32 s2, s14;
	v15 =	vadd.s32 v3, v15  }
0xf1: {  	s2 =	sadd.s32 $0x100, s2  }
0xf2: {  	v54 =	vmov s2;
	[tilespmem:v17+s23+$0x0] =	vst.idx.msk $0xffff, v14  }
0xf3: {  	s14 =	sor.u32 $0x680, s31;
	v55 =	vshll.u32 v54, $0x3;
	[tilespmem:v18+s23+$0x0] =	vst.idx.msk $0xffff, v13  }
0xf4: {  	v56 =	vor.u32 s14, v0;
	v14 =	vand.u32 $0x7F, v54;
	v13 =	vand.u32 $0xFFFFFC00, v55;
	v16 =	vld.idx.msk [tilespmem:v16+s24+$0x0], $0xffff  }
0xf5: {  	v57 =	vor.u32 s14, v4;
	v15 =	vld.idx.msk [tilespmem:v15+s24+$0x0], $0xffff;
	v13 =	vor.u32 v14, v13  }
0xf6: {  	v14 =	vadd.s32 v2, v13  }
0xf7: {  	s16 =	ssub.s32 s15, s16;
	v13 =	vadd.s32 v3, v13  }
0xf8: {  	s2 =	sadd.s32 $0x180, s16  }
0xf9: {  	v58 =	vmov s2;
	[tilespmem:v56+s23+$0x0] =	vst.idx.msk $0xffff, v16  }
0xfa: {  	s17 =	sor.u32 $0x700, s31;
	v59 =	vshll.u32 v58, $0x3;
	[tilespmem:v57+s23+$0x0] =	vst.idx.msk $0xffff, v15  }
0xfb: {  	v60 =	vor.u32 s17, v0;
	v16 =	vand.u32 $0x7F, v58;
	v15 =	vand.u32 $0xFFFFFC00, v59;
	v14 =	vld.idx.msk [tilespmem:v14+s24+$0x0], $0xffff  }
0xfc: {  	v61 =	vor.u32 s17, v4;
	v13 =	vld.idx.msk [tilespmem:v13+s24+$0x0], $0xffff;
	v15 =	vor.u32 v16, v15  }
0xfd: {  	v16 =	vadd.s32 v2, v15  }
0xfe: {  	s2 =	spop @!p0 (v2sf);
	v15 =	vadd.s32 v3, v15  }
0xff: {  	s3 =	sand.u32 @!p0 $0x7F, s2  }
0x100: {  	p1 =	slt.s32 @!p0 s2, $0x1;
	p2 =	sne.s32 @!p0 s3, $0x0;
	[tilespmem:v60+s23+$0x0] =	vst.idx.msk $0xffff, v14  }
0x101: {  	s31 =	sor.u32 $0x780, s31;
	(v2sf) =	vpush @!p0 v12, $0x9;
	s4 =	sshra.s32 @!p0 s2, $0x1F;
	p1 =	por @!p0 !p1, !p2;
	[tilespmem:v61+s23+$0x0] =	vst.idx.msk $0xffff, v13  }
0x102: {  	v62 =	vor.u32 s31, v0;
	s4 =	sshrl.u32 @!p0 s4, $0x19;
	p1 =	por @!p0 !p1, !p1;
	v13 =	vld.idx.msk [tilespmem:v16+s24+$0x0], $0xffff  }
0x103: {  	v63 =	vor.u32 s31, v4;
	s3 =	simm.s32 @!p0 $0x1;
	s2 =	sadd.s32 @!p0 s4, s2;
	p1 =	por !p1, p0;
	v15 =	vld.idx.msk [tilespmem:v15+s24+$0x0], $0xffff  }
0x104: {  	s2 =	sshrl.u32 @!p0 s2, $0x7;
	s3 =	simm.s32 @p1 $0x0  }
0x105: {  	s2 =	ssub.s32 @!p0 s2, s3  }
0x106: {  	s2 =	sshll.u32 @!p0 s2, $0x7  }
0x107: {  	s2 =	sand.u32 @!p0 $0x1FFFFF80, s2;
	[tilespmem:v62+s23+$0x0] =	vst.idx.msk $0xffff, v13  }
0x108: {  	s4 =	simm.s32 @!p0 $0x8200;
	s3 =	sadd.s32 @!p0 s1, s2;
	s2 =	simm.s32 @!p0 $0x0;
	[tilespmem:v63+s23+$0x0] =	vst.idx.msk $0xffff, v15  }
0x109: {  	[tilespmem:s4], [sflag:$0x3] =	stream.linear.gather @!p0 [hbm4b:s3+s2], $0x400, $0x38;
	[tilespmem:$0x16200] =	vst v63  }
0x10a: {  	s7 =	simm.s32 @!p0 $0x9200;
	s4 =	sadd.s32 @!p0 $0xF4280, s3  }
0x10b: {  	[tilespmem:s7], [sflag:$0x3] =	stream.linear.gather @!p0 [hbm4b:s4+s2], $0x400, $0x38;
	[tilespmem:$0x16200] =	vst v63  }
0x10c: {  	s4 =	sadd.s32 @!p0 $0x1E8500, s3;
	s7 =	simm.s32 @!p0 $0xA200  }
0x10d: {  	[tilespmem:s7], [sflag:$0x3] =	stream.linear.gather @!p0 [hbm4b:s4+s2], $0x400, $0x38;
	[tilespmem:$0x16200] =	vst v63  }
0x10e: {  	s3 =	sadd.s32 @!p0 $0x2DC780, s3;
	s4 =	simm.s32 @!p0 $0xB200  }
0x10f: {  	[tilespmem:s4], [sflag:$0x3] =	stream.linear.gather @!p0 [hbm4b:s3+s2], $0x400, $0x38;
	[tilespmem:$0x16200] =	vst v63  }
0x110: {  	s3 =	spop @!p0 (v2sf)  }
0x111: {  	s4 =	sand.u32 @!p0 $0x7F, s3  }
0x112: {  	p1 =	slt.s32 @!p0 s3, $0x1;
	p2 =	sne.s32 @!p0 s4, $0x0  }
0x113: {  	(v2sf) =	vpush @!p0 v12, $0xA;
	s4 =	sshra.s32 @!p0 s3, $0x1F;
	p1 =	por @!p0 !p1, !p2  }
0x114: {  	s4 =	sshrl.u32 @!p0 s4, $0x19;
	p1 =	por @!p0 !p1, !p1  }
0x115: {  	s3 =	sadd.s32 @!p0 s4, s3;
	s4 =	simm.s32 @!p0 $0x1;
	p1 =	por !p1, p0  }
0x116: {  	s3 =	sshrl.u32 @!p0 s3, $0x7;
	s4 =	simm.s32 @p1 $0x0  }
0x117: {  	s3 =	ssub.s32 @!p0 s3, s4  }
0x118: {  	s3 =	sshll.u32 @!p0 s3, $0x7  }
0x119: {  	s3 =	sand.u32 @!p0 $0x1FFFFF80, s3  }
0x11a: {  	s4 =	simm.s32 @!p0 $0x8600;
	s3 =	sadd.s32 @!p0 s1, s3  }
0x11b: {  	[tilespmem:s4], [sflag:$0x3] =	stream.linear.gather @!p0 [hbm4b:s3+s2], $0x400, $0x38;
	[tilespmem:$0x16200] =	vst v63  }
0x11c: {  	s7 =	simm.s32 @!p0 $0x9600;
	s4 =	sadd.s32 @!p0 $0xF4280, s3  }
0x11d: {  	[tilespmem:s7], [sflag:$0x3] =	stream.linear.gather @!p0 [hbm4b:s4+s2], $0x400, $0x38;
	[tilespmem:$0x16200] =	vst v63  }
0x11e: {  	s4 =	sadd.s32 @!p0 $0x1E8500, s3;
	s7 =	simm.s32 @!p0 $0xA600  }
0x11f: {  	[tilespmem:s7], [sflag:$0x3] =	stream.linear.gather @!p0 [hbm4b:s4+s2], $0x400, $0x38;
	[tilespmem:$0x16200] =	vst v63  }
0x120: {  	s3 =	sadd.s32 @!p0 $0x2DC780, s3;
	s4 =	simm.s32 @!p0 $0xB600  }
0x121: {  	[tilespmem:s4], [sflag:$0x3] =	stream.linear.gather @!p0 [hbm4b:s3+s2], $0x400, $0x38;
	[tilespmem:$0x16200] =	vst v63  }
0x122: {  	s3 =	spop @!p0 (v2sf)  }
0x123: {  	s4 =	sand.u32 @!p0 $0x7F, s3  }
0x124: {  	p1 =	slt.s32 @!p0 s3, $0x1;
	p2 =	sne.s32 @!p0 s4, $0x0  }
0x125: {  	(v2sf) =	vpush @!p0 v12, $0xB;
	s4 =	sshra.s32 @!p0 s3, $0x1F;
	p1 =	por @!p0 !p1, !p2  }
0x126: {  	s4 =	sshrl.u32 @!p0 s4, $0x19;
	p1 =	por @!p0 !p1, !p1  }
0x127: {  	s3 =	sadd.s32 @!p0 s4, s3;
	s4 =	simm.s32 @!p0 $0x1;
	p1 =	por !p1, p0  }
0x128: {  	s3 =	sshrl.u32 @!p0 s3, $0x7;
	s4 =	simm.s32 @p1 $0x0  }
0x129: {  	s3 =	ssub.s32 @!p0 s3, s4  }
0x12a: {  	s3 =	sshll.u32 @!p0 s3, $0x7  }
0x12b: {  	s3 =	sand.u32 @!p0 $0x1FFFFF80, s3  }
0x12c: {  	s4 =	simm.s32 @!p0 $0x8A00;
	s3 =	sadd.s32 @!p0 s1, s3  }
0x12d: {  	[tilespmem:s4], [sflag:$0x3] =	stream.linear.gather @!p0 [hbm4b:s3+s2], $0x400, $0x38;
	[tilespmem:$0x16200] =	vst v63  }
0x12e: {  	s7 =	simm.s32 @!p0 $0x9A00;
	s4 =	sadd.s32 @!p0 $0xF4280, s3  }
0x12f: {  	[tilespmem:s7], [sflag:$0x3] =	stream.linear.gather @!p0 [hbm4b:s4+s2], $0x400, $0x38;
	[tilespmem:$0x16200] =	vst v63  }
0x130: {  	s4 =	sadd.s32 @!p0 $0x1E8500, s3;
	s7 =	simm.s32 @!p0 $0xAA00  }
0x131: {  	[tilespmem:s7], [sflag:$0x3] =	stream.linear.gather @!p0 [hbm4b:s4+s2], $0x400, $0x38;
	[tilespmem:$0x16200] =	vst v63  }
0x132: {  	s3 =	sadd.s32 @!p0 $0x2DC780, s3;
	s4 =	simm.s32 @!p0 $0xBA00  }
0x133: {  	[tilespmem:s4], [sflag:$0x3] =	stream.linear.gather @!p0 [hbm4b:s3+s2], $0x400, $0x38;
	[tilespmem:$0x16200] =	vst v63  }
0x134: {  	s3 =	spop @!p0 (v2sf)  }
0x135: {  	s4 =	sand.u32 @!p0 $0x7F, s3  }
0x136: {  	p1 =	slt.s32 @!p0 s3, $0x1;
	p2 =	sne.s32 @!p0 s4, $0x0  }
0x137: {  	s4 =	sshra.s32 @!p0 s3, $0x1F;
	p1 =	por @!p0 !p1, !p2  }
0x138: {  	s4 =	sshrl.u32 @!p0 s4, $0x19;
	p1 =	por @!p0 !p1, !p1  }
0x139: {  	s7 =	simm.s32 @!p0 $0x1;
	s3 =	sadd.s32 @!p0 s4, s3;
	p1 =	por !p1, p0  }
0x13a: {  	s3 =	sshrl.u32 @!p0 s3, $0x7;
	s7 =	simm.s32 @p1 $0x0  }
0x13b: {  	s3 =	ssub.s32 @!p0 s3, s7  }
0x13c: {  	s3 =	sshll.u32 @!p0 s3, $0x7  }
0x13d: {  	s3 =	sand.u32 @!p0 $0x1FFFFF80, s3  }
0x13e: {  	s4 =	simm.s32 @!p0 $0x8E00;
	s3 =	sadd.s32 @!p0 s1, s3  }
0x13f: {  	[tilespmem:s4], [sflag:$0x3] =	stream.linear.gather @!p0 [hbm4b:s3+s2], $0x400, $0x38;
	[tilespmem:$0x16200] =	vst v63  }
0x140: {  	s7 =	simm.s32 @!p0 $0x9E00;
	s4 =	sadd.s32 @!p0 $0xF4280, s3  }
0x141: {  	[tilespmem:s7], [sflag:$0x3] =	stream.linear.gather @!p0 [hbm4b:s4+s2], $0x400, $0x38;
	[tilespmem:$0x16200] =	vst v63  }
0x142: {  	s0 =	sand.u32 @!p0 $0x7, s0;
	s4 =	sadd.s32 @!p0 $0x1E8500, s3;
	s7 =	simm.s32 @!p0 $0xAE00  }
0x143: {  	[tilespmem:s7], [sflag:$0x3] =	stream.linear.gather @!p0 [hbm4b:s4+s2], $0x400, $0x38;
	[tilespmem:$0x16200] =	vst v63  }
0x144: {  	p1 =	sne.s32 @!p0 s0, $0x7;
	s3 =	sadd.s32 @!p0 $0x2DC780, s3;
	s4 =	simm.s32 @!p0 $0xBE00  }
0x145: {  	[tilespmem:s4], [sflag:$0x3] =	stream.linear.gather @!p0 [hbm4b:s3+s2], $0x400, $0x38;
	[tilespmem:$0x16200] =	vst v63  }
0x146: {  	p0 =	por p0, !p1  }
0x147: {  	s0 =	sand.u32 @p0 $0x1800, s25;
	s2 =	rddreg @p0 [dreg:$0x8]  }
0x148: {  	s0 =	sadd.s32 @p0 s0, s2  }
0x149: {  	[hbm4b:s0+s6] =	stream.linear.scatter @p0 [tilespmem:s23], [sflag:$0x5], $0x4000, $0x38;
	[tilespmem:$0x16200] =	vst v63  }
0x14a: {  	s0 =	simm.s32 @p0 $0x5  }
0x14b: {  	_ =	swait.ge @p0 [sflag:s0], $0x4000  }
0x14c: {  	[sflag:s0] =	ssyncset.done @p0 $0x0  }
0x14d: {  	[sflag:s0] =	ssyncadd.s32 @p0 $0xFFFFC000;
	p0 =	sne.s32 s29, $0x20  }
.Ltmp3:
0x14e: {  	_ = 	snop;
	(pc) =	sbr.rel @!p0 .LBB2_7-.Ltmp3, $3  }
0x14f: {  	_ =	sdelay $0x1  }
0x150: {  	s28 =	sadd.s32 $0x10, s28  }
0x151: {  	s26 =	sadd.s32 $0x10, s26;
	s25 =	sadd.s32 $0x100, s25;
	s0 =	smov.u32 s29  }
.LBB2_2:
0x152: {  	v13 =	vld [tilespmem:s26+$0x0];
	_ =	sdelay $0x3  }
0x153: {  	_ =	swait.ge [sflag:s12], $0x4000  }
0x154: {  	(v2sf) =	vpush v13, $0x0;
	_ =	sdelay $0x5  }
0x155: {  	(v2sf) =	vpush v13, $0x1;
	_ =	sdelay $0x6  }
0x156: {  	(v2sf) =	vpush v13, $0x2;
	_ =	sdelay $0x1  }
0x157: {  	s2 =	spop (v2sf)  }
0x158: {  	s3 =	sshra.s32 s2, $0x1F  }
0x159: {  	s3 =	sshrl.u32 s3, $0x19  }
0x15a: {  	s3 =	sadd.s32 s3, s2  }
0x15b: {  	s3 =	sand.u32 $0xFFFFFF80, s3  }
0x15c: {  	(v2sf) =	vpush v13, $0x3;
	s2 =	ssub.s32 s2, s3  }
0x15d: {  	s15 =	spop (v2sf);
	v12 =	vmov s2  }
0x15e: {  	s16 =	sshra.s32 s15, $0x1F;
	v14 =	vshll.u32 v12, $0x3  }
0x15f: {  	s3 =	sshrl.u32 s16, $0x19;
	v12 =	vand.u32 $0x7F, v12;
	v14 =	vand.u32 $0xFFFFFC00, v14  }
0x160: {  	s3 =	sadd.s32 s3, s15;
	v12 =	vor.u32 v12, v14  }
0x161: {  	s3 =	sand.u32 $0xFFFFFF80, s3;
	v14 =	vadd.s32 v2, v12  }
0x162: {  	s2 =	ssub.s32 s15, s3;
	v12 =	vadd.s32 v3, v12  }
0x163: {  	s17 =	sand.u32 $0x70, s28;
	s2 =	sadd.s32 $0x80, s2  }
0x164: {  	[sflag:s12] =	ssyncset.done $0x0;
	s31 =	sshll.u32 s17, $0x7;
	s4 =	spop (v2sf);
	v15 =	vmov s2  }
0x165: {  	[sflag:s12] =	ssyncadd.s32 $0xFFFFC000;
	v16 =	vor.u32 s31, v0;
	s7 =	sshra.s32 s4, $0x1F;
	v17 =	vshll.u32 v15, $0x3  }
0x166: {  	(v2sf) =	vpush v13, $0xC;
	s3 =	sshrl.u32 s7, $0x19;
	v15 =	vand.u32 $0x7F, v15;
	v17 =	vand.u32 $0xFFFFFC00, v17;
	v14 =	vld.idx.msk [tilespmem:v14+s13+$0x0], $0xffff  }
0x167: {  	v18 =	vor.u32 s31, v4;
	s3 =	sadd.s32 s3, s4;
	v15 =	vor.u32 v15, v17;
	v12 =	vld.idx.msk [tilespmem:v12+s13+$0x0], $0xffff  }
0x168: {  	s3 =	sand.u32 $0xFFFFFF80, s3;
	v17 =	vadd.s32 v2, v15  }
0x169: {  	s2 =	ssub.s32 s4, s3;
	v15 =	vadd.s32 v3, v15  }
0x16a: {  	s2 =	sadd.s32 $0x100, s2  }
0x16b: {  	s9 =	spop (v2sf);
	[tilespmem:v16+s23+$0x0] =	vst.idx.msk $0xffff, v14;
	v14 =	vmov s2  }
0x16c: {  	s10 =	sor.u32 $0x80, s31;
	s4 =	sshra.s32 s9, $0x1F;
	[tilespmem:v18+s23+$0x0] =	vst.idx.msk $0xffff, v12;
	v12 =	vshll.u32 v14, $0x3  }
0x16d: {  	v48 =	vor.u32 s10, v0;
	s4 =	sshrl.u32 s4, $0x19;
	v14 =	vand.u32 $0x7F, v14;
	v16 =	vld.idx.msk [tilespmem:v17+s13+$0x0], $0xffff;
	v12 =	vand.u32 $0xFFFFFC00, v12  }
0x16e: {  	v49 =	vor.u32 s10, v4;
	s11 =	sadd.s32 s4, s9;
	v15 =	vld.idx.msk [tilespmem:v15+s13+$0x0], $0xffff;
	v12 =	vor.u32 v14, v12  }
0x16f: {  	s3 =	sand.u32 $0xFFFFFF80, s11;
	v14 =	vadd.s32 v2, v12  }
0x170: {  	s2 =	ssub.s32 s9, s3;
	v12 =	vadd.s32 v3, v12  }
0x171: {  	s2 =	sadd.s32 $0x180, s2  }
0x172: {  	v50 =	vmov s2;
	[tilespmem:v48+s23+$0x0] =	vst.idx.msk $0xffff, v16  }
0x173: {  	s14 =	sor.u32 $0x100, s31;
	[tilespmem:v49+s23+$0x0] =	vst.idx.msk $0xffff, v15;
	v15 =	vshll.u32 v50, $0x3  }
0x174: {  	v51 =	vor.u32 s14, v0;
	v16 =	vand.u32 $0x7F, v50;
	v14 =	vld.idx.msk [tilespmem:v14+s13+$0x0], $0xffff;
	v15 =	vand.u32 $0xFFFFFC00, v15  }
0x175: {  	v52 =	vor.u32 s14, v4;
	s4 =	spop (v2sf);
	v12 =	vld.idx.msk [tilespmem:v12+s13+$0x0], $0xffff;
	v15 =	vor.u32 v16, v15  }
0x176: {  	s15 =	sshra.s32 s4, $0x1F;
	v16 =	vadd.s32 v2, v15  }
0x177: {  	s2 =	sshrl.u32 s15, $0x19;
	v15 =	vadd.s32 v3, v15  }
0x178: {  	(v2sf) =	vpush v13, $0xD;
	s2 =	sadd.s32 s2, s4  }
0x179: {  	s7 =	sand.u32 $0xFFFFFF80, s2;
	[tilespmem:v51+s23+$0x0] =	vst.idx.msk $0xffff, v14  }
0x17a: {  	s16 =	sor.u32 $0x180, s31;
	p0 =	slt.s32 s4, $0x1;
	p1 =	sne.s32 s4, s7;
	[tilespmem:v52+s23+$0x0] =	vst.idx.msk $0xffff, v12  }
0x17b: {  	p0 =	por !p0, !p1;
	v14 =	vor.u32 s16, v0;
	v12 =	vld.idx.msk [tilespmem:v16+s13+$0x0], $0xffff  }
0x17c: {  	v53 =	vor.u32 s16, v4;
	s3 =	simm.s32 $0x1;
	p0 =	por !p0, !p0;
	v15 =	vld.idx.msk [tilespmem:v15+s13+$0x0], $0xffff  }
0x17d: {  	s2 =	sshrl.u32 s2, $0x7;
	s3 =	simm.s32 @!p0 $0x0  }
0x17e: {  	s2 =	ssub.s32 s2, s3  }
0x17f: {  	s2 =	sshll.u32 s2, $0x7  }
0x180: {  	s2 =	sand.u32 $0x1FFFFF80, s2;
	[tilespmem:v14+s23+$0x0] =	vst.idx.msk $0xffff, v12  }
0x181: {  	s2 =	sadd.s32 s1, s2;
	[tilespmem:v53+s23+$0x0] =	vst.idx.msk $0xffff, v15  }
0x182: {  	[tilespmem:s24], [sflag:$0x4] =	stream.linear.gather [hbm4b:s2+s6], $0x400, $0x38;
	[tilespmem:$0x16200] =	vst v63  }
0x183: {  	s9 =	simm.s32 $0xD200;
	s17 =	sadd.s32 $0xF4280, s2  }
0x184: {  	[tilespmem:s9], [sflag:$0x4] =	stream.linear.gather [hbm4b:s17+s6], $0x400, $0x38;
	[tilespmem:$0x16200] =	vst v63  }
0x185: {  	s10 =	simm.s32 $0xE200;
	s9 =	sadd.s32 $0x1E8500, s2  }
0x186: {  	[tilespmem:s10], [sflag:$0x4] =	stream.linear.gather [hbm4b:s9+s6], $0x400, $0x38;
	[tilespmem:$0x16200] =	vst v63  }
0x187: {  	s10 =	spop (v2sf)  }
0x188: {  	s11 =	simm.s32 $0xF200;
	s2 =	sadd.s32 $0x2DC780, s2;
	s14 =	sshra.s32 s10, $0x1F  }
0x189: {  	[tilespmem:s11], [sflag:$0x4] =	stream.linear.gather [hbm4b:s2+s6], $0x400, $0x38;
	[tilespmem:$0x16200] =	vst v63  }
0x18a: {  	s2 =	sshrl.u32 s14, $0x19  }
0x18b: {  	s2 =	sadd.s32 s2, s10  }
0x18c: {  	s3 =	sand.u32 $0xFFFFFF80, s2  }
0x18d: {  	(v2sf) =	vpush v13, $0xE;
	p1 =	slt.s32 s10, $0x1;
	p2 =	sne.s32 s10, s3  }
0x18e: {  	p0 =	por !p1, !p2  }
0x18f: {  	s14 =	simm.s32 $0x1;
	p0 =	por !p0, !p0  }
0x190: {  	s2 =	sshrl.u32 s2, $0x7;
	s14 =	simm.s32 @!p0 $0x0  }
0x191: {  	s2 =	ssub.s32 s2, s14  }
0x192: {  	s2 =	sshll.u32 s2, $0x7  }
0x193: {  	s2 =	sand.u32 $0x1FFFFF80, s2  }
0x194: {  	s15 =	simm.s32 $0xC600;
	s2 =	sadd.s32 s1, s2  }
0x195: {  	[tilespmem:s15], [sflag:$0x4] =	stream.linear.gather [hbm4b:s2+s6], $0x400, $0x38;
	[tilespmem:$0x16200] =	vst v63  }
0x196: {  	s17 =	simm.s32 $0xD600;
	s16 =	sadd.s32 $0xF4280, s2  }
0x197: {  	[tilespmem:s17], [sflag:$0x4] =	stream.linear.gather [hbm4b:s16+s6], $0x400, $0x38;
	[tilespmem:$0x16200] =	vst v63  }
0x198: {  	s11 =	simm.s32 $0xE600;
	s9 =	sadd.s32 $0x1E8500, s2  }
0x199: {  	[tilespmem:s11], [sflag:$0x4] =	stream.linear.gather [hbm4b:s9+s6], $0x400, $0x38;
	[tilespmem:$0x16200] =	vst v63  }
0x19a: {  	s2 =	sadd.s32 $0x2DC780, s2;
	s15 =	simm.s32 $0xF600  }
0x19b: {  	[tilespmem:s15], [sflag:$0x4] =	stream.linear.gather [hbm4b:s2+s6], $0x400, $0x38;
	[tilespmem:$0x16200] =	vst v63  }
0x19c: {  	s2 =	spop (v2sf)  }
0x19d: {  	s16 =	sshra.s32 s2, $0x1F  }
0x19e: {  	s14 =	sshrl.u32 s16, $0x19  }
0x19f: {  	s15 =	sadd.s32 s14, s2  }
0x1a0: {  	s14 =	sand.u32 $0xFFFFFF80, s15  }
0x1a1: {  	(v2sf) =	vpush v13, $0xF;
	p3 =	slt.s32 s2, $0x1;
	p4 =	sne.s32 s2, s14  }
0x1a2: {  	p0 =	por !p3, !p4  }
0x1a3: {  	s16 =	simm.s32 $0x1;
	p0 =	por !p0, !p0  }
0x1a4: {  	s15 =	sshrl.u32 s15, $0x7;
	s16 =	simm.s32 @!p0 $0x0  }
0x1a5: {  	s15 =	ssub.s32 s15, s16  }
0x1a6: {  	s15 =	sshll.u32 s15, $0x7  }
0x1a7: {  	s15 =	sand.u32 $0x1FFFFF80, s15  }
0x1a8: {  	s17 =	simm.s32 $0xCA00;
	s15 =	sadd.s32 s1, s15  }
0x1a9: {  	[tilespmem:s17], [sflag:$0x4] =	stream.linear.gather [hbm4b:s15+s6], $0x400, $0x38;
	[tilespmem:$0x16200] =	vst v63  }
0x1aa: {  	s11 =	sadd.s32 $0xF4280, s15;
	s17 =	simm.s32 $0xDA00  }
0x1ab: {  	[tilespmem:s17], [sflag:$0x4] =	stream.linear.gather [hbm4b:s11+s6], $0x400, $0x38;
	[tilespmem:$0x16200] =	vst v63  }
0x1ac: {  	s9 =	sadd.s32 $0x1E8500, s15;
	s11 =	simm.s32 $0xEA00  }
0x1ad: {  	[tilespmem:s11], [sflag:$0x4] =	stream.linear.gather [hbm4b:s9+s6], $0x400, $0x38;
	[tilespmem:$0x16200] =	vst v63  }
0x1ae: {  	s15 =	sadd.s32 $0x2DC780, s15;
	s17 =	simm.s32 $0xFA00  }
0x1af: {  	[tilespmem:s17], [sflag:$0x4] =	stream.linear.gather [hbm4b:s15+s6], $0x400, $0x38;
	[tilespmem:$0x16200] =	vst v63  }
0x1b0: {  	s15 =	spop (v2sf)  }
0x1b1: {  	s9 =	sshra.s32 s15, $0x1F  }
0x1b2: {  	s16 =	sshrl.u32 s9, $0x19  }
0x1b3: {  	s29 =	sadd.s32 s16, s15  }
0x1b4: {  	s16 =	sand.u32 $0xFFFFFF80, s29  }
0x1b5: {  	p5 =	slt.s32 s15, $0x1;
	p6 =	sne.s32 s15, s16  }
0x1b6: {  	p0 =	por !p5, !p6  }
0x1b7: {  	s17 =	simm.s32 $0x1;
	p0 =	por !p0, !p0  }
0x1b8: {  	s29 =	sshrl.u32 s29, $0x7;
	s17 =	simm.s32 @!p0 $0x0  }
0x1b9: {  	s17 =	ssub.s32 s29, s17  }
0x1ba: {  	s17 =	sshll.u32 s17, $0x7  }
0x1bb: {  	s17 =	sand.u32 $0x1FFFFF80, s17  }
0x1bc: {  	s11 =	simm.s32 $0xCE00;
	s17 =	sadd.s32 s1, s17  }
0x1bd: {  	[tilespmem:s11], [sflag:$0x4] =	stream.linear.gather [hbm4b:s17+s6], $0x400, $0x38;
	[tilespmem:$0x16200] =	vst v63  }
0x1be: {  	s29 =	sadd.s32 $0xF4280, s17;
	s11 =	simm.s32 $0xDE00  }
0x1bf: {  	[tilespmem:s11], [sflag:$0x4] =	stream.linear.gather [hbm4b:s29+s6], $0x400, $0x38;
	[tilespmem:$0x16200] =	vst v63  }
0x1c0: {  	s29 =	sadd.s32 $0x1E8500, s17;
	s11 =	simm.s32 $0xEE00  }
0x1c1: {  	[tilespmem:s11], [sflag:$0x4] =	stream.linear.gather [hbm4b:s29+s6], $0x400, $0x38;
	[tilespmem:$0x16200] =	vst v63  }
0x1c2: {  	s17 =	sadd.s32 $0x2DC780, s17;
	s11 =	simm.s32 $0xFE00;
	s29 =	sadd.s32 $0x1, s0  }
0x1c3: {  	[tilespmem:s11], [sflag:$0x4] =	stream.linear.gather [hbm4b:s17+s6], $0x400, $0x38;
	[tilespmem:$0x16200] =	vst v63  }
0x1c4: {  	p0 =	slt.s32 s29, $0x1F;
	s17 =	smov.u32 s29  }
0x1c5: {  	s17 =	simm.s32 @!p0 $0x1F  }
0x1c6: {  	s17 =	sshll.u32 s17, $0x4  }
0x1c7: {  	s17 =	sand.u32 $0x3FFFFFF0, s17  }
0x1c8: {  	v12 =	vld [tilespmem:s17+$0x0];
	_ =	swait.ge [sflag:s18], $0x4000  }
0x1c9: {  	(v2sf) =	vpush v13, $0x4;
	_ =	sdelay $0x5  }
0x1ca: {  	(v2sf) =	vpush v13, $0x5;
	_ =	sdelay $0x6  }
0x1cb: {  	(v2sf) =	vpush v13, $0x6;
	_ =	sdelay $0x1  }
0x1cc: {  	s9 =	spop (v2sf)  }
0x1cd: {  	s11 =	sshra.s32 s9, $0x1F  }
0x1ce: {  	s11 =	sshrl.u32 s11, $0x19  }
0x1cf: {  	s11 =	sadd.s32 s11, s9  }
0x1d0: {  	s11 =	sand.u32 $0xFFFFFF80, s11  }
0x1d1: {  	(v2sf) =	vpush v13, $0x7;
	s11 =	ssub.s32 s9, s11  }
0x1d2: {  	s17 =	spop (v2sf);
	v14 =	vmov s11  }
0x1d3: {  	s9 =	sshra.s32 s17, $0x1F;
	v15 =	vshll.u32 v14, $0x3  }
0x1d4: {  	s11 =	sshrl.u32 s9, $0x19;
	v14 =	vand.u32 $0x7F, v14;
	v15 =	vand.u32 $0xFFFFFC00, v15  }
0x1d5: {  	s11 =	sadd.s32 s11, s17;
	v14 =	vor.u32 v14, v15  }
0x1d6: {  	s11 =	sand.u32 $0xFFFFFF80, s11;
	v15 =	vadd.s32 v2, v14  }
0x1d7: {  	s11 =	ssub.s32 s17, s11;
	v14 =	vadd.s32 v3, v14  }
0x1d8: {  	s11 =	sadd.s32 $0x80, s11  }
0x1d9: {  	[sflag:s18] =	ssyncset.done $0x0;
	s17 =	spop (v2sf);
	v54 =	vmov s11  }
0x1da: {  	[sflag:s18] =	ssyncadd.s32 $0xFFFFC000;
	s9 =	sshra.s32 s17, $0x1F;
	s11 =	sor.u32 $0x200, s31;
	v55 =	vshll.u32 v54, $0x3  }
0x1db: {  	s9 =	sshrl.u32 s9, $0x19;
	v56 =	vor.u32 s11, v0;
	v16 =	vand.u32 $0x7F, v54;
	v17 =	vand.u32 $0xFFFFFC00, v55;
	v15 =	vld.idx.msk [tilespmem:v15+s30+$0x0], $0xffff  }
0x1dc: {  	v19 =	vor.u32 s11, v4;
	s9 =	sadd.s32 s9, s17;
	v16 =	vor.u32 v16, v17;
	v14 =	vld.idx.msk [tilespmem:v14+s30+$0x0], $0xffff  }
0x1dd: {  	s9 =	sand.u32 $0xFFFFFF80, s9;
	v17 =	vadd.s32 v2, v16  }
0x1de: {  	s9 =	ssub.s32 s17, s9;
	v16 =	vadd.s32 v3, v16  }
0x1df: {  	s9 =	sadd.s32 $0x100, s9  }
0x1e0: {  	[tilespmem:v56+s23+$0x0] =	vst.idx.msk $0xffff, v15;
	v15 =	vmov s9;
	s9 =	spop (v2sf)  }
0x1e1: {  	s11 =	sor.u32 $0x280, s31;
	[tilespmem:v19+s23+$0x0] =	vst.idx.msk $0xffff, v14;
	v14 =	vshll.u32 v15, $0x3;
	s17 =	sshra.s32 s9, $0x1F  }
0x1e2: {  	v57 =	vor.u32 s11, v0;
	v15 =	vand.u32 $0x7F, v15;
	v17 =	vld.idx.msk [tilespmem:v17+s30+$0x0], $0xffff;
	v14 =	vand.u32 $0xFFFFFC00, v14;
	s17 =	sshrl.u32 s17, $0x19  }
0x1e3: {  	v58 =	vor.u32 s11, v4;
	v16 =	vld.idx.msk [tilespmem:v16+s30+$0x0], $0xffff;
	v14 =	vor.u32 v15, v14;
	s17 =	sadd.s32 s17, s9  }
0x1e4: {  	v15 =	vadd.s32 v2, v14;
	s11 =	sand.u32 $0xFFFFFF80, s17  }
0x1e5: {  	v14 =	vadd.s32 v3, v14;
	s9 =	ssub.s32 s9, s11  }
0x1e6: {  	s9 =	sadd.s32 $0x180, s9  }
0x1e7: {  	[tilespmem:v57+s23+$0x0] =	vst.idx.msk $0xffff, v17;
	v59 =	vmov s9  }
0x1e8: {  	s11 =	sor.u32 $0x300, s31;
	[tilespmem:v58+s23+$0x0] =	vst.idx.msk $0xffff, v16;
	v60 =	vshll.u32 v59, $0x3  }
0x1e9: {  	v61 =	vor.u32 s11, v0;
	v17 =	vand.u32 $0x7F, v59;
	v15 =	vld.idx.msk [tilespmem:v15+s30+$0x0], $0xffff;
	v16 =	vand.u32 $0xFFFFFC00, v60  }
0x1ea: {  	v62 =	vor.u32 s11, v4;
	v14 =	vld.idx.msk [tilespmem:v14+s30+$0x0], $0xffff;
	v16 =	vor.u32 v17, v16  }
0x1eb: {  	v17 =	vadd.s32 v2, v16  }
0x1ec: {  	v16 =	vadd.s32 v3, v16;
	_ =	sdelay $0x1  }
0x1ed: {  	[tilespmem:v61+s23+$0x0] =	vst.idx.msk $0xffff, v15  }
0x1ee: {  	s17 =	sor.u32 $0x380, s31;
	[tilespmem:v62+s23+$0x0] =	vst.idx.msk $0xffff, v14  }
0x1ef: {  	v15 =	vor.u32 s17, v0;
	v14 =	vld.idx.msk [tilespmem:v17+s30+$0x0], $0xffff  }
0x1f0: {  	p0 =	seq.s32 s0, $0x1F;
	v63 =	vor.u32 s17, v4;
	v16 =	vld.idx.msk [tilespmem:v16+s30+$0x0], $0xffff  }
.Ltmp4:
0x1f1: {  	_ = 	snop;
	(pc) =	sbr.rel @p0 .LBB2_4-.Ltmp4, $3  }
0x1f2: {  	_ =	sdelay $0x1  }
0x1f3: {  	[tilespmem:v15+s23+$0x0] =	vst.idx.msk $0xffff, v14  }
0x1f4: {  	[tilespmem:v63+s23+$0x0] =	vst.idx.msk $0xffff, v16  }
0x1f5: {  	(v2sf) =	vpush v12, $0x0;
	_ =	sdelay $0xe  }
0x1f6: {  	s9 =	spop (v2sf)  }
0x1f7: {  	s11 =	sand.u32 $0x7F, s9  }
0x1f8: {  	(v2sf) =	vpush v12, $0x1;
	s17 =	sshra.s32 s9, $0x1F;
	p2 =	slt.s32 s9, $0x1;
	p1 =	sne.s32 s11, $0x0  }
0x1f9: {  	s11 =	sshrl.u32 s17, $0x19;
	p1 =	por !p2, !p1  }
0x1fa: {  	s9 =	sadd.s32 s11, s9;
	s11 =	simm.s32 $0x1;
	p1 =	por !p1, !p1  }
0x1fb: {  	s9 =	sshrl.u32 s9, $0x7;
	s11 =	simm.s32 @!p1 $0x0  }
0x1fc: {  	s9 =	ssub.s32 s9, s11  }
0x1fd: {  	s9 =	sshll.u32 s9, $0x7  }
0x1fe: {  	s9 =	sand.u32 $0x1FFFFF80, s9  }
0x1ff: {  	s9 =	sadd.s32 s1, s9  }
0x200: {  	[tilespmem:s13], [sflag:$0x1] =	stream.linear.gather [hbm4b:s9+s6], $0x400, $0x38;
	[tilespmem:$0x16200] =	vst v63  }
0x201: {  	s17 =	simm.s32 $0x1200;
	s11 =	sadd.s32 $0xF4280, s9  }
0x202: {  	[tilespmem:s17], [sflag:$0x1] =	stream.linear.gather [hbm4b:s11+s6], $0x400, $0x38;
	[tilespmem:$0x16200] =	vst v63  }
0x203: {  	s11 =	sadd.s32 $0x1E8500, s9;
	s17 =	simm.s32 $0x2200  }
0x204: {  	[tilespmem:s17], [sflag:$0x1] =	stream.linear.gather [hbm4b:s11+s6], $0x400, $0x38;
	[tilespmem:$0x16200] =	vst v63  }
0x205: {  	s9 =	sadd.s32 $0x2DC780, s9;
	s17 =	simm.s32 $0x3200  }
0x206: {  	[tilespmem:s17], [sflag:$0x1] =	stream.linear.gather [hbm4b:s9+s6], $0x400, $0x38;
	[tilespmem:$0x16200] =	vst v63  }
0x207: {  	s9 =	spop (v2sf)  }
0x208: {  	s17 =	sand.u32 $0x7F, s9  }
0x209: {  	(v2sf) =	vpush v12, $0x2;
	p6 =	slt.s32 s9, $0x1;
	p5 =	sne.s32 s17, $0x0;
	s17 =	sshra.s32 s9, $0x1F  }
0x20a: {  	s11 =	sshrl.u32 s17, $0x19;
	p1 =	por !p6, !p5  }
0x20b: {  	s9 =	sadd.s32 s11, s9;
	p1 =	por !p1, !p1;
	s11 =	simm.s32 $0x1  }
0x20c: {  	s9 =	sshrl.u32 s9, $0x7;
	s11 =	simm.s32 @!p1 $0x0  }
0x20d: {  	s9 =	ssub.s32 s9, s11  }
0x20e: {  	s9 =	sshll.u32 s9, $0x7  }
0x20f: {  	s9 =	sand.u32 $0x1FFFFF80, s9  }
0x210: {  	s17 =	simm.s32 $0x600;
	s9 =	sadd.s32 s1, s9  }
0x211: {  	[tilespmem:s17], [sflag:$0x1] =	stream.linear.gather [hbm4b:s9+s6], $0x400, $0x38;
	[tilespmem:$0x16200] =	vst v63  }
0x212: {  	s11 =	sadd.s32 $0xF4280, s9;
	s17 =	simm.s32 $0x1600  }
0x213: {  	[tilespmem:s17], [sflag:$0x1] =	stream.linear.gather [hbm4b:s11+s6], $0x400, $0x38;
	[tilespmem:$0x16200] =	vst v63  }
0x214: {  	s11 =	sadd.s32 $0x1E8500, s9;
	s17 =	simm.s32 $0x2600  }
0x215: {  	[tilespmem:s17], [sflag:$0x1] =	stream.linear.gather [hbm4b:s11+s6], $0x400, $0x38;
	[tilespmem:$0x16200] =	vst v63  }
0x216: {  	s9 =	sadd.s32 $0x2DC780, s9;
	s17 =	simm.s32 $0x3600  }
0x217: {  	[tilespmem:s17], [sflag:$0x1] =	stream.linear.gather [hbm4b:s9+s6], $0x400, $0x38;
	[tilespmem:$0x16200] =	vst v63  }
0x218: {  	s9 =	spop (v2sf)  }
0x219: {  	s17 =	sand.u32 $0x7F, s9  }
0x21a: {  	(v2sf) =	vpush v12, $0x3;
	p4 =	slt.s32 s9, $0x1;
	p3 =	sne.s32 s17, $0x0;
	s17 =	sshra.s32 s9, $0x1F  }
0x21b: {  	s11 =	sshrl.u32 s17, $0x19;
	p1 =	por !p4, !p3  }
0x21c: {  	s9 =	sadd.s32 s11, s9;
	p1 =	por !p1, !p1;
	s11 =	simm.s32 $0x1  }
0x21d: {  	s9 =	sshrl.u32 s9, $0x7;
	s11 =	simm.s32 @!p1 $0x0  }
0x21e: {  	s9 =	ssub.s32 s9, s11  }
0x21f: {  	s9 =	sshll.u32 s9, $0x7  }
0x220: {  	s9 =	sand.u32 $0x1FFFFF80, s9  }
0x221: {  	s17 =	simm.s32 $0xA00;
	s9 =	sadd.s32 s1, s9  }
0x222: {  	[tilespmem:s17], [sflag:$0x1] =	stream.linear.gather [hbm4b:s9+s6], $0x400, $0x38;
	[tilespmem:$0x16200] =	vst v63  }
0x223: {  	s11 =	sadd.s32 $0xF4280, s9;
	s17 =	simm.s32 $0x1A00  }
0x224: {  	[tilespmem:s17], [sflag:$0x1] =	stream.linear.gather [hbm4b:s11+s6], $0x400, $0x38;
	[tilespmem:$0x16200] =	vst v63  }
0x225: {  	s11 =	sadd.s32 $0x1E8500, s9;
	s17 =	simm.s32 $0x2A00  }
0x226: {  	[tilespmem:s17], [sflag:$0x1] =	stream.linear.gather [hbm4b:s11+s6], $0x400, $0x38;
	[tilespmem:$0x16200] =	vst v63  }
0x227: {  	s9 =	sadd.s32 $0x2DC780, s9;
	s17 =	simm.s32 $0x3A00  }
0x228: {  	[tilespmem:s17], [sflag:$0x1] =	stream.linear.gather [hbm4b:s9+s6], $0x400, $0x38;
	[tilespmem:$0x16200] =	vst v63  }
0x229: {  	s9 =	spop (v2sf)  }
0x22a: {  	s17 =	sand.u32 $0x7F, s9  }
0x22b: {  	p6 =	slt.s32 s9, $0x1;
	p5 =	sne.s32 s17, $0x0;
	s17 =	sshra.s32 s9, $0x1F  }
0x22c: {  	s11 =	sshrl.u32 s17, $0x19;
	p1 =	por !p6, !p5  }
0x22d: {  	s9 =	sadd.s32 s11, s9;
	p1 =	por !p1, !p1;
	s11 =	simm.s32 $0x1  }
0x22e: {  	s9 =	sshrl.u32 s9, $0x7;
	s11 =	simm.s32 @!p1 $0x0  }
0x22f: {  	s9 =	ssub.s32 s9, s11  }
0x230: {  	s9 =	sshll.u32 s9, $0x7  }
0x231: {  	s9 =	sand.u32 $0x1FFFFF80, s9  }
0x232: {  	s17 =	simm.s32 $0xE00;
	s9 =	sadd.s32 s1, s9  }
0x233: {  	[tilespmem:s17], [sflag:$0x1] =	stream.linear.gather [hbm4b:s9+s6], $0x400, $0x38;
	[tilespmem:$0x16200] =	vst v63  }
0x234: {  	s11 =	sadd.s32 $0xF4280, s9;
	s17 =	simm.s32 $0x1E00  }
0x235: {  	[tilespmem:s17], [sflag:$0x1] =	stream.linear.gather [hbm4b:s11+s6], $0x400, $0x38;
	[tilespmem:$0x16200] =	vst v63  }
0x236: {  	s11 =	sadd.s32 $0x1E8500, s9;
	s17 =	simm.s32 $0x2E00  }
0x237: {  	[tilespmem:s17], [sflag:$0x1] =	stream.linear.gather [hbm4b:s11+s6], $0x400, $0x38;
	[tilespmem:$0x16200] =	vst v63  }
0x238: {  	s9 =	sadd.s32 $0x2DC780, s9;
	s17 =	simm.s32 $0x3E00  }
0x239: {  	[tilespmem:s17], [sflag:$0x1] =	stream.linear.gather [hbm4b:s9+s6], $0x400, $0x38;
	[tilespmem:$0x16200] =	vst v63  }
.LBB2_4:
0x23a: {  	_ =	swait.ge [sflag:s19], $0x4000  }
0x23b: {  	(v2sf) =	vpush v13, $0x8;
	_ =	sdelay $0x5  }
0x23c: {  	(v2sf) =	vpush v13, $0x9;
	_ =	sdelay $0x6  }
0x23d: {  	(v2sf) =	vpush v13, $0xA;
	_ =	sdelay $0x1  }
0x23e: {  	s9 =	spop (v2sf)  }
0x23f: {  	s11 =	sshra.s32 s9, $0x1F  }
0x240: {  	s11 =	sshrl.u32 s11, $0x19  }
0x241: {  	s11 =	sadd.s32 s11, s9  }
0x242: {  	s11 =	sand.u32 $0xFFFFFF80, s11  }
0x243: {  	(v2sf) =	vpush v13, $0xB;
	s9 =	ssub.s32 s9, s11  }
0x244: {  	s11 =	spop (v2sf);
	v13 =	vmov s9  }
0x245: {  	s17 =	sshra.s32 s11, $0x1F;
	v14 =	vshll.u32 v13, $0x3  }
0x246: {  	v13 =	vand.u32 $0x7F, v13;
	s9 =	sshrl.u32 s17, $0x19;
	v14 =	vand.u32 $0xFFFFFC00, v14  }
0x247: {  	s9 =	sadd.s32 s9, s11;
	v13 =	vor.u32 v13, v14  }
0x248: {  	s9 =	sand.u32 $0xFFFFFF80, s9;
	v14 =	vadd.s32 v2, v13  }
0x249: {  	v13 =	vadd.s32 v3, v13;
	s9 =	ssub.s32 s11, s9  }
0x24a: {  	s9 =	sadd.s32 $0x80, s9  }
0x24b: {  	[sflag:s19] =	ssyncset.done $0x0;
	s11 =	spop (v2sf);
	v15 =	vmov s9  }
0x24c: {  	[sflag:s19] =	ssyncadd.s32 $0xFFFFC000;
	s17 =	sshra.s32 s11, $0x1F;
	s9 =	sor.u32 $0x400, s31;
	v16 =	vshll.u32 v15, $0x3  }
0x24d: {  	s17 =	sshrl.u32 s17, $0x19;
	v17 =	vor.u32 s9, v0;
	v15 =	vand.u32 $0x7F, v15;
	v16 =	vand.u32 $0xFFFFFC00, v16;
	v14 =	vld.idx.msk [tilespmem:v14+s22+$0x0], $0xffff  }
0x24e: {  	v18 =	vor.u32 s9, v4;
	s17 =	sadd.s32 s17, s11;
	v13 =	vld.idx.msk [tilespmem:v13+s22+$0x0], $0xffff;
	v15 =	vor.u32 v15, v16  }
0x24f: {  	s9 =	sand.u32 $0xFFFFFF80, s17;
	v16 =	vadd.s32 v2, v15  }
0x250: {  	s9 =	ssub.s32 s11, s9;
	v15 =	vadd.s32 v3, v15  }
0x251: {  	s9 =	sadd.s32 $0x100, s9  }
0x252: {  	[tilespmem:v17+s23+$0x0] =	vst.idx.msk $0xffff, v14;
	v14 =	vmov s9;
	s9 =	spop (v2sf)  }
0x253: {  	s11 =	sor.u32 $0x480, s31;
	[tilespmem:v18+s23+$0x0] =	vst.idx.msk $0xffff, v13;
	v13 =	vshll.u32 v14, $0x3;
	s17 =	sshra.s32 s9, $0x1F  }
0x254: {  	v58 =	vor.u32 s11, v0;
	v14 =	vand.u32 $0x7F, v14;
	v16 =	vld.idx.msk [tilespmem:v16+s22+$0x0], $0xffff;
	v13 =	vand.u32 $0xFFFFFC00, v13;
	s17 =	sshrl.u32 s17, $0x19  }
0x255: {  	v59 =	vor.u32 s11, v4;
	v15 =	vld.idx.msk [tilespmem:v15+s22+$0x0], $0xffff;
	v13 =	vor.u32 v14, v13;
	s17 =	sadd.s32 s17, s9  }
0x256: {  	v14 =	vadd.s32 v2, v13;
	s11 =	sand.u32 $0xFFFFFF80, s17  }
0x257: {  	v13 =	vadd.s32 v3, v13;
	s9 =	ssub.s32 s9, s11  }
0x258: {  	s9 =	sadd.s32 $0x180, s9  }
0x259: {  	[tilespmem:v58+s23+$0x0] =	vst.idx.msk $0xffff, v16;
	v60 =	vmov s9  }
0x25a: {  	s11 =	sor.u32 $0x500, s31;
	[tilespmem:v59+s23+$0x0] =	vst.idx.msk $0xffff, v15;
	v15 =	vshll.u32 v60, $0x3  }
0x25b: {  	v61 =	vor.u32 s11, v0;
	v16 =	vand.u32 $0x7F, v60;
	v14 =	vld.idx.msk [tilespmem:v14+s22+$0x0], $0xffff;
	v15 =	vand.u32 $0xFFFFFC00, v15  }
0x25c: {  	v62 =	vor.u32 s11, v4;
	v13 =	vld.idx.msk [tilespmem:v13+s22+$0x0], $0xffff;
	v15 =	vor.u32 v16, v15  }
0x25d: {  	v16 =	vadd.s32 v2, v15  }
0x25e: {  	v15 =	vadd.s32 v3, v15;
	_ =	sdelay $0x1  }
0x25f: {  	[tilespmem:v61+s23+$0x0] =	vst.idx.msk $0xffff, v14  }
0x260: {  	s17 =	sor.u32 $0x580, s31;
	[tilespmem:v62+s23+$0x0] =	vst.idx.msk $0xffff, v13  }
0x261: {  	v14 =	vor.u32 s17, v0;
	v13 =	vld.idx.msk [tilespmem:v16+s22+$0x0], $0xffff  }
0x262: {  	v63 =	vor.u32 s17, v4;
	v15 =	vld.idx.msk [tilespmem:v15+s22+$0x0], $0xffff  }
.Ltmp5:
0x263: {  	_ = 	snop;
	(pc) =	sbr.rel @p0 .LBB2_6-.Ltmp5, $3  }
0x264: {  	_ =	sdelay $0x1  }
0x265: {  	[tilespmem:v14+s23+$0x0] =	vst.idx.msk $0xffff, v13  }
0x266: {  	[tilespmem:v63+s23+$0x0] =	vst.idx.msk $0xffff, v15  }
0x267: {  	(v2sf) =	vpush v12, $0x4;
	_ =	sdelay $0xe  }
0x268: {  	s9 =	spop (v2sf)  }
0x269: {  	s11 =	sand.u32 $0x7F, s9  }
0x26a: {  	(v2sf) =	vpush v12, $0x5;
	s17 =	sshra.s32 s9, $0x1F;
	p2 =	slt.s32 s9, $0x1;
	p1 =	sne.s32 s11, $0x0  }
0x26b: {  	s11 =	sshrl.u32 s17, $0x19;
	p1 =	por !p2, !p1  }
0x26c: {  	s9 =	sadd.s32 s11, s9;
	s11 =	simm.s32 $0x1;
	p1 =	por !p1, !p1  }
0x26d: {  	s9 =	sshrl.u32 s9, $0x7;
	s11 =	simm.s32 @!p1 $0x0  }
0x26e: {  	s9 =	ssub.s32 s9, s11  }
0x26f: {  	s9 =	sshll.u32 s9, $0x7  }
0x270: {  	s9 =	sand.u32 $0x1FFFFF80, s9  }
0x271: {  	s9 =	sadd.s32 s1, s9  }
0x272: {  	[tilespmem:s30], [sflag:$0x2] =	stream.linear.gather [hbm4b:s9+s6], $0x400, $0x38;
	[tilespmem:$0x16200] =	vst v63  }
0x273: {  	s17 =	simm.s32 $0x5200;
	s11 =	sadd.s32 $0xF4280, s9  }
0x274: {  	[tilespmem:s17], [sflag:$0x2] =	stream.linear.gather [hbm4b:s11+s6], $0x400, $0x38;
	[tilespmem:$0x16200] =	vst v63  }
0x275: {  	s11 =	sadd.s32 $0x1E8500, s9;
	s17 =	simm.s32 $0x6200  }
0x276: {  	[tilespmem:s17], [sflag:$0x2] =	stream.linear.gather [hbm4b:s11+s6], $0x400, $0x38;
	[tilespmem:$0x16200] =	vst v63  }
0x277: {  	s9 =	sadd.s32 $0x2DC780, s9;
	s17 =	simm.s32 $0x7200  }
0x278: {  	[tilespmem:s17], [sflag:$0x2] =	stream.linear.gather [hbm4b:s9+s6], $0x400, $0x38;
	[tilespmem:$0x16200] =	vst v63  }
0x279: {  	s9 =	spop (v2sf)  }
0x27a: {  	s17 =	sand.u32 $0x7F, s9  }
0x27b: {  	(v2sf) =	vpush v12, $0x6;
	p6 =	slt.s32 s9, $0x1;
	p5 =	sne.s32 s17, $0x0;
	s17 =	sshra.s32 s9, $0x1F  }
0x27c: {  	s11 =	sshrl.u32 s17, $0x19;
	p1 =	por !p6, !p5  }
0x27d: {  	s9 =	sadd.s32 s11, s9;
	p1 =	por !p1, !p1;
	s11 =	simm.s32 $0x1  }
0x27e: {  	s9 =	sshrl.u32 s9, $0x7;
	s11 =	simm.s32 @!p1 $0x0  }
0x27f: {  	s9 =	ssub.s32 s9, s11  }
0x280: {  	s9 =	sshll.u32 s9, $0x7  }
0x281: {  	s9 =	sand.u32 $0x1FFFFF80, s9  }
0x282: {  	s17 =	simm.s32 $0x4600;
	s9 =	sadd.s32 s1, s9  }
0x283: {  	[tilespmem:s17], [sflag:$0x2] =	stream.linear.gather [hbm4b:s9+s6], $0x400, $0x38;
	[tilespmem:$0x16200] =	vst v63  }
0x284: {  	s11 =	sadd.s32 $0xF4280, s9;
	s17 =	simm.s32 $0x5600  }
0x285: {  	[tilespmem:s17], [sflag:$0x2] =	stream.linear.gather [hbm4b:s11+s6], $0x400, $0x38;
	[tilespmem:$0x16200] =	vst v63  }
0x286: {  	s11 =	sadd.s32 $0x1E8500, s9;
	s17 =	simm.s32 $0x6600  }
0x287: {  	[tilespmem:s17], [sflag:$0x2] =	stream.linear.gather [hbm4b:s11+s6], $0x400, $0x38;
	[tilespmem:$0x16200] =	vst v63  }
0x288: {  	s9 =	sadd.s32 $0x2DC780, s9;
	s17 =	simm.s32 $0x7600  }
0x289: {  	[tilespmem:s17], [sflag:$0x2] =	stream.linear.gather [hbm4b:s9+s6], $0x400, $0x38;
	[tilespmem:$0x16200] =	vst v63  }
0x28a: {  	s9 =	spop (v2sf)  }
0x28b: {  	s17 =	sand.u32 $0x7F, s9  }
0x28c: {  	(v2sf) =	vpush v12, $0x7;
	p4 =	slt.s32 s9, $0x1;
	p3 =	sne.s32 s17, $0x0;
	s17 =	sshra.s32 s9, $0x1F  }
0x28d: {  	s11 =	sshrl.u32 s17, $0x19;
	p1 =	por !p4, !p3  }
0x28e: {  	s9 =	sadd.s32 s11, s9;
	p1 =	por !p1, !p1;
	s11 =	simm.s32 $0x1  }
0x28f: {  	s9 =	sshrl.u32 s9, $0x7;
	s11 =	simm.s32 @!p1 $0x0  }
0x290: {  	s9 =	ssub.s32 s9, s11  }
0x291: {  	s9 =	sshll.u32 s9, $0x7  }
0x292: {  	s9 =	sand.u32 $0x1FFFFF80, s9  }
0x293: {  	s17 =	simm.s32 $0x4A00;
	s9 =	sadd.s32 s1, s9  }
0x294: {  	[tilespmem:s17], [sflag:$0x2] =	stream.linear.gather [hbm4b:s9+s6], $0x400, $0x38;
	[tilespmem:$0x16200] =	vst v63  }
0x295: {  	s11 =	sadd.s32 $0xF4280, s9;
	s17 =	simm.s32 $0x5A00  }
0x296: {  	[tilespmem:s17], [sflag:$0x2] =	stream.linear.gather [hbm4b:s11+s6], $0x400, $0x38;
	[tilespmem:$0x16200] =	vst v63  }
0x297: {  	s11 =	sadd.s32 $0x1E8500, s9;
	s17 =	simm.s32 $0x6A00  }
0x298: {  	[tilespmem:s17], [sflag:$0x2] =	stream.linear.gather [hbm4b:s11+s6], $0x400, $0x38;
	[tilespmem:$0x16200] =	vst v63  }
0x299: {  	s9 =	sadd.s32 $0x2DC780, s9;
	s17 =	simm.s32 $0x7A00  }
0x29a: {  	[tilespmem:s17], [sflag:$0x2] =	stream.linear.gather [hbm4b:s9+s6], $0x400, $0x38;
	[tilespmem:$0x16200] =	vst v63  }
0x29b: {  	s9 =	spop (v2sf)  }
0x29c: {  	s17 =	sand.u32 $0x7F, s9  }
0x29d: {  	p6 =	slt.s32 s9, $0x1;
	p5 =	sne.s32 s17, $0x0;
	s17 =	sshra.s32 s9, $0x1F  }
0x29e: {  	s11 =	sshrl.u32 s17, $0x19;
	p1 =	por !p6, !p5  }
0x29f: {  	s9 =	sadd.s32 s11, s9;
	p1 =	por !p1, !p1;
	s11 =	simm.s32 $0x1  }
0x2a0: {  	s9 =	sshrl.u32 s9, $0x7;
	s11 =	simm.s32 @!p1 $0x0  }
0x2a1: {  	s9 =	ssub.s32 s9, s11  }
0x2a2: {  	s9 =	sshll.u32 s9, $0x7  }
0x2a3: {  	s9 =	sand.u32 $0x1FFFFF80, s9  }
0x2a4: {  	s17 =	simm.s32 $0x4E00;
	s9 =	sadd.s32 s1, s9  }
0x2a5: {  	[tilespmem:s17], [sflag:$0x2] =	stream.linear.gather [hbm4b:s9+s6], $0x400, $0x38;
	[tilespmem:$0x16200] =	vst v63  }
0x2a6: {  	s11 =	sadd.s32 $0xF4280, s9;
	s17 =	simm.s32 $0x5E00  }
0x2a7: {  	[tilespmem:s17], [sflag:$0x2] =	stream.linear.gather [hbm4b:s11+s6], $0x400, $0x38;
	[tilespmem:$0x16200] =	vst v63  }
.Ltmp6:
0x2a8: {  	_ = 	snop;
	(pc) =	sbr.rel .LBB2_6-.Ltmp6, $4  }
0x2a9: {  	s11 =	sadd.s32 $0x1E8500, s9;
	s17 =	simm.s32 $0x6E00  }
0x2aa: {  	[tilespmem:s17], [sflag:$0x2] =	stream.linear.gather [hbm4b:s11+s6], $0x400, $0x38;
	[tilespmem:$0x16200] =	vst v63  }
0x2ab: {  	s9 =	sadd.s32 $0x2DC780, s9;
	s17 =	simm.s32 $0x7E00  }
0x2ac: {  	[tilespmem:s17], [sflag:$0x2] =	stream.linear.gather [hbm4b:s9+s6], $0x400, $0x38;
	[tilespmem:$0x16200] =	vst v63  }
.LBB2_7:
.Ltmp7:
0x2ad: {  	s11 =	rddreg [dreg:$0x2];
	(pc) =	sbr.rel .LBB2_8-.Ltmp7, $4  }
0x2ae: {  	s15 =	rddreg [dreg:$0x3]  }
0x2af: {  	s16 =	rddreg [dreg:$0x5]  }
0x2b0: {  	s25 =	simm.s32 $0x0;
	s17 =	rddreg [dreg:$0x9]  }
0x2b1: {  	s28 =	simm.s32 $0x400;
	s29 =	simm.s32 $0xC3800;
	s31 =	simm.s32 $0x2000  }
.LBB2_10:
0x2b2: {  	_ = 	snop  }
.LBB2_15:
0x2b3: {  	_ =	sdelay $0x2  }
0x2b4: {  	s0 =	sshll.u32 s3, $0x7;
	v16 =	vmov s7  }
0x2b5: {  	[tilespmem:v15+s8+$0x0] =	vst.idx.msk @p0 $0xffff, v14;
	s3 =	sadd.s32 $0xFFFFFE80, s0;
	v21 =	vand.u32 $0x71, v16  }
0x2b6: {  	v13 =	vld.idx.msk [tilespmem:v13+s5+$0x0], $0xffff;
	v22 =	vor.u32 s3, v0;
	v14 =	vbroadcast v21, $0x0  }
0x2b7: {  	v12 =	vld.idx.msk [tilespmem:v12+s5+$0x0], $0xffff;
	v23 =	vor.u32 s3, v4  }
0x2b8: {  	v17 =	vor.u32 v1, v14  }
0x2b9: {  	v14 =	vor.u32 v5, v14  }
0x2ba: {  	s4 =	sadd.s32 $0xFFFFFFF3, s2  }
0x2bb: {  	v24 =	vmov s4;
	[tilespmem:v22+s8+$0x0] =	vst.idx.msk $0xffff, v13  }
0x2bc: {  	v25 =	vand.u32 $0x72, v24;
	[tilespmem:v23+s8+$0x0] =	vst.idx.msk $0xffff, v12  }
0x2bd: {  	v27 =	vor.u32 s3, v6;
	v12 =	vbroadcast v25, $0x0;
	v26 =	vld.idx.msk [tilespmem:v17+s5+$0x0], $0xffff  }
0x2be: {  	v28 =	vor.u32 s3, v7;
	v14 =	vld.idx.msk [tilespmem:v14+s5+$0x0], $0xffff  }
0x2bf: {  	v29 =	vor.u32 v1, v12  }
0x2c0: {  	v12 =	vor.u32 v5, v12  }
0x2c1: {  	s10 =	sadd.s32 $0xFFFFFFF4, s2  }
0x2c2: {  	v30 =	vmov s10;
	[tilespmem:v27+s8+$0x0] =	vst.idx.msk $0xffff, v26  }
0x2c3: {  	v13 =	vand.u32 $0x73, v30;
	[tilespmem:v28+s8+$0x0] =	vst.idx.msk $0xffff, v14  }
0x2c4: {  	v31 =	vor.u32 s3, v8;
	v13 =	vbroadcast v13, $0x0;
	v14 =	vld.idx.msk [tilespmem:v29+s5+$0x0], $0xffff  }
0x2c5: {  	v32 =	vor.u32 s3, v9;
	v12 =	vld.idx.msk [tilespmem:v12+s5+$0x0], $0xffff  }
0x2c6: {  	v33 =	vor.u32 v1, v13  }
0x2c7: {  	v13 =	vor.u32 v5, v13  }
0x2c8: {  	s14 =	sadd.s32 $0xFFFFFFF5, s2  }
0x2c9: {  	v34 =	vmov s14;
	[tilespmem:v31+s8+$0x0] =	vst.idx.msk $0xffff, v14  }
0x2ca: {  	v35 =	vand.u32 $0x74, v34;
	[tilespmem:v32+s8+$0x0] =	vst.idx.msk $0xffff, v12  }
0x2cb: {  	v37 =	vor.u32 s3, v10;
	v12 =	vbroadcast v35, $0x0;
	v36 =	vld.idx.msk [tilespmem:v33+s5+$0x0], $0xffff  }
0x2cc: {  	v38 =	vor.u32 s3, v11;
	v13 =	vld.idx.msk [tilespmem:v13+s5+$0x0], $0xffff  }
0x2cd: {  	v39 =	vor.u32 v1, v12  }
0x2ce: {  	v12 =	vor.u32 v5, v12  }
0x2cf: {  	s7 =	sadd.s32 $0xFFFFFFF6, s2  }
0x2d0: {  	v40 =	vmov s7;
	[tilespmem:v37+s8+$0x0] =	vst.idx.msk $0xffff, v36  }
0x2d1: {  	s9 =	sadd.s32 $0xFFFFFF00, s0;
	v41 =	vand.u32 $0x75, v40;
	[tilespmem:v38+s8+$0x0] =	vst.idx.msk $0xffff, v13  }
0x2d2: {  	v43 =	vor.u32 s9, v0;
	v13 =	vbroadcast v41, $0x0;
	v42 =	vld.idx.msk [tilespmem:v39+s5+$0x0], $0xffff  }
0x2d3: {  	v44 =	vor.u32 s9, v4;
	v12 =	vld.idx.msk [tilespmem:v12+s5+$0x0], $0xffff  }
0x2d4: {  	v45 =	vor.u32 v1, v13  }
0x2d5: {  	v13 =	vor.u32 v5, v13  }
0x2d6: {  	s10 =	sadd.s32 $0xFFFFFFF7, s2  }
0x2d7: {  	v46 =	vmov s10;
	[tilespmem:v43+s8+$0x0] =	vst.idx.msk $0xffff, v42  }
0x2d8: {  	v47 =	vand.u32 $0x76, v46;
	[tilespmem:v44+s8+$0x0] =	vst.idx.msk $0xffff, v12  }
0x2d9: {  	v49 =	vor.u32 s9, v6;
	v12 =	vbroadcast v47, $0x0;
	v48 =	vld.idx.msk [tilespmem:v45+s5+$0x0], $0xffff  }
0x2da: {  	v50 =	vor.u32 s9, v7;
	v13 =	vld.idx.msk [tilespmem:v13+s5+$0x0], $0xffff  }
0x2db: {  	v51 =	vor.u32 v1, v12  }
0x2dc: {  	v12 =	vor.u32 v5, v12  }
0x2dd: {  	s14 =	sadd.s32 $0xFFFFFFF8, s2  }
0x2de: {  	v52 =	vmov s14;
	[tilespmem:v49+s8+$0x0] =	vst.idx.msk $0xffff, v48  }
0x2df: {  	v53 =	vand.u32 $0x77, v52;
	[tilespmem:v50+s8+$0x0] =	vst.idx.msk $0xffff, v13  }
0x2e0: {  	v55 =	vor.u32 s9, v8;
	v13 =	vbroadcast v53, $0x0;
	v54 =	vld.idx.msk [tilespmem:v51+s5+$0x0], $0xffff  }
0x2e1: {  	v56 =	vor.u32 s9, v9;
	v12 =	vld.idx.msk [tilespmem:v12+s5+$0x0], $0xffff  }
0x2e2: {  	v57 =	vor.u32 v1, v13  }
0x2e3: {  	v13 =	vor.u32 v5, v13  }
0x2e4: {  	s7 =	sadd.s32 $0xFFFFFFF9, s2  }
0x2e5: {  	v58 =	vmov s7;
	[tilespmem:v55+s8+$0x0] =	vst.idx.msk $0xffff, v54  }
0x2e6: {  	v59 =	vand.u32 $0x78, v58;
	[tilespmem:v56+s8+$0x0] =	vst.idx.msk $0xffff, v12  }
0x2e7: {  	v61 =	vor.u32 s9, v10;
	v12 =	vbroadcast v59, $0x0;
	v60 =	vld.idx.msk [tilespmem:v57+s5+$0x0], $0xffff  }
0x2e8: {  	v62 =	vor.u32 s9, v11;
	v13 =	vld.idx.msk [tilespmem:v13+s5+$0x0], $0xffff  }
0x2e9: {  	v63 =	vor.u32 v1, v12  }
0x2ea: {  	v12 =	vor.u32 v5, v12  }
0x2eb: {  	s9 =	sadd.s32 $0xFFFFFFFA, s2  }
0x2ec: {  	v20 =	vmov s9;
	[tilespmem:v61+s8+$0x0] =	vst.idx.msk $0xffff, v60  }
0x2ed: {  	s10 =	sadd.s32 $0xFFFFFF80, s0;
	v21 =	vand.u32 $0x79, v20;
	[tilespmem:v62+s8+$0x0] =	vst.idx.msk $0xffff, v13  }
0x2ee: {  	v23 =	vor.u32 s10, v0;
	v13 =	vbroadcast v21, $0x0;
	v22 =	vld.idx.msk [tilespmem:v63+s5+$0x0], $0xffff  }
0x2ef: {  	v24 =	vor.u32 s10, v4;
	v12 =	vld.idx.msk [tilespmem:v12+s5+$0x0], $0xffff  }
0x2f0: {  	v25 =	vor.u32 v1, v13  }
0x2f1: {  	v13 =	vor.u32 v5, v13  }
0x2f2: {  	s14 =	sadd.s32 $0xFFFFFFFB, s2  }
0x2f3: {  	v26 =	vmov s14;
	[tilespmem:v23+s8+$0x0] =	vst.idx.msk $0xffff, v22  }
0x2f4: {  	v27 =	vand.u32 $0x7A, v26;
	[tilespmem:v24+s8+$0x0] =	vst.idx.msk $0xffff, v12  }
0x2f5: {  	v29 =	vor.u32 s10, v6;
	v12 =	vbroadcast v27, $0x0;
	v28 =	vld.idx.msk [tilespmem:v25+s5+$0x0], $0xffff  }
0x2f6: {  	v30 =	vor.u32 s10, v7;
	v13 =	vld.idx.msk [tilespmem:v13+s5+$0x0], $0xffff  }
0x2f7: {  	v31 =	vor.u32 v1, v12  }
0x2f8: {  	v12 =	vor.u32 v5, v12  }
0x2f9: {  	s7 =	sadd.s32 $0xFFFFFFFC, s2  }
0x2fa: {  	v32 =	vmov s7;
	[tilespmem:v29+s8+$0x0] =	vst.idx.msk $0xffff, v28  }
0x2fb: {  	v33 =	vand.u32 $0x7B, v32;
	[tilespmem:v30+s8+$0x0] =	vst.idx.msk $0xffff, v13  }
0x2fc: {  	v35 =	vor.u32 s10, v8;
	v13 =	vbroadcast v33, $0x0;
	v34 =	vld.idx.msk [tilespmem:v31+s5+$0x0], $0xffff  }
0x2fd: {  	v36 =	vor.u32 s10, v9;
	v12 =	vld.idx.msk [tilespmem:v12+s5+$0x0], $0xffff  }
0x2fe: {  	v37 =	vor.u32 v1, v13  }
0x2ff: {  	v13 =	vor.u32 v5, v13  }
0x300: {  	s9 =	sadd.s32 $0xFFFFFFFD, s2  }
0x301: {  	v38 =	vmov s9;
	[tilespmem:v35+s8+$0x0] =	vst.idx.msk $0xffff, v34  }
0x302: {  	v39 =	vand.u32 $0x7C, v38;
	[tilespmem:v36+s8+$0x0] =	vst.idx.msk $0xffff, v12  }
0x303: {  	v41 =	vor.u32 s10, v10;
	v12 =	vbroadcast v39, $0x0;
	v40 =	vld.idx.msk [tilespmem:v37+s5+$0x0], $0xffff  }
0x304: {  	v42 =	vor.u32 s10, v11;
	v13 =	vld.idx.msk [tilespmem:v13+s5+$0x0], $0xffff  }
0x305: {  	v43 =	vor.u32 v1, v12  }
0x306: {  	v12 =	vor.u32 v5, v12  }
0x307: {  	s10 =	sadd.s32 $0xFFFFFFFE, s2  }
0x308: {  	v44 =	vmov s10;
	[tilespmem:v41+s8+$0x0] =	vst.idx.msk $0xffff, v40  }
0x309: {  	v45 =	vand.u32 $0x7D, v44;
	[tilespmem:v42+s8+$0x0] =	vst.idx.msk $0xffff, v13  }
0x30a: {  	v47 =	vor.u32 s0, v0;
	v13 =	vbroadcast v45, $0x0;
	v46 =	vld.idx.msk [tilespmem:v43+s5+$0x0], $0xffff  }
0x30b: {  	v48 =	vor.u32 s0, v4;
	v12 =	vld.idx.msk [tilespmem:v12+s5+$0x0], $0xffff  }
0x30c: {  	v49 =	vor.u32 v1, v13  }
0x30d: {  	v13 =	vor.u32 v5, v13  }
0x30e: {  	s14 =	sadd.s32 $0xFFFFFFFF, s2  }
0x30f: {  	v50 =	vmov s14;
	[tilespmem:v47+s8+$0x0] =	vst.idx.msk $0xffff, v46  }
0x310: {  	v51 =	vand.u32 $0x7E, v50;
	[tilespmem:v48+s8+$0x0] =	vst.idx.msk $0xffff, v12  }
0x311: {  	v53 =	vor.u32 s0, v6;
	v12 =	vbroadcast v51, $0x0;
	v52 =	vld.idx.msk [tilespmem:v49+s5+$0x0], $0xffff  }
0x312: {  	v54 =	vor.u32 s0, v7;
	v13 =	vld.idx.msk [tilespmem:v13+s5+$0x0], $0xffff  }
0x313: {  	v55 =	vor.u32 v1, v12  }
0x314: {  	v12 =	vor.u32 v5, v12;
	_ =	sdelay $0x1  }
0x315: {  	v56 =	vmov s2;
	[tilespmem:v53+s8+$0x0] =	vst.idx.msk $0xffff, v52  }
0x316: {  	v57 =	vand.u32 $0x7F, v56;
	[tilespmem:v54+s8+$0x0] =	vst.idx.msk $0xffff, v13  }
0x317: {  	v59 =	vor.u32 s0, v8;
	v13 =	vbroadcast v57, $0x0;
	v58 =	vld.idx.msk [tilespmem:v55+s5+$0x0], $0xffff  }
0x318: {  	v60 =	vor.u32 s0, v9;
	v12 =	vld.idx.msk [tilespmem:v12+s5+$0x0], $0xffff  }
0x319: {  	v61 =	vor.u32 v1, v13  }
0x31a: {  	v13 =	vor.u32 v5, v13;
	_ =	sdelay $0x1  }
0x31b: {  	[tilespmem:v59+s8+$0x0] =	vst.idx.msk $0xffff, v58  }
0x31c: {  	[tilespmem:v60+s8+$0x0] =	vst.idx.msk $0xffff, v12  }
0x31d: {  	v62 =	vor.u32 s0, v10;
	v12 =	vld.idx.msk [tilespmem:v61+s5+$0x0], $0xffff  }
0x31e: {  	v63 =	vor.u32 s0, v11;
	v13 =	vld.idx.msk [tilespmem:v13+s5+$0x0], $0xffff;
	_ =	sdelay $0x3  }
0x31f: {  	[tilespmem:v62+s8+$0x0] =	vst.idx.msk $0xffff, v12  }
0x320: {  	s0 =	simm.s32 $0x6;
	[tilespmem:v63+s8+$0x0] =	vst.idx.msk $0xffff, v13  }
.LBB2_20:
0x321: {  	s2 =	sshll.u32 s26, $0x9  }
0x322: {  	s2 =	sadd.s32 s16, s2  }
0x323: {  	[hbm4b:s2+s6] =	stream.linear.scatter [tilespmem:s8], [sflag:s0], $0x1000, $0x38;
	[tilespmem:$0x16200] =	vst v63  }
0x324: {  	_ =	swait.ge [sflag:s0], $0x1000  }
0x325: {  	[sflag:s0] =	ssyncset.done $0x0  }
0x326: {  	[sflag:s0] =	ssyncadd.s32 $0xFFFFF000  }
.LBB2_21:
0x327: {  	s25 =	sadd.s32 $0x1, s25  }
0x328: {  	p0 =	sne.s32 s25, $0x19  }
.Ltmp8:
0x329: {  	_ = 	snop;
	(pc) =	sbr.rel @!p0 .LBB2_22-.Ltmp8, $1  }
0x32a: {  	_ =	sdelay $0x3  }
.LBB2_8:
0x32b: {  	s26 =	sadd.s32 s17, s25  }
0x32c: {  	p0 =	sgt.u32 s26, $0x30D  }
.Ltmp9:
0x32d: {  	_ = 	snop;
	(pc) =	sbr.rel @p0 .LBB2_16-.Ltmp9, $1  }
0x32e: {  	_ =	sdelay $0x3  }
0x32f: {  	s0 =	sshll.u32 s26, $0x7;
	s14 =	simm.s32 $0x0;
	p1 =	por $0x0, $0x0  }
.Ltmp10:
0x330: {  	s0 =	sadd.s32 s11, s0;
	v12 =	vmov s14;
	(pc) =	sbr.rel @p1 .LBB2_10-.Ltmp10, $4  }
0x331: {  	[tilespmem:s5], [sflag:$0x6] =	stream.strided.gather [hbm4b:s0+s28], $0x1000, s29, s28, $0x38;
	v12 =	vand.u32 $0x70, v12;
	[tilespmem:$0x16200] =	vst v63  }
0x332: {  	s2 =	simm.s32 $0xF;
	_ =	swait.ge [sflag:s21], $0x1000;
	v12 =	vbroadcast v12, $0x0  }
0x333: {  	s3 =	simm.s32 $0x3;
	s7 =	simm.s32 $0x1;
	[sflag:s21] =	ssyncset.done $0x0  }
0x334: {  	p0 =	por $0x0, $0x0;
	s0 =	simm.s32 $0x1F;
	[sflag:s21] =	ssyncadd.s32 $0xFFFFF000;
	v13 =	vor.u32 v1, v12;
	v12 =	vor.u32 v5, v12  }
0x335: {  	_ =	sdelay $0x1  }
0x336: {  	v14 =	vmov s7  }
0x337: {  	s3 =	simm.s32 $0x0;
	v14 =	vand.u32 $0x71, v14  }
0x338: {  	v13 =	vld.idx.msk [tilespmem:v13+s5+$0x0], $0xffff;
	v15 =	vor.u32 s3, v0;
	v14 =	vbroadcast v14, $0x0  }
0x339: {  	v12 =	vld.idx.msk [tilespmem:v12+s5+$0x0], $0xffff;
	v16 =	vor.u32 s3, v4  }
0x33a: {  	v17 =	vor.u32 v1, v14  }
0x33b: {  	v14 =	vor.u32 v5, v14  }
0x33c: {  	s4 =	simm.s32 $0x2  }
0x33d: {  	[tilespmem:v15+s8+$0x0] =	vst.idx.msk $0xffff, v13;
	v13 =	vmov s4  }
0x33e: {  	[tilespmem:v16+s8+$0x0] =	vst.idx.msk $0xffff, v12;
	v12 =	vand.u32 $0x72, v13  }
0x33f: {  	v15 =	vor.u32 s3, v6;
	v12 =	vbroadcast v12, $0x0;
	v13 =	vld.idx.msk [tilespmem:v17+s5+$0x0], $0xffff  }
0x340: {  	v16 =	vor.u32 s3, v7;
	v14 =	vld.idx.msk [tilespmem:v14+s5+$0x0], $0xffff  }
0x341: {  	v17 =	vor.u32 v1, v12  }
0x342: {  	v12 =	vor.u32 v5, v12  }
0x343: {  	s10 =	simm.s32 $0x3  }
0x344: {  	[tilespmem:v15+s8+$0x0] =	vst.idx.msk $0xffff, v13;
	v13 =	vmov s10  }
0x345: {  	[tilespmem:v16+s8+$0x0] =	vst.idx.msk $0xffff, v14;
	v13 =	vand.u32 $0x73, v13  }
0x346: {  	v15 =	vor.u32 s3, v8;
	v14 =	vld.idx.msk [tilespmem:v17+s5+$0x0], $0xffff;
	v13 =	vbroadcast v13, $0x0  }
0x347: {  	v16 =	vor.u32 s3, v9;
	v12 =	vld.idx.msk [tilespmem:v12+s5+$0x0], $0xffff  }
0x348: {  	v17 =	vor.u32 v1, v13  }
0x349: {  	v13 =	vor.u32 v5, v13  }
0x34a: {  	s14 =	simm.s32 $0x4  }
0x34b: {  	[tilespmem:v15+s8+$0x0] =	vst.idx.msk $0xffff, v14;
	v14 =	vmov s14  }
0x34c: {  	[tilespmem:v16+s8+$0x0] =	vst.idx.msk $0xffff, v12;
	v12 =	vand.u32 $0x74, v14  }
0x34d: {  	v15 =	vor.u32 s3, v10;
	v14 =	vld.idx.msk [tilespmem:v17+s5+$0x0], $0xffff;
	v12 =	vbroadcast v12, $0x0  }
0x34e: {  	v16 =	vor.u32 s3, v11;
	v13 =	vld.idx.msk [tilespmem:v13+s5+$0x0], $0xffff  }
0x34f: {  	v17 =	vor.u32 v1, v12  }
0x350: {  	v12 =	vor.u32 v5, v12  }
0x351: {  	s4 =	simm.s32 $0x5  }
0x352: {  	[tilespmem:v15+s8+$0x0] =	vst.idx.msk $0xffff, v14;
	v14 =	vmov s4  }
0x353: {  	s7 =	simm.s32 $0x80;
	[tilespmem:v16+s8+$0x0] =	vst.idx.msk $0xffff, v13;
	v13 =	vand.u32 $0x75, v14  }
0x354: {  	v15 =	vor.u32 s7, v0;
	v14 =	vld.idx.msk [tilespmem:v17+s5+$0x0], $0xffff;
	v13 =	vbroadcast v13, $0x0  }
0x355: {  	v16 =	vor.u32 s7, v4;
	v12 =	vld.idx.msk [tilespmem:v12+s5+$0x0], $0xffff  }
0x356: {  	v17 =	vor.u32 v1, v13  }
0x357: {  	v13 =	vor.u32 v5, v13  }
0x358: {  	s9 =	simm.s32 $0x6  }
0x359: {  	[tilespmem:v15+s8+$0x0] =	vst.idx.msk $0xffff, v14;
	v14 =	vmov s9  }
0x35a: {  	[tilespmem:v16+s8+$0x0] =	vst.idx.msk $0xffff, v12;
	v12 =	vand.u32 $0x76, v14  }
0x35b: {  	v15 =	vor.u32 s7, v6;
	v14 =	vld.idx.msk [tilespmem:v17+s5+$0x0], $0xffff;
	v12 =	vbroadcast v12, $0x0  }
0x35c: {  	v16 =	vor.u32 s7, v7;
	v13 =	vld.idx.msk [tilespmem:v13+s5+$0x0], $0xffff  }
0x35d: {  	v17 =	vor.u32 v1, v12  }
0x35e: {  	v12 =	vor.u32 v5, v12  }
0x35f: {  	s10 =	simm.s32 $0x7  }
0x360: {  	[tilespmem:v15+s8+$0x0] =	vst.idx.msk $0xffff, v14;
	v14 =	vmov s10  }
0x361: {  	[tilespmem:v16+s8+$0x0] =	vst.idx.msk $0xffff, v13;
	v13 =	vand.u32 $0x77, v14  }
0x362: {  	v15 =	vor.u32 s7, v8;
	v14 =	vld.idx.msk [tilespmem:v17+s5+$0x0], $0xffff;
	v13 =	vbroadcast v13, $0x0  }
0x363: {  	v16 =	vor.u32 s7, v9;
	v12 =	vld.idx.msk [tilespmem:v12+s5+$0x0], $0xffff  }
0x364: {  	v17 =	vor.u32 v1, v13  }
0x365: {  	v13 =	vor.u32 v5, v13  }
0x366: {  	s14 =	simm.s32 $0x8  }
0x367: {  	[tilespmem:v15+s8+$0x0] =	vst.idx.msk $0xffff, v14;
	v14 =	vmov s14  }
0x368: {  	[tilespmem:v16+s8+$0x0] =	vst.idx.msk $0xffff, v12;
	v12 =	vand.u32 $0x78, v14  }
0x369: {  	v15 =	vor.u32 s7, v10;
	v14 =	vld.idx.msk [tilespmem:v17+s5+$0x0], $0xffff;
	v12 =	vbroadcast v12, $0x0  }
0x36a: {  	v16 =	vor.u32 s7, v11;
	v13 =	vld.idx.msk [tilespmem:v13+s5+$0x0], $0xffff  }
0x36b: {  	v17 =	vor.u32 v1, v12  }
0x36c: {  	v12 =	vor.u32 v5, v12  }
0x36d: {  	s4 =	simm.s32 $0x9  }
0x36e: {  	[tilespmem:v15+s8+$0x0] =	vst.idx.msk $0xffff, v14;
	v14 =	vmov s4  }
0x36f: {  	s7 =	simm.s32 $0x100;
	[tilespmem:v16+s8+$0x0] =	vst.idx.msk $0xffff, v13;
	v13 =	vand.u32 $0x79, v14  }
0x370: {  	v15 =	vor.u32 s7, v0;
	v14 =	vld.idx.msk [tilespmem:v17+s5+$0x0], $0xffff;
	v13 =	vbroadcast v13, $0x0  }
0x371: {  	v16 =	vor.u32 s7, v4;
	v12 =	vld.idx.msk [tilespmem:v12+s5+$0x0], $0xffff  }
0x372: {  	v17 =	vor.u32 v1, v13  }
0x373: {  	v13 =	vor.u32 v5, v13  }
0x374: {  	s9 =	simm.s32 $0xA  }
0x375: {  	[tilespmem:v15+s8+$0x0] =	vst.idx.msk $0xffff, v14;
	v14 =	vmov s9  }
0x376: {  	[tilespmem:v16+s8+$0x0] =	vst.idx.msk $0xffff, v12;
	v12 =	vand.u32 $0x7A, v14  }
0x377: {  	v15 =	vor.u32 s7, v6;
	v14 =	vld.idx.msk [tilespmem:v17+s5+$0x0], $0xffff;
	v12 =	vbroadcast v12, $0x0  }
0x378: {  	v16 =	vor.u32 s7, v7;
	v13 =	vld.idx.msk [tilespmem:v13+s5+$0x0], $0xffff  }
0x379: {  	v17 =	vor.u32 v1, v12  }
0x37a: {  	v12 =	vor.u32 v5, v12  }
0x37b: {  	s10 =	simm.s32 $0xB  }
0x37c: {  	[tilespmem:v15+s8+$0x0] =	vst.idx.msk $0xffff, v14;
	v14 =	vmov s10  }
0x37d: {  	[tilespmem:v16+s8+$0x0] =	vst.idx.msk $0xffff, v13;
	v13 =	vand.u32 $0x7B, v14  }
0x37e: {  	v15 =	vor.u32 s7, v8;
	v14 =	vld.idx.msk [tilespmem:v17+s5+$0x0], $0xffff;
	v13 =	vbroadcast v13, $0x0  }
0x37f: {  	v16 =	vor.u32 s7, v9;
	v12 =	vld.idx.msk [tilespmem:v12+s5+$0x0], $0xffff  }
0x380: {  	v17 =	vor.u32 v1, v13  }
0x381: {  	v13 =	vor.u32 v5, v13  }
0x382: {  	s14 =	simm.s32 $0xC  }
0x383: {  	[tilespmem:v15+s8+$0x0] =	vst.idx.msk $0xffff, v14;
	v14 =	vmov s14  }
0x384: {  	[tilespmem:v16+s8+$0x0] =	vst.idx.msk $0xffff, v12;
	v12 =	vand.u32 $0x7C, v14  }
0x385: {  	v15 =	vor.u32 s7, v10;
	v14 =	vld.idx.msk [tilespmem:v17+s5+$0x0], $0xffff;
	v12 =	vbroadcast v12, $0x0  }
0x386: {  	v16 =	vor.u32 s7, v11;
	v13 =	vld.idx.msk [tilespmem:v13+s5+$0x0], $0xffff  }
0x387: {  	v17 =	vor.u32 v1, v12  }
0x388: {  	v12 =	vor.u32 v5, v12  }
0x389: {  	s7 =	simm.s32 $0xD  }
0x38a: {  	[tilespmem:v15+s8+$0x0] =	vst.idx.msk $0xffff, v14;
	v14 =	vmov s7  }
0x38b: {  	s9 =	simm.s32 $0x180;
	[tilespmem:v16+s8+$0x0] =	vst.idx.msk $0xffff, v13;
	v13 =	vand.u32 $0x7D, v14  }
0x38c: {  	v15 =	vor.u32 s9, v0;
	v14 =	vld.idx.msk [tilespmem:v17+s5+$0x0], $0xffff;
	v13 =	vbroadcast v13, $0x0  }
0x38d: {  	v16 =	vor.u32 s9, v4;
	v12 =	vld.idx.msk [tilespmem:v12+s5+$0x0], $0xffff  }
0x38e: {  	v17 =	vor.u32 v1, v13  }
0x38f: {  	v13 =	vor.u32 v5, v13  }
0x390: {  	s10 =	simm.s32 $0xE  }
0x391: {  	[tilespmem:v15+s8+$0x0] =	vst.idx.msk $0xffff, v14;
	v14 =	vmov s10  }
0x392: {  	[tilespmem:v16+s8+$0x0] =	vst.idx.msk $0xffff, v12;
	v12 =	vand.u32 $0x7E, v14  }
0x393: {  	v15 =	vor.u32 s9, v6;
	v14 =	vld.idx.msk [tilespmem:v17+s5+$0x0], $0xffff;
	v12 =	vbroadcast v12, $0x0  }
0x394: {  	v16 =	vor.u32 s9, v7;
	v13 =	vld.idx.msk [tilespmem:v13+s5+$0x0], $0xffff  }
0x395: {  	v17 =	vor.u32 v1, v12  }
0x396: {  	v12 =	vor.u32 v5, v12;
	_ =	sdelay $0x1  }
0x397: {  	[tilespmem:v15+s8+$0x0] =	vst.idx.msk $0xffff, v14;
	v14 =	vmov s2  }
0x398: {  	[tilespmem:v16+s8+$0x0] =	vst.idx.msk $0xffff, v13;
	v13 =	vand.u32 $0x7F, v14  }
0x399: {  	v15 =	vor.u32 s9, v8;
	v14 =	vld.idx.msk [tilespmem:v17+s5+$0x0], $0xffff;
	v13 =	vbroadcast v13, $0x0  }
0x39a: {  	v16 =	vor.u32 s9, v9;
	v12 =	vld.idx.msk [tilespmem:v12+s5+$0x0], $0xffff  }
0x39b: {  	v17 =	vor.u32 v1, v13;
	_ =	sdelay $0x1  }
0x39c: {  	v13 =	vor.u32 v5, v13  }
0x39d: {  	s14 =	simm.s32 $0x10;
	[tilespmem:v15+s8+$0x0] =	vst.idx.msk $0xffff, v14  }
0x39e: {  	[tilespmem:v16+s8+$0x0] =	vst.idx.msk $0xffff, v12;
	v12 =	vmov s14  }
0x39f: {  	p1 =	por $0x0, $0x0;
	v16 =	vld.idx.msk [tilespmem:v17+s5+$0x0], $0xffff;
	v17 =	vor.u32 s9, v10;
	v12 =	vand.u32 $0x70, v12  }
.Ltmp11:
0x3a0: {  	v12 =	vbroadcast v12, $0x0;
	(pc) =	sbr.rel @p1 .LBB2_12-.Ltmp11, $4  }
0x3a1: {  	v15 =	vor.u32 s9, v11;
	v14 =	vld.idx.msk [tilespmem:v13+s5+$0x0], $0xffff  }
0x3a2: {  	v13 =	vor.u32 v1, v12  }
0x3a3: {  	p0 =	por $0x1, $0x1;
	v12 =	vor.u32 v5, v12  }
0x3a4: {  	s3 =	simm.s32 $0x7;
	s7 =	simm.s32 $0x11;
	s2 =	simm.s32 $0x2F;
	[tilespmem:v17+s8+$0x0] =	vst.idx.msk $0xffff, v16  }
.LBB2_13:
0x3a5: {  	p1 =	seq.s32 s2, $0x7F  }
0x3a6: {  	s4 =	sshll.u32 s3, $0x7;
	v16 =	vmov s7;
	[tilespmem:v15+s8+$0x0] =	vst.idx.msk $0xffff, v14;
	s7 =	smov.u32 s2;
	s2 =	sadd.s32 $0x10, s2  }
0x3a7: {  	v13 =	vld.idx.msk [tilespmem:v13+s5+$0x0], $0xffff;
	s14 =	sadd.s32 $0xFFFFFE80, s4;
	v14 =	vand.u32 $0x71, v16;
	s10 =	sadd.s32 $0xFFFFFF00, s4  }
0x3a8: {  	v12 =	vld.idx.msk [tilespmem:v12+s5+$0x0], $0xffff;
	v15 =	vor.u32 s14, v0;
	v14 =	vbroadcast v14, $0x0  }
0x3a9: {  	v16 =	vor.u32 s14, v4  }
0x3aa: {  	v17 =	vor.u32 v1, v14  }
0x3ab: {  	v14 =	vor.u32 v5, v14;
	_ =	sdelay $0x1  }
0x3ac: {  	s9 =	sadd.s32 $0xFFFFFFF3, s0;
	[tilespmem:v15+s8+$0x0] =	vst.idx.msk $0xffff, v13  }
0x3ad: {  	[tilespmem:v16+s8+$0x0] =	vst.idx.msk $0xffff, v12;
	v12 =	vmov s9  }
0x3ae: {  	v13 =	vld.idx.msk [tilespmem:v17+s5+$0x0], $0xffff;
	v12 =	vand.u32 $0x72, v12  }
0x3af: {  	v15 =	vor.u32 s14, v6;
	v14 =	vld.idx.msk [tilespmem:v14+s5+$0x0], $0xffff;
	v12 =	vbroadcast v12, $0x0  }
0x3b0: {  	v16 =	vor.u32 s14, v7  }
0x3b1: {  	v17 =	vor.u32 v1, v12  }
0x3b2: {  	v12 =	vor.u32 v5, v12;
	_ =	sdelay $0x1  }
0x3b3: {  	s9 =	sadd.s32 $0xFFFFFFF4, s0;
	[tilespmem:v15+s8+$0x0] =	vst.idx.msk $0xffff, v13  }
0x3b4: {  	v13 =	vmov s9;
	[tilespmem:v16+s8+$0x0] =	vst.idx.msk $0xffff, v14  }
0x3b5: {  	v13 =	vand.u32 $0x73, v13;
	v14 =	vld.idx.msk [tilespmem:v17+s5+$0x0], $0xffff  }
0x3b6: {  	v15 =	vor.u32 s14, v8;
	v13 =	vbroadcast v13, $0x0;
	v12 =	vld.idx.msk [tilespmem:v12+s5+$0x0], $0xffff  }
0x3b7: {  	v16 =	vor.u32 s14, v9  }
0x3b8: {  	v17 =	vor.u32 v1, v13  }
0x3b9: {  	v13 =	vor.u32 v5, v13;
	_ =	sdelay $0x1  }
0x3ba: {  	s9 =	sadd.s32 $0xFFFFFFF5, s0;
	[tilespmem:v15+s8+$0x0] =	vst.idx.msk $0xffff, v14  }
0x3bb: {  	[tilespmem:v16+s8+$0x0] =	vst.idx.msk $0xffff, v12;
	v12 =	vmov s9  }
0x3bc: {  	v14 =	vld.idx.msk [tilespmem:v17+s5+$0x0], $0xffff;
	v12 =	vand.u32 $0x74, v12  }
0x3bd: {  	v15 =	vor.u32 s14, v10;
	v13 =	vld.idx.msk [tilespmem:v13+s5+$0x0], $0xffff;
	v12 =	vbroadcast v12, $0x0  }
0x3be: {  	v16 =	vor.u32 s14, v11  }
0x3bf: {  	v17 =	vor.u32 v1, v12  }
0x3c0: {  	v12 =	vor.u32 v5, v12;
	_ =	sdelay $0x1  }
0x3c1: {  	s9 =	sadd.s32 $0xFFFFFFF6, s0;
	[tilespmem:v15+s8+$0x0] =	vst.idx.msk $0xffff, v14  }
0x3c2: {  	[tilespmem:v16+s8+$0x0] =	vst.idx.msk $0xffff, v13;
	v13 =	vmov s9  }
0x3c3: {  	v14 =	vld.idx.msk [tilespmem:v17+s5+$0x0], $0xffff;
	v13 =	vand.u32 $0x75, v13  }
0x3c4: {  	v15 =	vor.u32 s10, v0;
	v12 =	vld.idx.msk [tilespmem:v12+s5+$0x0], $0xffff;
	v13 =	vbroadcast v13, $0x0  }
0x3c5: {  	v16 =	vor.u32 s10, v4  }
0x3c6: {  	v17 =	vor.u32 v1, v13  }
0x3c7: {  	v13 =	vor.u32 v5, v13;
	_ =	sdelay $0x1  }
0x3c8: {  	s9 =	sadd.s32 $0xFFFFFFF7, s0;
	[tilespmem:v15+s8+$0x0] =	vst.idx.msk $0xffff, v14  }
0x3c9: {  	[tilespmem:v16+s8+$0x0] =	vst.idx.msk $0xffff, v12;
	v12 =	vmov s9  }
0x3ca: {  	v14 =	vld.idx.msk [tilespmem:v17+s5+$0x0], $0xffff;
	v12 =	vand.u32 $0x76, v12  }
0x3cb: {  	v15 =	vor.u32 s10, v6;
	v13 =	vld.idx.msk [tilespmem:v13+s5+$0x0], $0xffff;
	v12 =	vbroadcast v12, $0x0  }
0x3cc: {  	v16 =	vor.u32 s10, v7  }
0x3cd: {  	v17 =	vor.u32 v1, v12  }
0x3ce: {  	v12 =	vor.u32 v5, v12;
	_ =	sdelay $0x1  }
0x3cf: {  	s9 =	sadd.s32 $0xFFFFFFF8, s0;
	[tilespmem:v15+s8+$0x0] =	vst.idx.msk $0xffff, v14  }
0x3d0: {  	[tilespmem:v16+s8+$0x0] =	vst.idx.msk $0xffff, v13;
	v13 =	vmov s9  }
0x3d1: {  	v14 =	vld.idx.msk [tilespmem:v17+s5+$0x0], $0xffff;
	v13 =	vand.u32 $0x77, v13  }
0x3d2: {  	v15 =	vor.u32 s10, v8;
	v12 =	vld.idx.msk [tilespmem:v12+s5+$0x0], $0xffff;
	v13 =	vbroadcast v13, $0x0  }
0x3d3: {  	v16 =	vor.u32 s10, v9  }
0x3d4: {  	v17 =	vor.u32 v1, v13  }
0x3d5: {  	v13 =	vor.u32 v5, v13;
	_ =	sdelay $0x1  }
0x3d6: {  	s9 =	sadd.s32 $0xFFFFFFF9, s0;
	[tilespmem:v15+s8+$0x0] =	vst.idx.msk $0xffff, v14  }
0x3d7: {  	[tilespmem:v16+s8+$0x0] =	vst.idx.msk $0xffff, v12;
	v12 =	vmov s9  }
0x3d8: {  	v14 =	vld.idx.msk [tilespmem:v17+s5+$0x0], $0xffff;
	v12 =	vand.u32 $0x78, v12  }
0x3d9: {  	v15 =	vor.u32 s10, v10;
	v13 =	vld.idx.msk [tilespmem:v13+s5+$0x0], $0xffff;
	v12 =	vbroadcast v12, $0x0  }
0x3da: {  	v16 =	vor.u32 s10, v11  }
0x3db: {  	v17 =	vor.u32 v1, v12  }
0x3dc: {  	v12 =	vor.u32 v5, v12;
	_ =	sdelay $0x1  }
0x3dd: {  	s9 =	sadd.s32 $0xFFFFFFFA, s0;
	[tilespmem:v15+s8+$0x0] =	vst.idx.msk $0xffff, v14  }
0x3de: {  	[tilespmem:v16+s8+$0x0] =	vst.idx.msk $0xffff, v13;
	v13 =	vmov s9  }
0x3df: {  	s10 =	sadd.s32 $0xFFFFFF80, s4;
	v14 =	vld.idx.msk [tilespmem:v17+s5+$0x0], $0xffff;
	v13 =	vand.u32 $0x79, v13  }
0x3e0: {  	v15 =	vor.u32 s10, v0;
	v12 =	vld.idx.msk [tilespmem:v12+s5+$0x0], $0xffff;
	v13 =	vbroadcast v13, $0x0  }
0x3e1: {  	v16 =	vor.u32 s10, v4  }
0x3e2: {  	v17 =	vor.u32 v1, v13  }
0x3e3: {  	v13 =	vor.u32 v5, v13;
	_ =	sdelay $0x1  }
0x3e4: {  	s9 =	sadd.s32 $0xFFFFFFFB, s0;
	[tilespmem:v15+s8+$0x0] =	vst.idx.msk $0xffff, v14  }
0x3e5: {  	[tilespmem:v16+s8+$0x0] =	vst.idx.msk $0xffff, v12;
	v12 =	vmov s9  }
0x3e6: {  	v14 =	vld.idx.msk [tilespmem:v17+s5+$0x0], $0xffff;
	v12 =	vand.u32 $0x7A, v12  }
0x3e7: {  	v15 =	vor.u32 s10, v6;
	v13 =	vld.idx.msk [tilespmem:v13+s5+$0x0], $0xffff;
	v12 =	vbroadcast v12, $0x0  }
0x3e8: {  	v16 =	vor.u32 s10, v7  }
0x3e9: {  	v17 =	vor.u32 v1, v12  }
0x3ea: {  	v12 =	vor.u32 v5, v12;
	_ =	sdelay $0x1  }
0x3eb: {  	s9 =	sadd.s32 $0xFFFFFFFC, s0;
	[tilespmem:v15+s8+$0x0] =	vst.idx.msk $0xffff, v14  }
0x3ec: {  	[tilespmem:v16+s8+$0x0] =	vst.idx.msk $0xffff, v13;
	v13 =	vmov s9  }
0x3ed: {  	v14 =	vld.idx.msk [tilespmem:v17+s5+$0x0], $0xffff;
	v13 =	vand.u32 $0x7B, v13  }
0x3ee: {  	v15 =	vor.u32 s10, v8;
	v12 =	vld.idx.msk [tilespmem:v12+s5+$0x0], $0xffff;
	v13 =	vbroadcast v13, $0x0  }
0x3ef: {  	v16 =	vor.u32 s10, v9  }
0x3f0: {  	v17 =	vor.u32 v1, v13  }
0x3f1: {  	v13 =	vor.u32 v5, v13;
	_ =	sdelay $0x1  }
0x3f2: {  	s9 =	sadd.s32 $0xFFFFFFFD, s0;
	[tilespmem:v15+s8+$0x0] =	vst.idx.msk $0xffff, v14  }
0x3f3: {  	[tilespmem:v16+s8+$0x0] =	vst.idx.msk $0xffff, v12;
	v12 =	vmov s9  }
0x3f4: {  	v14 =	vld.idx.msk [tilespmem:v17+s5+$0x0], $0xffff;
	v12 =	vand.u32 $0x7C, v12  }
0x3f5: {  	v15 =	vor.u32 s10, v10;
	v13 =	vld.idx.msk [tilespmem:v13+s5+$0x0], $0xffff;
	v12 =	vbroadcast v12, $0x0  }
0x3f6: {  	v16 =	vor.u32 s10, v11  }
0x3f7: {  	v17 =	vor.u32 v1, v12  }
0x3f8: {  	v12 =	vor.u32 v5, v12;
	_ =	sdelay $0x1  }
0x3f9: {  	s9 =	sadd.s32 $0xFFFFFFFE, s0;
	[tilespmem:v15+s8+$0x0] =	vst.idx.msk $0xffff, v14  }
0x3fa: {  	[tilespmem:v16+s8+$0x0] =	vst.idx.msk $0xffff, v13;
	v13 =	vmov s9  }
0x3fb: {  	v14 =	vld.idx.msk [tilespmem:v17+s5+$0x0], $0xffff;
	v13 =	vand.u32 $0x7D, v13  }
0x3fc: {  	v15 =	vor.u32 s4, v0;
	v12 =	vld.idx.msk [tilespmem:v12+s5+$0x0], $0xffff;
	v13 =	vbroadcast v13, $0x0  }
0x3fd: {  	v16 =	vor.u32 s4, v4  }
0x3fe: {  	v17 =	vor.u32 v1, v13  }
0x3ff: {  	v13 =	vor.u32 v5, v13;
	_ =	sdelay $0x1  }
0x400: {  	s9 =	sadd.s32 $0xFFFFFFFF, s0;
	[tilespmem:v15+s8+$0x0] =	vst.idx.msk $0xffff, v14  }
0x401: {  	[tilespmem:v16+s8+$0x0] =	vst.idx.msk $0xffff, v12;
	v12 =	vmov s9  }
0x402: {  	v14 =	vld.idx.msk [tilespmem:v17+s5+$0x0], $0xffff;
	v12 =	vand.u32 $0x7E, v12  }
0x403: {  	v15 =	vor.u32 s4, v6;
	v13 =	vld.idx.msk [tilespmem:v13+s5+$0x0], $0xffff;
	v12 =	vbroadcast v12, $0x0  }
0x404: {  	v16 =	vor.u32 s4, v7  }
0x405: {  	v17 =	vor.u32 v1, v12  }
0x406: {  	v12 =	vor.u32 v5, v12;
	_ =	sdelay $0x1  }
0x407: {  	[tilespmem:v15+s8+$0x0] =	vst.idx.msk $0xffff, v14  }
0x408: {  	[tilespmem:v16+s8+$0x0] =	vst.idx.msk $0xffff, v13;
	v13 =	vmov s0;
	s0 =	smov.u32 s7  }
0x409: {  	v14 =	vld.idx.msk [tilespmem:v17+s5+$0x0], $0xffff;
	v13 =	vand.u32 $0x7F, v13  }
0x40a: {  	v15 =	vor.u32 s4, v8;
	v12 =	vld.idx.msk [tilespmem:v12+s5+$0x0], $0xffff;
	v13 =	vbroadcast v13, $0x0  }
0x40b: {  	v16 =	vor.u32 s4, v9  }
0x40c: {  	v17 =	vor.u32 v1, v13  }
0x40d: {  	v13 =	vor.u32 v5, v13;
	_ =	sdelay $0x1  }
0x40e: {  	s7 =	sadd.s32 $0xFFFFFFF1, s0;
	[tilespmem:v15+s8+$0x0] =	vst.idx.msk $0xffff, v14  }
0x40f: {  	v14 =	vmov s7;
	[tilespmem:v16+s8+$0x0] =	vst.idx.msk $0xffff, v12  }
0x410: {  	v12 =	vand.u32 $0x70, v14;
	v16 =	vld.idx.msk [tilespmem:v17+s5+$0x0], $0xffff  }
0x411: {  	v12 =	vbroadcast v12, $0x0;
	v17 =	vor.u32 s4, v10;
	v14 =	vld.idx.msk [tilespmem:v13+s5+$0x0], $0xffff  }
.Ltmp12:
0x412: {  	v15 =	vor.u32 s4, v11;
	(pc) =	sbr.rel @!p1 .LBB2_13-.Ltmp12, $2  }
0x413: {  	v13 =	vor.u32 v1, v12;
	v12 =	vor.u32 v5, v12;
	_ =	sdelay $0x2  }
0x414: {  	s3 =	sadd.s32 $0x4, s3;
	s7 =	sadd.s32 $0xFFFFFFF2, s0;
	[tilespmem:v17+s8+$0x0] =	vst.idx.msk $0xffff, v16  }
.Ltmp13:
0x415: {  	(pc) =	sbr.rel .LBB2_15-.Ltmp13, $2  }
0x416: {  	_ =	sdelay $0x2  }
0x417: {  	s2 =	smov.u32 s0  }
.LBB2_16:
0x418: {  	s0 =	sadd.s32 $0xFFFFFCF2, s26  }
0x419: {  	p0 =	sgt.u32 s0, $0x7  }
.Ltmp14:
0x41a: {  	_ = 	snop;
	(pc) =	sbr.rel @p0 .LBB2_21-.Ltmp14, $1  }
0x41b: {  	_ =	sdelay $0x3  }
0x41c: {  	s0 =	simm.s32 $0x0  }
0x41d: {  	v12 =	vmov s0  }
0x41e: {  	s2 =	sshll.u32 s26, $0xA;
	v12 =	vand.u32 $0x70, v12  }
0x41f: {  	s0 =	sadd.s32 $0xFFF3C800, s2;
	v12 =	vbroadcast v12, $0x0  }
0x420: {  	s0 =	sshrl.u32 s0, $0x3  }
0x421: {  	s0 =	sadd.s32 s15, s0;
	v13 =	vor.u32 v1, v12  }
0x422: {  	[tilespmem:s5], [sflag:$0x6] =	stream.strided.gather [hbm4b:s0+s28], $0x1000, s31, s28, $0x38;
	v12 =	vor.u32 v5, v12;
	[tilespmem:$0x16200] =	vst v63  }
0x423: {  	s3 =	simm.s32 $0x1;
	_ =	swait.ge [sflag:s21], $0x1000  }
0x424: {  	v14 =	vmov s3;
	[sflag:s21] =	ssyncset.done $0x0  }
0x425: {  	s4 =	simm.s32 $0x0;
	v14 =	vand.u32 $0x71, v14;
	[sflag:s21] =	ssyncadd.s32 $0xFFFFF000  }
0x426: {  	v15 =	vor.u32 s4, v0;
	v14 =	vbroadcast v14, $0x0;
	v13 =	vld.idx.msk [tilespmem:v13+s5+$0x0], $0xffff  }
0x427: {  	v16 =	vor.u32 s4, v4;
	v12 =	vld.idx.msk [tilespmem:v12+s5+$0x0], $0xffff  }
0x428: {  	v17 =	vor.u32 v1, v14  }
0x429: {  	v14 =	vor.u32 v5, v14  }
0x42a: {  	s2 =	simm.s32 $0x2  }
0x42b: {  	[tilespmem:v15+s8+$0x0] =	vst.idx.msk $0xffff, v13;
	v13 =	vmov s2  }
0x42c: {  	[tilespmem:v16+s8+$0x0] =	vst.idx.msk $0xffff, v12;
	v12 =	vand.u32 $0x72, v13  }
0x42d: {  	v15 =	vor.u32 s4, v6;
	v13 =	vld.idx.msk [tilespmem:v17+s5+$0x0], $0xffff;
	v12 =	vbroadcast v12, $0x0  }
0x42e: {  	v16 =	vor.u32 s4, v7;
	v14 =	vld.idx.msk [tilespmem:v14+s5+$0x0], $0xffff  }
0x42f: {  	v17 =	vor.u32 v1, v12  }
0x430: {  	v12 =	vor.u32 v5, v12  }
0x431: {  	s7 =	simm.s32 $0x3  }
0x432: {  	[tilespmem:v15+s8+$0x0] =	vst.idx.msk $0xffff, v13;
	v13 =	vmov s7  }
0x433: {  	[tilespmem:v16+s8+$0x0] =	vst.idx.msk $0xffff, v14;
	v13 =	vand.u32 $0x73, v13  }
0x434: {  	v15 =	vor.u32 s4, v8;
	v14 =	vld.idx.msk [tilespmem:v17+s5+$0x0], $0xffff;
	v13 =	vbroadcast v13, $0x0  }
0x435: {  	v16 =	vor.u32 s4, v9;
	v12 =	vld.idx.msk [tilespmem:v12+s5+$0x0], $0xffff  }
0x436: {  	v17 =	vor.u32 v1, v13  }
0x437: {  	v13 =	vor.u32 v5, v13  }
0x438: {  	s9 =	simm.s32 $0x4  }
0x439: {  	[tilespmem:v15+s8+$0x0] =	vst.idx.msk $0xffff, v14;
	v14 =	vmov s9  }
0x43a: {  	[tilespmem:v16+s8+$0x0] =	vst.idx.msk $0xffff, v12;
	v12 =	vand.u32 $0x74, v14  }
0x43b: {  	v15 =	vor.u32 s4, v10;
	v14 =	vld.idx.msk [tilespmem:v17+s5+$0x0], $0xffff;
	v12 =	vbroadcast v12, $0x0  }
0x43c: {  	v16 =	vor.u32 s4, v11;
	v13 =	vld.idx.msk [tilespmem:v13+s5+$0x0], $0xffff  }
0x43d: {  	v17 =	vor.u32 v1, v12  }
0x43e: {  	v12 =	vor.u32 v5, v12  }
0x43f: {  	s10 =	simm.s32 $0x5  }
0x440: {  	[tilespmem:v15+s8+$0x0] =	vst.idx.msk $0xffff, v14;
	v14 =	vmov s10  }
0x441: {  	s14 =	simm.s32 $0x80;
	[tilespmem:v16+s8+$0x0] =	vst.idx.msk $0xffff, v13;
	v13 =	vand.u32 $0x75, v14  }
0x442: {  	v15 =	vor.u32 s14, v0;
	v14 =	vld.idx.msk [tilespmem:v17+s5+$0x0], $0xffff;
	v13 =	vbroadcast v13, $0x0  }
0x443: {  	v16 =	vor.u32 s14, v4;
	v12 =	vld.idx.msk [tilespmem:v12+s5+$0x0], $0xffff  }
0x444: {  	v17 =	vor.u32 v1, v13  }
0x445: {  	v13 =	vor.u32 v5, v13  }
0x446: {  	s3 =	simm.s32 $0x6  }
0x447: {  	[tilespmem:v15+s8+$0x0] =	vst.idx.msk $0xffff, v14;
	v14 =	vmov s3  }
0x448: {  	[tilespmem:v16+s8+$0x0] =	vst.idx.msk $0xffff, v12;
	v12 =	vand.u32 $0x76, v14  }
0x449: {  	v15 =	vor.u32 s14, v6;
	v14 =	vld.idx.msk [tilespmem:v17+s5+$0x0], $0xffff;
	v12 =	vbroadcast v12, $0x0  }
0x44a: {  	v16 =	vor.u32 s14, v7;
	v13 =	vld.idx.msk [tilespmem:v13+s5+$0x0], $0xffff  }
0x44b: {  	v17 =	vor.u32 v1, v12  }
0x44c: {  	v12 =	vor.u32 v5, v12  }
0x44d: {  	s4 =	simm.s32 $0x7  }
0x44e: {  	[tilespmem:v15+s8+$0x0] =	vst.idx.msk $0xffff, v14;
	v14 =	vmov s4  }
0x44f: {  	[tilespmem:v16+s8+$0x0] =	vst.idx.msk $0xffff, v13;
	v13 =	vand.u32 $0x77, v14  }
0x450: {  	v15 =	vor.u32 s14, v8;
	v14 =	vld.idx.msk [tilespmem:v17+s5+$0x0], $0xffff;
	v13 =	vbroadcast v13, $0x0  }
0x451: {  	v16 =	vor.u32 s14, v9;
	v12 =	vld.idx.msk [tilespmem:v12+s5+$0x0], $0xffff  }
0x452: {  	v17 =	vor.u32 v1, v13  }
0x453: {  	v13 =	vor.u32 v5, v13  }
0x454: {  	s7 =	simm.s32 $0x8  }
0x455: {  	[tilespmem:v15+s8+$0x0] =	vst.idx.msk $0xffff, v14;
	v14 =	vmov s7  }
0x456: {  	[tilespmem:v16+s8+$0x0] =	vst.idx.msk $0xffff, v12;
	v12 =	vand.u32 $0x78, v14  }
0x457: {  	v15 =	vor.u32 s14, v10;
	v14 =	vld.idx.msk [tilespmem:v17+s5+$0x0], $0xffff;
	v12 =	vbroadcast v12, $0x0  }
0x458: {  	v16 =	vor.u32 s14, v11;
	v13 =	vld.idx.msk [tilespmem:v13+s5+$0x0], $0xffff  }
0x459: {  	v17 =	vor.u32 v1, v12  }
0x45a: {  	v12 =	vor.u32 v5, v12  }
0x45b: {  	s9 =	simm.s32 $0x9  }
0x45c: {  	[tilespmem:v15+s8+$0x0] =	vst.idx.msk $0xffff, v14;
	v14 =	vmov s9  }
0x45d: {  	s10 =	simm.s32 $0x100;
	[tilespmem:v16+s8+$0x0] =	vst.idx.msk $0xffff, v13;
	v13 =	vand.u32 $0x79, v14  }
0x45e: {  	v15 =	vor.u32 s10, v0;
	v14 =	vld.idx.msk [tilespmem:v17+s5+$0x0], $0xffff;
	v13 =	vbroadcast v13, $0x0  }
0x45f: {  	v16 =	vor.u32 s10, v4;
	v12 =	vld.idx.msk [tilespmem:v12+s5+$0x0], $0xffff  }
0x460: {  	v17 =	vor.u32 v1, v13  }
0x461: {  	v13 =	vor.u32 v5, v13  }
0x462: {  	s14 =	simm.s32 $0xA  }
0x463: {  	[tilespmem:v15+s8+$0x0] =	vst.idx.msk $0xffff, v14;
	v14 =	vmov s14  }
0x464: {  	[tilespmem:v16+s8+$0x0] =	vst.idx.msk $0xffff, v12;
	v12 =	vand.u32 $0x7A, v14  }
0x465: {  	v15 =	vor.u32 s10, v6;
	v14 =	vld.idx.msk [tilespmem:v17+s5+$0x0], $0xffff;
	v12 =	vbroadcast v12, $0x0  }
0x466: {  	v16 =	vor.u32 s10, v7;
	v13 =	vld.idx.msk [tilespmem:v13+s5+$0x0], $0xffff  }
0x467: {  	v17 =	vor.u32 v1, v12  }
0x468: {  	v12 =	vor.u32 v5, v12  }
0x469: {  	s3 =	simm.s32 $0xB  }
0x46a: {  	[tilespmem:v15+s8+$0x0] =	vst.idx.msk $0xffff, v14;
	v14 =	vmov s3  }
0x46b: {  	[tilespmem:v16+s8+$0x0] =	vst.idx.msk $0xffff, v13;
	v13 =	vand.u32 $0x7B, v14  }
0x46c: {  	v15 =	vor.u32 s10, v8;
	v14 =	vld.idx.msk [tilespmem:v17+s5+$0x0], $0xffff;
	v13 =	vbroadcast v13, $0x0  }
0x46d: {  	v16 =	vor.u32 s10, v9;
	v12 =	vld.idx.msk [tilespmem:v12+s5+$0x0], $0xffff  }
0x46e: {  	v17 =	vor.u32 v1, v13  }
0x46f: {  	v13 =	vor.u32 v5, v13  }
0x470: {  	s4 =	simm.s32 $0xC  }
0x471: {  	[tilespmem:v15+s8+$0x0] =	vst.idx.msk $0xffff, v14;
	v14 =	vmov s4  }
0x472: {  	[tilespmem:v16+s8+$0x0] =	vst.idx.msk $0xffff, v12;
	v12 =	vand.u32 $0x7C, v14  }
0x473: {  	v15 =	vor.u32 s10, v10;
	v14 =	vld.idx.msk [tilespmem:v17+s5+$0x0], $0xffff;
	v12 =	vbroadcast v12, $0x0  }
0x474: {  	v16 =	vor.u32 s10, v11;
	v13 =	vld.idx.msk [tilespmem:v13+s5+$0x0], $0xffff  }
0x475: {  	v17 =	vor.u32 v1, v12  }
0x476: {  	v12 =	vor.u32 v5, v12  }
0x477: {  	s7 =	simm.s32 $0xD  }
0x478: {  	[tilespmem:v15+s8+$0x0] =	vst.idx.msk $0xffff, v14;
	v14 =	vmov s7  }
0x479: {  	s3 =	simm.s32 $0x180;
	[tilespmem:v16+s8+$0x0] =	vst.idx.msk $0xffff, v13;
	v13 =	vand.u32 $0x7D, v14  }
0x47a: {  	v15 =	vor.u32 s3, v0;
	v14 =	vld.idx.msk [tilespmem:v17+s5+$0x0], $0xffff;
	v13 =	vbroadcast v13, $0x0  }
0x47b: {  	v16 =	vor.u32 s3, v4;
	v12 =	vld.idx.msk [tilespmem:v12+s5+$0x0], $0xffff  }
0x47c: {  	v17 =	vor.u32 v1, v13  }
0x47d: {  	v13 =	vor.u32 v5, v13  }
0x47e: {  	s9 =	simm.s32 $0xE  }
0x47f: {  	[tilespmem:v15+s8+$0x0] =	vst.idx.msk $0xffff, v14;
	v14 =	vmov s9  }
0x480: {  	[tilespmem:v16+s8+$0x0] =	vst.idx.msk $0xffff, v12;
	v12 =	vand.u32 $0x7E, v14  }
0x481: {  	v15 =	vor.u32 s3, v6;
	v14 =	vld.idx.msk [tilespmem:v17+s5+$0x0], $0xffff;
	v12 =	vbroadcast v12, $0x0  }
0x482: {  	v16 =	vor.u32 s3, v7;
	v13 =	vld.idx.msk [tilespmem:v13+s5+$0x0], $0xffff  }
0x483: {  	v17 =	vor.u32 v1, v12  }
0x484: {  	v12 =	vor.u32 v5, v12  }
0x485: {  	s10 =	simm.s32 $0xF  }
0x486: {  	[tilespmem:v15+s8+$0x0] =	vst.idx.msk $0xffff, v14;
	v14 =	vmov s10  }
0x487: {  	[tilespmem:v16+s8+$0x0] =	vst.idx.msk $0xffff, v13;
	v13 =	vand.u32 $0x7F, v14  }
0x488: {  	v15 =	vor.u32 s3, v8;
	v14 =	vld.idx.msk [tilespmem:v17+s5+$0x0], $0xffff;
	v13 =	vbroadcast v13, $0x0  }
0x489: {  	v16 =	vor.u32 s3, v9;
	v12 =	vld.idx.msk [tilespmem:v12+s5+$0x0], $0xffff  }
0x48a: {  	v17 =	vor.u32 v1, v13;
	_ =	sdelay $0x1  }
0x48b: {  	v13 =	vor.u32 v5, v13  }
0x48c: {  	s14 =	simm.s32 $0x10;
	[tilespmem:v15+s8+$0x0] =	vst.idx.msk $0xffff, v14  }
0x48d: {  	[tilespmem:v16+s8+$0x0] =	vst.idx.msk $0xffff, v12;
	v12 =	vmov s14  }
0x48e: {  	v16 =	vld.idx.msk [tilespmem:v17+s5+$0x0], $0xffff;
	v17 =	vor.u32 s3, v10;
	v12 =	vand.u32 $0x70, v12  }
0x48f: {  	v12 =	vbroadcast v12, $0x0  }
0x490: {  	v15 =	vor.u32 s3, v11;
	v13 =	vld.idx.msk [tilespmem:v13+s5+$0x0], $0xffff  }
0x491: {  	v14 =	vor.u32 v1, v12  }
0x492: {  	s0 =	simm.s32 $0x1F;
	v12 =	vor.u32 v5, v12  }
0x493: {  	s2 =	simm.s32 $0x2F;
	s7 =	simm.s32 $0x11;
	s3 =	simm.s32 $0x7;
	[tilespmem:v17+s8+$0x0] =	vst.idx.msk $0xffff, v16  }
.LBB2_18:
0x494: {  	p0 =	sne.s32 s2, $0x7F  }
0x495: {  	s4 =	sshll.u32 s3, $0x7;
	v16 =	vmov s7;
	[tilespmem:v15+s8+$0x0] =	vst.idx.msk $0xffff, v13;
	s7 =	smov.u32 s2;
	s2 =	sadd.s32 $0x10, s2  }
0x496: {  	v13 =	vld.idx.msk [tilespmem:v14+s5+$0x0], $0xffff;
	s14 =	sadd.s32 $0xFFFFFE80, s4;
	v14 =	vand.u32 $0x71, v16;
	s10 =	sadd.s32 $0xFFFFFF00, s4  }
0x497: {  	v12 =	vld.idx.msk [tilespmem:v12+s5+$0x0], $0xffff;
	v15 =	vor.u32 s14, v0;
	v14 =	vbroadcast v14, $0x0  }
0x498: {  	v16 =	vor.u32 s14, v4  }
0x499: {  	v17 =	vor.u32 v1, v14  }
0x49a: {  	v14 =	vor.u32 v5, v14;
	_ =	sdelay $0x1  }
0x49b: {  	s9 =	sadd.s32 $0xFFFFFFF3, s0;
	[tilespmem:v15+s8+$0x0] =	vst.idx.msk $0xffff, v13  }
0x49c: {  	[tilespmem:v16+s8+$0x0] =	vst.idx.msk $0xffff, v12;
	v12 =	vmov s9  }
0x49d: {  	v13 =	vld.idx.msk [tilespmem:v17+s5+$0x0], $0xffff;
	v12 =	vand.u32 $0x72, v12  }
0x49e: {  	v15 =	vor.u32 s14, v6;
	v14 =	vld.idx.msk [tilespmem:v14+s5+$0x0], $0xffff;
	v12 =	vbroadcast v12, $0x0  }
0x49f: {  	v16 =	vor.u32 s14, v7  }
0x4a0: {  	v17 =	vor.u32 v1, v12  }
0x4a1: {  	v12 =	vor.u32 v5, v12;
	_ =	sdelay $0x1  }
0x4a2: {  	s9 =	sadd.s32 $0xFFFFFFF4, s0;
	[tilespmem:v15+s8+$0x0] =	vst.idx.msk $0xffff, v13  }
0x4a3: {  	v13 =	vmov s9;
	[tilespmem:v16+s8+$0x0] =	vst.idx.msk $0xffff, v14  }
0x4a4: {  	v13 =	vand.u32 $0x73, v13;
	v14 =	vld.idx.msk [tilespmem:v17+s5+$0x0], $0xffff  }
0x4a5: {  	v15 =	vor.u32 s14, v8;
	v13 =	vbroadcast v13, $0x0;
	v12 =	vld.idx.msk [tilespmem:v12+s5+$0x0], $0xffff  }
0x4a6: {  	v16 =	vor.u32 s14, v9  }
0x4a7: {  	v17 =	vor.u32 v1, v13  }
0x4a8: {  	v13 =	vor.u32 v5, v13;
	_ =	sdelay $0x1  }
0x4a9: {  	s9 =	sadd.s32 $0xFFFFFFF5, s0;
	[tilespmem:v15+s8+$0x0] =	vst.idx.msk $0xffff, v14  }
0x4aa: {  	[tilespmem:v16+s8+$0x0] =	vst.idx.msk $0xffff, v12;
	v12 =	vmov s9  }
0x4ab: {  	v14 =	vld.idx.msk [tilespmem:v17+s5+$0x0], $0xffff;
	v12 =	vand.u32 $0x74, v12  }
0x4ac: {  	v15 =	vor.u32 s14, v10;
	v13 =	vld.idx.msk [tilespmem:v13+s5+$0x0], $0xffff;
	v12 =	vbroadcast v12, $0x0  }
0x4ad: {  	v16 =	vor.u32 s14, v11  }
0x4ae: {  	v17 =	vor.u32 v1, v12  }
0x4af: {  	v12 =	vor.u32 v5, v12;
	_ =	sdelay $0x1  }
0x4b0: {  	s9 =	sadd.s32 $0xFFFFFFF6, s0;
	[tilespmem:v15+s8+$0x0] =	vst.idx.msk $0xffff, v14  }
0x4b1: {  	[tilespmem:v16+s8+$0x0] =	vst.idx.msk $0xffff, v13;
	v13 =	vmov s9  }
0x4b2: {  	v14 =	vld.idx.msk [tilespmem:v17+s5+$0x0], $0xffff;
	v13 =	vand.u32 $0x75, v13  }
0x4b3: {  	v15 =	vor.u32 s10, v0;
	v12 =	vld.idx.msk [tilespmem:v12+s5+$0x0], $0xffff;
	v13 =	vbroadcast v13, $0x0  }
0x4b4: {  	v16 =	vor.u32 s10, v4  }
0x4b5: {  	v17 =	vor.u32 v1, v13  }
0x4b6: {  	v13 =	vor.u32 v5, v13;
	_ =	sdelay $0x1  }
0x4b7: {  	s9 =	sadd.s32 $0xFFFFFFF7, s0;
	[tilespmem:v15+s8+$0x0] =	vst.idx.msk $0xffff, v14  }
0x4b8: {  	[tilespmem:v16+s8+$0x0] =	vst.idx.msk $0xffff, v12;
	v12 =	vmov s9  }
0x4b9: {  	v14 =	vld.idx.msk [tilespmem:v17+s5+$0x0], $0xffff;
	v12 =	vand.u32 $0x76, v12  }
0x4ba: {  	v15 =	vor.u32 s10, v6;
	v13 =	vld.idx.msk [tilespmem:v13+s5+$0x0], $0xffff;
	v12 =	vbroadcast v12, $0x0  }
0x4bb: {  	v16 =	vor.u32 s10, v7  }
0x4bc: {  	v17 =	vor.u32 v1, v12  }
0x4bd: {  	v12 =	vor.u32 v5, v12;
	_ =	sdelay $0x1  }
0x4be: {  	s9 =	sadd.s32 $0xFFFFFFF8, s0;
	[tilespmem:v15+s8+$0x0] =	vst.idx.msk $0xffff, v14  }
0x4bf: {  	[tilespmem:v16+s8+$0x0] =	vst.idx.msk $0xffff, v13;
	v13 =	vmov s9  }
0x4c0: {  	v14 =	vld.idx.msk [tilespmem:v17+s5+$0x0], $0xffff;
	v13 =	vand.u32 $0x77, v13  }
0x4c1: {  	v15 =	vor.u32 s10, v8;
	v12 =	vld.idx.msk [tilespmem:v12+s5+$0x0], $0xffff;
	v13 =	vbroadcast v13, $0x0  }
0x4c2: {  	v16 =	vor.u32 s10, v9  }
0x4c3: {  	v17 =	vor.u32 v1, v13  }
0x4c4: {  	v13 =	vor.u32 v5, v13;
	_ =	sdelay $0x1  }
0x4c5: {  	s9 =	sadd.s32 $0xFFFFFFF9, s0;
	[tilespmem:v15+s8+$0x0] =	vst.idx.msk $0xffff, v14  }
0x4c6: {  	[tilespmem:v16+s8+$0x0] =	vst.idx.msk $0xffff, v12;
	v12 =	vmov s9  }
0x4c7: {  	v14 =	vld.idx.msk [tilespmem:v17+s5+$0x0], $0xffff;
	v12 =	vand.u32 $0x78, v12  }
0x4c8: {  	v15 =	vor.u32 s10, v10;
	v13 =	vld.idx.msk [tilespmem:v13+s5+$0x0], $0xffff;
	v12 =	vbroadcast v12, $0x0  }
0x4c9: {  	v16 =	vor.u32 s10, v11  }
0x4ca: {  	v17 =	vor.u32 v1, v12  }
0x4cb: {  	v12 =	vor.u32 v5, v12;
	_ =	sdelay $0x1  }
0x4cc: {  	s9 =	sadd.s32 $0xFFFFFFFA, s0;
	[tilespmem:v15+s8+$0x0] =	vst.idx.msk $0xffff, v14  }
0x4cd: {  	[tilespmem:v16+s8+$0x0] =	vst.idx.msk $0xffff, v13;
	v13 =	vmov s9  }
0x4ce: {  	s10 =	sadd.s32 $0xFFFFFF80, s4;
	v14 =	vld.idx.msk [tilespmem:v17+s5+$0x0], $0xffff;
	v13 =	vand.u32 $0x79, v13  }
0x4cf: {  	v15 =	vor.u32 s10, v0;
	v12 =	vld.idx.msk [tilespmem:v12+s5+$0x0], $0xffff;
	v13 =	vbroadcast v13, $0x0  }
0x4d0: {  	v16 =	vor.u32 s10, v4  }
0x4d1: {  	v17 =	vor.u32 v1, v13  }
0x4d2: {  	v13 =	vor.u32 v5, v13;
	_ =	sdelay $0x1  }
0x4d3: {  	s9 =	sadd.s32 $0xFFFFFFFB, s0;
	[tilespmem:v15+s8+$0x0] =	vst.idx.msk $0xffff, v14  }
0x4d4: {  	[tilespmem:v16+s8+$0x0] =	vst.idx.msk $0xffff, v12;
	v12 =	vmov s9  }
0x4d5: {  	v14 =	vld.idx.msk [tilespmem:v17+s5+$0x0], $0xffff;
	v12 =	vand.u32 $0x7A, v12  }
0x4d6: {  	v15 =	vor.u32 s10, v6;
	v13 =	vld.idx.msk [tilespmem:v13+s5+$0x0], $0xffff;
	v12 =	vbroadcast v12, $0x0  }
0x4d7: {  	v16 =	vor.u32 s10, v7  }
0x4d8: {  	v17 =	vor.u32 v1, v12  }
0x4d9: {  	v12 =	vor.u32 v5, v12;
	_ =	sdelay $0x1  }
0x4da: {  	s9 =	sadd.s32 $0xFFFFFFFC, s0;
	[tilespmem:v15+s8+$0x0] =	vst.idx.msk $0xffff, v14  }
0x4db: {  	[tilespmem:v16+s8+$0x0] =	vst.idx.msk $0xffff, v13;
	v13 =	vmov s9  }
0x4dc: {  	v14 =	vld.idx.msk [tilespmem:v17+s5+$0x0], $0xffff;
	v13 =	vand.u32 $0x7B, v13  }
0x4dd: {  	v15 =	vor.u32 s10, v8;
	v12 =	vld.idx.msk [tilespmem:v12+s5+$0x0], $0xffff;
	v13 =	vbroadcast v13, $0x0  }
0x4de: {  	v16 =	vor.u32 s10, v9  }
0x4df: {  	v17 =	vor.u32 v1, v13  }
0x4e0: {  	v13 =	vor.u32 v5, v13;
	_ =	sdelay $0x1  }
0x4e1: {  	s9 =	sadd.s32 $0xFFFFFFFD, s0;
	[tilespmem:v15+s8+$0x0] =	vst.idx.msk $0xffff, v14  }
0x4e2: {  	[tilespmem:v16+s8+$0x0] =	vst.idx.msk $0xffff, v12;
	v12 =	vmov s9  }
0x4e3: {  	v14 =	vld.idx.msk [tilespmem:v17+s5+$0x0], $0xffff;
	v12 =	vand.u32 $0x7C, v12  }
0x4e4: {  	v15 =	vor.u32 s10, v10;
	v13 =	vld.idx.msk [tilespmem:v13+s5+$0x0], $0xffff;
	v12 =	vbroadcast v12, $0x0  }
0x4e5: {  	v16 =	vor.u32 s10, v11  }
0x4e6: {  	v17 =	vor.u32 v1, v12  }
0x4e7: {  	v12 =	vor.u32 v5, v12;
	_ =	sdelay $0x1  }
0x4e8: {  	s9 =	sadd.s32 $0xFFFFFFFE, s0;
	[tilespmem:v15+s8+$0x0] =	vst.idx.msk $0xffff, v14  }
0x4e9: {  	[tilespmem:v16+s8+$0x0] =	vst.idx.msk $0xffff, v13;
	v13 =	vmov s9  }
0x4ea: {  	v14 =	vld.idx.msk [tilespmem:v17+s5+$0x0], $0xffff;
	v13 =	vand.u32 $0x7D, v13  }
0x4eb: {  	v15 =	vor.u32 s4, v0;
	v12 =	vld.idx.msk [tilespmem:v12+s5+$0x0], $0xffff;
	v13 =	vbroadcast v13, $0x0  }
0x4ec: {  	v16 =	vor.u32 s4, v4  }
0x4ed: {  	v17 =	vor.u32 v1, v13  }
0x4ee: {  	v13 =	vor.u32 v5, v13;
	_ =	sdelay $0x1  }
0x4ef: {  	s9 =	sadd.s32 $0xFFFFFFFF, s0;
	[tilespmem:v15+s8+$0x0] =	vst.idx.msk $0xffff, v14  }
0x4f0: {  	[tilespmem:v16+s8+$0x0] =	vst.idx.msk $0xffff, v12;
	v12 =	vmov s9  }
0x4f1: {  	v14 =	vld.idx.msk [tilespmem:v17+s5+$0x0], $0xffff;
	v12 =	vand.u32 $0x7E, v12  }
0x4f2: {  	v15 =	vor.u32 s4, v6;
	v13 =	vld.idx.msk [tilespmem:v13+s5+$0x0], $0xffff;
	v12 =	vbroadcast v12, $0x0  }
0x4f3: {  	v16 =	vor.u32 s4, v7  }
0x4f4: {  	v17 =	vor.u32 v1, v12  }
0x4f5: {  	v12 =	vor.u32 v5, v12;
	_ =	sdelay $0x1  }
0x4f6: {  	[tilespmem:v15+s8+$0x0] =	vst.idx.msk $0xffff, v14  }
0x4f7: {  	[tilespmem:v16+s8+$0x0] =	vst.idx.msk $0xffff, v13;
	v13 =	vmov s0;
	s0 =	smov.u32 s7  }
0x4f8: {  	v14 =	vld.idx.msk [tilespmem:v17+s5+$0x0], $0xffff;
	v13 =	vand.u32 $0x7F, v13  }
0x4f9: {  	v15 =	vor.u32 s4, v8;
	v12 =	vld.idx.msk [tilespmem:v12+s5+$0x0], $0xffff;
	v13 =	vbroadcast v13, $0x0  }
0x4fa: {  	v16 =	vor.u32 s4, v9  }
0x4fb: {  	v17 =	vor.u32 v1, v13  }
0x4fc: {  	v13 =	vor.u32 v5, v13;
	_ =	sdelay $0x1  }
0x4fd: {  	s7 =	sadd.s32 $0xFFFFFFF1, s0;
	[tilespmem:v15+s8+$0x0] =	vst.idx.msk $0xffff, v14  }
0x4fe: {  	v14 =	vmov s7;
	[tilespmem:v16+s8+$0x0] =	vst.idx.msk $0xffff, v12  }
0x4ff: {  	v12 =	vand.u32 $0x70, v14;
	v16 =	vld.idx.msk [tilespmem:v17+s5+$0x0], $0xffff  }
0x500: {  	v12 =	vbroadcast v12, $0x0;
	v17 =	vor.u32 s4, v10;
	v13 =	vld.idx.msk [tilespmem:v13+s5+$0x0], $0xffff  }
.Ltmp15:
0x501: {  	v15 =	vor.u32 s4, v11;
	(pc) =	sbr.rel @p0 .LBB2_18-.Ltmp15, $2  }
0x502: {  	v14 =	vor.u32 v1, v12;
	v12 =	vor.u32 v5, v12;
	_ =	sdelay $0x2  }
0x503: {  	s3 =	sadd.s32 $0x4, s3;
	s7 =	sadd.s32 $0xFFFFFFF2, s0;
	[tilespmem:v17+s8+$0x0] =	vst.idx.msk $0xffff, v16  }
0x504: {  	_ =	sdelay $0x2  }
0x505: {  	s2 =	sshll.u32 s3, $0x7;
	v16 =	vmov s7  }
0x506: {  	[tilespmem:v15+s8+$0x0] =	vst.idx.msk $0xffff, v13;
	s3 =	sadd.s32 $0xFFFFFE80, s2;
	v19 =	vand.u32 $0x71, v16  }
0x507: {  	v14 =	vld.idx.msk [tilespmem:v14+s5+$0x0], $0xffff;
	v20 =	vor.u32 s3, v0;
	v13 =	vbroadcast v19, $0x0  }
0x508: {  	v12 =	vld.idx.msk [tilespmem:v12+s5+$0x0], $0xffff;
	v21 =	vor.u32 s3, v4  }
0x509: {  	v17 =	vor.u32 v1, v13  }
0x50a: {  	v13 =	vor.u32 v5, v13  }
0x50b: {  	s4 =	sadd.s32 $0xFFFFFFF3, s0  }
0x50c: {  	v22 =	vmov s4;
	[tilespmem:v20+s8+$0x0] =	vst.idx.msk $0xffff, v14  }
0x50d: {  	v23 =	vand.u32 $0x72, v22;
	[tilespmem:v21+s8+$0x0] =	vst.idx.msk $0xffff, v12  }
0x50e: {  	v25 =	vor.u32 s3, v6;
	v12 =	vbroadcast v23, $0x0;
	v24 =	vld.idx.msk [tilespmem:v17+s5+$0x0], $0xffff  }
0x50f: {  	v26 =	vor.u32 s3, v7;
	v13 =	vld.idx.msk [tilespmem:v13+s5+$0x0], $0xffff  }
0x510: {  	v27 =	vor.u32 v1, v12  }
0x511: {  	v12 =	vor.u32 v5, v12  }
0x512: {  	s10 =	sadd.s32 $0xFFFFFFF4, s0  }
0x513: {  	v28 =	vmov s10;
	[tilespmem:v25+s8+$0x0] =	vst.idx.msk $0xffff, v24  }
0x514: {  	v29 =	vand.u32 $0x73, v28;
	[tilespmem:v26+s8+$0x0] =	vst.idx.msk $0xffff, v13  }
0x515: {  	v31 =	vor.u32 s3, v8;
	v13 =	vbroadcast v29, $0x0;
	v30 =	vld.idx.msk [tilespmem:v27+s5+$0x0], $0xffff  }
0x516: {  	v32 =	vor.u32 s3, v9;
	v12 =	vld.idx.msk [tilespmem:v12+s5+$0x0], $0xffff  }
0x517: {  	v33 =	vor.u32 v1, v13  }
0x518: {  	v13 =	vor.u32 v5, v13  }
0x519: {  	s14 =	sadd.s32 $0xFFFFFFF5, s0  }
0x51a: {  	v34 =	vmov s14;
	[tilespmem:v31+s8+$0x0] =	vst.idx.msk $0xffff, v30  }
0x51b: {  	v35 =	vand.u32 $0x74, v34;
	[tilespmem:v32+s8+$0x0] =	vst.idx.msk $0xffff, v12  }
0x51c: {  	v37 =	vor.u32 s3, v10;
	v12 =	vbroadcast v35, $0x0;
	v36 =	vld.idx.msk [tilespmem:v33+s5+$0x0], $0xffff  }
0x51d: {  	v38 =	vor.u32 s3, v11;
	v13 =	vld.idx.msk [tilespmem:v13+s5+$0x0], $0xffff  }
0x51e: {  	v39 =	vor.u32 v1, v12  }
0x51f: {  	v12 =	vor.u32 v5, v12  }
0x520: {  	s7 =	sadd.s32 $0xFFFFFFF6, s0  }
0x521: {  	v40 =	vmov s7;
	[tilespmem:v37+s8+$0x0] =	vst.idx.msk $0xffff, v36  }
0x522: {  	s9 =	sadd.s32 $0xFFFFFF00, s2;
	v41 =	vand.u32 $0x75, v40;
	[tilespmem:v38+s8+$0x0] =	vst.idx.msk $0xffff, v13  }
0x523: {  	v43 =	vor.u32 s9, v0;
	v13 =	vbroadcast v41, $0x0;
	v42 =	vld.idx.msk [tilespmem:v39+s5+$0x0], $0xffff  }
0x524: {  	v44 =	vor.u32 s9, v4;
	v12 =	vld.idx.msk [tilespmem:v12+s5+$0x0], $0xffff  }
0x525: {  	v45 =	vor.u32 v1, v13  }
0x526: {  	v13 =	vor.u32 v5, v13  }
0x527: {  	s10 =	sadd.s32 $0xFFFFFFF7, s0  }
0x528: {  	v46 =	vmov s10;
	[tilespmem:v43+s8+$0x0] =	vst.idx.msk $0xffff, v42  }
0x529: {  	v47 =	vand.u32 $0x76, v46;
	[tilespmem:v44+s8+$0x0] =	vst.idx.msk $0xffff, v12  }
0x52a: {  	v49 =	vor.u32 s9, v6;
	v12 =	vbroadcast v47, $0x0;
	v48 =	vld.idx.msk [tilespmem:v45+s5+$0x0], $0xffff  }
0x52b: {  	v50 =	vor.u32 s9, v7;
	v13 =	vld.idx.msk [tilespmem:v13+s5+$0x0], $0xffff  }
0x52c: {  	v51 =	vor.u32 v1, v12  }
0x52d: {  	v12 =	vor.u32 v5, v12  }
0x52e: {  	s14 =	sadd.s32 $0xFFFFFFF8, s0  }
0x52f: {  	v52 =	vmov s14;
	[tilespmem:v49+s8+$0x0] =	vst.idx.msk $0xffff, v48  }
0x530: {  	v53 =	vand.u32 $0x77, v52;
	[tilespmem:v50+s8+$0x0] =	vst.idx.msk $0xffff, v13  }
0x531: {  	v55 =	vor.u32 s9, v8;
	v13 =	vbroadcast v53, $0x0;
	v54 =	vld.idx.msk [tilespmem:v51+s5+$0x0], $0xffff  }
0x532: {  	v56 =	vor.u32 s9, v9;
	v12 =	vld.idx.msk [tilespmem:v12+s5+$0x0], $0xffff  }
0x533: {  	v57 =	vor.u32 v1, v13  }
0x534: {  	v13 =	vor.u32 v5, v13  }
0x535: {  	s7 =	sadd.s32 $0xFFFFFFF9, s0  }
0x536: {  	v58 =	vmov s7;
	[tilespmem:v55+s8+$0x0] =	vst.idx.msk $0xffff, v54  }
0x537: {  	v59 =	vand.u32 $0x78, v58;
	[tilespmem:v56+s8+$0x0] =	vst.idx.msk $0xffff, v12  }
0x538: {  	v61 =	vor.u32 s9, v10;
	v12 =	vbroadcast v59, $0x0;
	v60 =	vld.idx.msk [tilespmem:v57+s5+$0x0], $0xffff  }
0x539: {  	v62 =	vor.u32 s9, v11;
	v13 =	vld.idx.msk [tilespmem:v13+s5+$0x0], $0xffff  }
0x53a: {  	v63 =	vor.u32 v1, v12  }
0x53b: {  	v12 =	vor.u32 v5, v12  }
0x53c: {  	s9 =	sadd.s32 $0xFFFFFFFA, s0  }
0x53d: {  	v20 =	vmov s9;
	[tilespmem:v61+s8+$0x0] =	vst.idx.msk $0xffff, v60  }
0x53e: {  	s10 =	sadd.s32 $0xFFFFFF80, s2;
	v21 =	vand.u32 $0x79, v20;
	[tilespmem:v62+s8+$0x0] =	vst.idx.msk $0xffff, v13  }
0x53f: {  	v23 =	vor.u32 s10, v0;
	v13 =	vbroadcast v21, $0x0;
	v22 =	vld.idx.msk [tilespmem:v63+s5+$0x0], $0xffff  }
0x540: {  	v24 =	vor.u32 s10, v4;
	v12 =	vld.idx.msk [tilespmem:v12+s5+$0x0], $0xffff  }
0x541: {  	v25 =	vor.u32 v1, v13  }
0x542: {  	v13 =	vor.u32 v5, v13  }
0x543: {  	s14 =	sadd.s32 $0xFFFFFFFB, s0  }
0x544: {  	v26 =	vmov s14;
	[tilespmem:v23+s8+$0x0] =	vst.idx.msk $0xffff, v22  }
0x545: {  	v27 =	vand.u32 $0x7A, v26;
	[tilespmem:v24+s8+$0x0] =	vst.idx.msk $0xffff, v12  }
0x546: {  	v29 =	vor.u32 s10, v6;
	v12 =	vbroadcast v27, $0x0;
	v28 =	vld.idx.msk [tilespmem:v25+s5+$0x0], $0xffff  }
0x547: {  	v30 =	vor.u32 s10, v7;
	v13 =	vld.idx.msk [tilespmem:v13+s5+$0x0], $0xffff  }
0x548: {  	v31 =	vor.u32 v1, v12  }
0x549: {  	v12 =	vor.u32 v5, v12  }
0x54a: {  	s7 =	sadd.s32 $0xFFFFFFFC, s0  }
0x54b: {  	v32 =	vmov s7;
	[tilespmem:v29+s8+$0x0] =	vst.idx.msk $0xffff, v28  }
0x54c: {  	v33 =	vand.u32 $0x7B, v32;
	[tilespmem:v30+s8+$0x0] =	vst.idx.msk $0xffff, v13  }
0x54d: {  	v35 =	vor.u32 s10, v8;
	v13 =	vbroadcast v33, $0x0;
	v34 =	vld.idx.msk [tilespmem:v31+s5+$0x0], $0xffff  }
0x54e: {  	v36 =	vor.u32 s10, v9;
	v12 =	vld.idx.msk [tilespmem:v12+s5+$0x0], $0xffff  }
0x54f: {  	v37 =	vor.u32 v1, v13  }
0x550: {  	v13 =	vor.u32 v5, v13  }
0x551: {  	s9 =	sadd.s32 $0xFFFFFFFD, s0  }
0x552: {  	v38 =	vmov s9;
	[tilespmem:v35+s8+$0x0] =	vst.idx.msk $0xffff, v34  }
0x553: {  	v39 =	vand.u32 $0x7C, v38;
	[tilespmem:v36+s8+$0x0] =	vst.idx.msk $0xffff, v12  }
0x554: {  	v41 =	vor.u32 s10, v10;
	v12 =	vbroadcast v39, $0x0;
	v40 =	vld.idx.msk [tilespmem:v37+s5+$0x0], $0xffff  }
0x555: {  	v42 =	vor.u32 s10, v11;
	v13 =	vld.idx.msk [tilespmem:v13+s5+$0x0], $0xffff  }
0x556: {  	v43 =	vor.u32 v1, v12  }
0x557: {  	v12 =	vor.u32 v5, v12  }
0x558: {  	s10 =	sadd.s32 $0xFFFFFFFE, s0  }
0x559: {  	v44 =	vmov s10;
	[tilespmem:v41+s8+$0x0] =	vst.idx.msk $0xffff, v40  }
0x55a: {  	v45 =	vand.u32 $0x7D, v44;
	[tilespmem:v42+s8+$0x0] =	vst.idx.msk $0xffff, v13  }
0x55b: {  	v47 =	vor.u32 s2, v0;
	v13 =	vbroadcast v45, $0x0;
	v46 =	vld.idx.msk [tilespmem:v43+s5+$0x0], $0xffff  }
0x55c: {  	v48 =	vor.u32 s2, v4;
	v12 =	vld.idx.msk [tilespmem:v12+s5+$0x0], $0xffff  }
0x55d: {  	v49 =	vor.u32 v1, v13  }
0x55e: {  	v13 =	vor.u32 v5, v13  }
0x55f: {  	s14 =	sadd.s32 $0xFFFFFFFF, s0  }
0x560: {  	v50 =	vmov s14;
	[tilespmem:v47+s8+$0x0] =	vst.idx.msk $0xffff, v46  }
0x561: {  	v51 =	vand.u32 $0x7E, v50;
	[tilespmem:v48+s8+$0x0] =	vst.idx.msk $0xffff, v12  }
0x562: {  	v53 =	vor.u32 s2, v6;
	v12 =	vbroadcast v51, $0x0;
	v52 =	vld.idx.msk [tilespmem:v49+s5+$0x0], $0xffff  }
0x563: {  	v54 =	vor.u32 s2, v7;
	v13 =	vld.idx.msk [tilespmem:v13+s5+$0x0], $0xffff  }
0x564: {  	v55 =	vor.u32 v1, v12  }
0x565: {  	v12 =	vor.u32 v5, v12;
	_ =	sdelay $0x1  }
0x566: {  	v56 =	vmov s0;
	[tilespmem:v53+s8+$0x0] =	vst.idx.msk $0xffff, v52  }
0x567: {  	v57 =	vand.u32 $0x7F, v56;
	[tilespmem:v54+s8+$0x0] =	vst.idx.msk $0xffff, v13  }
0x568: {  	v59 =	vor.u32 s2, v8;
	v13 =	vbroadcast v57, $0x0;
	v58 =	vld.idx.msk [tilespmem:v55+s5+$0x0], $0xffff  }
0x569: {  	v60 =	vor.u32 s2, v9;
	v12 =	vld.idx.msk [tilespmem:v12+s5+$0x0], $0xffff  }
0x56a: {  	v61 =	vor.u32 v1, v13  }
0x56b: {  	v13 =	vor.u32 v5, v13;
	_ =	sdelay $0x1  }
0x56c: {  	[tilespmem:v59+s8+$0x0] =	vst.idx.msk $0xffff, v58  }
0x56d: {  	[tilespmem:v60+s8+$0x0] =	vst.idx.msk $0xffff, v12  }
0x56e: {  	v62 =	vor.u32 s2, v10;
	v12 =	vld.idx.msk [tilespmem:v61+s5+$0x0], $0xffff  }
0x56f: {  	v63 =	vor.u32 s2, v11;
	v13 =	vld.idx.msk [tilespmem:v13+s5+$0x0], $0xffff  }
.Ltmp16:
0x570: {  	_ = 	snop;
	(pc) =	sbr.rel .LBB2_20-.Ltmp16, $3  }
0x571: {  	_ =	sdelay $0x1  }
0x572: {  	[tilespmem:v62+s8+$0x0] =	vst.idx.msk $0xffff, v12  }
0x573: {  	s0 =	simm.s32 $0x5;
	[tilespmem:v63+s8+$0x0] =	vst.idx.msk $0xffff, v13  }
.LBB2_12:
.Ltmp17:
0x574: {  	(pc) =	sbr.rel .LBB2_15-.Ltmp17, $2  }
0x575: {  	_ =	sdelay $0x2  }
0x576: {  	s2 =	simm.s32 $0x1F  }
.LBB2_23:
0x577: {  	_ =	sfence.sel $0x180000  }
0x578: {  	[bflag:$0x0] =	sbarrier.arrive $0xFFFF  }
0x579: {  	_ =	strace $0x90000047  }
0x57a: {  	s0 =	stileid.u32;
	[bflag:$0x2] =	sbarrier.arrive $0xFFFF  }
0x57b: {  	p0 =	sne.s32 s0, $0x0;
	s0 =	rddreg [dreg:$0x6]  }
0x57c: {  	s0 =	sadd.s32 @!p0 $0x100000, s0  }
0x57d: {  	[sflag:s0] =	ssyncadd.tile.s32 @!p0 $0x1;
	_ =	shalt  }
.Lfunc_end2:
_tile_overlayer_lowered:
.L_overlay_start_2:
0x57e: {  	(tag) =	ssettag $0x2  }
0x57f: {  	s0 =	rddreg [dreg:$0x0];
	s2 =	stileid.u32  }
0x580: {  	s1 =	rddreg [dreg:$0x1];
	p0 =	sne.s32 s2, $0x0  }
0x581: {  	s3 =	rddreg [dreg:$0x2];
	[bflag:$0x3] =	sbarrier.arrive $0xFFFF;
	s2 =	simm.s32 @!p0 $0x1C05  }
0x582: {  	[timem:s3], [sflag:s2] =	dma.local @!p0 [hbm:s0], s1  }
0x583: {  	s0 =	simm.s32 @!p0 $0x5  }
0x584: {  	_ =	swait.ge @!p0 [sflag:s0], s1  }
0x585: {  	s1 =	ssub.s32 @!p0 $0x0, s1;
	[sflag:s0] =	ssyncset.done @!p0 $0x0  }
0x586: {  	[sflag:s0] =	ssyncadd.s32 @!p0 s1  }
0x587: {  	[bflag:$0x3] =	sbarrier.arrive $0xFFFF  }
0x588: {  	_ =	shalt  }

</sc_bundles>
